<compile_context>
chip_gen: v7x
topology: tpu7x:2x2x1
jax: 0.10.2.dev20260603
libtpu: 0.0.44.dev20260713+nightly
codegen_flags: <defaults>
</compile_context>

<pallas_src>
import jax
import jax.numpy as jnp
from jax import lax
from jax.experimental import pallas as pl
from jax.experimental.pallas import tpu as pltpu
from jax.experimental.pallas import tpu_sc as plsc

N = 10000
E = 320000
F_IN = 128
H = 256
C = 128

NC = 2
NS = 16
LANES = 16
NP = 10240
Hh = H // 2
NH = NP // 2
NACC = NH + 128
ISLICE = NACC // NS
WSLICE = NH // NS

EP = E // NS
EB = 80
NCHUNK = EP // EB
NPAIR = NCHUNK // 2
EBD = 160
NCHD = EP // EBD

_MESH = plsc.VectorSubcoreMesh(core_axis_name="c", subcore_axis_name="s")


def _stage_rows(src_ref, dst_ref, stage_v, src_base, dst_base, nrows):
  done = 0
  while done < nrows:
    step = min(2 * EB, nrows - done)
    pltpu.sync_copy(src_ref.at[pl.ds(src_base + done, step)],
                    stage_v.at[pl.ds(0, step)])
    pltpu.sync_copy(stage_v.at[pl.ds(0, step)],
                    dst_ref.at[pl.ds(dst_base + done, step)])
    done += step


def _agg_pass(table_hbm, src_hbm, dst_hbm, acc_sh, s, nbase, mult, off,
              sidxA, sidxB, didxA, didxB, gidxA, gidxB, d2A, d2B, rows_v,
              isemA, isemB, gsemA, gsemB):
  base = s * EP
  rowsA = rows_v.at[pl.ds(0, EB)]
  rowsB = rows_v.at[pl.ds(EB, EB)]

  def fire_idx(k, sidx_v, didx_v, sem):
    e0 = base + k * EB
    pltpu.async_copy(src_hbm.at[pl.ds(e0, EB)], sidx_v.at[pl.ds(0, EB)], sem)
    pltpu.async_copy(dst_hbm.at[pl.ds(e0, EB)], didx_v.at[pl.ds(0, EB)], sem)

  def wait_idx(k, sidx_v, didx_v, sem):
    e0 = base + k * EB
    pltpu.make_async_copy(src_hbm.at[pl.ds(e0, EB)],
                          sidx_v.at[pl.ds(0, EB)], sem).wait()
    pltpu.make_async_copy(dst_hbm.at[pl.ds(e0, EB)],
                          didx_v.at[pl.ds(0, EB)], sem).wait()

  def transform(sidx_v, didx_v, gidx_v, d2_v):
    for j in range(EB // LANES):
      sv = sidx_v[pl.ds(j * LANES, LANES)]
      gidx_v[pl.ds(j * LANES, LANES)] = sv * mult + off
      dv = didx_v[pl.ds(j * LANES, LANES)] - nbase
      oob = (dv < 0) | (dv >= NH)
      d2_v[pl.ds(j * LANES, LANES)] = jnp.where(oob, NH, dv)

  def fire_gather(gidx_v, rows, sem):
    pltpu.async_copy(table_hbm.at[gidx_v], rows, sem)

  def wait_gather(gidx_v, rows, sem):
    pltpu.make_async_copy(table_hbm.at[gidx_v], rows, sem).wait()

  fire_idx(0, sidxA, didxA, isemA)
  wait_idx(0, sidxA, didxA, isemA)
  transform(sidxA, didxA, gidxA, d2A)
  fire_gather(gidxA, rowsA, gsemA)
  fire_idx(1, sidxB, didxB, isemB)

  def pair(p, carry):
    a = 2 * p
    wait_idx(a + 1, sidxB, didxB, isemB)
    transform(sidxB, didxB, gidxB, d2B)
    fire_gather(gidxB, rowsB, gsemB)

    @pl.when(p < NPAIR - 1)
    def _():
      fire_idx(a + 2, sidxA, didxA, isemA)

    wait_gather(gidxA, rowsA, gsemA)
    pltpu.sync_copy(rowsA, acc_sh.at[d2A], add=True)

    @pl.when(p < NPAIR - 1)
    def _():
      wait_idx(a + 2, sidxA, didxA, isemA)
      transform(sidxA, didxA, gidxA, d2A)
      fire_gather(gidxA, rowsA, gsemA)
      fire_idx(a + 3, sidxB, didxB, isemB)

    wait_gather(gidxB, rowsB, gsemB)
    pltpu.sync_copy(rowsB, acc_sh.at[d2B], add=True)
    return carry

  lax.fori_loop(0, NPAIR, pair, 0)


def _sc_l0_body(h_hbm, src_hbm, dst_hbm, zeros_hbm, ones_hbm,
                s_out, acc_sh, sidxA, sidxB, didxA, didxB, gidxA, gidxB,
                d2A, d2B, d2dA, d2dB, rows_v,
                isemA, isemB, gsemA, gsemB):
  c = lax.axis_index("c")
  s = lax.axis_index("s")
  nbase = c * NH
  base = s * EP

  _stage_rows(zeros_hbm, acc_sh, rows_v, s * ISLICE, s * ISLICE, ISLICE)
  plsc.subcore_barrier()
  _agg_pass(h_hbm, src_hbm, dst_hbm, acc_sh, s, nbase, 1, 0,
            sidxA, sidxB, didxA, didxB, gidxA, gidxB, d2A, d2B, rows_v,
            isemA, isemB, gsemA, gsemB)
  plsc.subcore_barrier()
  _stage_rows(acc_sh, s_out.at[0], rows_v, s * WSLICE, nbase + s * WSLICE,
              WSLICE)
  plsc.subcore_barrier()

  _stage_rows(zeros_hbm, acc_sh, rows_v, s * ISLICE, s * ISLICE, ISLICE)
  pltpu.sync_copy(ones_hbm, rows_v)
  plsc.subcore_barrier()

  def fire_didx(k, didx_v, sem):
    pltpu.async_copy(dst_hbm.at[pl.ds(base + k * EBD, EBD)], didx_v, sem)

  def wait_didx(k, didx_v, sem):
    pltpu.make_async_copy(dst_hbm.at[pl.ds(base + k * EBD, EBD)],
                          didx_v, sem).wait()

  def dtransform(didx_v, d2_v):
    for j in range(EBD // LANES):
      dv = didx_v[pl.ds(j * LANES, LANES)] - nbase
      oob = (dv < 0) | (dv >= NH)
      d2_v[pl.ds(j * LANES, LANES)] = jnp.where(oob, NH, dv)

  fire_didx(0, didxA, isemA)
  fire_didx(1, didxB, isemB)
  wait_didx(0, didxA, isemA)
  dtransform(didxA, d2dA)

  def dpair(p, carry):
    a = 2 * p
    fire_didx(a + 2, didxA, isemA)
    pltpu.sync_copy(rows_v, acc_sh.at[d2dA], add=True)
    wait_didx(a + 1, didxB, isemB)
    dtransform(didxB, d2dB)

    @pl.when(p < NCHD // 2 - 1)
    def _():
      fire_didx(a + 3, didxB, isemB)

    pltpu.sync_copy(rows_v, acc_sh.at[d2dB], add=True)
    wait_didx(a + 2, didxA, isemA)
    dtransform(didxA, d2dA)
    return carry

  lax.fori_loop(0, NCHD // 2, dpair, 0)
  pltpu.sync_copy(rows_v, acc_sh.at[d2dA], add=True)
  plsc.subcore_barrier()
  _stage_rows(acc_sh, s_out.at[1], rows_v, s * WSLICE, nbase + s * WSLICE,
              WSLICE)


_sc_l0 = pl.kernel(
    _sc_l0_body,
    out_type=jax.ShapeDtypeStruct((2, NP, F_IN), jnp.float32),
    mesh=_MESH,
    scratch_types=[
        pltpu.VMEM_SHARED((NACC, F_IN), jnp.float32),
        pltpu.VMEM((EB,), jnp.int32),
        pltpu.VMEM((EB,), jnp.int32),
        pltpu.VMEM((EBD,), jnp.int32),
        pltpu.VMEM((EBD,), jnp.int32),
        pltpu.VMEM((EB,), jnp.int32),
        pltpu.VMEM((EB,), jnp.int32),
        pltpu.VMEM((EB,), jnp.int32),
        pltpu.VMEM((EB,), jnp.int32),
        pltpu.VMEM((EBD,), jnp.int32),
        pltpu.VMEM((EBD,), jnp.int32),
        pltpu.VMEM((2 * EB, F_IN), jnp.float32),
        pltpu.SemaphoreType.DMA,
        pltpu.SemaphoreType.DMA,
        pltpu.SemaphoreType.DMA,
        pltpu.SemaphoreType.DMA,
    ])


def _sc_l1_body(h2_hbm, src_hbm, dst_hbm, zeros_hbm,
                s_out, acc_sh, sidxA, sidxB, didxA, didxB, gidxA, gidxB,
                d2A, d2B, rows_v, isemA, isemB, gsemA, gsemB):
  c = lax.axis_index("c")
  s = lax.axis_index("s")
  nbase = c * NH

  for f in range(2):
    _stage_rows(zeros_hbm, acc_sh, rows_v, s * ISLICE, s * ISLICE, ISLICE)
    plsc.subcore_barrier()
    _agg_pass(h2_hbm, src_hbm, dst_hbm, acc_sh, s, nbase, 2, f,
              sidxA, sidxB, didxA, didxB, gidxA, gidxB, d2A, d2B, rows_v,
              isemA, isemB, gsemA, gsemB)
    plsc.subcore_barrier()
    _stage_rows(acc_sh, s_out.at[f], rows_v, s * WSLICE, nbase + s * WSLICE,
                WSLICE)
    plsc.subcore_barrier()


_sc_l1 = pl.kernel(
    _sc_l1_body,
    out_type=jax.ShapeDtypeStruct((2, NP, Hh), jnp.float32),
    mesh=_MESH,
    scratch_types=[
        pltpu.VMEM_SHARED((NACC, Hh), jnp.float32),
        pltpu.VMEM((EB,), jnp.int32),
        pltpu.VMEM((EB,), jnp.int32),
        pltpu.VMEM((EB,), jnp.int32),
        pltpu.VMEM((EB,), jnp.int32),
        pltpu.VMEM((EB,), jnp.int32),
        pltpu.VMEM((EB,), jnp.int32),
        pltpu.VMEM((EB,), jnp.int32),
        pltpu.VMEM((EB,), jnp.int32),
        pltpu.VMEM((2 * EB, Hh), jnp.float32),
        pltpu.SemaphoreType.DMA,
        pltpu.SemaphoreType.DMA,
        pltpu.SemaphoreType.DMA,
        pltpu.SemaphoreType.DMA,
    ])


RB = 400
NRB = N // RB

def _full(shape):
  return pl.BlockSpec(shape, lambda i: (0, 0))


def _softplus(x):
  return jnp.maximum(x, 0.0) + jnp.log1p(jnp.exp(-jnp.abs(x)))


def _k_log1p(x_ref, o_ref):
  o_ref[...] = jnp.log1p(x_ref[...])


def _tc_log1p(x):
  return pl.pallas_call(
      _k_log1p,
      grid=(NRB,),
      in_specs=[pl.BlockSpec((RB, F_IN), lambda i: (i, 0))],
      out_specs=pl.BlockSpec((RB, F_IN), lambda i: (i, 0)),
      out_shape=jax.ShapeDtypeStruct((N, F_IN), jnp.float32),
  )(x)


def _k_layer0(h_ref, s0_ref, deg_ref, ws_ref, wn_ref, b_ref, o_ref):
  inv = 1.0 / jnp.clip(deg_ref[:, 0:1], 1.0, None)
  m = s0_ref[...] * inv
  t = (jnp.dot(h_ref[...], ws_ref[...], preferred_element_type=jnp.float32)
       + jnp.dot(m, wn_ref[...], preferred_element_type=jnp.float32)
       + b_ref[0:1, :])
  t = jnp.maximum(t, 0.0)
  nrm = jnp.sqrt(jnp.sum(t * t, axis=1, keepdims=True))
  o_ref[...] = t / jnp.maximum(nrm, 1e-12)


def _tc_layer0(h, s0, deg128, ws, wn, b):
  return pl.pallas_call(
      _k_layer0,
      grid=(NRB,),
      in_specs=[
          pl.BlockSpec((RB, F_IN), lambda i: (i, 0)),
          pl.BlockSpec((RB, F_IN), lambda i: (i, 0)),
          pl.BlockSpec((RB, F_IN), lambda i: (i, 0)),
          _full((F_IN, H)), _full((F_IN, H)), _full((1, H)),
      ],
      out_specs=pl.BlockSpec((RB, H), lambda i: (i, 0)),
      out_shape=jax.ShapeDtypeStruct((N, H), jnp.float32),
  )(h, s0, deg128, ws, wn, b)


def _bn_from_stats(t, st_ref, g_ref, b_ref):
  mu = st_ref[0:1, :] / N
  var = st_ref[1:2, :] / N - mu * mu
  return (t - mu) / jnp.sqrt(var + 1e-5) * g_ref[0:1, :] + b_ref[0:1, :]


def _k_layer1fc(h1_ref, s1a_ref, s1b_ref, deg_ref, ws_ref, wna_ref, wnb_ref,
                b_ref, fcw_ref, fcb_ref, t_ref, st_ref):
  i = pl.program_id(0)
  inv = 1.0 / jnp.clip(deg_ref[:, 0:1], 1.0, None)
  h2 = (jnp.dot(h1_ref[...], ws_ref[...], preferred_element_type=jnp.float32)
        + jnp.dot(s1a_ref[...] * inv, wna_ref[...],
                  preferred_element_type=jnp.float32)
        + jnp.dot(s1b_ref[...] * inv, wnb_ref[...],
                  preferred_element_type=jnp.float32)
        + b_ref[0:1, :])
  t = jnp.dot(h2, fcw_ref[...], preferred_element_type=jnp.float32) \
      + fcb_ref[0:1, :]
  t_ref[...] = t

  @pl.when(i == 0)
  def _():
    st_ref[...] = jnp.zeros_like(st_ref)
  st_ref[0:1, :] += jnp.sum(t, axis=0, keepdims=True)
  st_ref[1:2, :] += jnp.sum(t * t, axis=0, keepdims=True)


def _tc_layer1fc(h1, s1a, s1b, deg128, ws, wna, wnb, b, fcw, fcb):
  return pl.pallas_call(
      _k_layer1fc,
      grid=(NRB,),
      in_specs=[
          pl.BlockSpec((RB, H), lambda i: (i, 0)),
          pl.BlockSpec((RB, Hh), lambda i: (i, 0)),
          pl.BlockSpec((RB, Hh), lambda i: (i, 0)),
          pl.BlockSpec((RB, F_IN), lambda i: (i, 0)),
          _full((H, H)), _full((Hh, H)), _full((Hh, H)), _full((1, H)),
          _full((H, H)), _full((1, H)),
      ],
      out_specs=[
          pl.BlockSpec((RB, H), lambda i: (i, 0)),
          pl.BlockSpec((8, H), lambda i: (0, 0)),
      ],
      out_shape=[
          jax.ShapeDtypeStruct((N, H), jnp.float32),
          jax.ShapeDtypeStruct((8, H), jnp.float32),
      ],
  )(h1, s1a, s1b, deg128, ws, wna, wnb, b, fcw, fcb)


def _k_encdec(t_ref, st_ref, g_ref, bb_ref, w21_ref, b21_ref, w22_ref,
              b22_ref, dw_ref, db_ref, zl_ref, zs_ref, d1_ref, st2_ref):
  i = pl.program_id(0)
  e = _softplus(
      jnp.maximum(_bn_from_stats(t_ref[...], st_ref, g_ref, bb_ref), 0.0))
  zl = jnp.dot(e, w21_ref[...], preferred_element_type=jnp.float32) \
      + b21_ref[0:1, :]
  zl_ref[...] = zl
  zs_ref[...] = jnp.exp(
      jnp.dot(e, w22_ref[...], preferred_element_type=jnp.float32)
      + b22_ref[0:1, :])
  d1 = jnp.dot(zl, dw_ref[...], preferred_element_type=jnp.float32) \
      + db_ref[0:1, :]
  d1_ref[...] = d1

  @pl.when(i == 0)
  def _():
    st2_ref[...] = jnp.zeros_like(st2_ref)
  st2_ref[0:1, :] += jnp.sum(d1, axis=0, keepdims=True)
  st2_ref[1:2, :] += jnp.sum(d1 * d1, axis=0, keepdims=True)


def _tc_encdec(t, st, g, bb, w21, b21, w22, b22, dw, db):
  return pl.pallas_call(
      _k_encdec,
      grid=(NRB,),
      in_specs=[
          pl.BlockSpec((RB, H), lambda i: (i, 0)),
          pl.BlockSpec((8, H), lambda i: (0, 0)),
          _full((1, H)), _full((1, H)),
          _full((H, H)), _full((1, H)),
          _full((H, H)), _full((1, H)),
          _full((H, H)), _full((1, H)),
      ],
      out_specs=[
          pl.BlockSpec((RB, H), lambda i: (i, 0)),
          pl.BlockSpec((RB, H), lambda i: (i, 0)),
          pl.BlockSpec((RB, H), lambda i: (i, 0)),
          pl.BlockSpec((8, H), lambda i: (0, 0)),
      ],
      out_shape=[
          jax.ShapeDtypeStruct((N, H), jnp.float32),
          jax.ShapeDtypeStruct((N, H), jnp.float32),
          jax.ShapeDtypeStruct((N, H), jnp.float32),
          jax.ShapeDtypeStruct((8, H), jnp.float32),
      ],
  )(t, st, g, bb, w21, b21, w22, b22, dw, db)


def _k_head(d1_ref, st2_ref, g_ref, bb_ref, rw_ref, rb_ref, sw_ref, sb_ref,
            rate_ref, shape_ref):
  dd = _softplus(
      jnp.maximum(_bn_from_stats(d1_ref[...], st2_ref, g_ref, bb_ref), 0.0))
  rate_ref[...] = _softplus(
      jnp.dot(dd, rw_ref[...], preferred_element_type=jnp.float32)
      + rb_ref[0:1, :])
  shape_ref[...] = _softplus(
      jnp.dot(dd, sw_ref[...], preferred_element_type=jnp.float32)
      + sb_ref[0:1, :])


def _tc_head(d1, st2, g, bb, rw, rb, sw, sb):
  return pl.pallas_call(
      _k_head,
      grid=(NRB,),
      in_specs=[
          pl.BlockSpec((RB, H), lambda i: (i, 0)),
          pl.BlockSpec((8, H), lambda i: (0, 0)),
          _full((1, H)), _full((1, H)),
          _full((H, C)), _full((1, C)),
          _full((H, C)), _full((1, C)),
      ],
      out_specs=[
          pl.BlockSpec((RB, C), lambda i: (i, 0)),
          pl.BlockSpec((RB, C), lambda i: (i, 0)),
      ],
      out_shape=[
          jax.ShapeDtypeStruct((N, C), jnp.float32),
          jax.ShapeDtypeStruct((N, C), jnp.float32),
      ],
  )(d1, st2, g, bb, rw, rb, sw, sb)


@jax.jit
def kernel(x, edge_index, W_self0, W_neigh0, b0, W_self1, W_neigh1, b1, fc_W,
           fc_b, bn_g, bn_b, fc21_W, fc21_b, fc22_W, fc22_b, dfc_W, dfc_b,
           dbn_g, dbn_b, rate_W, rate_b, shape_W, shape_b):
  src = edge_index[0].astype(jnp.int32)
  dst = edge_index[1].astype(jnp.int32)
  zeros_np = jnp.zeros((NP, Hh), jnp.float32)
  cols = lax.broadcasted_iota(jnp.int32, (2 * EB, F_IN), 1)
  ones_eb = jnp.where(cols == 0, 1.0, 0.0).astype(jnp.float32)

  h = _tc_log1p(x)

  s0 = _sc_l0(h, src, dst, zeros_np, ones_eb)
  deg128 = s0[1, :N]
  h1 = _tc_layer0(h, s0[0, :N], deg128, W_self0, W_neigh0, b0.reshape(1, H))

  s1 = _sc_l1(h1.reshape(2 * N, Hh), src, dst, zeros_np)
  t, st = _tc_layer1fc(h1, s1[0, :N], s1[1, :N], deg128,
                       W_self1, W_neigh1[:H // 2], W_neigh1[H // 2:],
                       b1.reshape(1, H), fc_W, fc_b.reshape(1, H))

  z_loc, z_scale, d1, st2 = _tc_encdec(
      t, st, bn_g.reshape(1, H), bn_b.reshape(1, H),
      fc21_W, fc21_b.reshape(1, H), fc22_W, fc22_b.reshape(1, H),
      dfc_W, dfc_b.reshape(1, H))

  rate, shape = _tc_head(d1, st2, dbn_g.reshape(1, H), dbn_b.reshape(1, H),
                         rate_W, rate_b.reshape(1, C),
                         shape_W, shape_b.reshape(1, C))
  return (z_loc, z_scale, rate, shape)

# --- scband reference (transcript-rebuilt; emitter-appended) ---
"""Pipeline reference for scband-sage-120259084830 (READ-ONLY COPY).

The authoritative reference and input builder live on the scoring server;
editing this copy changes nothing except your own understanding.
"""

import jax, jax.numpy as jnp
import numpy as np

N = 10000
E = 320000
F_IN = 128
H = 256
C = 128

def setup_inputs(seed: int = 0) -> dict:
    key = jax.random.key(seed)
    ks = jax.random.split(key, 24)
    def w(k, shp):
        return jax.random.normal(k, shp, dtype=jnp.float32) * 0.02
    inp = {}
    inp['x'] = jax.random.uniform(ks[0], (N, F_IN), dtype=jnp.float32)
    inp['edge_index'] = jax.random.randint(ks[1], (2, E), 0, N, dtype=jnp.int64)
    # SAGEConv layer 0: in_feats -> n_hidden (relu + l2 norm)
    inp['W_self0'] = w(ks[2], (F_IN, H)); inp['W_neigh0'] = w(ks[3], (F_IN, H)); inp['b0'] = jnp.zeros((H,), jnp.float32)
    # SAGEConv layer 1: n_hidden -> n_hidden (no activation/norm)
    inp['W_self1'] = w(ks[4], (H, H)); inp['W_neigh1'] = w(ks[5], (H, H)); inp['b1'] = jnp.zeros((H,), jnp.float32)
    # encoder fc (Linear + BatchNorm1d + ReLU)
    inp['fc_W'] = w(ks[6], (H, H)); inp['fc_b'] = jnp.zeros((H,), jnp.float32)
    inp['bn_g'] = jnp.ones((H,), jnp.float32); inp['bn_b'] = jnp.zeros((H,), jnp.float32)
    inp['fc21_W'] = w(ks[7], (H, H)); inp['fc21_b'] = jnp.zeros((H,), jnp.float32)
    inp['fc22_W'] = w(ks[8], (H, H)); inp['fc22_b'] = jnp.zeros((H,), jnp.float32)
    # decoder fc (Linear + BatchNorm1d + ReLU)
    inp['dfc_W'] = w(ks[9], (H, H)); inp['dfc_b'] = jnp.zeros((H,), jnp.float32)
    inp['dbn_g'] = jnp.ones((H,), jnp.float32); inp['dbn_b'] = jnp.zeros((H,), jnp.float32)
    inp['rate_W'] = w(ks[10], (H, C)); inp['rate_b'] = jnp.zeros((C,), jnp.float32)
    inp['shape_W'] = w(ks[11], (H, C)); inp['shape_b'] = jnp.zeros((C,), jnp.float32)
    return inp

def _mean_agg(h, src, dst, n):
    s = jax.ops.segment_sum(h[src], dst, num_segments=n)
    deg = jax.ops.segment_sum(jnp.ones((src.shape[0],), h.dtype), dst, num_segments=n)
    return s / jnp.clip(deg, 1.0, None)[:, None]

def _l2norm(h):
    return h / jnp.maximum(jnp.linalg.norm(h, axis=1, keepdims=True), 1e-12)

def _bn(h, g, b):
    mu = h.mean(axis=0)
    var = h.var(axis=0)
    return (h - mu) / jnp.sqrt(var + 1e-5) * g + b

def reference(x, edge_index, W_self0, W_neigh0, b0, W_self1, W_neigh1, b1, fc_W, fc_b, bn_g, bn_b, fc21_W, fc21_b, fc22_W, fc22_b, dfc_W, dfc_b, dbn_g, dbn_b, rate_W, rate_b, shape_W, shape_b):
    n = x.shape[0]
    src, dst = edge_index[0], edge_index[1]
    h = jnp.log(x + 1.0)
    # SAGEConv layer 0 (mean aggregator, relu activation, l2 norm)
    m = _mean_agg(h, src, dst, n)
    h = h @ W_self0 + m @ W_neigh0 + b0
    h = jax.nn.relu(h)
    h = _l2norm(h)
    # SAGEConv layer 1 (mean aggregator, no activation)
    m = _mean_agg(h, src, dst, n)
    h = h @ W_self1 + m @ W_neigh1 + b1
    # encoder fc + BN + ReLU, then softplus
    h = h @ fc_W + fc_b
    h = jax.nn.relu(_bn(h, bn_g, bn_b))
    h = jax.nn.softplus(h)
    z_loc = h @ fc21_W + fc21_b
    z_scale = jnp.exp(h @ fc22_W + fc22_b)
    # decoder on z = z_loc (deterministic)
    d = z_loc @ dfc_W + dfc_b
    d = jax.nn.relu(_bn(d, dbn_g, dbn_b))
    d = jax.nn.softplus(d)
    rate = jax.nn.softplus(d @ rate_W + rate_b)
    shape = jax.nn.softplus(d @ shape_W + shape_b)
    return (z_loc, z_scale, rate, shape)

if __name__ == "__main__":
    import jax
    _d = setup_inputs()
    print(jax.jit(kernel)(*tuple(_d.values())))

</pallas_src>

<mosaic_0001>
#map = affine_map<(d0, d1) -> (0, 0)>
#map1 = affine_map<(d0, d1) -> (0)>
#map2 = affine_map<(d0, d1) -> (0, 0, 0)>
module attributes {stable_mosaic.version = 14 : i64} {
  func.func @_sc_l1_body(%arg0: i32, %arg1: i32, %arg2: memref<20000x128xf32, #tpu.memory_space<hbm>>, %arg3: memref<320000xi32, #tpu.memory_space<hbm>>, %arg4: memref<320000xi32, #tpu.memory_space<hbm>>, %arg5: memref<10240x128xf32, #tpu.memory_space<hbm>>, %arg6: memref<2x10240x128xf32, #tpu.memory_space<hbm>>, %arg7: memref<5248x128xf32, #tpu.memory_space<vmem_shared>>, %arg8: memref<80xi32, #tpu.memory_space<vmem>>, %arg9: memref<80xi32, #tpu.memory_space<vmem>>, %arg10: memref<80xi32, #tpu.memory_space<vmem>>, %arg11: memref<80xi32, #tpu.memory_space<vmem>>, %arg12: memref<80xi32, #tpu.memory_space<vmem>>, %arg13: memref<80xi32, #tpu.memory_space<vmem>>, %arg14: memref<80xi32, #tpu.memory_space<vmem>>, %arg15: memref<80xi32, #tpu.memory_space<vmem>>, %arg16: memref<160x128xf32, #tpu.memory_space<vmem>>, %arg17: memref<!tpu.dma_semaphore, #tpu.memory_space<semaphore_mem>>, %arg18: memref<!tpu.dma_semaphore, #tpu.memory_space<semaphore_mem>>, %arg19: memref<!tpu.dma_semaphore, #tpu.memory_space<semaphore_mem>>, %arg20: memref<!tpu.dma_semaphore, #tpu.memory_space<semaphore_mem>>) attributes {dimension_semantics = [#tpu.dimension_semantics<core_parallel>, #tpu.dimension_semantics<subcore_parallel>], iteration_bounds = array<i64: 2, 16>, scalar_prefetch = 0 : i64, scratch_operands = 14 : i64, tpu.core_type = #tpu.core_type<sc_vector_subcore>, window_params = [{transform_indices = #map}, {transform_indices = #map1}, {transform_indices = #map1}, {transform_indices = #map}, {transform_indices = #map2}]} {
    %mul3A = arith.constant 5120 : i32
    %mul3A_0 = arith.muli %arg0, %mul3A : i32
    %mul3A_1 = arith.constant 328 : i32
    %mul3A_2 = arith.muli %arg1, %mul3A_1 : i32
    %mul3A_3 = arith.constant 328 : i32
    %mul3A_4 = arith.muli %arg1, %mul3A_3 : i32
    %add3A = arith.constant 0 : i32
    %add3A_5 = arith.addi %mul3A_2, %add3A : i32
    "tpu.region"() ({
      %run_scoped3A_486 = tpu.sem_alloc : memref<!tpu.dma_semaphore, #tpu.memory_space<semaphore_mem>>
      %dma_start3A_487 = arith.constant 0 : i32
      %dma_start3A_488 = arith.constant 0 : i32
      %dma_start3A_489 = tpu.memref_slice %arg16[%dma_start3A_487, %dma_start3A_488] : memref<160x128xf32, #tpu.memory_space<vmem>> -> memref<160x128xf32, #tpu.memory_space<vmem>>
      %dma_start3A_490 = arith.constant 0 : i32
      %dma_start3A_491 = tpu.memref_slice %arg5[%add3A_5, %dma_start3A_490] : memref<10240x128xf32, #tpu.memory_space<hbm>> -> memref<160x128xf32, #tpu.memory_space<hbm>>
      %dma_start3A_492 = arith.constant 0 : i32
      %dma_start3A_493 = arith.constant 0 : i32
      %dma_start3A_494 = tpu.memref_slice %arg16[%dma_start3A_492, %dma_start3A_493] : memref<160x128xf32, #tpu.memory_space<vmem>> -> memref<160x128xf32, #tpu.memory_space<vmem>>
      %dma_start3A_495 = arith.constant 0 : i32
      %dma_start3A_496 = tpu.memref_slice %arg5[%add3A_5, %dma_start3A_495] : memref<10240x128xf32, #tpu.memory_space<hbm>> -> memref<160x128xf32, #tpu.memory_space<hbm>>
      tpu.enqueue_dma source(%dma_start3A_496 : memref<160x128xf32, #tpu.memory_space<hbm>>) target(%dma_start3A_494 : memref<160x128xf32, #tpu.memory_space<vmem>>) target_semaphore(%run_scoped3A_486 : memref<!tpu.dma_semaphore, #tpu.memory_space<semaphore_mem>>)
      %dma_wait3A_497 = arith.constant 0 : i32
      %dma_wait3A_498 = arith.constant 0 : i32
      %dma_wait3A_499 = tpu.memref_slice %arg16[%dma_wait3A_497, %dma_wait3A_498] : memref<160x128xf32, #tpu.memory_space<vmem>> -> memref<160x128xf32, #tpu.memory_space<vmem>>
      %dma_wait3A_500 = arith.constant 0 : i32
      %dma_wait3A_501 = tpu.memref_slice %arg5[%add3A_5, %dma_wait3A_500] : memref<10240x128xf32, #tpu.memory_space<hbm>> -> memref<160x128xf32, #tpu.memory_space<hbm>>
      %dma_wait3A_502 = arith.constant 0 : i32
      %dma_wait3A_503 = arith.constant 0 : i32
      %dma_wait3A_504 = tpu.memref_slice %arg16[%dma_wait3A_502, %dma_wait3A_503] : memref<160x128xf32, #tpu.memory_space<vmem>> -> memref<160x128xf32, #tpu.memory_space<vmem>>
      %dma_wait3A_505 = arith.constant 0 : i32
      %dma_wait3A_506 = tpu.memref_slice %arg5[%add3A_5, %dma_wait3A_505] : memref<10240x128xf32, #tpu.memory_space<hbm>> -> memref<160x128xf32, #tpu.memory_space<hbm>>
      tpu.wait_dma2 semaphore(%run_scoped3A_486 : memref<!tpu.dma_semaphore, #tpu.memory_space<semaphore_mem>>) src(%dma_wait3A_506 : memref<160x128xf32, #tpu.memory_space<hbm>>) dst(%dma_wait3A_504 : memref<160x128xf32, #tpu.memory_space<vmem>>)
      tpu.yield
    }) : () -> ()
    %add3A_6 = arith.constant 0 : i32
    %add3A_7 = arith.addi %mul3A_4, %add3A_6 : i32
    "tpu.region"() ({
      %run_scoped3A_486 = tpu.sem_alloc : memref<!tpu.dma_semaphore, #tpu.memory_space<semaphore_mem>>
      %dma_start3A_487 = arith.constant 0 : i32
      %dma_start3A_488 = arith.constant 0 : i32
      %dma_start3A_489 = tpu.memref_slice %arg16[%dma_start3A_487, %dma_start3A_488] : memref<160x128xf32, #tpu.memory_space<vmem>> -> memref<160x128xf32, #tpu.memory_space<vmem>>
      %dma_start3A_490 = arith.constant 0 : i32
      %dma_start3A_491 = tpu.memref_slice %arg7[%add3A_7, %dma_start3A_490] : memref<5248x128xf32, #tpu.memory_space<vmem_shared>> -> memref<160x128xf32, #tpu.memory_space<vmem_shared>>
      %dma_start3A_492 = arith.constant 0 : i32
      %dma_start3A_493 = tpu.memref_slice %arg7[%add3A_7, %dma_start3A_492] : memref<5248x128xf32, #tpu.memory_space<vmem_shared>> -> memref<160x128xf32, #tpu.memory_space<vmem_shared>>
      %dma_start3A_494 = arith.constant 0 : i32
      %dma_start3A_495 = arith.constant 0 : i32
      %dma_start3A_496 = tpu.memref_slice %arg16[%dma_start3A_494, %dma_start3A_495] : memref<160x128xf32, #tpu.memory_space<vmem>> -> memref<160x128xf32, #tpu.memory_space<vmem>>
      tpu.enqueue_dma source(%dma_start3A_496 : memref<160x128xf32, #tpu.memory_space<vmem>>) target(%dma_start3A_493 : memref<160x128xf32, #tpu.memory_space<vmem_shared>>) target_semaphore(%run_scoped3A_486 : memref<!tpu.dma_semaphore, #tpu.memory_space<semaphore_mem>>)
      %dma_wait3A_497 = arith.constant 0 : i32
      %dma_wait3A_498 = arith.constant 0 : i32
      %dma_wait3A_499 = tpu.memref_slice %arg16[%dma_wait3A_497, %dma_wait3A_498] : memref<160x128xf32, #tpu.memory_space<vmem>> -> memref<160x128xf32, #tpu.memory_space<vmem>>
      %dma_wait3A_500 = arith.constant 0 : i32
      %dma_wait3A_501 = tpu.memref_slice %arg7[%add3A_7, %dma_wait3A_500] : memref<5248x128xf32, #tpu.memory_space<vmem_shared>> -> memref<160x128xf32, #tpu.memory_space<vmem_shared>>
      %dma_wait3A_502 = arith.constant 0 : i32
      %dma_wait3A_503 = tpu.memref_slice %arg7[%add3A_7, %dma_wait3A_502] : memref<5248x128xf32, #tpu.memory_space<vmem_shared>> -> memref<160x128xf32, #tpu.memory_space<vmem_shared>>
      %dma_wait3A_504 = arith.constant 0 : i32
      %dma_wait3A_505 = arith.constant 0 : i32
      %dma_wait3A_506 = tpu.memref_slice %arg16[%dma_wait3A_504, %dma_wait3A_505] : memref<160x128xf32, #tpu.memory_space<vmem>> -> memref<160x128xf32, #tpu.memory_space<vmem>>
      tpu.wait_dma2 semaphore(%run_scoped3A_486 : memref<!tpu.dma_semaphore, #tpu.memory_space<semaphore_mem>>) src(%dma_wait3A_506 : memref<160x128xf32, #tpu.memory_space<vmem>>) dst(%dma_wait3A_503 : memref<160x128xf32, #tpu.memory_space<vmem_shared>>)
      tpu.yield
    }) : () -> ()
    %add3A_8 = arith.constant 160 : i32
    %add3A_9 = arith.addi %mul3A_2, %add3A_8 : i32
    "tpu.region"() ({
      %run_scoped3A_486 = tpu.sem_alloc : memref<!tpu.dma_semaphore, #tpu.memory_space<semaphore_mem>>
      %dma_start3A_487 = arith.constant 0 : i32
      %dma_start3A_488 = arith.constant 0 : i32
      %dma_start3A_489 = tpu.memref_slice %arg16[%dma_start3A_487, %dma_start3A_488] : memref<160x128xf32, #tpu.memory_space<vmem>> -> memref<160x128xf32, #tpu.memory_space<vmem>>
      %dma_start3A_490 = arith.constant 0 : i32
      %dma_start3A_491 = tpu.memref_slice %arg5[%add3A_9, %dma_start3A_490] : memref<10240x128xf32, #tpu.memory_space<hbm>> -> memref<160x128xf32, #tpu.memory_space<hbm>>
      %dma_start3A_492 = arith.constant 0 : i32
      %dma_start3A_493 = arith.constant 0 : i32
      %dma_start3A_494 = tpu.memref_slice %arg16[%dma_start3A_492, %dma_start3A_493] : memref<160x128xf32, #tpu.memory_space<vmem>> -> memref<160x128xf32, #tpu.memory_space<vmem>>
      %dma_start3A_495 = arith.constant 0 : i32
      %dma_start3A_496 = tpu.memref_slice %arg5[%add3A_9, %dma_start3A_495] : memref<10240x128xf32, #tpu.memory_space<hbm>> -> memref<160x128xf32, #tpu.memory_space<hbm>>
      tpu.enqueue_dma source(%dma_start3A_496 : memref<160x128xf32, #tpu.memory_space<hbm>>) target(%dma_start3A_494 : memref<160x128xf32, #tpu.memory_space<vmem>>) target_semaphore(%run_scoped3A_486 : memref<!tpu.dma_semaphore, #tpu.memory_space<semaphore_mem>>)
      %dma_wait3A_497 = arith.constant 0 : i32
      %dma_wait3A_498 = arith.constant 0 : i32
      %dma_wait3A_499 = tpu.memref_slice %arg16[%dma_wait3A_497, %dma_wait3A_498] : memref<160x128xf32, #tpu.memory_space<vmem>> -> memref<160x128xf32, #tpu.memory_space<vmem>>
      %dma_wait3A_500 = arith.constant 0 : i32
      %dma_wait3A_501 = tpu.memref_slice %arg5[%add3A_9, %dma_wait3A_500] : memref<10240x128xf32, #tpu.memory_space<hbm>> -> memref<160x128xf32, #tpu.memory_space<hbm>>
      %dma_wait3A_502 = arith.constant 0 : i32
      %dma_wait3A_503 = arith.constant 0 : i32
      %dma_wait3A_504 = tpu.memref_slice %arg16[%dma_wait3A_502, %dma_wait3A_503] : memref<160x128xf32, #tpu.memory_space<vmem>> -> memref<160x128xf32, #tpu.memory_space<vmem>>
      %dma_wait3A_505 = arith.constant 0 : i32
      %dma_wait3A_506 = tpu.memref_slice %arg5[%add3A_9, %dma_wait3A_505] : memref<10240x128xf32, #tpu.memory_space<hbm>> -> memref<160x128xf32, #tpu.memory_space<hbm>>
      tpu.wait_dma2 semaphore(%run_scoped3A_486 : memref<!tpu.dma_semaphore, #tpu.memory_space<semaphore_mem>>) src(%dma_wait3A_506 : memref<160x128xf32, #tpu.memory_space<hbm>>) dst(%dma_wait3A_504 : memref<160x128xf32, #tpu.memory_space<vmem>>)
      tpu.yield
    }) : () -> ()
    %add3A_10 = arith.constant 160 : i32
    %add3A_11 = arith.addi %mul3A_4, %add3A_10 : i32
    "tpu.region"() ({
      %run_scoped3A_486 = tpu.sem_alloc : memref<!tpu.dma_semaphore, #tpu.memory_space<semaphore_mem>>
      %dma_start3A_487 = arith.constant 0 : i32
      %dma_start3A_488 = arith.constant 0 : i32
      %dma_start3A_489 = tpu.memref_slice %arg16[%dma_start3A_487, %dma_start3A_488] : memref<160x128xf32, #tpu.memory_space<vmem>> -> memref<160x128xf32, #tpu.memory_space<vmem>>
      %dma_start3A_490 = arith.constant 0 : i32
      %dma_start3A_491 = tpu.memref_slice %arg7[%add3A_11, %dma_start3A_490] : memref<5248x128xf32, #tpu.memory_space<vmem_shared>> -> memref<160x128xf32, #tpu.memory_space<vmem_shared>>
      %dma_start3A_492 = arith.constant 0 : i32
      %dma_start3A_493 = tpu.memref_slice %arg7[%add3A_11, %dma_start3A_492] : memref<5248x128xf32, #tpu.memory_space<vmem_shared>> -> memref<160x128xf32, #tpu.memory_space<vmem_shared>>
      %dma_start3A_494 = arith.constant 0 : i32
      %dma_start3A_495 = arith.constant 0 : i32
      %dma_start3A_496 = tpu.memref_slice %arg16[%dma_start3A_494, %dma_start3A_495] : memref<160x128xf32, #tpu.memory_space<vmem>> -> memref<160x128xf32, #tpu.memory_space<vmem>>
      tpu.enqueue_dma source(%dma_start3A_496 : memref<160x128xf32, #tpu.memory_space<vmem>>) target(%dma_start3A_493 : memref<160x128xf32, #tpu.memory_space<vmem_shared>>) target_semaphore(%run_scoped3A_486 : memref<!tpu.dma_semaphore, #tpu.memory_space<semaphore_mem>>)
      %dma_wait3A_497 = arith.constant 0 : i32
      %dma_wait3A_498 = arith.constant 0 : i32
      %dma_wait3A_499 = tpu.memref_slice %arg16[%dma_wait3A_497, %dma_wait3A_498] : memref<160x128xf32, #tpu.memory_space<vmem>> -> memref<160x128xf32, #tpu.memory_space<vmem>>
      %dma_wait3A_500 = arith.constant 0 : i32
      %dma_wait3A_501 = tpu.memref_slice %arg7[%add3A_11, %dma_wait3A_500] : memref<5248x128xf32, #tpu.memory_space<vmem_shared>> -> memref<160x128xf32, #tpu.memory_space<vmem_shared>>
      %dma_wait3A_502 = arith.constant 0 : i32
      %dma_wait3A_503 = tpu.memref_slice %arg7[%add3A_11, %dma_wait3A_502] : memref<5248x128xf32, #tpu.memory_space<vmem_shared>> -> memref<160x128xf32, #tpu.memory_space<vmem_shared>>
      %dma_wait3A_504 = arith.constant 0 : i32
      %dma_wait3A_505 = arith.constant 0 : i32
      %dma_wait3A_506 = tpu.memref_slice %arg16[%dma_wait3A_504, %dma_wait3A_505] : memref<160x128xf32, #tpu.memory_space<vmem>> -> memref<160x128xf32, #tpu.memory_space<vmem>>
      tpu.wait_dma2 semaphore(%run_scoped3A_486 : memref<!tpu.dma_semaphore, #tpu.memory_space<semaphore_mem>>) src(%dma_wait3A_506 : memref<160x128xf32, #tpu.memory_space<vmem>>) dst(%dma_wait3A_503 : memref<160x128xf32, #tpu.memory_space<vmem_shared>>)
      tpu.yield
    }) : () -> ()
    %add3A_12 = arith.constant 320 : i32
    %add3A_13 = arith.addi %mul3A_2, %add3A_12 : i32
    "tpu.region"() ({
      %run_scoped3A_486 = tpu.sem_alloc : memref<!tpu.dma_semaphore, #tpu.memory_space<semaphore_mem>>
      %dma_start3A_487 = arith.constant 0 : i32
      %dma_start3A_488 = arith.constant 0 : i32
      %dma_start3A_489 = tpu.memref_slice %arg16[%dma_start3A_487, %dma_start3A_488] : memref<160x128xf32, #tpu.memory_space<vmem>> -> memref<8x128xf32, #tpu.memory_space<vmem>>
      %dma_start3A_490 = arith.constant 0 : i32
      %dma_start3A_491 = tpu.memref_slice %arg5[%add3A_13, %dma_start3A_490] : memref<10240x128xf32, #tpu.memory_space<hbm>> -> memref<8x128xf32, #tpu.memory_space<hbm>>
      %dma_start3A_492 = arith.constant 0 : i32
      %dma_start3A_493 = arith.constant 0 : i32
      %dma_start3A_494 = tpu.memref_slice %arg16[%dma_start3A_492, %dma_start3A_493] : memref<160x128xf32, #tpu.memory_space<vmem>> -> memref<8x128xf32, #tpu.memory_space<vmem>>
      %dma_start3A_495 = arith.constant 0 : i32
      %dma_start3A_496 = tpu.memref_slice %arg5[%add3A_13, %dma_start3A_495] : memref<10240x128xf32, #tpu.memory_space<hbm>> -> memref<8x128xf32, #tpu.memory_space<hbm>>
      tpu.enqueue_dma source(%dma_start3A_496 : memref<8x128xf32, #tpu.memory_space<hbm>>) target(%dma_start3A_494 : memref<8x128xf32, #tpu.memory_space<vmem>>) target_semaphore(%run_scoped3A_486 : memref<!tpu.dma_semaphore, #tpu.memory_space<semaphore_mem>>)
      %dma_wait3A_497 = arith.constant 0 : i32
      %dma_wait3A_498 = arith.constant 0 : i32
      %dma_wait3A_499 = tpu.memref_slice %arg16[%dma_wait3A_497, %dma_wait3A_498] : memref<160x128xf32, #tpu.memory_space<vmem>> -> memref<8x128xf32, #tpu.memory_space<vmem>>
      %dma_wait3A_500 = arith.constant 0 : i32
      %dma_wait3A_501 = tpu.memref_slice %arg5[%add3A_13, %dma_wait3A_500] : memref<10240x128xf32, #tpu.memory_space<hbm>> -> memref<8x128xf32, #tpu.memory_space<hbm>>
      %dma_wait3A_502 = arith.constant 0 : i32
      %dma_wait3A_503 = arith.constant 0 : i32
      %dma_wait3A_504 = tpu.memref_slice %arg16[%dma_wait3A_502, %dma_wait3A_503] : memref<160x128xf32, #tpu.memory_space<vmem>> -> memref<8x128xf32, #tpu.memory_space<vmem>>
      %dma_wait3A_505 = arith.constant 0 : i32
      %dma_wait3A_506 = tpu.memref_slice %arg5[%add3A_13, %dma_wait3A_505] : memref<10240x128xf32, #tpu.memory_space<hbm>> -> memref<8x128xf32, #tpu.memory_space<hbm>>
      tpu.wait_dma2 semaphore(%run_scoped3A_486 : memref<!tpu.dma_semaphore, #tpu.memory_space<semaphore_mem>>) src(%dma_wait3A_506 : memref<8x128xf32, #tpu.memory_space<hbm>>) dst(%dma_wait3A_504 : memref<8x128xf32, #tpu.memory_space<vmem>>)
      tpu.yield
    }) : () -> ()
    %add3A_14 = arith.constant 320 : i32
    %add3A_15 = arith.addi %mul3A_4, %add3A_14 : i32
    "tpu.region"() ({
      %run_scoped3A_486 = tpu.sem_alloc : memref<!tpu.dma_semaphore, #tpu.memory_space<semaphore_mem>>
      %dma_start3A_487 = arith.constant 0 : i32
      %dma_start3A_488 = arith.constant 0 : i32
      %dma_start3A_489 = tpu.memref_slice %arg16[%dma_start3A_487, %dma_start3A_488] : memref<160x128xf32, #tpu.memory_space<vmem>> -> memref<8x128xf32, #tpu.memory_space<vmem>>
      %dma_start3A_490 = arith.constant 0 : i32
      %dma_start3A_491 = tpu.memref_slice %arg7[%add3A_15, %dma_start3A_490] : memref<5248x128xf32, #tpu.memory_space<vmem_shared>> -> memref<8x128xf32, #tpu.memory_space<vmem_shared>>
      %dma_start3A_492 = arith.constant 0 : i32
      %dma_start3A_493 = tpu.memref_slice %arg7[%add3A_15, %dma_start3A_492] : memref<5248x128xf32, #tpu.memory_space<vmem_shared>> -> memref<8x128xf32, #tpu.memory_space<vmem_shared>>
      %dma_start3A_494 = arith.constant 0 : i32
      %dma_start3A_495 = arith.constant 0 : i32
      %dma_start3A_496 = tpu.memref_slice %arg16[%dma_start3A_494, %dma_start3A_495] : memref<160x128xf32, #tpu.memory_space<vmem>> -> memref<8x128xf32, #tpu.memory_space<vmem>>
      tpu.enqueue_dma source(%dma_start3A_496 : memref<8x128xf32, #tpu.memory_space<vmem>>) target(%dma_start3A_493 : memref<8x128xf32, #tpu.memory_space<vmem_shared>>) target_semaphore(%run_scoped3A_486 : memref<!tpu.dma_semaphore, #tpu.memory_space<semaphore_mem>>)
      %dma_wait3A_497 = arith.constant 0 : i32
      %dma_wait3A_498 = arith.constant 0 : i32
      %dma_wait3A_499 = tpu.memref_slice %arg16[%dma_wait3A_497, %dma_wait3A_498] : memref<160x128xf32, #tpu.memory_space<vmem>> -> memref<8x128xf32, #tpu.memory_space<vmem>>
      %dma_wait3A_500 = arith.constant 0 : i32
      %dma_wait3A_501 = tpu.memref_slice %arg7[%add3A_15, %dma_wait3A_500] : memref<5248x128xf32, #tpu.memory_space<vmem_shared>> -> memref<8x128xf32, #tpu.memory_space<vmem_shared>>
      %dma_wait3A_502 = arith.constant 0 : i32
      %dma_wait3A_503 = tpu.memref_slice %arg7[%add3A_15, %dma_wait3A_502] : memref<5248x128xf32, #tpu.memory_space<vmem_shared>> -> memref<8x128xf32, #tpu.memory_space<vmem_shared>>
      %dma_wait3A_504 = arith.constant 0 : i32
      %dma_wait3A_505 = arith.constant 0 : i32
      %dma_wait3A_506 = tpu.memref_slice %arg16[%dma_wait3A_504, %dma_wait3A_505] : memref<160x128xf32, #tpu.memory_space<vmem>> -> memref<8x128xf32, #tpu.memory_space<vmem>>
      tpu.wait_dma2 semaphore(%run_scoped3A_486 : memref<!tpu.dma_semaphore, #tpu.memory_space<semaphore_mem>>) src(%dma_wait3A_506 : memref<8x128xf32, #tpu.memory_space<vmem>>) dst(%dma_wait3A_503 : memref<8x128xf32, #tpu.memory_space<vmem_shared>>)
      tpu.yield
    }) : () -> ()
    %barrier3A = arith.constant 0 : index
    tpu.barrier barrier_id(%barrier3A)
    %mul3A_16 = arith.constant 20000 : i32
    %mul3A_17 = arith.muli %arg1, %mul3A_16 : i32
    %add3A_18 = arith.constant 0 : i32
    %add3A_19 = arith.addi %mul3A_17, %add3A_18 : i32
    %dma_start3A = arith.constant 0 : i32
    %dma_start3A_20 = tpu.memref_slice %arg8[%dma_start3A] : memref<80xi32, #tpu.memory_space<vmem>> -> memref<80xi32, #tpu.memory_space<vmem>>
    %dma_start3A_21 = tpu.memref_slice %arg3[%add3A_19] : memref<320000xi32, #tpu.memory_space<hbm>> -> memref<80xi32, #tpu.memory_space<hbm>>
    %dma_start3A_22 = arith.constant 0 : i32
    %dma_start3A_23 = tpu.memref_slice %arg8[%dma_start3A_22] : memref<80xi32, #tpu.memory_space<vmem>> -> memref<80xi32, #tpu.memory_space<vmem>>
    %dma_start3A_24 = tpu.memref_slice %arg3[%add3A_19] : memref<320000xi32, #tpu.memory_space<hbm>> -> memref<80xi32, #tpu.memory_space<hbm>>
    tpu.enqueue_dma source(%dma_start3A_24 : memref<80xi32, #tpu.memory_space<hbm>>) target(%dma_start3A_23 : memref<80xi32, #tpu.memory_space<vmem>>) target_semaphore(%arg17 : memref<!tpu.dma_semaphore, #tpu.memory_space<semaphore_mem>>)
    %dma_start3A_25 = arith.constant 0 : i32
    %dma_start3A_26 = tpu.memref_slice %arg10[%dma_start3A_25] : memref<80xi32, #tpu.memory_space<vmem>> -> memref<80xi32, #tpu.memory_space<vmem>>
    %dma_start3A_27 = tpu.memref_slice %arg4[%add3A_19] : memref<320000xi32, #tpu.memory_space<hbm>> -> memref<80xi32, #tpu.memory_space<hbm>>
    %dma_start3A_28 = arith.constant 0 : i32
    %dma_start3A_29 = tpu.memref_slice %arg10[%dma_start3A_28] : memref<80xi32, #tpu.memory_space<vmem>> -> memref<80xi32, #tpu.memory_space<vmem>>
    %dma_start3A_30 = tpu.memref_slice %arg4[%add3A_19] : memref<320000xi32, #tpu.memory_space<hbm>> -> memref<80xi32, #tpu.memory_space<hbm>>
    tpu.enqueue_dma source(%dma_start3A_30 : memref<80xi32, #tpu.memory_space<hbm>>) target(%dma_start3A_29 : memref<80xi32, #tpu.memory_space<vmem>>) target_semaphore(%arg17 : memref<!tpu.dma_semaphore, #tpu.memory_space<semaphore_mem>>)
    %add3A_31 = arith.constant 0 : i32
    %add3A_32 = arith.addi %mul3A_17, %add3A_31 : i32
    %dma_wait3A = arith.constant 0 : i32
    %dma_wait3A_33 = tpu.memref_slice %arg8[%dma_wait3A] : memref<80xi32, #tpu.memory_space<vmem>> -> memref<80xi32, #tpu.memory_space<vmem>>
    %dma_wait3A_34 = tpu.memref_slice %arg3[%add3A_32] : memref<320000xi32, #tpu.memory_space<hbm>> -> memref<80xi32, #tpu.memory_space<hbm>>
    %dma_wait3A_35 = arith.constant 0 : i32
    %dma_wait3A_36 = tpu.memref_slice %arg8[%dma_wait3A_35] : memref<80xi32, #tpu.memory_space<vmem>> -> memref<80xi32, #tpu.memory_space<vmem>>
    %dma_wait3A_37 = tpu.memref_slice %arg3[%add3A_32] : memref<320000xi32, #tpu.memory_space<hbm>> -> memref<80xi32, #tpu.memory_space<hbm>>
    tpu.wait_dma2 semaphore(%arg17 : memref<!tpu.dma_semaphore, #tpu.memory_space<semaphore_mem>>) src(%dma_wait3A_37 : memref<80xi32, #tpu.memory_space<hbm>>) dst(%dma_wait3A_36 : memref<80xi32, #tpu.memory_space<vmem>>)
    %dma_wait3A_38 = arith.constant 0 : i32
    %dma_wait3A_39 = tpu.memref_slice %arg10[%dma_wait3A_38] : memref<80xi32, #tpu.memory_space<vmem>> -> memref<80xi32, #tpu.memory_space<vmem>>
    %dma_wait3A_40 = tpu.memref_slice %arg4[%add3A_32] : memref<320000xi32, #tpu.memory_space<hbm>> -> memref<80xi32, #tpu.memory_space<hbm>>
    %dma_wait3A_41 = arith.constant 0 : i32
    %dma_wait3A_42 = tpu.memref_slice %arg10[%dma_wait3A_41] : memref<80xi32, #tpu.memory_space<vmem>> -> memref<80xi32, #tpu.memory_space<vmem>>
    %dma_wait3A_43 = tpu.memref_slice %arg4[%add3A_32] : memref<320000xi32, #tpu.memory_space<hbm>> -> memref<80xi32, #tpu.memory_space<hbm>>
    tpu.wait_dma2 semaphore(%arg17 : memref<!tpu.dma_semaphore, #tpu.memory_space<semaphore_mem>>) src(%dma_wait3A_43 : memref<80xi32, #tpu.memory_space<hbm>>) dst(%dma_wait3A_42 : memref<80xi32, #tpu.memory_space<vmem>>)
    %get3A = arith.constant 0 : index
    %get3A_44 = tpu.vector_load %arg8[%get3A] {strides = array<i32>} : memref<80xi32, #tpu.memory_space<vmem>>, vector<16xi32>,
    %get3A_45 = vector.shape_cast %get3A_44 : vector<16xi32> to vector<16xi32>
    %mul3A_46 = arith.constant 2 : i32
    %mul3A_47 = vector.broadcast %mul3A_46 : i32 to vector<16xi32>
    %mul3A_48 = arith.muli %get3A_45, %mul3A_47 : vector<16xi32>
    %add3A_49 = arith.constant 0 : i32
    %add3A_50 = vector.broadcast %add3A_49 : i32 to vector<16xi32>
    %add3A_51 = arith.addi %mul3A_48, %add3A_50 : vector<16xi32>
    %swap3A = arith.constant 0 : index
    %swap3A_52 = tpu.vector_load %arg12[%swap3A] {strides = array<i32>} : memref<80xi32, #tpu.memory_space<vmem>>, vector<16xi32>,
    %swap3A_53 = vector.shape_cast %swap3A_52 : vector<16xi32> to vector<16xi32>
    %swap3A_54 = vector.shape_cast %add3A_51 : vector<16xi32> to vector<16xi32>
    tpu.vector_store %arg12[%swap3A], %swap3A_54 {strides = array<i32>} : memref<80xi32, #tpu.memory_space<vmem>>, vector<16xi32>,
    %get3A_55 = arith.constant 0 : index
    %get3A_56 = tpu.vector_load %arg10[%get3A_55] {strides = array<i32>} : memref<80xi32, #tpu.memory_space<vmem>>, vector<16xi32>,
    %get3A_57 = vector.shape_cast %get3A_56 : vector<16xi32> to vector<16xi32>
    %sub3A = vector.broadcast %mul3A_0 : i32 to vector<16xi32>
    %sub3A_58 = arith.subi %get3A_57, %sub3A : vector<16xi32>
    %lt3A = arith.constant 0 : i32
    %lt3A_59 = vector.broadcast %lt3A : i32 to vector<16xi32>
    %lt3A_60 = arith.cmpi slt, %sub3A_58, %lt3A_59 : vector<16xi32>
    %ge3A = arith.constant 5120 : i32
    %ge3A_61 = vector.broadcast %ge3A : i32 to vector<16xi32>
    %ge3A_62 = arith.cmpi sge, %sub3A_58, %ge3A_61 : vector<16xi32>
    %or3A = arith.ori %lt3A_60, %ge3A_62 : vector<16xi1>
    %jit3A = arith.constant 5120 : i32
    %broadcast_in_dim3A = vector.broadcast %jit3A : i32 to vector<16xi32>
    %select_n3A = arith.select %or3A, %broadcast_in_dim3A, %sub3A_58 : vector<16xi1>, vector<16xi32>
    %swap3A_63 = arith.constant 0 : index
    %swap3A_64 = tpu.vector_load %arg14[%swap3A_63] {strides = array<i32>} : memref<80xi32, #tpu.memory_space<vmem>>, vector<16xi32>,
    %swap3A_65 = vector.shape_cast %swap3A_64 : vector<16xi32> to vector<16xi32>
    %swap3A_66 = vector.shape_cast %select_n3A : vector<16xi32> to vector<16xi32>
    tpu.vector_store %arg14[%swap3A_63], %swap3A_66 {strides = array<i32>} : memref<80xi32, #tpu.memory_space<vmem>>, vector<16xi32>,
    %get3A_67 = arith.constant 16 : index
    %get3A_68 = tpu.vector_load %arg8[%get3A_67] {strides = array<i32>} : memref<80xi32, #tpu.memory_space<vmem>>, vector<16xi32>,
    %get3A_69 = vector.shape_cast %get3A_68 : vector<16xi32> to vector<16xi32>
    %mul3A_70 = arith.constant 2 : i32
    %mul3A_71 = vector.broadcast %mul3A_70 : i32 to vector<16xi32>
    %mul3A_72 = arith.muli %get3A_69, %mul3A_71 : vector<16xi32>
    %add3A_73 = arith.constant 0 : i32
    %add3A_74 = vector.broadcast %add3A_73 : i32 to vector<16xi32>
    %add3A_75 = arith.addi %mul3A_72, %add3A_74 : vector<16xi32>
    %swap3A_76 = arith.constant 16 : index
    %swap3A_77 = tpu.vector_load %arg12[%swap3A_76] {strides = array<i32>} : memref<80xi32, #tpu.memory_space<vmem>>, vector<16xi32>,
    %swap3A_78 = vector.shape_cast %swap3A_77 : vector<16xi32> to vector<16xi32>
    %swap3A_79 = vector.shape_cast %add3A_75 : vector<16xi32> to vector<16xi32>
    tpu.vector_store %arg12[%swap3A_76], %swap3A_79 {strides = array<i32>} : memref<80xi32, #tpu.memory_space<vmem>>, vector<16xi32>,
    %get3A_80 = arith.constant 16 : index
    %get3A_81 = tpu.vector_load %arg10[%get3A_80] {strides = array<i32>} : memref<80xi32, #tpu.memory_space<vmem>>, vector<16xi32>,
    %get3A_82 = vector.shape_cast %get3A_81 : vector<16xi32> to vector<16xi32>
    %sub3A_83 = vector.broadcast %mul3A_0 : i32 to vector<16xi32>
    %sub3A_84 = arith.subi %get3A_82, %sub3A_83 : vector<16xi32>
    %lt3A_85 = arith.constant 0 : i32
    %lt3A_86 = vector.broadcast %lt3A_85 : i32 to vector<16xi32>
    %lt3A_87 = arith.cmpi slt, %sub3A_84, %lt3A_86 : vector<16xi32>
    %ge3A_88 = arith.constant 5120 : i32
    %ge3A_89 = vector.broadcast %ge3A_88 : i32 to vector<16xi32>
    %ge3A_90 = arith.cmpi sge, %sub3A_84, %ge3A_89 : vector<16xi32>
    %or3A_91 = arith.ori %lt3A_87, %ge3A_90 : vector<16xi1>
    %jit3A_92 = arith.constant 5120 : i32
    %broadcast_in_dim3A_93 = vector.broadcast %jit3A_92 : i32 to vector<16xi32>
    %select_n3A_94 = arith.select %or3A_91, %broadcast_in_dim3A_93, %sub3A_84 : vector<16xi1>, vector<16xi32>
    %swap3A_95 = arith.constant 16 : index
    %swap3A_96 = tpu.vector_load %arg14[%swap3A_95] {strides = array<i32>} : memref<80xi32, #tpu.memory_space<vmem>>, vector<16xi32>,
    %swap3A_97 = vector.shape_cast %swap3A_96 : vector<16xi32> to vector<16xi32>
    %swap3A_98 = vector.shape_cast %select_n3A_94 : vector<16xi32> to vector<16xi32>
    tpu.vector_store %arg14[%swap3A_95], %swap3A_98 {strides = array<i32>} : memref<80xi32, #tpu.memory_space<vmem>>, vector<16xi32>,
    %get3A_99 = arith.constant 32 : index
    %get3A_100 = tpu.vector_load %arg8[%get3A_99] {strides = array<i32>} : memref<80xi32, #tpu.memory_space<vmem>>, vector<16xi32>,
    %get3A_101 = vector.shape_cast %get3A_100 : vector<16xi32> to vector<16xi32>
    %mul3A_102 = arith.constant 2 : i32
    %mul3A_103 = vector.broadcast %mul3A_102 : i32 to vector<16xi32>
    %mul3A_104 = arith.muli %get3A_101, %mul3A_103 : vector<16xi32>
    %add3A_105 = arith.constant 0 : i32
    %add3A_106 = vector.broadcast %add3A_105 : i32 to vector<16xi32>
    %add3A_107 = arith.addi %mul3A_104, %add3A_106 : vector<16xi32>
    %swap3A_108 = arith.constant 32 : index
    %swap3A_109 = tpu.vector_load %arg12[%swap3A_108] {strides = array<i32>} : memref<80xi32, #tpu.memory_space<vmem>>, vector<16xi32>,
    %swap3A_110 = vector.shape_cast %swap3A_109 : vector<16xi32> to vector<16xi32>
    %swap3A_111 = vector.shape_cast %add3A_107 : vector<16xi32> to vector<16xi32>
    tpu.vector_store %arg12[%swap3A_108], %swap3A_111 {strides = array<i32>} : memref<80xi32, #tpu.memory_space<vmem>>, vector<16xi32>,
    %get3A_112 = arith.constant 32 : index
    %get3A_113 = tpu.vector_load %arg10[%get3A_112] {strides = array<i32>} : memref<80xi32, #tpu.memory_space<vmem>>, vector<16xi32>,
    %get3A_114 = vector.shape_cast %get3A_113 : vector<16xi32> to vector<16xi32>
    %sub3A_115 = vector.broadcast %mul3A_0 : i32 to vector<16xi32>
    %sub3A_116 = arith.subi %get3A_114, %sub3A_115 : vector<16xi32>
    %lt3A_117 = arith.constant 0 : i32
    %lt3A_118 = vector.broadcast %lt3A_117 : i32 to vector<16xi32>
    %lt3A_119 = arith.cmpi slt, %sub3A_116, %lt3A_118 : vector<16xi32>
    %ge3A_120 = arith.constant 5120 : i32
    %ge3A_121 = vector.broadcast %ge3A_120 : i32 to vector<16xi32>
    %ge3A_122 = arith.cmpi sge, %sub3A_116, %ge3A_121 : vector<16xi32>
    %or3A_123 = arith.ori %lt3A_119, %ge3A_122 : vector<16xi1>
    %jit3A_124 = arith.constant 5120 : i32
    %broadcast_in_dim3A_125 = vector.broadcast %jit3A_124 : i32 to vector<16xi32>
    %select_n3A_126 = arith.select %or3A_123, %broadcast_in_dim3A_125, %sub3A_116 : vector<16xi1>, vector<16xi32>
    %swap3A_127 = arith.constant 32 : index
    %swap3A_128 = tpu.vector_load %arg14[%swap3A_127] {strides = array<i32>} : memref<80xi32, #tpu.memory_space<vmem>>, vector<16xi32>,
    %swap3A_129 = vector.shape_cast %swap3A_128 : vector<16xi32> to vector<16xi32>
    %swap3A_130 = vector.shape_cast %select_n3A_126 : vector<16xi32> to vector<16xi32>
    tpu.vector_store %arg14[%swap3A_127], %swap3A_130 {strides = array<i32>} : memref<80xi32, #tpu.memory_space<vmem>>, vector<16xi32>,
    %get3A_131 = arith.constant 48 : index
    %get3A_132 = tpu.vector_load %arg8[%get3A_131] {strides = array<i32>} : memref<80xi32, #tpu.memory_space<vmem>>, vector<16xi32>,
    %get3A_133 = vector.shape_cast %get3A_132 : vector<16xi32> to vector<16xi32>
    %mul3A_134 = arith.constant 2 : i32
    %mul3A_135 = vector.broadcast %mul3A_134 : i32 to vector<16xi32>
    %mul3A_136 = arith.muli %get3A_133, %mul3A_135 : vector<16xi32>
    %add3A_137 = arith.constant 0 : i32
    %add3A_138 = vector.broadcast %add3A_137 : i32 to vector<16xi32>
    %add3A_139 = arith.addi %mul3A_136, %add3A_138 : vector<16xi32>
    %swap3A_140 = arith.constant 48 : index
    %swap3A_141 = tpu.vector_load %arg12[%swap3A_140] {strides = array<i32>} : memref<80xi32, #tpu.memory_space<vmem>>, vector<16xi32>,
    %swap3A_142 = vector.shape_cast %swap3A_141 : vector<16xi32> to vector<16xi32>
    %swap3A_143 = vector.shape_cast %add3A_139 : vector<16xi32> to vector<16xi32>
    tpu.vector_store %arg12[%swap3A_140], %swap3A_143 {strides = array<i32>} : memref<80xi32, #tpu.memory_space<vmem>>, vector<16xi32>,
    %get3A_144 = arith.constant 48 : index
    %get3A_145 = tpu.vector_load %arg10[%get3A_144] {strides = array<i32>} : memref<80xi32, #tpu.memory_space<vmem>>, vector<16xi32>,
    %get3A_146 = vector.shape_cast %get3A_145 : vector<16xi32> to vector<16xi32>
    %sub3A_147 = vector.broadcast %mul3A_0 : i32 to vector<16xi32>
    %sub3A_148 = arith.subi %get3A_146, %sub3A_147 : vector<16xi32>
    %lt3A_149 = arith.constant 0 : i32
    %lt3A_150 = vector.broadcast %lt3A_149 : i32 to vector<16xi32>
    %lt3A_151 = arith.cmpi slt, %sub3A_148, %lt3A_150 : vector<16xi32>
    %ge3A_152 = arith.constant 5120 : i32
    %ge3A_153 = vector.broadcast %ge3A_152 : i32 to vector<16xi32>
    %ge3A_154 = arith.cmpi sge, %sub3A_148, %ge3A_153 : vector<16xi32>
    %or3A_155 = arith.ori %lt3A_151, %ge3A_154 : vector<16xi1>
    %jit3A_156 = arith.constant 5120 : i32
    %broadcast_in_dim3A_157 = vector.broadcast %jit3A_156 : i32 to vector<16xi32>
    %select_n3A_158 = arith.select %or3A_155, %broadcast_in_dim3A_157, %sub3A_148 : vector<16xi1>, vector<16xi32>
    %swap3A_159 = arith.constant 48 : index
    %swap3A_160 = tpu.vector_load %arg14[%swap3A_159] {strides = array<i32>} : memref<80xi32, #tpu.memory_space<vmem>>, vector<16xi32>,
    %swap3A_161 = vector.shape_cast %swap3A_160 : vector<16xi32> to vector<16xi32>
    %swap3A_162 = vector.shape_cast %select_n3A_158 : vector<16xi32> to vector<16xi32>
    tpu.vector_store %arg14[%swap3A_159], %swap3A_162 {strides = array<i32>} : memref<80xi32, #tpu.memory_space<vmem>>, vector<16xi32>,
    %get3A_163 = arith.constant 64 : index
    %get3A_164 = tpu.vector_load %arg8[%get3A_163] {strides = array<i32>} : memref<80xi32, #tpu.memory_space<vmem>>, vector<16xi32>,
    %get3A_165 = vector.shape_cast %get3A_164 : vector<16xi32> to vector<16xi32>
    %mul3A_166 = arith.constant 2 : i32
    %mul3A_167 = vector.broadcast %mul3A_166 : i32 to vector<16xi32>
    %mul3A_168 = arith.muli %get3A_165, %mul3A_167 : vector<16xi32>
    %add3A_169 = arith.constant 0 : i32
    %add3A_170 = vector.broadcast %add3A_169 : i32 to vector<16xi32>
    %add3A_171 = arith.addi %mul3A_168, %add3A_170 : vector<16xi32>
    %swap3A_172 = arith.constant 64 : index
    %swap3A_173 = tpu.vector_load %arg12[%swap3A_172] {strides = array<i32>} : memref<80xi32, #tpu.memory_space<vmem>>, vector<16xi32>,
    %swap3A_174 = vector.shape_cast %swap3A_173 : vector<16xi32> to vector<16xi32>
    %swap3A_175 = vector.shape_cast %add3A_171 : vector<16xi32> to vector<16xi32>
    tpu.vector_store %arg12[%swap3A_172], %swap3A_175 {strides = array<i32>} : memref<80xi32, #tpu.memory_space<vmem>>, vector<16xi32>,
    %get3A_176 = arith.constant 64 : index
    %get3A_177 = tpu.vector_load %arg10[%get3A_176] {strides = array<i32>} : memref<80xi32, #tpu.memory_space<vmem>>, vector<16xi32>,
    %get3A_178 = vector.shape_cast %get3A_177 : vector<16xi32> to vector<16xi32>
    %sub3A_179 = vector.broadcast %mul3A_0 : i32 to vector<16xi32>
    %sub3A_180 = arith.subi %get3A_178, %sub3A_179 : vector<16xi32>
    %lt3A_181 = arith.constant 0 : i32
    %lt3A_182 = vector.broadcast %lt3A_181 : i32 to vector<16xi32>
    %lt3A_183 = arith.cmpi slt, %sub3A_180, %lt3A_182 : vector<16xi32>
    %ge3A_184 = arith.constant 5120 : i32
    %ge3A_185 = vector.broadcast %ge3A_184 : i32 to vector<16xi32>
    %ge3A_186 = arith.cmpi sge, %sub3A_180, %ge3A_185 : vector<16xi32>
    %or3A_187 = arith.ori %lt3A_183, %ge3A_186 : vector<16xi1>
    %jit3A_188 = arith.constant 5120 : i32
    %broadcast_in_dim3A_189 = vector.broadcast %jit3A_188 : i32 to vector<16xi32>
    %select_n3A_190 = arith.select %or3A_187, %broadcast_in_dim3A_189, %sub3A_180 : vector<16xi1>, vector<16xi32>
    %swap3A_191 = arith.constant 64 : index
    %swap3A_192 = tpu.vector_load %arg14[%swap3A_191] {strides = array<i32>} : memref<80xi32, #tpu.memory_space<vmem>>, vector<16xi32>,
    %swap3A_193 = vector.shape_cast %swap3A_192 : vector<16xi32> to vector<16xi32>
    %swap3A_194 = vector.shape_cast %select_n3A_190 : vector<16xi32> to vector<16xi32>
    tpu.vector_store %arg14[%swap3A_191], %swap3A_194 {strides = array<i32>} : memref<80xi32, #tpu.memory_space<vmem>>, vector<16xi32>,
    %dma_start3A_195 = arith.constant 0 : i32
    %dma_start3A_196 = arith.constant 0 : i32
    %dma_start3A_197 = tpu.memref_slice %arg16[%dma_start3A_195, %dma_start3A_196] : memref<160x128xf32, #tpu.memory_space<vmem>> -> memref<80x128xf32, #tpu.memory_space<vmem>>
    %dma_start3A_198 = arith.constant 0 : i32
    %dma_start3A_199 = arith.constant 0 : i32
    %dma_start3A_200 = tpu.memref_slice %arg2[%dma_start3A_198, %dma_start3A_199] : memref<20000x128xf32, #tpu.memory_space<hbm>> -> memref<20000x128xf32, #tpu.memory_space<hbm>>
    tpu.enqueue_indirect_dma source(%dma_start3A_200 : memref<20000x128xf32, #tpu.memory_space<hbm>>) target(%dma_start3A_197 : memref<80x128xf32, #tpu.memory_space<vmem>>) offsets(%arg12 : memref<80xi32, #tpu.memory_space<vmem>>) semaphore(%arg19 : memref<!tpu.dma_semaphore, #tpu.memory_space<semaphore_mem>>)
    %add3A_201 = arith.constant 80 : i32
    %add3A_202 = arith.addi %mul3A_17, %add3A_201 : i32
    %dma_start3A_203 = arith.constant 0 : i32
    %dma_start3A_204 = tpu.memref_slice %arg9[%dma_start3A_203] : memref<80xi32, #tpu.memory_space<vmem>> -> memref<80xi32, #tpu.memory_space<vmem>>
    %dma_start3A_205 = tpu.memref_slice %arg3[%add3A_202] : memref<320000xi32, #tpu.memory_space<hbm>> -> memref<80xi32, #tpu.memory_space<hbm>>
    %dma_start3A_206 = arith.constant 0 : i32
    %dma_start3A_207 = tpu.memref_slice %arg9[%dma_start3A_206] : memref<80xi32, #tpu.memory_space<vmem>> -> memref<80xi32, #tpu.memory_space<vmem>>
    %dma_start3A_208 = tpu.memref_slice %arg3[%add3A_202] : memref<320000xi32, #tpu.memory_space<hbm>> -> memref<80xi32, #tpu.memory_space<hbm>>
    tpu.enqueue_dma source(%dma_start3A_208 : memref<80xi32, #tpu.memory_space<hbm>>) target(%dma_start3A_207 : memref<80xi32, #tpu.memory_space<vmem>>) target_semaphore(%arg18 : memref<!tpu.dma_semaphore, #tpu.memory_space<semaphore_mem>>)
    %dma_start3A_209 = arith.constant 0 : i32
    %dma_start3A_210 = tpu.memref_slice %arg11[%dma_start3A_209] : memref<80xi32, #tpu.memory_space<vmem>> -> memref<80xi32, #tpu.memory_space<vmem>>
    %dma_start3A_211 = tpu.memref_slice %arg4[%add3A_202] : memref<320000xi32, #tpu.memory_space<hbm>> -> memref<80xi32, #tpu.memory_space<hbm>>
    %dma_start3A_212 = arith.constant 0 : i32
    %dma_start3A_213 = tpu.memref_slice %arg11[%dma_start3A_212] : memref<80xi32, #tpu.memory_space<vmem>> -> memref<80xi32, #tpu.memory_space<vmem>>
    %dma_start3A_214 = tpu.memref_slice %arg4[%add3A_202] : memref<320000xi32, #tpu.memory_space<hbm>> -> memref<80xi32, #tpu.memory_space<hbm>>
    tpu.enqueue_dma source(%dma_start3A_214 : memref<80xi32, #tpu.memory_space<hbm>>) target(%dma_start3A_213 : memref<80xi32, #tpu.memory_space<vmem>>) target_semaphore(%arg18 : memref<!tpu.dma_semaphore, #tpu.memory_space<semaphore_mem>>)
    %scan3A = arith.constant 0 : i32
    %scan3A_215 = arith.constant 0 : i32
    %scan3A_216 = arith.constant 125 : i32
    %scan3A_217 = arith.addi %scan3A_215, %scan3A_216 : i32
    %scan3A_218 = arith.constant 1 : i32
    scf.for %scan3A_486 = %scan3A_215 to %scan3A_217 step %scan3A_218  : i32 {
      %mul3A_487 = arith.constant 2 : i32
      %mul3A_488 = arith.muli %mul3A_487, %scan3A_486 : i32
      %add3A_489 = arith.constant 1 : i32
      %add3A_490 = arith.addi %mul3A_488, %add3A_489 : i32
      %mul3A_491 = arith.constant 80 : i32
      %mul3A_492 = arith.muli %add3A_490, %mul3A_491 : i32
      %add3A_493 = arith.addi %mul3A_17, %mul3A_492 : i32
      %dma_wait3A_494 = arith.constant 0 : i32
      %dma_wait3A_495 = tpu.memref_slice %arg9[%dma_wait3A_494] : memref<80xi32, #tpu.memory_space<vmem>> -> memref<80xi32, #tpu.memory_space<vmem>>
      %dma_wait3A_496 = tpu.memref_slice %arg3[%add3A_493] : memref<320000xi32, #tpu.memory_space<hbm>> -> memref<80xi32, #tpu.memory_space<hbm>>
      %dma_wait3A_497 = arith.constant 0 : i32
      %dma_wait3A_498 = tpu.memref_slice %arg9[%dma_wait3A_497] : memref<80xi32, #tpu.memory_space<vmem>> -> memref<80xi32, #tpu.memory_space<vmem>>
      %dma_wait3A_499 = tpu.memref_slice %arg3[%add3A_493] : memref<320000xi32, #tpu.memory_space<hbm>> -> memref<80xi32, #tpu.memory_space<hbm>>
      tpu.wait_dma2 semaphore(%arg18 : memref<!tpu.dma_semaphore, #tpu.memory_space<semaphore_mem>>) src(%dma_wait3A_499 : memref<80xi32, #tpu.memory_space<hbm>>) dst(%dma_wait3A_498 : memref<80xi32, #tpu.memory_space<vmem>>)
      %dma_wait3A_500 = arith.constant 0 : i32
      %dma_wait3A_501 = tpu.memref_slice %arg11[%dma_wait3A_500] : memref<80xi32, #tpu.memory_space<vmem>> -> memref<80xi32, #tpu.memory_space<vmem>>
      %dma_wait3A_502 = tpu.memref_slice %arg4[%add3A_493] : memref<320000xi32, #tpu.memory_space<hbm>> -> memref<80xi32, #tpu.memory_space<hbm>>
      %dma_wait3A_503 = arith.constant 0 : i32
      %dma_wait3A_504 = tpu.memref_slice %arg11[%dma_wait3A_503] : memref<80xi32, #tpu.memory_space<vmem>> -> memref<80xi32, #tpu.memory_space<vmem>>
      %dma_wait3A_505 = tpu.memref_slice %arg4[%add3A_493] : memref<320000xi32, #tpu.memory_space<hbm>> -> memref<80xi32, #tpu.memory_space<hbm>>
      tpu.wait_dma2 semaphore(%arg18 : memref<!tpu.dma_semaphore, #tpu.memory_space<semaphore_mem>>) src(%dma_wait3A_505 : memref<80xi32, #tpu.memory_space<hbm>>) dst(%dma_wait3A_504 : memref<80xi32, #tpu.memory_space<vmem>>)
      %get3A_506 = arith.constant 0 : index
      %get3A_507 = tpu.vector_load %arg9[%get3A_506] {strides = array<i32>} : memref<80xi32, #tpu.memory_space<vmem>>, vector<16xi32>,
      %get3A_508 = vector.shape_cast %get3A_507 : vector<16xi32> to vector<16xi32>
      %mul3A_509 = arith.constant 2 : i32
      %mul3A_510 = vector.broadcast %mul3A_509 : i32 to vector<16xi32>
      %mul3A_511 = arith.muli %get3A_508, %mul3A_510 : vector<16xi32>
      %add3A_512 = arith.constant 0 : i32
      %add3A_513 = vector.broadcast %add3A_512 : i32 to vector<16xi32>
      %add3A_514 = arith.addi %mul3A_511, %add3A_513 : vector<16xi32>
      %swap3A_515 = arith.constant 0 : index
      %swap3A_516 = tpu.vector_load %arg13[%swap3A_515] {strides = array<i32>} : memref<80xi32, #tpu.memory_space<vmem>>, vector<16xi32>,
      %swap3A_517 = vector.shape_cast %swap3A_516 : vector<16xi32> to vector<16xi32>
      %swap3A_518 = vector.shape_cast %add3A_514 : vector<16xi32> to vector<16xi32>
      tpu.vector_store %arg13[%swap3A_515], %swap3A_518 {strides = array<i32>} : memref<80xi32, #tpu.memory_space<vmem>>, vector<16xi32>,
      %get3A_519 = arith.constant 0 : index
      %get3A_520 = tpu.vector_load %arg11[%get3A_519] {strides = array<i32>} : memref<80xi32, #tpu.memory_space<vmem>>, vector<16xi32>,
      %get3A_521 = vector.shape_cast %get3A_520 : vector<16xi32> to vector<16xi32>
      %sub3A_522 = vector.broadcast %mul3A_0 : i32 to vector<16xi32>
      %sub3A_523 = arith.subi %get3A_521, %sub3A_522 : vector<16xi32>
      %lt3A_524 = arith.constant 0 : i32
      %lt3A_525 = vector.broadcast %lt3A_524 : i32 to vector<16xi32>
      %lt3A_526 = arith.cmpi slt, %sub3A_523, %lt3A_525 : vector<16xi32>
      %ge3A_527 = arith.constant 5120 : i32
      %ge3A_528 = vector.broadcast %ge3A_527 : i32 to vector<16xi32>
      %ge3A_529 = arith.cmpi sge, %sub3A_523, %ge3A_528 : vector<16xi32>
      %or3A_530 = arith.ori %lt3A_526, %ge3A_529 : vector<16xi1>
      %jit3A_531 = arith.constant 5120 : i32
      %broadcast_in_dim3A_532 = vector.broadcast %jit3A_531 : i32 to vector<16xi32>
      %select_n3A_533 = arith.select %or3A_530, %broadcast_in_dim3A_532, %sub3A_523 : vector<16xi1>, vector<16xi32>
      %swap3A_534 = arith.constant 0 : index
      %swap3A_535 = tpu.vector_load %arg15[%swap3A_534] {strides = array<i32>} : memref<80xi32, #tpu.memory_space<vmem>>, vector<16xi32>,
      %swap3A_536 = vector.shape_cast %swap3A_535 : vector<16xi32> to vector<16xi32>
      %swap3A_537 = vector.shape_cast %select_n3A_533 : vector<16xi32> to vector<16xi32>
      tpu.vector_store %arg15[%swap3A_534], %swap3A_537 {strides = array<i32>} : memref<80xi32, #tpu.memory_space<vmem>>, vector<16xi32>,
      %get3A_538 = arith.constant 16 : index
      %get3A_539 = tpu.vector_load %arg9[%get3A_538] {strides = array<i32>} : memref<80xi32, #tpu.memory_space<vmem>>, vector<16xi32>,
      %get3A_540 = vector.shape_cast %get3A_539 : vector<16xi32> to vector<16xi32>
      %mul3A_541 = arith.constant 2 : i32
      %mul3A_542 = vector.broadcast %mul3A_541 : i32 to vector<16xi32>
      %mul3A_543 = arith.muli %get3A_540, %mul3A_542 : vector<16xi32>
      %add3A_544 = arith.constant 0 : i32
      %add3A_545 = vector.broadcast %add3A_544 : i32 to vector<16xi32>
      %add3A_546 = arith.addi %mul3A_543, %add3A_545 : vector<16xi32>
      %swap3A_547 = arith.constant 16 : index
      %swap3A_548 = tpu.vector_load %arg13[%swap3A_547] {strides = array<i32>} : memref<80xi32, #tpu.memory_space<vmem>>, vector<16xi32>,
      %swap3A_549 = vector.shape_cast %swap3A_548 : vector<16xi32> to vector<16xi32>
      %swap3A_550 = vector.shape_cast %add3A_546 : vector<16xi32> to vector<16xi32>
      tpu.vector_store %arg13[%swap3A_547], %swap3A_550 {strides = array<i32>} : memref<80xi32, #tpu.memory_space<vmem>>, vector<16xi32>,
      %get3A_551 = arith.constant 16 : index
      %get3A_552 = tpu.vector_load %arg11[%get3A_551] {strides = array<i32>} : memref<80xi32, #tpu.memory_space<vmem>>, vector<16xi32>,
      %get3A_553 = vector.shape_cast %get3A_552 : vector<16xi32> to vector<16xi32>
      %sub3A_554 = vector.broadcast %mul3A_0 : i32 to vector<16xi32>
      %sub3A_555 = arith.subi %get3A_553, %sub3A_554 : vector<16xi32>
      %lt3A_556 = arith.constant 0 : i32
      %lt3A_557 = vector.broadcast %lt3A_556 : i32 to vector<16xi32>
      %lt3A_558 = arith.cmpi slt, %sub3A_555, %lt3A_557 : vector<16xi32>
      %ge3A_559 = arith.constant 5120 : i32
      %ge3A_560 = vector.broadcast %ge3A_559 : i32 to vector<16xi32>
      %ge3A_561 = arith.cmpi sge, %sub3A_555, %ge3A_560 : vector<16xi32>
      %or3A_562 = arith.ori %lt3A_558, %ge3A_561 : vector<16xi1>
      %jit3A_563 = arith.constant 5120 : i32
      %broadcast_in_dim3A_564 = vector.broadcast %jit3A_563 : i32 to vector<16xi32>
      %select_n3A_565 = arith.select %or3A_562, %broadcast_in_dim3A_564, %sub3A_555 : vector<16xi1>, vector<16xi32>
      %swap3A_566 = arith.constant 16 : index
      %swap3A_567 = tpu.vector_load %arg15[%swap3A_566] {strides = array<i32>} : memref<80xi32, #tpu.memory_space<vmem>>, vector<16xi32>,
      %swap3A_568 = vector.shape_cast %swap3A_567 : vector<16xi32> to vector<16xi32>
      %swap3A_569 = vector.shape_cast %select_n3A_565 : vector<16xi32> to vector<16xi32>
      tpu.vector_store %arg15[%swap3A_566], %swap3A_569 {strides = array<i32>} : memref<80xi32, #tpu.memory_space<vmem>>, vector<16xi32>,
      %get3A_570 = arith.constant 32 : index
      %get3A_571 = tpu.vector_load %arg9[%get3A_570] {strides = array<i32>} : memref<80xi32, #tpu.memory_space<vmem>>, vector<16xi32>,
      %get3A_572 = vector.shape_cast %get3A_571 : vector<16xi32> to vector<16xi32>
      %mul3A_573 = arith.constant 2 : i32
      %mul3A_574 = vector.broadcast %mul3A_573 : i32 to vector<16xi32>
      %mul3A_575 = arith.muli %get3A_572, %mul3A_574 : vector<16xi32>
      %add3A_576 = arith.constant 0 : i32
      %add3A_577 = vector.broadcast %add3A_576 : i32 to vector<16xi32>
      %add3A_578 = arith.addi %mul3A_575, %add3A_577 : vector<16xi32>
      %swap3A_579 = arith.constant 32 : index
      %swap3A_580 = tpu.vector_load %arg13[%swap3A_579] {strides = array<i32>} : memref<80xi32, #tpu.memory_space<vmem>>, vector<16xi32>,
      %swap3A_581 = vector.shape_cast %swap3A_580 : vector<16xi32> to vector<16xi32>
      %swap3A_582 = vector.shape_cast %add3A_578 : vector<16xi32> to vector<16xi32>
      tpu.vector_store %arg13[%swap3A_579], %swap3A_582 {strides = array<i32>} : memref<80xi32, #tpu.memory_space<vmem>>, vector<16xi32>,
      %get3A_583 = arith.constant 32 : index
      %get3A_584 = tpu.vector_load %arg11[%get3A_583] {strides = array<i32>} : memref<80xi32, #tpu.memory_space<vmem>>, vector<16xi32>,
      %get3A_585 = vector.shape_cast %get3A_584 : vector<16xi32> to vector<16xi32>
      %sub3A_586 = vector.broadcast %mul3A_0 : i32 to vector<16xi32>
      %sub3A_587 = arith.subi %get3A_585, %sub3A_586 : vector<16xi32>
      %lt3A_588 = arith.constant 0 : i32
      %lt3A_589 = vector.broadcast %lt3A_588 : i32 to vector<16xi32>
      %lt3A_590 = arith.cmpi slt, %sub3A_587, %lt3A_589 : vector<16xi32>
      %ge3A_591 = arith.constant 5120 : i32
      %ge3A_592 = vector.broadcast %ge3A_591 : i32 to vector<16xi32>
      %ge3A_593 = arith.cmpi sge, %sub3A_587, %ge3A_592 : vector<16xi32>
      %or3A_594 = arith.ori %lt3A_590, %ge3A_593 : vector<16xi1>
      %jit3A_595 = arith.constant 5120 : i32
      %broadcast_in_dim3A_596 = vector.broadcast %jit3A_595 : i32 to vector<16xi32>
      %select_n3A_597 = arith.select %or3A_594, %broadcast_in_dim3A_596, %sub3A_587 : vector<16xi1>, vector<16xi32>
      %swap3A_598 = arith.constant 32 : index
      %swap3A_599 = tpu.vector_load %arg15[%swap3A_598] {strides = array<i32>} : memref<80xi32, #tpu.memory_space<vmem>>, vector<16xi32>,
      %swap3A_600 = vector.shape_cast %swap3A_599 : vector<16xi32> to vector<16xi32>
      %swap3A_601 = vector.shape_cast %select_n3A_597 : vector<16xi32> to vector<16xi32>
      tpu.vector_store %arg15[%swap3A_598], %swap3A_601 {strides = array<i32>} : memref<80xi32, #tpu.memory_space<vmem>>, vector<16xi32>,
      %get3A_602 = arith.constant 48 : index
      %get3A_603 = tpu.vector_load %arg9[%get3A_602] {strides = array<i32>} : memref<80xi32, #tpu.memory_space<vmem>>, vector<16xi32>,
      %get3A_604 = vector.shape_cast %get3A_603 : vector<16xi32> to vector<16xi32>
      %mul3A_605 = arith.constant 2 : i32
      %mul3A_606 = vector.broadcast %mul3A_605 : i32 to vector<16xi32>
      %mul3A_607 = arith.muli %get3A_604, %mul3A_606 : vector<16xi32>
      %add3A_608 = arith.constant 0 : i32
      %add3A_609 = vector.broadcast %add3A_608 : i32 to vector<16xi32>
      %add3A_610 = arith.addi %mul3A_607, %add3A_609 : vector<16xi32>
      %swap3A_611 = arith.constant 48 : index
      %swap3A_612 = tpu.vector_load %arg13[%swap3A_611] {strides = array<i32>} : memref<80xi32, #tpu.memory_space<vmem>>, vector<16xi32>,
      %swap3A_613 = vector.shape_cast %swap3A_612 : vector<16xi32> to vector<16xi32>
      %swap3A_614 = vector.shape_cast %add3A_610 : vector<16xi32> to vector<16xi32>
      tpu.vector_store %arg13[%swap3A_611], %swap3A_614 {strides = array<i32>} : memref<80xi32, #tpu.memory_space<vmem>>, vector<16xi32>,
      %get3A_615 = arith.constant 48 : index
      %get3A_616 = tpu.vector_load %arg11[%get3A_615] {strides = array<i32>} : memref<80xi32, #tpu.memory_space<vmem>>, vector<16xi32>,
      %get3A_617 = vector.shape_cast %get3A_616 : vector<16xi32> to vector<16xi32>
      %sub3A_618 = vector.broadcast %mul3A_0 : i32 to vector<16xi32>
      %sub3A_619 = arith.subi %get3A_617, %sub3A_618 : vector<16xi32>
      %lt3A_620 = arith.constant 0 : i32
      %lt3A_621 = vector.broadcast %lt3A_620 : i32 to vector<16xi32>
      %lt3A_622 = arith.cmpi slt, %sub3A_619, %lt3A_621 : vector<16xi32>
      %ge3A_623 = arith.constant 5120 : i32
      %ge3A_624 = vector.broadcast %ge3A_623 : i32 to vector<16xi32>
      %ge3A_625 = arith.cmpi sge, %sub3A_619, %ge3A_624 : vector<16xi32>
      %or3A_626 = arith.ori %lt3A_622, %ge3A_625 : vector<16xi1>
      %jit3A_627 = arith.constant 5120 : i32
      %broadcast_in_dim3A_628 = vector.broadcast %jit3A_627 : i32 to vector<16xi32>
      %select_n3A_629 = arith.select %or3A_626, %broadcast_in_dim3A_628, %sub3A_619 : vector<16xi1>, vector<16xi32>
      %swap3A_630 = arith.constant 48 : index
      %swap3A_631 = tpu.vector_load %arg15[%swap3A_630] {strides = array<i32>} : memref<80xi32, #tpu.memory_space<vmem>>, vector<16xi32>,
      %swap3A_632 = vector.shape_cast %swap3A_631 : vector<16xi32> to vector<16xi32>
      %swap3A_633 = vector.shape_cast %select_n3A_629 : vector<16xi32> to vector<16xi32>
      tpu.vector_store %arg15[%swap3A_630], %swap3A_633 {strides = array<i32>} : memref<80xi32, #tpu.memory_space<vmem>>, vector<16xi32>,
      %get3A_634 = arith.constant 64 : index
      %get3A_635 = tpu.vector_load %arg9[%get3A_634] {strides = array<i32>} : memref<80xi32, #tpu.memory_space<vmem>>, vector<16xi32>,
      %get3A_636 = vector.shape_cast %get3A_635 : vector<16xi32> to vector<16xi32>
      %mul3A_637 = arith.constant 2 : i32
      %mul3A_638 = vector.broadcast %mul3A_637 : i32 to vector<16xi32>
      %mul3A_639 = arith.muli %get3A_636, %mul3A_638 : vector<16xi32>
      %add3A_640 = arith.constant 0 : i32
      %add3A_641 = vector.broadcast %add3A_640 : i32 to vector<16xi32>
      %add3A_642 = arith.addi %mul3A_639, %add3A_641 : vector<16xi32>
      %swap3A_643 = arith.constant 64 : index
      %swap3A_644 = tpu.vector_load %arg13[%swap3A_643] {strides = array<i32>} : memref<80xi32, #tpu.memory_space<vmem>>, vector<16xi32>,
      %swap3A_645 = vector.shape_cast %swap3A_644 : vector<16xi32> to vector<16xi32>
      %swap3A_646 = vector.shape_cast %add3A_642 : vector<16xi32> to vector<16xi32>
      tpu.vector_store %arg13[%swap3A_643], %swap3A_646 {strides = array<i32>} : memref<80xi32, #tpu.memory_space<vmem>>, vector<16xi32>,
      %get3A_647 = arith.constant 64 : index
      %get3A_648 = tpu.vector_load %arg11[%get3A_647] {strides = array<i32>} : memref<80xi32, #tpu.memory_space<vmem>>, vector<16xi32>,
      %get3A_649 = vector.shape_cast %get3A_648 : vector<16xi32> to vector<16xi32>
      %sub3A_650 = vector.broadcast %mul3A_0 : i32 to vector<16xi32>
      %sub3A_651 = arith.subi %get3A_649, %sub3A_650 : vector<16xi32>
      %lt3A_652 = arith.constant 0 : i32
      %lt3A_653 = vector.broadcast %lt3A_652 : i32 to vector<16xi32>
      %lt3A_654 = arith.cmpi slt, %sub3A_651, %lt3A_653 : vector<16xi32>
      %ge3A_655 = arith.constant 5120 : i32
      %ge3A_656 = vector.broadcast %ge3A_655 : i32 to vector<16xi32>
      %ge3A_657 = arith.cmpi sge, %sub3A_651, %ge3A_656 : vector<16xi32>
      %or3A_658 = arith.ori %lt3A_654, %ge3A_657 : vector<16xi1>
      %jit3A_659 = arith.constant 5120 : i32
      %broadcast_in_dim3A_660 = vector.broadcast %jit3A_659 : i32 to vector<16xi32>
      %select_n3A_661 = arith.select %or3A_658, %broadcast_in_dim3A_660, %sub3A_651 : vector<16xi1>, vector<16xi32>
      %swap3A_662 = arith.constant 64 : index
      %swap3A_663 = tpu.vector_load %arg15[%swap3A_662] {strides = array<i32>} : memref<80xi32, #tpu.memory_space<vmem>>, vector<16xi32>,
      %swap3A_664 = vector.shape_cast %swap3A_663 : vector<16xi32> to vector<16xi32>
      %swap3A_665 = vector.shape_cast %select_n3A_661 : vector<16xi32> to vector<16xi32>
      tpu.vector_store %arg15[%swap3A_662], %swap3A_665 {strides = array<i32>} : memref<80xi32, #tpu.memory_space<vmem>>, vector<16xi32>,
      %dma_start3A_666 = arith.constant 80 : i32
      %dma_start3A_667 = arith.constant 0 : i32
      %dma_start3A_668 = tpu.memref_slice %arg16[%dma_start3A_666, %dma_start3A_667] : memref<160x128xf32, #tpu.memory_space<vmem>> -> memref<80x128xf32, #tpu.memory_space<vmem>>
      %dma_start3A_669 = arith.constant 0 : i32
      %dma_start3A_670 = arith.constant 0 : i32
      %dma_start3A_671 = tpu.memref_slice %arg2[%dma_start3A_669, %dma_start3A_670] : memref<20000x128xf32, #tpu.memory_space<hbm>> -> memref<20000x128xf32, #tpu.memory_space<hbm>>
      tpu.enqueue_indirect_dma source(%dma_start3A_671 : memref<20000x128xf32, #tpu.memory_space<hbm>>) target(%dma_start3A_668 : memref<80x128xf32, #tpu.memory_space<vmem>>) offsets(%arg13 : memref<80xi32, #tpu.memory_space<vmem>>) semaphore(%arg20 : memref<!tpu.dma_semaphore, #tpu.memory_space<semaphore_mem>>)
      %lt3A_672 = arith.constant 124 : i32
      %lt3A_673 = arith.cmpi slt, %scan3A_486, %lt3A_672 : i32
      %convert_element_type3A = arith.extui %lt3A_673 : i1 to i32
      %cond3A = arith.constant 0 : i32
      %cond3A_674 = arith.cmpi ne, %convert_element_type3A, %cond3A : i32
      scf.if %cond3A_674 {
        %add3A_692 = arith.constant 2 : i32
        %add3A_693 = arith.addi %mul3A_488, %add3A_692 : i32
        %mul3A_694 = arith.constant 80 : i32
        %mul3A_695 = arith.muli %add3A_693, %mul3A_694 : i32
        %add3A_696 = arith.addi %mul3A_17, %mul3A_695 : i32
        %dma_start3A_697 = arith.constant 0 : i32
        %dma_start3A_698 = tpu.memref_slice %arg8[%dma_start3A_697] : memref<80xi32, #tpu.memory_space<vmem>> -> memref<80xi32, #tpu.memory_space<vmem>>
        %dma_start3A_699 = tpu.memref_slice %arg3[%add3A_696] : memref<320000xi32, #tpu.memory_space<hbm>> -> memref<80xi32, #tpu.memory_space<hbm>>
        %dma_start3A_700 = arith.constant 0 : i32
        %dma_start3A_701 = tpu.memref_slice %arg8[%dma_start3A_700] : memref<80xi32, #tpu.memory_space<vmem>> -> memref<80xi32, #tpu.memory_space<vmem>>
        %dma_start3A_702 = tpu.memref_slice %arg3[%add3A_696] : memref<320000xi32, #tpu.memory_space<hbm>> -> memref<80xi32, #tpu.memory_space<hbm>>
        tpu.enqueue_dma source(%dma_start3A_702 : memref<80xi32, #tpu.memory_space<hbm>>) target(%dma_start3A_701 : memref<80xi32, #tpu.memory_space<vmem>>) target_semaphore(%arg17 : memref<!tpu.dma_semaphore, #tpu.memory_space<semaphore_mem>>)
        %dma_start3A_703 = arith.constant 0 : i32
        %dma_start3A_704 = tpu.memref_slice %arg10[%dma_start3A_703] : memref<80xi32, #tpu.memory_space<vmem>> -> memref<80xi32, #tpu.memory_space<vmem>>
        %dma_start3A_705 = tpu.memref_slice %arg4[%add3A_696] : memref<320000xi32, #tpu.memory_space<hbm>> -> memref<80xi32, #tpu.memory_space<hbm>>
        %dma_start3A_706 = arith.constant 0 : i32
        %dma_start3A_707 = tpu.memref_slice %arg10[%dma_start3A_706] : memref<80xi32, #tpu.memory_space<vmem>> -> memref<80xi32, #tpu.memory_space<vmem>>
        %dma_start3A_708 = tpu.memref_slice %arg4[%add3A_696] : memref<320000xi32, #tpu.memory_space<hbm>> -> memref<80xi32, #tpu.memory_space<hbm>>
        tpu.enqueue_dma source(%dma_start3A_708 : memref<80xi32, #tpu.memory_space<hbm>>) target(%dma_start3A_707 : memref<80xi32, #tpu.memory_space<vmem>>) target_semaphore(%arg17 : memref<!tpu.dma_semaphore, #tpu.memory_space<semaphore_mem>>)
      } else {
      }
      %dma_wait3A_675 = arith.constant 0 : i32
      %dma_wait3A_676 = arith.constant 0 : i32
      %dma_wait3A_677 = tpu.memref_slice %arg16[%dma_wait3A_675, %dma_wait3A_676] : memref<160x128xf32, #tpu.memory_space<vmem>> -> memref<80x128xf32, #tpu.memory_space<vmem>>
      %dma_wait3A_678 = arith.constant 0 : i32
      %dma_wait3A_679 = arith.constant 0 : i32
      %dma_wait3A_680 = tpu.memref_slice %arg2[%dma_wait3A_678, %dma_wait3A_679] : memref<20000x128xf32, #tpu.memory_space<hbm>> -> memref<20000x128xf32, #tpu.memory_space<hbm>>
      tpu.wait_indirect_dma semaphore(%arg19 : memref<!tpu.dma_semaphore, #tpu.memory_space<semaphore_mem>>) src(%dma_wait3A_680 : memref<20000x128xf32, #tpu.memory_space<hbm>>) dst(%dma_wait3A_677 : memref<80x128xf32, #tpu.memory_space<vmem>>)
      "tpu.region"() ({
        %run_scoped3A_692 = tpu.sem_alloc : memref<!tpu.dma_semaphore, #tpu.memory_space<semaphore_mem>>
        %dma_start3A_693 = arith.constant 0 : i32
        %dma_start3A_694 = arith.constant 0 : i32
        %dma_start3A_695 = tpu.memref_slice %arg16[%dma_start3A_693, %dma_start3A_694] : memref<160x128xf32, #tpu.memory_space<vmem>> -> memref<80x128xf32, #tpu.memory_space<vmem>>
        %dma_start3A_696 = arith.constant 0 : i32
        %dma_start3A_697 = arith.constant 0 : i32
        %dma_start3A_698 = tpu.memref_slice %arg7[%dma_start3A_696, %dma_start3A_697] : memref<5248x128xf32, #tpu.memory_space<vmem_shared>> -> memref<5248x128xf32, #tpu.memory_space<vmem_shared>>
        tpu.enqueue_indirect_dma source(%dma_start3A_695 : memref<80x128xf32, #tpu.memory_space<vmem>>) target(%dma_start3A_698 : memref<5248x128xf32, #tpu.memory_space<vmem_shared>>) offsets(%arg14 : memref<80xi32, #tpu.memory_space<vmem>>) semaphore(%run_scoped3A_692 : memref<!tpu.dma_semaphore, #tpu.memory_space<semaphore_mem>>) {add = true}
        %dma_wait3A_699 = arith.constant 0 : i32
        %dma_wait3A_700 = arith.constant 0 : i32
        %dma_wait3A_701 = tpu.memref_slice %arg16[%dma_wait3A_699, %dma_wait3A_700] : memref<160x128xf32, #tpu.memory_space<vmem>> -> memref<80x128xf32, #tpu.memory_space<vmem>>
        %dma_wait3A_702 = arith.constant 0 : i32
        %dma_wait3A_703 = arith.constant 0 : i32
        %dma_wait3A_704 = tpu.memref_slice %arg7[%dma_wait3A_702, %dma_wait3A_703] : memref<5248x128xf32, #tpu.memory_space<vmem_shared>> -> memref<5248x128xf32, #tpu.memory_space<vmem_shared>>
        tpu.wait_indirect_dma semaphore(%run_scoped3A_692 : memref<!tpu.dma_semaphore, #tpu.memory_space<semaphore_mem>>) src(%dma_wait3A_701 : memref<80x128xf32, #tpu.memory_space<vmem>>) dst(%dma_wait3A_704 : memref<5248x128xf32, #tpu.memory_space<vmem_shared>>)
        tpu.yield
      }) : () -> ()
      %lt3A_681 = arith.constant 124 : i32
      %lt3A_682 = arith.cmpi slt, %scan3A_486, %lt3A_681 : i32
      %convert_element_type3A_683 = arith.extui %lt3A_682 : i1 to i32
      %cond3A_684 = arith.constant 0 : i32
      %cond3A_685 = arith.cmpi ne, %convert_element_type3A_683, %cond3A_684 : i32
      scf.if %cond3A_685 {
        %add3A_692 = arith.constant 2 : i32
        %add3A_693 = arith.addi %mul3A_488, %add3A_692 : i32
        %mul3A_694 = arith.constant 80 : i32
        %mul3A_695 = arith.muli %add3A_693, %mul3A_694 : i32
        %add3A_696 = arith.addi %mul3A_17, %mul3A_695 : i32
        %dma_wait3A_697 = arith.constant 0 : i32
        %dma_wait3A_698 = tpu.memref_slice %arg8[%dma_wait3A_697] : memref<80xi32, #tpu.memory_space<vmem>> -> memref<80xi32, #tpu.memory_space<vmem>>
        %dma_wait3A_699 = tpu.memref_slice %arg3[%add3A_696] : memref<320000xi32, #tpu.memory_space<hbm>> -> memref<80xi32, #tpu.memory_space<hbm>>
        %dma_wait3A_700 = arith.constant 0 : i32
        %dma_wait3A_701 = tpu.memref_slice %arg8[%dma_wait3A_700] : memref<80xi32, #tpu.memory_space<vmem>> -> memref<80xi32, #tpu.memory_space<vmem>>
        %dma_wait3A_702 = tpu.memref_slice %arg3[%add3A_696] : memref<320000xi32, #tpu.memory_space<hbm>> -> memref<80xi32, #tpu.memory_space<hbm>>
        tpu.wait_dma2 semaphore(%arg17 : memref<!tpu.dma_semaphore, #tpu.memory_space<semaphore_mem>>) src(%dma_wait3A_702 : memref<80xi32, #tpu.memory_space<hbm>>) dst(%dma_wait3A_701 : memref<80xi32, #tpu.memory_space<vmem>>)
        %dma_wait3A_703 = arith.constant 0 : i32
        %dma_wait3A_704 = tpu.memref_slice %arg10[%dma_wait3A_703] : memref<80xi32, #tpu.memory_space<vmem>> -> memref<80xi32, #tpu.memory_space<vmem>>
        %dma_wait3A_705 = tpu.memref_slice %arg4[%add3A_696] : memref<320000xi32, #tpu.memory_space<hbm>> -> memref<80xi32, #tpu.memory_space<hbm>>
        %dma_wait3A_706 = arith.constant 0 : i32
        %dma_wait3A_707 = tpu.memref_slice %arg10[%dma_wait3A_706] : memref<80xi32, #tpu.memory_space<vmem>> -> memref<80xi32, #tpu.memory_space<vmem>>
        %dma_wait3A_708 = tpu.memref_slice %arg4[%add3A_696] : memref<320000xi32, #tpu.memory_space<hbm>> -> memref<80xi32, #tpu.memory_space<hbm>>
        tpu.wait_dma2 semaphore(%arg17 : memref<!tpu.dma_semaphore, #tpu.memory_space<semaphore_mem>>) src(%dma_wait3A_708 : memref<80xi32, #tpu.memory_space<hbm>>) dst(%dma_wait3A_707 : memref<80xi32, #tpu.memory_space<vmem>>)
        %get3A_709 = arith.constant 0 : index
        %get3A_710 = tpu.vector_load %arg8[%get3A_709] {strides = array<i32>} : memref<80xi32, #tpu.memory_space<vmem>>, vector<16xi32>,
        %get3A_711 = vector.shape_cast %get3A_710 : vector<16xi32> to vector<16xi32>
        %mul3A_712 = arith.constant 2 : i32
        %mul3A_713 = vector.broadcast %mul3A_712 : i32 to vector<16xi32>
        %mul3A_714 = arith.muli %get3A_711, %mul3A_713 : vector<16xi32>
        %add3A_715 = arith.constant 0 : i32
        %add3A_716 = vector.broadcast %add3A_715 : i32 to vector<16xi32>
        %add3A_717 = arith.addi %mul3A_714, %add3A_716 : vector<16xi32>
        %swap3A_718 = arith.constant 0 : index
        %swap3A_719 = tpu.vector_load %arg12[%swap3A_718] {strides = array<i32>} : memref<80xi32, #tpu.memory_space<vmem>>, vector<16xi32>,
        %swap3A_720 = vector.shape_cast %swap3A_719 : vector<16xi32> to vector<16xi32>
        %swap3A_721 = vector.shape_cast %add3A_717 : vector<16xi32> to vector<16xi32>
        tpu.vector_store %arg12[%swap3A_718], %swap3A_721 {strides = array<i32>} : memref<80xi32, #tpu.memory_space<vmem>>, vector<16xi32>,
        %get3A_722 = arith.constant 0 : index
        %get3A_723 = tpu.vector_load %arg10[%get3A_722] {strides = array<i32>} : memref<80xi32, #tpu.memory_space<vmem>>, vector<16xi32>,
        %get3A_724 = vector.shape_cast %get3A_723 : vector<16xi32> to vector<16xi32>
        %sub3A_725 = vector.broadcast %mul3A_0 : i32 to vector<16xi32>
        %sub3A_726 = arith.subi %get3A_724, %sub3A_725 : vector<16xi32>
        %lt3A_727 = arith.constant 0 : i32
        %lt3A_728 = vector.broadcast %lt3A_727 : i32 to vector<16xi32>
        %lt3A_729 = arith.cmpi slt, %sub3A_726, %lt3A_728 : vector<16xi32>
        %ge3A_730 = arith.constant 5120 : i32
        %ge3A_731 = vector.broadcast %ge3A_730 : i32 to vector<16xi32>
        %ge3A_732 = arith.cmpi sge, %sub3A_726, %ge3A_731 : vector<16xi32>
        %or3A_733 = arith.ori %lt3A_729, %ge3A_732 : vector<16xi1>
        %jit3A_734 = arith.constant 5120 : i32
        %broadcast_in_dim3A_735 = vector.broadcast %jit3A_734 : i32 to vector<16xi32>
        %select_n3A_736 = arith.select %or3A_733, %broadcast_in_dim3A_735, %sub3A_726 : vector<16xi1>, vector<16xi32>
        %swap3A_737 = arith.constant 0 : index
        %swap3A_738 = tpu.vector_load %arg14[%swap3A_737] {strides = array<i32>} : memref<80xi32, #tpu.memory_space<vmem>>, vector<16xi32>,
        %swap3A_739 = vector.shape_cast %swap3A_738 : vector<16xi32> to vector<16xi32>
        %swap3A_740 = vector.shape_cast %select_n3A_736 : vector<16xi32> to vector<16xi32>
        tpu.vector_store %arg14[%swap3A_737], %swap3A_740 {strides = array<i32>} : memref<80xi32, #tpu.memory_space<vmem>>, vector<16xi32>,
        %get3A_741 = arith.constant 16 : index
        %get3A_742 = tpu.vector_load %arg8[%get3A_741] {strides = array<i32>} : memref<80xi32, #tpu.memory_space<vmem>>, vector<16xi32>,
        %get3A_743 = vector.shape_cast %get3A_742 : vector<16xi32> to vector<16xi32>
        %mul3A_744 = arith.constant 2 : i32
        %mul3A_745 = vector.broadcast %mul3A_744 : i32 to vector<16xi32>
        %mul3A_746 = arith.muli %get3A_743, %mul3A_745 : vector<16xi32>
        %add3A_747 = arith.constant 0 : i32
        %add3A_748 = vector.broadcast %add3A_747 : i32 to vector<16xi32>
        %add3A_749 = arith.addi %mul3A_746, %add3A_748 : vector<16xi32>
        %swap3A_750 = arith.constant 16 : index
        %swap3A_751 = tpu.vector_load %arg12[%swap3A_750] {strides = array<i32>} : memref<80xi32, #tpu.memory_space<vmem>>, vector<16xi32>,
        %swap3A_752 = vector.shape_cast %swap3A_751 : vector<16xi32> to vector<16xi32>
        %swap3A_753 = vector.shape_cast %add3A_749 : vector<16xi32> to vector<16xi32>
        tpu.vector_store %arg12[%swap3A_750], %swap3A_753 {strides = array<i32>} : memref<80xi32, #tpu.memory_space<vmem>>, vector<16xi32>,
        %get3A_754 = arith.constant 16 : index
        %get3A_755 = tpu.vector_load %arg10[%get3A_754] {strides = array<i32>} : memref<80xi32, #tpu.memory_space<vmem>>, vector<16xi32>,
        %get3A_756 = vector.shape_cast %get3A_755 : vector<16xi32> to vector<16xi32>
        %sub3A_757 = vector.broadcast %mul3A_0 : i32 to vector<16xi32>
        %sub3A_758 = arith.subi %get3A_756, %sub3A_757 : vector<16xi32>
        %lt3A_759 = arith.constant 0 : i32
        %lt3A_760 = vector.broadcast %lt3A_759 : i32 to vector<16xi32>
        %lt3A_761 = arith.cmpi slt, %sub3A_758, %lt3A_760 : vector<16xi32>
        %ge3A_762 = arith.constant 5120 : i32
        %ge3A_763 = vector.broadcast %ge3A_762 : i32 to vector<16xi32>
        %ge3A_764 = arith.cmpi sge, %sub3A_758, %ge3A_763 : vector<16xi32>
        %or3A_765 = arith.ori %lt3A_761, %ge3A_764 : vector<16xi1>
        %jit3A_766 = arith.constant 5120 : i32
        %broadcast_in_dim3A_767 = vector.broadcast %jit3A_766 : i32 to vector<16xi32>
        %select_n3A_768 = arith.select %or3A_765, %broadcast_in_dim3A_767, %sub3A_758 : vector<16xi1>, vector<16xi32>
        %swap3A_769 = arith.constant 16 : index
        %swap3A_770 = tpu.vector_load %arg14[%swap3A_769] {strides = array<i32>} : memref<80xi32, #tpu.memory_space<vmem>>, vector<16xi32>,
        %swap3A_771 = vector.shape_cast %swap3A_770 : vector<16xi32> to vector<16xi32>
        %swap3A_772 = vector.shape_cast %select_n3A_768 : vector<16xi32> to vector<16xi32>
        tpu.vector_store %arg14[%swap3A_769], %swap3A_772 {strides = array<i32>} : memref<80xi32, #tpu.memory_space<vmem>>, vector<16xi32>,
        %get3A_773 = arith.constant 32 : index
        %get3A_774 = tpu.vector_load %arg8[%get3A_773] {strides = array<i32>} : memref<80xi32, #tpu.memory_space<vmem>>, vector<16xi32>,
        %get3A_775 = vector.shape_cast %get3A_774 : vector<16xi32> to vector<16xi32>
        %mul3A_776 = arith.constant 2 : i32
        %mul3A_777 = vector.broadcast %mul3A_776 : i32 to vector<16xi32>
        %mul3A_778 = arith.muli %get3A_775, %mul3A_777 : vector<16xi32>
        %add3A_779 = arith.constant 0 : i32
        %add3A_780 = vector.broadcast %add3A_779 : i32 to vector<16xi32>
        %add3A_781 = arith.addi %mul3A_778, %add3A_780 : vector<16xi32>
        %swap3A_782 = arith.constant 32 : index
        %swap3A_783 = tpu.vector_load %arg12[%swap3A_782] {strides = array<i32>} : memref<80xi32, #tpu.memory_space<vmem>>, vector<16xi32>,
        %swap3A_784 = vector.shape_cast %swap3A_783 : vector<16xi32> to vector<16xi32>
        %swap3A_785 = vector.shape_cast %add3A_781 : vector<16xi32> to vector<16xi32>
        tpu.vector_store %arg12[%swap3A_782], %swap3A_785 {strides = array<i32>} : memref<80xi32, #tpu.memory_space<vmem>>, vector<16xi32>,
        %get3A_786 = arith.constant 32 : index
        %get3A_787 = tpu.vector_load %arg10[%get3A_786] {strides = array<i32>} : memref<80xi32, #tpu.memory_space<vmem>>, vector<16xi32>,
        %get3A_788 = vector.shape_cast %get3A_787 : vector<16xi32> to vector<16xi32>
        %sub3A_789 = vector.broadcast %mul3A_0 : i32 to vector<16xi32>
        %sub3A_790 = arith.subi %get3A_788, %sub3A_789 : vector<16xi32>
        %lt3A_791 = arith.constant 0 : i32
        %lt3A_792 = vector.broadcast %lt3A_791 : i32 to vector<16xi32>
        %lt3A_793 = arith.cmpi slt, %sub3A_790, %lt3A_792 : vector<16xi32>
        %ge3A_794 = arith.constant 5120 : i32
        %ge3A_795 = vector.broadcast %ge3A_794 : i32 to vector<16xi32>
        %ge3A_796 = arith.cmpi sge, %sub3A_790, %ge3A_795 : vector<16xi32>
        %or3A_797 = arith.ori %lt3A_793, %ge3A_796 : vector<16xi1>
        %jit3A_798 = arith.constant 5120 : i32
        %broadcast_in_dim3A_799 = vector.broadcast %jit3A_798 : i32 to vector<16xi32>
        %select_n3A_800 = arith.select %or3A_797, %broadcast_in_dim3A_799, %sub3A_790 : vector<16xi1>, vector<16xi32>
        %swap3A_801 = arith.constant 32 : index
        %swap3A_802 = tpu.vector_load %arg14[%swap3A_801] {strides = array<i32>} : memref<80xi32, #tpu.memory_space<vmem>>, vector<16xi32>,
        %swap3A_803 = vector.shape_cast %swap3A_802 : vector<16xi32> to vector<16xi32>
        %swap3A_804 = vector.shape_cast %select_n3A_800 : vector<16xi32> to vector<16xi32>
        tpu.vector_store %arg14[%swap3A_801], %swap3A_804 {strides = array<i32>} : memref<80xi32, #tpu.memory_space<vmem>>, vector<16xi32>,
        %get3A_805 = arith.constant 48 : index
        %get3A_806 = tpu.vector_load %arg8[%get3A_805] {strides = array<i32>} : memref<80xi32, #tpu.memory_space<vmem>>, vector<16xi32>,
        %get3A_807 = vector.shape_cast %get3A_806 : vector<16xi32> to vector<16xi32>
        %mul3A_808 = arith.constant 2 : i32
        %mul3A_809 = vector.broadcast %mul3A_808 : i32 to vector<16xi32>
        %mul3A_810 = arith.muli %get3A_807, %mul3A_809 : vector<16xi32>
        %add3A_811 = arith.constant 0 : i32
        %add3A_812 = vector.broadcast %add3A_811 : i32 to vector<16xi32>
        %add3A_813 = arith.addi %mul3A_810, %add3A_812 : vector<16xi32>
        %swap3A_814 = arith.constant 48 : index
        %swap3A_815 = tpu.vector_load %arg12[%swap3A_814] {strides = array<i32>} : memref<80xi32, #tpu.memory_space<vmem>>, vector<16xi32>,
        %swap3A_816 = vector.shape_cast %swap3A_815 : vector<16xi32> to vector<16xi32>
        %swap3A_817 = vector.shape_cast %add3A_813 : vector<16xi32> to vector<16xi32>
        tpu.vector_store %arg12[%swap3A_814], %swap3A_817 {strides = array<i32>} : memref<80xi32, #tpu.memory_space<vmem>>, vector<16xi32>,
        %get3A_818 = arith.constant 48 : index
        %get3A_819 = tpu.vector_load %arg10[%get3A_818] {strides = array<i32>} : memref<80xi32, #tpu.memory_space<vmem>>, vector<16xi32>,
        %get3A_820 = vector.shape_cast %get3A_819 : vector<16xi32> to vector<16xi32>
        %sub3A_821 = vector.broadcast %mul3A_0 : i32 to vector<16xi32>
        %sub3A_822 = arith.subi %get3A_820, %sub3A_821 : vector<16xi32>
        %lt3A_823 = arith.constant 0 : i32
        %lt3A_824 = vector.broadcast %lt3A_823 : i32 to vector<16xi32>
        %lt3A_825 = arith.cmpi slt, %sub3A_822, %lt3A_824 : vector<16xi32>
        %ge3A_826 = arith.constant 5120 : i32
        %ge3A_827 = vector.broadcast %ge3A_826 : i32 to vector<16xi32>
        %ge3A_828 = arith.cmpi sge, %sub3A_822, %ge3A_827 : vector<16xi32>
        %or3A_829 = arith.ori %lt3A_825, %ge3A_828 : vector<16xi1>
        %jit3A_830 = arith.constant 5120 : i32
        %broadcast_in_dim3A_831 = vector.broadcast %jit3A_830 : i32 to vector<16xi32>
        %select_n3A_832 = arith.select %or3A_829, %broadcast_in_dim3A_831, %sub3A_822 : vector<16xi1>, vector<16xi32>
        %swap3A_833 = arith.constant 48 : index
        %swap3A_834 = tpu.vector_load %arg14[%swap3A_833] {strides = array<i32>} : memref<80xi32, #tpu.memory_space<vmem>>, vector<16xi32>,
        %swap3A_835 = vector.shape_cast %swap3A_834 : vector<16xi32> to vector<16xi32>
        %swap3A_836 = vector.shape_cast %select_n3A_832 : vector<16xi32> to vector<16xi32>
        tpu.vector_store %arg14[%swap3A_833], %swap3A_836 {strides = array<i32>} : memref<80xi32, #tpu.memory_space<vmem>>, vector<16xi32>,
        %get3A_837 = arith.constant 64 : index
        %get3A_838 = tpu.vector_load %arg8[%get3A_837] {strides = array<i32>} : memref<80xi32, #tpu.memory_space<vmem>>, vector<16xi32>,
        %get3A_839 = vector.shape_cast %get3A_838 : vector<16xi32> to vector<16xi32>
        %mul3A_840 = arith.constant 2 : i32
        %mul3A_841 = vector.broadcast %mul3A_840 : i32 to vector<16xi32>
        %mul3A_842 = arith.muli %get3A_839, %mul3A_841 : vector<16xi32>
        %add3A_843 = arith.constant 0 : i32
        %add3A_844 = vector.broadcast %add3A_843 : i32 to vector<16xi32>
        %add3A_845 = arith.addi %mul3A_842, %add3A_844 : vector<16xi32>
        %swap3A_846 = arith.constant 64 : index
        %swap3A_847 = tpu.vector_load %arg12[%swap3A_846] {strides = array<i32>} : memref<80xi32, #tpu.memory_space<vmem>>, vector<16xi32>,
        %swap3A_848 = vector.shape_cast %swap3A_847 : vector<16xi32> to vector<16xi32>
        %swap3A_849 = vector.shape_cast %add3A_845 : vector<16xi32> to vector<16xi32>
        tpu.vector_store %arg12[%swap3A_846], %swap3A_849 {strides = array<i32>} : memref<80xi32, #tpu.memory_space<vmem>>, vector<16xi32>,
        %get3A_850 = arith.constant 64 : index
        %get3A_851 = tpu.vector_load %arg10[%get3A_850] {strides = array<i32>} : memref<80xi32, #tpu.memory_space<vmem>>, vector<16xi32>,
        %get3A_852 = vector.shape_cast %get3A_851 : vector<16xi32> to vector<16xi32>
        %sub3A_853 = vector.broadcast %mul3A_0 : i32 to vector<16xi32>
        %sub3A_854 = arith.subi %get3A_852, %sub3A_853 : vector<16xi32>
        %lt3A_855 = arith.constant 0 : i32
        %lt3A_856 = vector.broadcast %lt3A_855 : i32 to vector<16xi32>
        %lt3A_857 = arith.cmpi slt, %sub3A_854, %lt3A_856 : vector<16xi32>
        %ge3A_858 = arith.constant 5120 : i32
        %ge3A_859 = vector.broadcast %ge3A_858 : i32 to vector<16xi32>
        %ge3A_860 = arith.cmpi sge, %sub3A_854, %ge3A_859 : vector<16xi32>
        %or3A_861 = arith.ori %lt3A_857, %ge3A_860 : vector<16xi1>
        %jit3A_862 = arith.constant 5120 : i32
        %broadcast_in_dim3A_863 = vector.broadcast %jit3A_862 : i32 to vector<16xi32>
        %select_n3A_864 = arith.select %or3A_861, %broadcast_in_dim3A_863, %sub3A_854 : vector<16xi1>, vector<16xi32>
        %swap3A_865 = arith.constant 64 : index
        %swap3A_866 = tpu.vector_load %arg14[%swap3A_865] {strides = array<i32>} : memref<80xi32, #tpu.memory_space<vmem>>, vector<16xi32>,
        %swap3A_867 = vector.shape_cast %swap3A_866 : vector<16xi32> to vector<16xi32>
        %swap3A_868 = vector.shape_cast %select_n3A_864 : vector<16xi32> to vector<16xi32>
        tpu.vector_store %arg14[%swap3A_865], %swap3A_868 {strides = array<i32>} : memref<80xi32, #tpu.memory_space<vmem>>, vector<16xi32>,
        %dma_start3A_869 = arith.constant 0 : i32
        %dma_start3A_870 = arith.constant 0 : i32
        %dma_start3A_871 = tpu.memref_slice %arg16[%dma_start3A_869, %dma_start3A_870] : memref<160x128xf32, #tpu.memory_space<vmem>> -> memref<80x128xf32, #tpu.memory_space<vmem>>
        %dma_start3A_872 = arith.constant 0 : i32
        %dma_start3A_873 = arith.constant 0 : i32
        %dma_start3A_874 = tpu.memref_slice %arg2[%dma_start3A_872, %dma_start3A_873] : memref<20000x128xf32, #tpu.memory_space<hbm>> -> memref<20000x128xf32, #tpu.memory_space<hbm>>
        tpu.enqueue_indirect_dma source(%dma_start3A_874 : memref<20000x128xf32, #tpu.memory_space<hbm>>) target(%dma_start3A_871 : memref<80x128xf32, #tpu.memory_space<vmem>>) offsets(%arg12 : memref<80xi32, #tpu.memory_space<vmem>>) semaphore(%arg19 : memref<!tpu.dma_semaphore, #tpu.memory_space<semaphore_mem>>)
        %add3A_875 = arith.constant 3 : i32
        %add3A_876 = arith.addi %mul3A_488, %add3A_875 : i32
        %mul3A_877 = arith.constant 80 : i32
        %mul3A_878 = arith.muli %add3A_876, %mul3A_877 : i32
        %add3A_879 = arith.addi %mul3A_17, %mul3A_878 : i32
        %dma_start3A_880 = arith.constant 0 : i32
        %dma_start3A_881 = tpu.memref_slice %arg9[%dma_start3A_880] : memref<80xi32, #tpu.memory_space<vmem>> -> memref<80xi32, #tpu.memory_space<vmem>>
        %dma_start3A_882 = tpu.memref_slice %arg3[%add3A_879] : memref<320000xi32, #tpu.memory_space<hbm>> -> memref<80xi32, #tpu.memory_space<hbm>>
        %dma_start3A_883 = arith.constant 0 : i32
        %dma_start3A_884 = tpu.memref_slice %arg9[%dma_start3A_883] : memref<80xi32, #tpu.memory_space<vmem>> -> memref<80xi32, #tpu.memory_space<vmem>>
        %dma_start3A_885 = tpu.memref_slice %arg3[%add3A_879] : memref<320000xi32, #tpu.memory_space<hbm>> -> memref<80xi32, #tpu.memory_space<hbm>>
        tpu.enqueue_dma source(%dma_start3A_885 : memref<80xi32, #tpu.memory_space<hbm>>) target(%dma_start3A_884 : memref<80xi32, #tpu.memory_space<vmem>>) target_semaphore(%arg18 : memref<!tpu.dma_semaphore, #tpu.memory_space<semaphore_mem>>)
        %dma_start3A_886 = arith.constant 0 : i32
        %dma_start3A_887 = tpu.memref_slice %arg11[%dma_start3A_886] : memref<80xi32, #tpu.memory_space<vmem>> -> memref<80xi32, #tpu.memory_space<vmem>>
        %dma_start3A_888 = tpu.memref_slice %arg4[%add3A_879] : memref<320000xi32, #tpu.memory_space<hbm>> -> memref<80xi32, #tpu.memory_space<hbm>>
        %dma_start3A_889 = arith.constant 0 : i32
        %dma_start3A_890 = tpu.memref_slice %arg11[%dma_start3A_889] : memref<80xi32, #tpu.memory_space<vmem>> -> memref<80xi32, #tpu.memory_space<vmem>>
        %dma_start3A_891 = tpu.memref_slice %arg4[%add3A_879] : memref<320000xi32, #tpu.memory_space<hbm>> -> memref<80xi32, #tpu.memory_space<hbm>>
        tpu.enqueue_dma source(%dma_start3A_891 : memref<80xi32, #tpu.memory_space<hbm>>) target(%dma_start3A_890 : memref<80xi32, #tpu.memory_space<vmem>>) target_semaphore(%arg18 : memref<!tpu.dma_semaphore, #tpu.memory_space<semaphore_mem>>)
      } else {
      }
      %dma_wait3A_686 = arith.constant 80 : i32
      %dma_wait3A_687 = arith.constant 0 : i32
      %dma_wait3A_688 = tpu.memref_slice %arg16[%dma_wait3A_686, %dma_wait3A_687] : memref<160x128xf32, #tpu.memory_space<vmem>> -> memref<80x128xf32, #tpu.memory_space<vmem>>
      %dma_wait3A_689 = arith.constant 0 : i32
      %dma_wait3A_690 = arith.constant 0 : i32
      %dma_wait3A_691 = tpu.memref_slice %arg2[%dma_wait3A_689, %dma_wait3A_690] : memref<20000x128xf32, #tpu.memory_space<hbm>> -> memref<20000x128xf32, #tpu.memory_space<hbm>>
      tpu.wait_indirect_dma semaphore(%arg20 : memref<!tpu.dma_semaphore, #tpu.memory_space<semaphore_mem>>) src(%dma_wait3A_691 : memref<20000x128xf32, #tpu.memory_space<hbm>>) dst(%dma_wait3A_688 : memref<80x128xf32, #tpu.memory_space<vmem>>)
      "tpu.region"() ({
        %run_scoped3A_692 = tpu.sem_alloc : memref<!tpu.dma_semaphore, #tpu.memory_space<semaphore_mem>>
        %dma_start3A_693 = arith.constant 80 : i32
        %dma_start3A_694 = arith.constant 0 : i32
        %dma_start3A_695 = tpu.memref_slice %arg16[%dma_start3A_693, %dma_start3A_694] : memref<160x128xf32, #tpu.memory_space<vmem>> -> memref<80x128xf32, #tpu.memory_space<vmem>>
        %dma_start3A_696 = arith.constant 0 : i32
        %dma_start3A_697 = arith.constant 0 : i32
        %dma_start3A_698 = tpu.memref_slice %arg7[%dma_start3A_696, %dma_start3A_697] : memref<5248x128xf32, #tpu.memory_space<vmem_shared>> -> memref<5248x128xf32, #tpu.memory_space<vmem_shared>>
        tpu.enqueue_indirect_dma source(%dma_start3A_695 : memref<80x128xf32, #tpu.memory_space<vmem>>) target(%dma_start3A_698 : memref<5248x128xf32, #tpu.memory_space<vmem_shared>>) offsets(%arg15 : memref<80xi32, #tpu.memory_space<vmem>>) semaphore(%run_scoped3A_692 : memref<!tpu.dma_semaphore, #tpu.memory_space<semaphore_mem>>) {add = true}
        %dma_wait3A_699 = arith.constant 80 : i32
        %dma_wait3A_700 = arith.constant 0 : i32
        %dma_wait3A_701 = tpu.memref_slice %arg16[%dma_wait3A_699, %dma_wait3A_700] : memref<160x128xf32, #tpu.memory_space<vmem>> -> memref<80x128xf32, #tpu.memory_space<vmem>>
        %dma_wait3A_702 = arith.constant 0 : i32
        %dma_wait3A_703 = arith.constant 0 : i32
        %dma_wait3A_704 = tpu.memref_slice %arg7[%dma_wait3A_702, %dma_wait3A_703] : memref<5248x128xf32, #tpu.memory_space<vmem_shared>> -> memref<5248x128xf32, #tpu.memory_space<vmem_shared>>
        tpu.wait_indirect_dma semaphore(%run_scoped3A_692 : memref<!tpu.dma_semaphore, #tpu.memory_space<semaphore_mem>>) src(%dma_wait3A_701 : memref<80x128xf32, #tpu.memory_space<vmem>>) dst(%dma_wait3A_704 : memref<5248x128xf32, #tpu.memory_space<vmem_shared>>)
        tpu.yield
      }) : () -> ()
    }
    %scan3A_219 = arith.constant 125 : i32
    %barrier3A_220 = arith.constant 0 : index
    tpu.barrier barrier_id(%barrier3A_220)
    %mul3A_221 = arith.constant 320 : i32
    %mul3A_222 = arith.muli %arg1, %mul3A_221 : i32
    %mul3A_223 = arith.constant 320 : i32
    %mul3A_224 = arith.muli %arg1, %mul3A_223 : i32
    %add3A_225 = arith.addi %mul3A_0, %mul3A_224 : i32
    %add3A_226 = arith.constant 0 : i32
    %add3A_227 = arith.addi %mul3A_222, %add3A_226 : i32
    "tpu.region"() ({
      %run_scoped3A_486 = tpu.sem_alloc : memref<!tpu.dma_semaphore, #tpu.memory_space<semaphore_mem>>
      %dma_start3A_487 = arith.constant 0 : i32
      %dma_start3A_488 = arith.constant 0 : i32
      %dma_start3A_489 = tpu.memref_slice %arg16[%dma_start3A_487, %dma_start3A_488] : memref<160x128xf32, #tpu.memory_space<vmem>> -> memref<160x128xf32, #tpu.memory_space<vmem>>
      %dma_start3A_490 = arith.constant 0 : i32
      %dma_start3A_491 = tpu.memref_slice %arg7[%add3A_227, %dma_start3A_490] : memref<5248x128xf32, #tpu.memory_space<vmem_shared>> -> memref<160x128xf32, #tpu.memory_space<vmem_shared>>
      %dma_start3A_492 = arith.constant 0 : i32
      %dma_start3A_493 = arith.constant 0 : i32
      %dma_start3A_494 = tpu.memref_slice %arg16[%dma_start3A_492, %dma_start3A_493] : memref<160x128xf32, #tpu.memory_space<vmem>> -> memref<160x128xf32, #tpu.memory_space<vmem>>
      %dma_start3A_495 = arith.constant 0 : i32
      %dma_start3A_496 = tpu.memref_slice %arg7[%add3A_227, %dma_start3A_495] : memref<5248x128xf32, #tpu.memory_space<vmem_shared>> -> memref<160x128xf32, #tpu.memory_space<vmem_shared>>
      tpu.enqueue_dma source(%dma_start3A_496 : memref<160x128xf32, #tpu.memory_space<vmem_shared>>) target(%dma_start3A_494 : memref<160x128xf32, #tpu.memory_space<vmem>>) target_semaphore(%run_scoped3A_486 : memref<!tpu.dma_semaphore, #tpu.memory_space<semaphore_mem>>)
      %dma_wait3A_497 = arith.constant 0 : i32
      %dma_wait3A_498 = arith.constant 0 : i32
      %dma_wait3A_499 = tpu.memref_slice %arg16[%dma_wait3A_497, %dma_wait3A_498] : memref<160x128xf32, #tpu.memory_space<vmem>> -> memref<160x128xf32, #tpu.memory_space<vmem>>
      %dma_wait3A_500 = arith.constant 0 : i32
      %dma_wait3A_501 = tpu.memref_slice %arg7[%add3A_227, %dma_wait3A_500] : memref<5248x128xf32, #tpu.memory_space<vmem_shared>> -> memref<160x128xf32, #tpu.memory_space<vmem_shared>>
      %dma_wait3A_502 = arith.constant 0 : i32
      %dma_wait3A_503 = arith.constant 0 : i32
      %dma_wait3A_504 = tpu.memref_slice %arg16[%dma_wait3A_502, %dma_wait3A_503] : memref<160x128xf32, #tpu.memory_space<vmem>> -> memref<160x128xf32, #tpu.memory_space<vmem>>
      %dma_wait3A_505 = arith.constant 0 : i32
      %dma_wait3A_506 = tpu.memref_slice %arg7[%add3A_227, %dma_wait3A_505] : memref<5248x128xf32, #tpu.memory_space<vmem_shared>> -> memref<160x128xf32, #tpu.memory_space<vmem_shared>>
      tpu.wait_dma2 semaphore(%run_scoped3A_486 : memref<!tpu.dma_semaphore, #tpu.memory_space<semaphore_mem>>) src(%dma_wait3A_506 : memref<160x128xf32, #tpu.memory_space<vmem_shared>>) dst(%dma_wait3A_504 : memref<160x128xf32, #tpu.memory_space<vmem>>)
      tpu.yield
    }) : () -> ()
    %add3A_228 = arith.constant 0 : i32
    %add3A_229 = arith.addi %add3A_225, %add3A_228 : i32
    %run_scoped3A = arith.constant 0 : i32
    "tpu.region"() ({
      %run_scoped3A_486 = tpu.sem_alloc : memref<!tpu.dma_semaphore, #tpu.memory_space<semaphore_mem>>
      %dma_start3A_487 = arith.constant 0 : i32
      %dma_start3A_488 = arith.constant 0 : i32
      %dma_start3A_489 = tpu.memref_slice %arg16[%dma_start3A_487, %dma_start3A_488] : memref<160x128xf32, #tpu.memory_space<vmem>> -> memref<160x128xf32, #tpu.memory_space<vmem>>
      %dma_start3A_490 = arith.constant 0 : i32
      %dma_start3A_491 = arith.constant 0 : i32
      %dma_start3A_492 = tpu.memref_slice %arg6[%run_scoped3A, %dma_start3A_490, %dma_start3A_491] : memref<2x10240x128xf32, #tpu.memory_space<hbm>> -> memref<1x10240x128xf32, #tpu.memory_space<hbm>>
      %dma_start3A_493 = tpu.memref_squeeze %dma_start3A_492 : memref<1x10240x128xf32, #tpu.memory_space<hbm>> -> memref<10240x128xf32, #tpu.memory_space<hbm>>
      %dma_start3A_494 = arith.constant 0 : i32
      %dma_start3A_495 = tpu.memref_slice %dma_start3A_493[%add3A_229, %dma_start3A_494] : memref<10240x128xf32, #tpu.memory_space<hbm>> -> memref<160x128xf32, #tpu.memory_space<hbm>>
      %dma_start3A_496 = arith.constant 0 : i32
      %dma_start3A_497 = arith.constant 0 : i32
      %dma_start3A_498 = tpu.memref_slice %arg6[%run_scoped3A, %dma_start3A_496, %dma_start3A_497] : memref<2x10240x128xf32, #tpu.memory_space<hbm>> -> memref<1x10240x128xf32, #tpu.memory_space<hbm>>
      %dma_start3A_499 = tpu.memref_squeeze %dma_start3A_498 : memref<1x10240x128xf32, #tpu.memory_space<hbm>> -> memref<10240x128xf32, #tpu.memory_space<hbm>>
      %dma_start3A_500 = arith.constant 0 : i32
      %dma_start3A_501 = tpu.memref_slice %dma_start3A_499[%add3A_229, %dma_start3A_500] : memref<10240x128xf32, #tpu.memory_space<hbm>> -> memref<160x128xf32, #tpu.memory_space<hbm>>
      %dma_start3A_502 = arith.constant 0 : i32
      %dma_start3A_503 = arith.constant 0 : i32
      %dma_start3A_504 = tpu.memref_slice %arg16[%dma_start3A_502, %dma_start3A_503] : memref<160x128xf32, #tpu.memory_space<vmem>> -> memref<160x128xf32, #tpu.memory_space<vmem>>
      tpu.enqueue_dma source(%dma_start3A_504 : memref<160x128xf32, #tpu.memory_space<vmem>>) target(%dma_start3A_501 : memref<160x128xf32, #tpu.memory_space<hbm>>) target_semaphore(%run_scoped3A_486 : memref<!tpu.dma_semaphore, #tpu.memory_space<semaphore_mem>>)
      %dma_wait3A_505 = arith.constant 0 : i32
      %dma_wait3A_506 = arith.constant 0 : i32
      %dma_wait3A_507 = tpu.memref_slice %arg16[%dma_wait3A_505, %dma_wait3A_506] : memref<160x128xf32, #tpu.memory_space<vmem>> -> memref<160x128xf32, #tpu.memory_space<vmem>>
      %dma_wait3A_508 = arith.constant 0 : i32
      %dma_wait3A_509 = arith.constant 0 : i32
      %dma_wait3A_510 = tpu.memref_slice %arg6[%run_scoped3A, %dma_wait3A_508, %dma_wait3A_509] : memref<2x10240x128xf32, #tpu.memory_space<hbm>> -> memref<1x10240x128xf32, #tpu.memory_space<hbm>>
      %dma_wait3A_511 = tpu.memref_squeeze %dma_wait3A_510 : memref<1x10240x128xf32, #tpu.memory_space<hbm>> -> memref<10240x128xf32, #tpu.memory_space<hbm>>
      %dma_wait3A_512 = arith.constant 0 : i32
      %dma_wait3A_513 = tpu.memref_slice %dma_wait3A_511[%add3A_229, %dma_wait3A_512] : memref<10240x128xf32, #tpu.memory_space<hbm>> -> memref<160x128xf32, #tpu.memory_space<hbm>>
      %dma_wait3A_514 = arith.constant 0 : i32
      %dma_wait3A_515 = arith.constant 0 : i32
      %dma_wait3A_516 = tpu.memref_slice %arg6[%run_scoped3A, %dma_wait3A_514, %dma_wait3A_515] : memref<2x10240x128xf32, #tpu.memory_space<hbm>> -> memref<1x10240x128xf32, #tpu.memory_space<hbm>>
      %dma_wait3A_517 = tpu.memref_squeeze %dma_wait3A_516 : memref<1x10240x128xf32, #tpu.memory_space<hbm>> -> memref<10240x128xf32, #tpu.memory_space<hbm>>
      %dma_wait3A_518 = arith.constant 0 : i32
      %dma_wait3A_519 = tpu.memref_slice %dma_wait3A_517[%add3A_229, %dma_wait3A_518] : memref<10240x128xf32, #tpu.memory_space<hbm>> -> memref<160x128xf32, #tpu.memory_space<hbm>>
      %dma_wait3A_520 = arith.constant 0 : i32
      %dma_wait3A_521 = arith.constant 0 : i32
      %dma_wait3A_522 = tpu.memref_slice %arg16[%dma_wait3A_520, %dma_wait3A_521] : memref<160x128xf32, #tpu.memory_space<vmem>> -> memref<160x128xf32, #tpu.memory_space<vmem>>
      tpu.wait_dma2 semaphore(%run_scoped3A_486 : memref<!tpu.dma_semaphore, #tpu.memory_space<semaphore_mem>>) src(%dma_wait3A_522 : memref<160x128xf32, #tpu.memory_space<vmem>>) dst(%dma_wait3A_519 : memref<160x128xf32, #tpu.memory_space<hbm>>)
      tpu.yield
    }) : () -> ()
    %add3A_230 = arith.constant 160 : i32
    %add3A_231 = arith.addi %mul3A_222, %add3A_230 : i32
    "tpu.region"() ({
      %run_scoped3A_486 = tpu.sem_alloc : memref<!tpu.dma_semaphore, #tpu.memory_space<semaphore_mem>>
      %dma_start3A_487 = arith.constant 0 : i32
      %dma_start3A_488 = arith.constant 0 : i32
      %dma_start3A_489 = tpu.memref_slice %arg16[%dma_start3A_487, %dma_start3A_488] : memref<160x128xf32, #tpu.memory_space<vmem>> -> memref<160x128xf32, #tpu.memory_space<vmem>>
      %dma_start3A_490 = arith.constant 0 : i32
      %dma_start3A_491 = tpu.memref_slice %arg7[%add3A_231, %dma_start3A_490] : memref<5248x128xf32, #tpu.memory_space<vmem_shared>> -> memref<160x128xf32, #tpu.memory_space<vmem_shared>>
      %dma_start3A_492 = arith.constant 0 : i32
      %dma_start3A_493 = arith.constant 0 : i32
      %dma_start3A_494 = tpu.memref_slice %arg16[%dma_start3A_492, %dma_start3A_493] : memref<160x128xf32, #tpu.memory_space<vmem>> -> memref<160x128xf32, #tpu.memory_space<vmem>>
      %dma_start3A_495 = arith.constant 0 : i32
      %dma_start3A_496 = tpu.memref_slice %arg7[%add3A_231, %dma_start3A_495] : memref<5248x128xf32, #tpu.memory_space<vmem_shared>> -> memref<160x128xf32, #tpu.memory_space<vmem_shared>>
      tpu.enqueue_dma source(%dma_start3A_496 : memref<160x128xf32, #tpu.memory_space<vmem_shared>>) target(%dma_start3A_494 : memref<160x128xf32, #tpu.memory_space<vmem>>) target_semaphore(%run_scoped3A_486 : memref<!tpu.dma_semaphore, #tpu.memory_space<semaphore_mem>>)
      %dma_wait3A_497 = arith.constant 0 : i32
      %dma_wait3A_498 = arith.constant 0 : i32
      %dma_wait3A_499 = tpu.memref_slice %arg16[%dma_wait3A_497, %dma_wait3A_498] : memref<160x128xf32, #tpu.memory_space<vmem>> -> memref<160x128xf32, #tpu.memory_space<vmem>>
      %dma_wait3A_500 = arith.constant 0 : i32
      %dma_wait3A_501 = tpu.memref_slice %arg7[%add3A_231, %dma_wait3A_500] : memref<5248x128xf32, #tpu.memory_space<vmem_shared>> -> memref<160x128xf32, #tpu.memory_space<vmem_shared>>
      %dma_wait3A_502 = arith.constant 0 : i32
      %dma_wait3A_503 = arith.constant 0 : i32
      %dma_wait3A_504 = tpu.memref_slice %arg16[%dma_wait3A_502, %dma_wait3A_503] : memref<160x128xf32, #tpu.memory_space<vmem>> -> memref<160x128xf32, #tpu.memory_space<vmem>>
      %dma_wait3A_505 = arith.constant 0 : i32
      %dma_wait3A_506 = tpu.memref_slice %arg7[%add3A_231, %dma_wait3A_505] : memref<5248x128xf32, #tpu.memory_space<vmem_shared>> -> memref<160x128xf32, #tpu.memory_space<vmem_shared>>
      tpu.wait_dma2 semaphore(%run_scoped3A_486 : memref<!tpu.dma_semaphore, #tpu.memory_space<semaphore_mem>>) src(%dma_wait3A_506 : memref<160x128xf32, #tpu.memory_space<vmem_shared>>) dst(%dma_wait3A_504 : memref<160x128xf32, #tpu.memory_space<vmem>>)
      tpu.yield
    }) : () -> ()
    %add3A_232 = arith.constant 160 : i32
    %add3A_233 = arith.addi %add3A_225, %add3A_232 : i32
    %run_scoped3A_234 = arith.constant 0 : i32
    "tpu.region"() ({
      %run_scoped3A_486 = tpu.sem_alloc : memref<!tpu.dma_semaphore, #tpu.memory_space<semaphore_mem>>
      %dma_start3A_487 = arith.constant 0 : i32
      %dma_start3A_488 = arith.constant 0 : i32
      %dma_start3A_489 = tpu.memref_slice %arg16[%dma_start3A_487, %dma_start3A_488] : memref<160x128xf32, #tpu.memory_space<vmem>> -> memref<160x128xf32, #tpu.memory_space<vmem>>
      %dma_start3A_490 = arith.constant 0 : i32
      %dma_start3A_491 = arith.constant 0 : i32
      %dma_start3A_492 = tpu.memref_slice %arg6[%run_scoped3A_234, %dma_start3A_490, %dma_start3A_491] : memref<2x10240x128xf32, #tpu.memory_space<hbm>> -> memref<1x10240x128xf32, #tpu.memory_space<hbm>>
      %dma_start3A_493 = tpu.memref_squeeze %dma_start3A_492 : memref<1x10240x128xf32, #tpu.memory_space<hbm>> -> memref<10240x128xf32, #tpu.memory_space<hbm>>
      %dma_start3A_494 = arith.constant 0 : i32
      %dma_start3A_495 = tpu.memref_slice %dma_start3A_493[%add3A_233, %dma_start3A_494] : memref<10240x128xf32, #tpu.memory_space<hbm>> -> memref<160x128xf32, #tpu.memory_space<hbm>>
      %dma_start3A_496 = arith.constant 0 : i32
      %dma_start3A_497 = arith.constant 0 : i32
      %dma_start3A_498 = tpu.memref_slice %arg6[%run_scoped3A_234, %dma_start3A_496, %dma_start3A_497] : memref<2x10240x128xf32, #tpu.memory_space<hbm>> -> memref<1x10240x128xf32, #tpu.memory_space<hbm>>
      %dma_start3A_499 = tpu.memref_squeeze %dma_start3A_498 : memref<1x10240x128xf32, #tpu.memory_space<hbm>> -> memref<10240x128xf32, #tpu.memory_space<hbm>>
      %dma_start3A_500 = arith.constant 0 : i32
      %dma_start3A_501 = tpu.memref_slice %dma_start3A_499[%add3A_233, %dma_start3A_500] : memref<10240x128xf32, #tpu.memory_space<hbm>> -> memref<160x128xf32, #tpu.memory_space<hbm>>
      %dma_start3A_502 = arith.constant 0 : i32
      %dma_start3A_503 = arith.constant 0 : i32
      %dma_start3A_504 = tpu.memref_slice %arg16[%dma_start3A_502, %dma_start3A_503] : memref<160x128xf32, #tpu.memory_space<vmem>> -> memref<160x128xf32, #tpu.memory_space<vmem>>
      tpu.enqueue_dma source(%dma_start3A_504 : memref<160x128xf32, #tpu.memory_space<vmem>>) target(%dma_start3A_501 : memref<160x128xf32, #tpu.memory_space<hbm>>) target_semaphore(%run_scoped3A_486 : memref<!tpu.dma_semaphore, #tpu.memory_space<semaphore_mem>>)
      %dma_wait3A_505 = arith.constant 0 : i32
      %dma_wait3A_506 = arith.constant 0 : i32
      %dma_wait3A_507 = tpu.memref_slice %arg16[%dma_wait3A_505, %dma_wait3A_506] : memref<160x128xf32, #tpu.memory_space<vmem>> -> memref<160x128xf32, #tpu.memory_space<vmem>>
      %dma_wait3A_508 = arith.constant 0 : i32
      %dma_wait3A_509 = arith.constant 0 : i32
      %dma_wait3A_510 = tpu.memref_slice %arg6[%run_scoped3A_234, %dma_wait3A_508, %dma_wait3A_509] : memref<2x10240x128xf32, #tpu.memory_space<hbm>> -> memref<1x10240x128xf32, #tpu.memory_space<hbm>>
      %dma_wait3A_511 = tpu.memref_squeeze %dma_wait3A_510 : memref<1x10240x128xf32, #tpu.memory_space<hbm>> -> memref<10240x128xf32, #tpu.memory_space<hbm>>
      %dma_wait3A_512 = arith.constant 0 : i32
      %dma_wait3A_513 = tpu.memref_slice %dma_wait3A_511[%add3A_233, %dma_wait3A_512] : memref<10240x128xf32, #tpu.memory_space<hbm>> -> memref<160x128xf32, #tpu.memory_space<hbm>>
      %dma_wait3A_514 = arith.constant 0 : i32
      %dma_wait3A_515 = arith.constant 0 : i32
      %dma_wait3A_516 = tpu.memref_slice %arg6[%run_scoped3A_234, %dma_wait3A_514, %dma_wait3A_515] : memref<2x10240x128xf32, #tpu.memory_space<hbm>> -> memref<1x10240x128xf32, #tpu.memory_space<hbm>>
      %dma_wait3A_517 = tpu.memref_squeeze %dma_wait3A_516 : memref<1x10240x128xf32, #tpu.memory_space<hbm>> -> memref<10240x128xf32, #tpu.memory_space<hbm>>
      %dma_wait3A_518 = arith.constant 0 : i32
      %dma_wait3A_519 = tpu.memref_slice %dma_wait3A_517[%add3A_233, %dma_wait3A_518] : memref<10240x128xf32, #tpu.memory_space<hbm>> -> memref<160x128xf32, #tpu.memory_space<hbm>>
      %dma_wait3A_520 = arith.constant 0 : i32
      %dma_wait3A_521 = arith.constant 0 : i32
      %dma_wait3A_522 = tpu.memref_slice %arg16[%dma_wait3A_520, %dma_wait3A_521] : memref<160x128xf32, #tpu.memory_space<vmem>> -> memref<160x128xf32, #tpu.memory_space<vmem>>
      tpu.wait_dma2 semaphore(%run_scoped3A_486 : memref<!tpu.dma_semaphore, #tpu.memory_space<semaphore_mem>>) src(%dma_wait3A_522 : memref<160x128xf32, #tpu.memory_space<vmem>>) dst(%dma_wait3A_519 : memref<160x128xf32, #tpu.memory_space<hbm>>)
      tpu.yield
    }) : () -> ()
    %barrier3A_235 = arith.constant 0 : index
    tpu.barrier barrier_id(%barrier3A_235)
    %mul3A_236 = arith.constant 328 : i32
    %mul3A_237 = arith.muli %arg1, %mul3A_236 : i32
    %mul3A_238 = arith.constant 328 : i32
    %mul3A_239 = arith.muli %arg1, %mul3A_238 : i32
    %add3A_240 = arith.constant 0 : i32
    %add3A_241 = arith.addi %mul3A_237, %add3A_240 : i32
    "tpu.region"() ({
      %run_scoped3A_486 = tpu.sem_alloc : memref<!tpu.dma_semaphore, #tpu.memory_space<semaphore_mem>>
      %dma_start3A_487 = arith.constant 0 : i32
      %dma_start3A_488 = arith.constant 0 : i32
      %dma_start3A_489 = tpu.memref_slice %arg16[%dma_start3A_487, %dma_start3A_488] : memref<160x128xf32, #tpu.memory_space<vmem>> -> memref<160x128xf32, #tpu.memory_space<vmem>>
      %dma_start3A_490 = arith.constant 0 : i32
      %dma_start3A_491 = tpu.memref_slice %arg5[%add3A_241, %dma_start3A_490] : memref<10240x128xf32, #tpu.memory_space<hbm>> -> memref<160x128xf32, #tpu.memory_space<hbm>>
      %dma_start3A_492 = arith.constant 0 : i32
      %dma_start3A_493 = arith.constant 0 : i32
      %dma_start3A_494 = tpu.memref_slice %arg16[%dma_start3A_492, %dma_start3A_493] : memref<160x128xf32, #tpu.memory_space<vmem>> -> memref<160x128xf32, #tpu.memory_space<vmem>>
      %dma_start3A_495 = arith.constant 0 : i32
      %dma_start3A_496 = tpu.memref_slice %arg5[%add3A_241, %dma_start3A_495] : memref<10240x128xf32, #tpu.memory_space<hbm>> -> memref<160x128xf32, #tpu.memory_space<hbm>>
      tpu.enqueue_dma source(%dma_start3A_496 : memref<160x128xf32, #tpu.memory_space<hbm>>) target(%dma_start3A_494 : memref<160x128xf32, #tpu.memory_space<vmem>>) target_semaphore(%run_scoped3A_486 : memref<!tpu.dma_semaphore, #tpu.memory_space<semaphore_mem>>)
      %dma_wait3A_497 = arith.constant 0 : i32
      %dma_wait3A_498 = arith.constant 0 : i32
      %dma_wait3A_499 = tpu.memref_slice %arg16[%dma_wait3A_497, %dma_wait3A_498] : memref<160x128xf32, #tpu.memory_space<vmem>> -> memref<160x128xf32, #tpu.memory_space<vmem>>
      %dma_wait3A_500 = arith.constant 0 : i32
      %dma_wait3A_501 = tpu.memref_slice %arg5[%add3A_241, %dma_wait3A_500] : memref<10240x128xf32, #tpu.memory_space<hbm>> -> memref<160x128xf32, #tpu.memory_space<hbm>>
      %dma_wait3A_502 = arith.constant 0 : i32
      %dma_wait3A_503 = arith.constant 0 : i32
      %dma_wait3A_504 = tpu.memref_slice %arg16[%dma_wait3A_502, %dma_wait3A_503] : memref<160x128xf32, #tpu.memory_space<vmem>> -> memref<160x128xf32, #tpu.memory_space<vmem>>
      %dma_wait3A_505 = arith.constant 0 : i32
      %dma_wait3A_506 = tpu.memref_slice %arg5[%add3A_241, %dma_wait3A_505] : memref<10240x128xf32, #tpu.memory_space<hbm>> -> memref<160x128xf32, #tpu.memory_space<hbm>>
      tpu.wait_dma2 semaphore(%run_scoped3A_486 : memref<!tpu.dma_semaphore, #tpu.memory_space<semaphore_mem>>) src(%dma_wait3A_506 : memref<160x128xf32, #tpu.memory_space<hbm>>) dst(%dma_wait3A_504 : memref<160x128xf32, #tpu.memory_space<vmem>>)
      tpu.yield
    }) : () -> ()
    %add3A_242 = arith.constant 0 : i32
    %add3A_243 = arith.addi %mul3A_239, %add3A_242 : i32
    "tpu.region"() ({
      %run_scoped3A_486 = tpu.sem_alloc : memref<!tpu.dma_semaphore, #tpu.memory_space<semaphore_mem>>
      %dma_start3A_487 = arith.constant 0 : i32
      %dma_start3A_488 = arith.constant 0 : i32
      %dma_start3A_489 = tpu.memref_slice %arg16[%dma_start3A_487, %dma_start3A_488] : memref<160x128xf32, #tpu.memory_space<vmem>> -> memref<160x128xf32, #tpu.memory_space<vmem>>
      %dma_start3A_490 = arith.constant 0 : i32
      %dma_start3A_491 = tpu.memref_slice %arg7[%add3A_243, %dma_start3A_490] : memref<5248x128xf32, #tpu.memory_space<vmem_shared>> -> memref<160x128xf32, #tpu.memory_space<vmem_shared>>
      %dma_start3A_492 = arith.constant 0 : i32
      %dma_start3A_493 = tpu.memref_slice %arg7[%add3A_243, %dma_start3A_492] : memref<5248x128xf32, #tpu.memory_space<vmem_shared>> -> memref<160x128xf32, #tpu.memory_space<vmem_shared>>
      %dma_start3A_494 = arith.constant 0 : i32
      %dma_start3A_495 = arith.constant 0 : i32
      %dma_start3A_496 = tpu.memref_slice %arg16[%dma_start3A_494, %dma_start3A_495] : memref<160x128xf32, #tpu.memory_space<vmem>> -> memref<160x128xf32, #tpu.memory_space<vmem>>
      tpu.enqueue_dma source(%dma_start3A_496 : memref<160x128xf32, #tpu.memory_space<vmem>>) target(%dma_start3A_493 : memref<160x128xf32, #tpu.memory_space<vmem_shared>>) target_semaphore(%run_scoped3A_486 : memref<!tpu.dma_semaphore, #tpu.memory_space<semaphore_mem>>)
      %dma_wait3A_497 = arith.constant 0 : i32
      %dma_wait3A_498 = arith.constant 0 : i32
      %dma_wait3A_499 = tpu.memref_slice %arg16[%dma_wait3A_497, %dma_wait3A_498] : memref<160x128xf32, #tpu.memory_space<vmem>> -> memref<160x128xf32, #tpu.memory_space<vmem>>
      %dma_wait3A_500 = arith.constant 0 : i32
      %dma_wait3A_501 = tpu.memref_slice %arg7[%add3A_243, %dma_wait3A_500] : memref<5248x128xf32, #tpu.memory_space<vmem_shared>> -> memref<160x128xf32, #tpu.memory_space<vmem_shared>>
      %dma_wait3A_502 = arith.constant 0 : i32
      %dma_wait3A_503 = tpu.memref_slice %arg7[%add3A_243, %dma_wait3A_502] : memref<5248x128xf32, #tpu.memory_space<vmem_shared>> -> memref<160x128xf32, #tpu.memory_space<vmem_shared>>
      %dma_wait3A_504 = arith.constant 0 : i32
      %dma_wait3A_505 = arith.constant 0 : i32
      %dma_wait3A_506 = tpu.memref_slice %arg16[%dma_wait3A_504, %dma_wait3A_505] : memref<160x128xf32, #tpu.memory_space<vmem>> -> memref<160x128xf32, #tpu.memory_space<vmem>>
      tpu.wait_dma2 semaphore(%run_scoped3A_486 : memref<!tpu.dma_semaphore, #tpu.memory_space<semaphore_mem>>) src(%dma_wait3A_506 : memref<160x128xf32, #tpu.memory_space<vmem>>) dst(%dma_wait3A_503 : memref<160x128xf32, #tpu.memory_space<vmem_shared>>)
      tpu.yield
    }) : () -> ()
    %add3A_244 = arith.constant 160 : i32
    %add3A_245 = arith.addi %mul3A_237, %add3A_244 : i32
    "tpu.region"() ({
      %run_scoped3A_486 = tpu.sem_alloc : memref<!tpu.dma_semaphore, #tpu.memory_space<semaphore_mem>>
      %dma_start3A_487 = arith.constant 0 : i32
      %dma_start3A_488 = arith.constant 0 : i32
      %dma_start3A_489 = tpu.memref_slice %arg16[%dma_start3A_487, %dma_start3A_488] : memref<160x128xf32, #tpu.memory_space<vmem>> -> memref<160x128xf32, #tpu.memory_space<vmem>>
      %dma_start3A_490 = arith.constant 0 : i32
      %dma_start3A_491 = tpu.memref_slice %arg5[%add3A_245, %dma_start3A_490] : memref<10240x128xf32, #tpu.memory_space<hbm>> -> memref<160x128xf32, #tpu.memory_space<hbm>>
      %dma_start3A_492 = arith.constant 0 : i32
      %dma_start3A_493 = arith.constant 0 : i32
      %dma_start3A_494 = tpu.memref_slice %arg16[%dma_start3A_492, %dma_start3A_493] : memref<160x128xf32, #tpu.memory_space<vmem>> -> memref<160x128xf32, #tpu.memory_space<vmem>>
      %dma_start3A_495 = arith.constant 0 : i32
      %dma_start3A_496 = tpu.memref_slice %arg5[%add3A_245, %dma_start3A_495] : memref<10240x128xf32, #tpu.memory_space<hbm>> -> memref<160x128xf32, #tpu.memory_space<hbm>>
      tpu.enqueue_dma source(%dma_start3A_496 : memref<160x128xf32, #tpu.memory_space<hbm>>) target(%dma_start3A_494 : memref<160x128xf32, #tpu.memory_space<vmem>>) target_semaphore(%run_scoped3A_486 : memref<!tpu.dma_semaphore, #tpu.memory_space<semaphore_mem>>)
      %dma_wait3A_497 = arith.constant 0 : i32
      %dma_wait3A_498 = arith.constant 0 : i32
      %dma_wait3A_499 = tpu.memref_slice %arg16[%dma_wait3A_497, %dma_wait3A_498] : memref<160x128xf32, #tpu.memory_space<vmem>> -> memref<160x128xf32, #tpu.memory_space<vmem>>
      %dma_wait3A_500 = arith.constant 0 : i32
      %dma_wait3A_501 = tpu.memref_slice %arg5[%add3A_245, %dma_wait3A_500] : memref<10240x128xf32, #tpu.memory_space<hbm>> -> memref<160x128xf32, #tpu.memory_space<hbm>>
      %dma_wait3A_502 = arith.constant 0 : i32
      %dma_wait3A_503 = arith.constant 0 : i32
      %dma_wait3A_504 = tpu.memref_slice %arg16[%dma_wait3A_502, %dma_wait3A_503] : memref<160x128xf32, #tpu.memory_space<vmem>> -> memref<160x128xf32, #tpu.memory_space<vmem>>
      %dma_wait3A_505 = arith.constant 0 : i32
      %dma_wait3A_506 = tpu.memref_slice %arg5[%add3A_245, %dma_wait3A_505] : memref<10240x128xf32, #tpu.memory_space<hbm>> -> memref<160x128xf32, #tpu.memory_space<hbm>>
      tpu.wait_dma2 semaphore(%run_scoped3A_486 : memref<!tpu.dma_semaphore, #tpu.memory_space<semaphore_mem>>) src(%dma_wait3A_506 : memref<160x128xf32, #tpu.memory_space<hbm>>) dst(%dma_wait3A_504 : memref<160x128xf32, #tpu.memory_space<vmem>>)
      tpu.yield
    }) : () -> ()
    %add3A_246 = arith.constant 160 : i32
    %add3A_247 = arith.addi %mul3A_239, %add3A_246 : i32
    "tpu.region"() ({
      %run_scoped3A_486 = tpu.sem_alloc : memref<!tpu.dma_semaphore, #tpu.memory_space<semaphore_mem>>
      %dma_start3A_487 = arith.constant 0 : i32
      %dma_start3A_488 = arith.constant 0 : i32
      %dma_start3A_489 = tpu.memref_slice %arg16[%dma_start3A_487, %dma_start3A_488] : memref<160x128xf32, #tpu.memory_space<vmem>> -> memref<160x128xf32, #tpu.memory_space<vmem>>
      %dma_start3A_490 = arith.constant 0 : i32
      %dma_start3A_491 = tpu.memref_slice %arg7[%add3A_247, %dma_start3A_490] : memref<5248x128xf32, #tpu.memory_space<vmem_shared>> -> memref<160x128xf32, #tpu.memory_space<vmem_shared>>
      %dma_start3A_492 = arith.constant 0 : i32
      %dma_start3A_493 = tpu.memref_slice %arg7[%add3A_247, %dma_start3A_492] : memref<5248x128xf32, #tpu.memory_space<vmem_shared>> -> memref<160x128xf32, #tpu.memory_space<vmem_shared>>
      %dma_start3A_494 = arith.constant 0 : i32
      %dma_start3A_495 = arith.constant 0 : i32
      %dma_start3A_496 = tpu.memref_slice %arg16[%dma_start3A_494, %dma_start3A_495] : memref<160x128xf32, #tpu.memory_space<vmem>> -> memref<160x128xf32, #tpu.memory_space<vmem>>
      tpu.enqueue_dma source(%dma_start3A_496 : memref<160x128xf32, #tpu.memory_space<vmem>>) target(%dma_start3A_493 : memref<160x128xf32, #tpu.memory_space<vmem_shared>>) target_semaphore(%run_scoped3A_486 : memref<!tpu.dma_semaphore, #tpu.memory_space<semaphore_mem>>)
      %dma_wait3A_497 = arith.constant 0 : i32
      %dma_wait3A_498 = arith.constant 0 : i32
      %dma_wait3A_499 = tpu.memref_slice %arg16[%dma_wait3A_497, %dma_wait3A_498] : memref<160x128xf32, #tpu.memory_space<vmem>> -> memref<160x128xf32, #tpu.memory_space<vmem>>
      %dma_wait3A_500 = arith.constant 0 : i32
      %dma_wait3A_501 = tpu.memref_slice %arg7[%add3A_247, %dma_wait3A_500] : memref<5248x128xf32, #tpu.memory_space<vmem_shared>> -> memref<160x128xf32, #tpu.memory_space<vmem_shared>>
      %dma_wait3A_502 = arith.constant 0 : i32
      %dma_wait3A_503 = tpu.memref_slice %arg7[%add3A_247, %dma_wait3A_502] : memref<5248x128xf32, #tpu.memory_space<vmem_shared>> -> memref<160x128xf32, #tpu.memory_space<vmem_shared>>
      %dma_wait3A_504 = arith.constant 0 : i32
      %dma_wait3A_505 = arith.constant 0 : i32
      %dma_wait3A_506 = tpu.memref_slice %arg16[%dma_wait3A_504, %dma_wait3A_505] : memref<160x128xf32, #tpu.memory_space<vmem>> -> memref<160x128xf32, #tpu.memory_space<vmem>>
      tpu.wait_dma2 semaphore(%run_scoped3A_486 : memref<!tpu.dma_semaphore, #tpu.memory_space<semaphore_mem>>) src(%dma_wait3A_506 : memref<160x128xf32, #tpu.memory_space<vmem>>) dst(%dma_wait3A_503 : memref<160x128xf32, #tpu.memory_space<vmem_shared>>)
      tpu.yield
    }) : () -> ()
    %add3A_248 = arith.constant 320 : i32
    %add3A_249 = arith.addi %mul3A_237, %add3A_248 : i32
    "tpu.region"() ({
      %run_scoped3A_486 = tpu.sem_alloc : memref<!tpu.dma_semaphore, #tpu.memory_space<semaphore_mem>>
      %dma_start3A_487 = arith.constant 0 : i32
      %dma_start3A_488 = arith.constant 0 : i32
      %dma_start3A_489 = tpu.memref_slice %arg16[%dma_start3A_487, %dma_start3A_488] : memref<160x128xf32, #tpu.memory_space<vmem>> -> memref<8x128xf32, #tpu.memory_space<vmem>>
      %dma_start3A_490 = arith.constant 0 : i32
      %dma_start3A_491 = tpu.memref_slice %arg5[%add3A_249, %dma_start3A_490] : memref<10240x128xf32, #tpu.memory_space<hbm>> -> memref<8x128xf32, #tpu.memory_space<hbm>>
      %dma_start3A_492 = arith.constant 0 : i32
      %dma_start3A_493 = arith.constant 0 : i32
      %dma_start3A_494 = tpu.memref_slice %arg16[%dma_start3A_492, %dma_start3A_493] : memref<160x128xf32, #tpu.memory_space<vmem>> -> memref<8x128xf32, #tpu.memory_space<vmem>>
      %dma_start3A_495 = arith.constant 0 : i32
      %dma_start3A_496 = tpu.memref_slice %arg5[%add3A_249, %dma_start3A_495] : memref<10240x128xf32, #tpu.memory_space<hbm>> -> memref<8x128xf32, #tpu.memory_space<hbm>>
      tpu.enqueue_dma source(%dma_start3A_496 : memref<8x128xf32, #tpu.memory_space<hbm>>) target(%dma_start3A_494 : memref<8x128xf32, #tpu.memory_space<vmem>>) target_semaphore(%run_scoped3A_486 : memref<!tpu.dma_semaphore, #tpu.memory_space<semaphore_mem>>)
      %dma_wait3A_497 = arith.constant 0 : i32
      %dma_wait3A_498 = arith.constant 0 : i32
      %dma_wait3A_499 = tpu.memref_slice %arg16[%dma_wait3A_497, %dma_wait3A_498] : memref<160x128xf32, #tpu.memory_space<vmem>> -> memref<8x128xf32, #tpu.memory_space<vmem>>
      %dma_wait3A_500 = arith.constant 0 : i32
      %dma_wait3A_501 = tpu.memref_slice %arg5[%add3A_249, %dma_wait3A_500] : memref<10240x128xf32, #tpu.memory_space<hbm>> -> memref<8x128xf32, #tpu.memory_space<hbm>>
      %dma_wait3A_502 = arith.constant 0 : i32
      %dma_wait3A_503 = arith.constant 0 : i32
      %dma_wait3A_504 = tpu.memref_slice %arg16[%dma_wait3A_502, %dma_wait3A_503] : memref<160x128xf32, #tpu.memory_space<vmem>> -> memref<8x128xf32, #tpu.memory_space<vmem>>
      %dma_wait3A_505 = arith.constant 0 : i32
      %dma_wait3A_506 = tpu.memref_slice %arg5[%add3A_249, %dma_wait3A_505] : memref<10240x128xf32, #tpu.memory_space<hbm>> -> memref<8x128xf32, #tpu.memory_space<hbm>>
      tpu.wait_dma2 semaphore(%run_scoped3A_486 : memref<!tpu.dma_semaphore, #tpu.memory_space<semaphore_mem>>) src(%dma_wait3A_506 : memref<8x128xf32, #tpu.memory_space<hbm>>) dst(%dma_wait3A_504 : memref<8x128xf32, #tpu.memory_space<vmem>>)
      tpu.yield
    }) : () -> ()
    %add3A_250 = arith.constant 320 : i32
    %add3A_251 = arith.addi %mul3A_239, %add3A_250 : i32
    "tpu.region"() ({
      %run_scoped3A_486 = tpu.sem_alloc : memref<!tpu.dma_semaphore, #tpu.memory_space<semaphore_mem>>
      %dma_start3A_487 = arith.constant 0 : i32
      %dma_start3A_488 = arith.constant 0 : i32
      %dma_start3A_489 = tpu.memref_slice %arg16[%dma_start3A_487, %dma_start3A_488] : memref<160x128xf32, #tpu.memory_space<vmem>> -> memref<8x128xf32, #tpu.memory_space<vmem>>
      %dma_start3A_490 = arith.constant 0 : i32
      %dma_start3A_491 = tpu.memref_slice %arg7[%add3A_251, %dma_start3A_490] : memref<5248x128xf32, #tpu.memory_space<vmem_shared>> -> memref<8x128xf32, #tpu.memory_space<vmem_shared>>
      %dma_start3A_492 = arith.constant 0 : i32
      %dma_start3A_493 = tpu.memref_slice %arg7[%add3A_251, %dma_start3A_492] : memref<5248x128xf32, #tpu.memory_space<vmem_shared>> -> memref<8x128xf32, #tpu.memory_space<vmem_shared>>
      %dma_start3A_494 = arith.constant 0 : i32
      %dma_start3A_495 = arith.constant 0 : i32
      %dma_start3A_496 = tpu.memref_slice %arg16[%dma_start3A_494, %dma_start3A_495] : memref<160x128xf32, #tpu.memory_space<vmem>> -> memref<8x128xf32, #tpu.memory_space<vmem>>
      tpu.enqueue_dma source(%dma_start3A_496 : memref<8x128xf32, #tpu.memory_space<vmem>>) target(%dma_start3A_493 : memref<8x128xf32, #tpu.memory_space<vmem_shared>>) target_semaphore(%run_scoped3A_486 : memref<!tpu.dma_semaphore, #tpu.memory_space<semaphore_mem>>)
      %dma_wait3A_497 = arith.constant 0 : i32
      %dma_wait3A_498 = arith.constant 0 : i32
      %dma_wait3A_499 = tpu.memref_slice %arg16[%dma_wait3A_497, %dma_wait3A_498] : memref<160x128xf32, #tpu.memory_space<vmem>> -> memref<8x128xf32, #tpu.memory_space<vmem>>
      %dma_wait3A_500 = arith.constant 0 : i32
      %dma_wait3A_501 = tpu.memref_slice %arg7[%add3A_251, %dma_wait3A_500] : memref<5248x128xf32, #tpu.memory_space<vmem_shared>> -> memref<8x128xf32, #tpu.memory_space<vmem_shared>>
      %dma_wait3A_502 = arith.constant 0 : i32
      %dma_wait3A_503 = tpu.memref_slice %arg7[%add3A_251, %dma_wait3A_502] : memref<5248x128xf32, #tpu.memory_space<vmem_shared>> -> memref<8x128xf32, #tpu.memory_space<vmem_shared>>
      %dma_wait3A_504 = arith.constant 0 : i32
      %dma_wait3A_505 = arith.constant 0 : i32
      %dma_wait3A_506 = tpu.memref_slice %arg16[%dma_wait3A_504, %dma_wait3A_505] : memref<160x128xf32, #tpu.memory_space<vmem>> -> memref<8x128xf32, #tpu.memory_space<vmem>>
      tpu.wait_dma2 semaphore(%run_scoped3A_486 : memref<!tpu.dma_semaphore, #tpu.memory_space<semaphore_mem>>) src(%dma_wait3A_506 : memref<8x128xf32, #tpu.memory_space<vmem>>) dst(%dma_wait3A_503 : memref<8x128xf32, #tpu.memory_space<vmem_shared>>)
      tpu.yield
    }) : () -> ()
    %barrier3A_252 = arith.constant 0 : index
    tpu.barrier barrier_id(%barrier3A_252)
    %mul3A_253 = arith.constant 20000 : i32
    %mul3A_254 = arith.muli %arg1, %mul3A_253 : i32
    %add3A_255 = arith.constant 0 : i32
    %add3A_256 = arith.addi %mul3A_254, %add3A_255 : i32
    %dma_start3A_257 = arith.constant 0 : i32
    %dma_start3A_258 = tpu.memref_slice %arg8[%dma_start3A_257] : memref<80xi32, #tpu.memory_space<vmem>> -> memref<80xi32, #tpu.memory_space<vmem>>
    %dma_start3A_259 = tpu.memref_slice %arg3[%add3A_256] : memref<320000xi32, #tpu.memory_space<hbm>> -> memref<80xi32, #tpu.memory_space<hbm>>
    %dma_start3A_260 = arith.constant 0 : i32
    %dma_start3A_261 = tpu.memref_slice %arg8[%dma_start3A_260] : memref<80xi32, #tpu.memory_space<vmem>> -> memref<80xi32, #tpu.memory_space<vmem>>
    %dma_start3A_262 = tpu.memref_slice %arg3[%add3A_256] : memref<320000xi32, #tpu.memory_space<hbm>> -> memref<80xi32, #tpu.memory_space<hbm>>
    tpu.enqueue_dma source(%dma_start3A_262 : memref<80xi32, #tpu.memory_space<hbm>>) target(%dma_start3A_261 : memref<80xi32, #tpu.memory_space<vmem>>) target_semaphore(%arg17 : memref<!tpu.dma_semaphore, #tpu.memory_space<semaphore_mem>>)
    %dma_start3A_263 = arith.constant 0 : i32
    %dma_start3A_264 = tpu.memref_slice %arg10[%dma_start3A_263] : memref<80xi32, #tpu.memory_space<vmem>> -> memref<80xi32, #tpu.memory_space<vmem>>
    %dma_start3A_265 = tpu.memref_slice %arg4[%add3A_256] : memref<320000xi32, #tpu.memory_space<hbm>> -> memref<80xi32, #tpu.memory_space<hbm>>
    %dma_start3A_266 = arith.constant 0 : i32
    %dma_start3A_267 = tpu.memref_slice %arg10[%dma_start3A_266] : memref<80xi32, #tpu.memory_space<vmem>> -> memref<80xi32, #tpu.memory_space<vmem>>
    %dma_start3A_268 = tpu.memref_slice %arg4[%add3A_256] : memref<320000xi32, #tpu.memory_space<hbm>> -> memref<80xi32, #tpu.memory_space<hbm>>
    tpu.enqueue_dma source(%dma_start3A_268 : memref<80xi32, #tpu.memory_space<hbm>>) target(%dma_start3A_267 : memref<80xi32, #tpu.memory_space<vmem>>) target_semaphore(%arg17 : memref<!tpu.dma_semaphore, #tpu.memory_space<semaphore_mem>>)
    %add3A_269 = arith.constant 0 : i32
    %add3A_270 = arith.addi %mul3A_254, %add3A_269 : i32
    %dma_wait3A_271 = arith.constant 0 : i32
    %dma_wait3A_272 = tpu.memref_slice %arg8[%dma_wait3A_271] : memref<80xi32, #tpu.memory_space<vmem>> -> memref<80xi32, #tpu.memory_space<vmem>>
    %dma_wait3A_273 = tpu.memref_slice %arg3[%add3A_270] : memref<320000xi32, #tpu.memory_space<hbm>> -> memref<80xi32, #tpu.memory_space<hbm>>
    %dma_wait3A_274 = arith.constant 0 : i32
    %dma_wait3A_275 = tpu.memref_slice %arg8[%dma_wait3A_274] : memref<80xi32, #tpu.memory_space<vmem>> -> memref<80xi32, #tpu.memory_space<vmem>>
    %dma_wait3A_276 = tpu.memref_slice %arg3[%add3A_270] : memref<320000xi32, #tpu.memory_space<hbm>> -> memref<80xi32, #tpu.memory_space<hbm>>
    tpu.wait_dma2 semaphore(%arg17 : memref<!tpu.dma_semaphore, #tpu.memory_space<semaphore_mem>>) src(%dma_wait3A_276 : memref<80xi32, #tpu.memory_space<hbm>>) dst(%dma_wait3A_275 : memref<80xi32, #tpu.memory_space<vmem>>)
    %dma_wait3A_277 = arith.constant 0 : i32
    %dma_wait3A_278 = tpu.memref_slice %arg10[%dma_wait3A_277] : memref<80xi32, #tpu.memory_space<vmem>> -> memref<80xi32, #tpu.memory_space<vmem>>
    %dma_wait3A_279 = tpu.memref_slice %arg4[%add3A_270] : memref<320000xi32, #tpu.memory_space<hbm>> -> memref<80xi32, #tpu.memory_space<hbm>>
    %dma_wait3A_280 = arith.constant 0 : i32
    %dma_wait3A_281 = tpu.memref_slice %arg10[%dma_wait3A_280] : memref<80xi32, #tpu.memory_space<vmem>> -> memref<80xi32, #tpu.memory_space<vmem>>
    %dma_wait3A_282 = tpu.memref_slice %arg4[%add3A_270] : memref<320000xi32, #tpu.memory_space<hbm>> -> memref<80xi32, #tpu.memory_space<hbm>>
    tpu.wait_dma2 semaphore(%arg17 : memref<!tpu.dma_semaphore, #tpu.memory_space<semaphore_mem>>) src(%dma_wait3A_282 : memref<80xi32, #tpu.memory_space<hbm>>) dst(%dma_wait3A_281 : memref<80xi32, #tpu.memory_space<vmem>>)
    %get3A_283 = arith.constant 0 : index
    %get3A_284 = tpu.vector_load %arg8[%get3A_283] {strides = array<i32>} : memref<80xi32, #tpu.memory_space<vmem>>, vector<16xi32>,
    %get3A_285 = vector.shape_cast %get3A_284 : vector<16xi32> to vector<16xi32>
    %mul3A_286 = arith.constant 2 : i32
    %mul3A_287 = vector.broadcast %mul3A_286 : i32 to vector<16xi32>
    %mul3A_288 = arith.muli %get3A_285, %mul3A_287 : vector<16xi32>
    %add3A_289 = arith.constant 1 : i32
    %add3A_290 = vector.broadcast %add3A_289 : i32 to vector<16xi32>
    %add3A_291 = arith.addi %mul3A_288, %add3A_290 : vector<16xi32>
    %swap3A_292 = arith.constant 0 : index
    %swap3A_293 = tpu.vector_load %arg12[%swap3A_292] {strides = array<i32>} : memref<80xi32, #tpu.memory_space<vmem>>, vector<16xi32>,
    %swap3A_294 = vector.shape_cast %swap3A_293 : vector<16xi32> to vector<16xi32>
    %swap3A_295 = vector.shape_cast %add3A_291 : vector<16xi32> to vector<16xi32>
    tpu.vector_store %arg12[%swap3A_292], %swap3A_295 {strides = array<i32>} : memref<80xi32, #tpu.memory_space<vmem>>, vector<16xi32>,
    %get3A_296 = arith.constant 0 : index
    %get3A_297 = tpu.vector_load %arg10[%get3A_296] {strides = array<i32>} : memref<80xi32, #tpu.memory_space<vmem>>, vector<16xi32>,
    %get3A_298 = vector.shape_cast %get3A_297 : vector<16xi32> to vector<16xi32>
    %sub3A_299 = vector.broadcast %mul3A_0 : i32 to vector<16xi32>
    %sub3A_300 = arith.subi %get3A_298, %sub3A_299 : vector<16xi32>
    %lt3A_301 = arith.constant 0 : i32
    %lt3A_302 = vector.broadcast %lt3A_301 : i32 to vector<16xi32>
    %lt3A_303 = arith.cmpi slt, %sub3A_300, %lt3A_302 : vector<16xi32>
    %ge3A_304 = arith.constant 5120 : i32
    %ge3A_305 = vector.broadcast %ge3A_304 : i32 to vector<16xi32>
    %ge3A_306 = arith.cmpi sge, %sub3A_300, %ge3A_305 : vector<16xi32>
    %or3A_307 = arith.ori %lt3A_303, %ge3A_306 : vector<16xi1>
    %jit3A_308 = arith.constant 5120 : i32
    %broadcast_in_dim3A_309 = vector.broadcast %jit3A_308 : i32 to vector<16xi32>
    %select_n3A_310 = arith.select %or3A_307, %broadcast_in_dim3A_309, %sub3A_300 : vector<16xi1>, vector<16xi32>
    %swap3A_311 = arith.constant 0 : index
    %swap3A_312 = tpu.vector_load %arg14[%swap3A_311] {strides = array<i32>} : memref<80xi32, #tpu.memory_space<vmem>>, vector<16xi32>,
    %swap3A_313 = vector.shape_cast %swap3A_312 : vector<16xi32> to vector<16xi32>
    %swap3A_314 = vector.shape_cast %select_n3A_310 : vector<16xi32> to vector<16xi32>
    tpu.vector_store %arg14[%swap3A_311], %swap3A_314 {strides = array<i32>} : memref<80xi32, #tpu.memory_space<vmem>>, vector<16xi32>,
    %get3A_315 = arith.constant 16 : index
    %get3A_316 = tpu.vector_load %arg8[%get3A_315] {strides = array<i32>} : memref<80xi32, #tpu.memory_space<vmem>>, vector<16xi32>,
    %get3A_317 = vector.shape_cast %get3A_316 : vector<16xi32> to vector<16xi32>
    %mul3A_318 = arith.constant 2 : i32
    %mul3A_319 = vector.broadcast %mul3A_318 : i32 to vector<16xi32>
    %mul3A_320 = arith.muli %get3A_317, %mul3A_319 : vector<16xi32>
    %add3A_321 = arith.constant 1 : i32
    %add3A_322 = vector.broadcast %add3A_321 : i32 to vector<16xi32>
    %add3A_323 = arith.addi %mul3A_320, %add3A_322 : vector<16xi32>
    %swap3A_324 = arith.constant 16 : index
    %swap3A_325 = tpu.vector_load %arg12[%swap3A_324] {strides = array<i32>} : memref<80xi32, #tpu.memory_space<vmem>>, vector<16xi32>,
    %swap3A_326 = vector.shape_cast %swap3A_325 : vector<16xi32> to vector<16xi32>
    %swap3A_327 = vector.shape_cast %add3A_323 : vector<16xi32> to vector<16xi32>
    tpu.vector_store %arg12[%swap3A_324], %swap3A_327 {strides = array<i32>} : memref<80xi32, #tpu.memory_space<vmem>>, vector<16xi32>,
    %get3A_328 = arith.constant 16 : index
    %get3A_329 = tpu.vector_load %arg10[%get3A_328] {strides = array<i32>} : memref<80xi32, #tpu.memory_space<vmem>>, vector<16xi32>,
    %get3A_330 = vector.shape_cast %get3A_329 : vector<16xi32> to vector<16xi32>
    %sub3A_331 = vector.broadcast %mul3A_0 : i32 to vector<16xi32>
    %sub3A_332 = arith.subi %get3A_330, %sub3A_331 : vector<16xi32>
    %lt3A_333 = arith.constant 0 : i32
    %lt3A_334 = vector.broadcast %lt3A_333 : i32 to vector<16xi32>
    %lt3A_335 = arith.cmpi slt, %sub3A_332, %lt3A_334 : vector<16xi32>
    %ge3A_336 = arith.constant 5120 : i32
    %ge3A_337 = vector.broadcast %ge3A_336 : i32 to vector<16xi32>
    %ge3A_338 = arith.cmpi sge, %sub3A_332, %ge3A_337 : vector<16xi32>
    %or3A_339 = arith.ori %lt3A_335, %ge3A_338 : vector<16xi1>
    %jit3A_340 = arith.constant 5120 : i32
    %broadcast_in_dim3A_341 = vector.broadcast %jit3A_340 : i32 to vector<16xi32>
    %select_n3A_342 = arith.select %or3A_339, %broadcast_in_dim3A_341, %sub3A_332 : vector<16xi1>, vector<16xi32>
    %swap3A_343 = arith.constant 16 : index
    %swap3A_344 = tpu.vector_load %arg14[%swap3A_343] {strides = array<i32>} : memref<80xi32, #tpu.memory_space<vmem>>, vector<16xi32>,
    %swap3A_345 = vector.shape_cast %swap3A_344 : vector<16xi32> to vector<16xi32>
    %swap3A_346 = vector.shape_cast %select_n3A_342 : vector<16xi32> to vector<16xi32>
    tpu.vector_store %arg14[%swap3A_343], %swap3A_346 {strides = array<i32>} : memref<80xi32, #tpu.memory_space<vmem>>, vector<16xi32>,
    %get3A_347 = arith.constant 32 : index
    %get3A_348 = tpu.vector_load %arg8[%get3A_347] {strides = array<i32>} : memref<80xi32, #tpu.memory_space<vmem>>, vector<16xi32>,
    %get3A_349 = vector.shape_cast %get3A_348 : vector<16xi32> to vector<16xi32>
    %mul3A_350 = arith.constant 2 : i32
    %mul3A_351 = vector.broadcast %mul3A_350 : i32 to vector<16xi32>
    %mul3A_352 = arith.muli %get3A_349, %mul3A_351 : vector<16xi32>
    %add3A_353 = arith.constant 1 : i32
    %add3A_354 = vector.broadcast %add3A_353 : i32 to vector<16xi32>
    %add3A_355 = arith.addi %mul3A_352, %add3A_354 : vector<16xi32>
    %swap3A_356 = arith.constant 32 : index
    %swap3A_357 = tpu.vector_load %arg12[%swap3A_356] {strides = array<i32>} : memref<80xi32, #tpu.memory_space<vmem>>, vector<16xi32>,
    %swap3A_358 = vector.shape_cast %swap3A_357 : vector<16xi32> to vector<16xi32>
    %swap3A_359 = vector.shape_cast %add3A_355 : vector<16xi32> to vector<16xi32>
    tpu.vector_store %arg12[%swap3A_356], %swap3A_359 {strides = array<i32>} : memref<80xi32, #tpu.memory_space<vmem>>, vector<16xi32>,
    %get3A_360 = arith.constant 32 : index
    %get3A_361 = tpu.vector_load %arg10[%get3A_360] {strides = array<i32>} : memref<80xi32, #tpu.memory_space<vmem>>, vector<16xi32>,
    %get3A_362 = vector.shape_cast %get3A_361 : vector<16xi32> to vector<16xi32>
    %sub3A_363 = vector.broadcast %mul3A_0 : i32 to vector<16xi32>
    %sub3A_364 = arith.subi %get3A_362, %sub3A_363 : vector<16xi32>
    %lt3A_365 = arith.constant 0 : i32
    %lt3A_366 = vector.broadcast %lt3A_365 : i32 to vector<16xi32>
    %lt3A_367 = arith.cmpi slt, %sub3A_364, %lt3A_366 : vector<16xi32>
    %ge3A_368 = arith.constant 5120 : i32
    %ge3A_369 = vector.broadcast %ge3A_368 : i32 to vector<16xi32>
    %ge3A_370 = arith.cmpi sge, %sub3A_364, %ge3A_369 : vector<16xi32>
    %or3A_371 = arith.ori %lt3A_367, %ge3A_370 : vector<16xi1>
    %jit3A_372 = arith.constant 5120 : i32
    %broadcast_in_dim3A_373 = vector.broadcast %jit3A_372 : i32 to vector<16xi32>
    %select_n3A_374 = arith.select %or3A_371, %broadcast_in_dim3A_373, %sub3A_364 : vector<16xi1>, vector<16xi32>
    %swap3A_375 = arith.constant 32 : index
    %swap3A_376 = tpu.vector_load %arg14[%swap3A_375] {strides = array<i32>} : memref<80xi32, #tpu.memory_space<vmem>>, vector<16xi32>,
    %swap3A_377 = vector.shape_cast %swap3A_376 : vector<16xi32> to vector<16xi32>
    %swap3A_378 = vector.shape_cast %select_n3A_374 : vector<16xi32> to vector<16xi32>
    tpu.vector_store %arg14[%swap3A_375], %swap3A_378 {strides = array<i32>} : memref<80xi32, #tpu.memory_space<vmem>>, vector<16xi32>,
    %get3A_379 = arith.constant 48 : index
    %get3A_380 = tpu.vector_load %arg8[%get3A_379] {strides = array<i32>} : memref<80xi32, #tpu.memory_space<vmem>>, vector<16xi32>,
    %get3A_381 = vector.shape_cast %get3A_380 : vector<16xi32> to vector<16xi32>
    %mul3A_382 = arith.constant 2 : i32
    %mul3A_383 = vector.broadcast %mul3A_382 : i32 to vector<16xi32>
    %mul3A_384 = arith.muli %get3A_381, %mul3A_383 : vector<16xi32>
    %add3A_385 = arith.constant 1 : i32
    %add3A_386 = vector.broadcast %add3A_385 : i32 to vector<16xi32>
    %add3A_387 = arith.addi %mul3A_384, %add3A_386 : vector<16xi32>
    %swap3A_388 = arith.constant 48 : index
    %swap3A_389 = tpu.vector_load %arg12[%swap3A_388] {strides = array<i32>} : memref<80xi32, #tpu.memory_space<vmem>>, vector<16xi32>,
    %swap3A_390 = vector.shape_cast %swap3A_389 : vector<16xi32> to vector<16xi32>
    %swap3A_391 = vector.shape_cast %add3A_387 : vector<16xi32> to vector<16xi32>
    tpu.vector_store %arg12[%swap3A_388], %swap3A_391 {strides = array<i32>} : memref<80xi32, #tpu.memory_space<vmem>>, vector<16xi32>,
    %get3A_392 = arith.constant 48 : index
    %get3A_393 = tpu.vector_load %arg10[%get3A_392] {strides = array<i32>} : memref<80xi32, #tpu.memory_space<vmem>>, vector<16xi32>,
    %get3A_394 = vector.shape_cast %get3A_393 : vector<16xi32> to vector<16xi32>
    %sub3A_395 = vector.broadcast %mul3A_0 : i32 to vector<16xi32>
    %sub3A_396 = arith.subi %get3A_394, %sub3A_395 : vector<16xi32>
    %lt3A_397 = arith.constant 0 : i32
    %lt3A_398 = vector.broadcast %lt3A_397 : i32 to vector<16xi32>
    %lt3A_399 = arith.cmpi slt, %sub3A_396, %lt3A_398 : vector<16xi32>
    %ge3A_400 = arith.constant 5120 : i32
    %ge3A_401 = vector.broadcast %ge3A_400 : i32 to vector<16xi32>
    %ge3A_402 = arith.cmpi sge, %sub3A_396, %ge3A_401 : vector<16xi32>
    %or3A_403 = arith.ori %lt3A_399, %ge3A_402 : vector<16xi1>
    %jit3A_404 = arith.constant 5120 : i32
    %broadcast_in_dim3A_405 = vector.broadcast %jit3A_404 : i32 to vector<16xi32>
    %select_n3A_406 = arith.select %or3A_403, %broadcast_in_dim3A_405, %sub3A_396 : vector<16xi1>, vector<16xi32>
    %swap3A_407 = arith.constant 48 : index
    %swap3A_408 = tpu.vector_load %arg14[%swap3A_407] {strides = array<i32>} : memref<80xi32, #tpu.memory_space<vmem>>, vector<16xi32>,
    %swap3A_409 = vector.shape_cast %swap3A_408 : vector<16xi32> to vector<16xi32>
    %swap3A_410 = vector.shape_cast %select_n3A_406 : vector<16xi32> to vector<16xi32>
    tpu.vector_store %arg14[%swap3A_407], %swap3A_410 {strides = array<i32>} : memref<80xi32, #tpu.memory_space<vmem>>, vector<16xi32>,
    %get3A_411 = arith.constant 64 : index
    %get3A_412 = tpu.vector_load %arg8[%get3A_411] {strides = array<i32>} : memref<80xi32, #tpu.memory_space<vmem>>, vector<16xi32>,
    %get3A_413 = vector.shape_cast %get3A_412 : vector<16xi32> to vector<16xi32>
    %mul3A_414 = arith.constant 2 : i32
    %mul3A_415 = vector.broadcast %mul3A_414 : i32 to vector<16xi32>
    %mul3A_416 = arith.muli %get3A_413, %mul3A_415 : vector<16xi32>
    %add3A_417 = arith.constant 1 : i32
    %add3A_418 = vector.broadcast %add3A_417 : i32 to vector<16xi32>
    %add3A_419 = arith.addi %mul3A_416, %add3A_418 : vector<16xi32>
    %swap3A_420 = arith.constant 64 : index
    %swap3A_421 = tpu.vector_load %arg12[%swap3A_420] {strides = array<i32>} : memref<80xi32, #tpu.memory_space<vmem>>, vector<16xi32>,
    %swap3A_422 = vector.shape_cast %swap3A_421 : vector<16xi32> to vector<16xi32>
    %swap3A_423 = vector.shape_cast %add3A_419 : vector<16xi32> to vector<16xi32>
    tpu.vector_store %arg12[%swap3A_420], %swap3A_423 {strides = array<i32>} : memref<80xi32, #tpu.memory_space<vmem>>, vector<16xi32>,
    %get3A_424 = arith.constant 64 : index
    %get3A_425 = tpu.vector_load %arg10[%get3A_424] {strides = array<i32>} : memref<80xi32, #tpu.memory_space<vmem>>, vector<16xi32>,
    %get3A_426 = vector.shape_cast %get3A_425 : vector<16xi32> to vector<16xi32>
    %sub3A_427 = vector.broadcast %mul3A_0 : i32 to vector<16xi32>
    %sub3A_428 = arith.subi %get3A_426, %sub3A_427 : vector<16xi32>
    %lt3A_429 = arith.constant 0 : i32
    %lt3A_430 = vector.broadcast %lt3A_429 : i32 to vector<16xi32>
    %lt3A_431 = arith.cmpi slt, %sub3A_428, %lt3A_430 : vector<16xi32>
    %ge3A_432 = arith.constant 5120 : i32
    %ge3A_433 = vector.broadcast %ge3A_432 : i32 to vector<16xi32>
    %ge3A_434 = arith.cmpi sge, %sub3A_428, %ge3A_433 : vector<16xi32>
    %or3A_435 = arith.ori %lt3A_431, %ge3A_434 : vector<16xi1>
    %jit3A_436 = arith.constant 5120 : i32
    %broadcast_in_dim3A_437 = vector.broadcast %jit3A_436 : i32 to vector<16xi32>
    %select_n3A_438 = arith.select %or3A_435, %broadcast_in_dim3A_437, %sub3A_428 : vector<16xi1>, vector<16xi32>
    %swap3A_439 = arith.constant 64 : index
    %swap3A_440 = tpu.vector_load %arg14[%swap3A_439] {strides = array<i32>} : memref<80xi32, #tpu.memory_space<vmem>>, vector<16xi32>,
    %swap3A_441 = vector.shape_cast %swap3A_440 : vector<16xi32> to vector<16xi32>
    %swap3A_442 = vector.shape_cast %select_n3A_438 : vector<16xi32> to vector<16xi32>
    tpu.vector_store %arg14[%swap3A_439], %swap3A_442 {strides = array<i32>} : memref<80xi32, #tpu.memory_space<vmem>>, vector<16xi32>,
    %dma_start3A_443 = arith.constant 0 : i32
    %dma_start3A_444 = arith.constant 0 : i32
    %dma_start3A_445 = tpu.memref_slice %arg16[%dma_start3A_443, %dma_start3A_444] : memref<160x128xf32, #tpu.memory_space<vmem>> -> memref<80x128xf32, #tpu.memory_space<vmem>>
    %dma_start3A_446 = arith.constant 0 : i32
    %dma_start3A_447 = arith.constant 0 : i32
    %dma_start3A_448 = tpu.memref_slice %arg2[%dma_start3A_446, %dma_start3A_447] : memref<20000x128xf32, #tpu.memory_space<hbm>> -> memref<20000x128xf32, #tpu.memory_space<hbm>>
    tpu.enqueue_indirect_dma source(%dma_start3A_448 : memref<20000x128xf32, #tpu.memory_space<hbm>>) target(%dma_start3A_445 : memref<80x128xf32, #tpu.memory_space<vmem>>) offsets(%arg12 : memref<80xi32, #tpu.memory_space<vmem>>) semaphore(%arg19 : memref<!tpu.dma_semaphore, #tpu.memory_space<semaphore_mem>>)
    %add3A_449 = arith.constant 80 : i32
    %add3A_450 = arith.addi %mul3A_254, %add3A_449 : i32
    %dma_start3A_451 = arith.constant 0 : i32
    %dma_start3A_452 = tpu.memref_slice %arg9[%dma_start3A_451] : memref<80xi32, #tpu.memory_space<vmem>> -> memref<80xi32, #tpu.memory_space<vmem>>
    %dma_start3A_453 = tpu.memref_slice %arg3[%add3A_450] : memref<320000xi32, #tpu.memory_space<hbm>> -> memref<80xi32, #tpu.memory_space<hbm>>
    %dma_start3A_454 = arith.constant 0 : i32
    %dma_start3A_455 = tpu.memref_slice %arg9[%dma_start3A_454] : memref<80xi32, #tpu.memory_space<vmem>> -> memref<80xi32, #tpu.memory_space<vmem>>
    %dma_start3A_456 = tpu.memref_slice %arg3[%add3A_450] : memref<320000xi32, #tpu.memory_space<hbm>> -> memref<80xi32, #tpu.memory_space<hbm>>
    tpu.enqueue_dma source(%dma_start3A_456 : memref<80xi32, #tpu.memory_space<hbm>>) target(%dma_start3A_455 : memref<80xi32, #tpu.memory_space<vmem>>) target_semaphore(%arg18 : memref<!tpu.dma_semaphore, #tpu.memory_space<semaphore_mem>>)
    %dma_start3A_457 = arith.constant 0 : i32
    %dma_start3A_458 = tpu.memref_slice %arg11[%dma_start3A_457] : memref<80xi32, #tpu.memory_space<vmem>> -> memref<80xi32, #tpu.memory_space<vmem>>
    %dma_start3A_459 = tpu.memref_slice %arg4[%add3A_450] : memref<320000xi32, #tpu.memory_space<hbm>> -> memref<80xi32, #tpu.memory_space<hbm>>
    %dma_start3A_460 = arith.constant 0 : i32
    %dma_start3A_461 = tpu.memref_slice %arg11[%dma_start3A_460] : memref<80xi32, #tpu.memory_space<vmem>> -> memref<80xi32, #tpu.memory_space<vmem>>
    %dma_start3A_462 = tpu.memref_slice %arg4[%add3A_450] : memref<320000xi32, #tpu.memory_space<hbm>> -> memref<80xi32, #tpu.memory_space<hbm>>
    tpu.enqueue_dma source(%dma_start3A_462 : memref<80xi32, #tpu.memory_space<hbm>>) target(%dma_start3A_461 : memref<80xi32, #tpu.memory_space<vmem>>) target_semaphore(%arg18 : memref<!tpu.dma_semaphore, #tpu.memory_space<semaphore_mem>>)
    %scan3A_463 = arith.constant 0 : i32
    %scan3A_464 = arith.constant 0 : i32
    %scan3A_465 = arith.constant 125 : i32
    %scan3A_466 = arith.addi %scan3A_464, %scan3A_465 : i32
    %scan3A_467 = arith.constant 1 : i32
    scf.for %scan3A_486 = %scan3A_464 to %scan3A_466 step %scan3A_467  : i32 {
      %mul3A_487 = arith.constant 2 : i32
      %mul3A_488 = arith.muli %mul3A_487, %scan3A_486 : i32
      %add3A_489 = arith.constant 1 : i32
      %add3A_490 = arith.addi %mul3A_488, %add3A_489 : i32
      %mul3A_491 = arith.constant 80 : i32
      %mul3A_492 = arith.muli %add3A_490, %mul3A_491 : i32
      %add3A_493 = arith.addi %mul3A_254, %mul3A_492 : i32
      %dma_wait3A_494 = arith.constant 0 : i32
      %dma_wait3A_495 = tpu.memref_slice %arg9[%dma_wait3A_494] : memref<80xi32, #tpu.memory_space<vmem>> -> memref<80xi32, #tpu.memory_space<vmem>>
      %dma_wait3A_496 = tpu.memref_slice %arg3[%add3A_493] : memref<320000xi32, #tpu.memory_space<hbm>> -> memref<80xi32, #tpu.memory_space<hbm>>
      %dma_wait3A_497 = arith.constant 0 : i32
      %dma_wait3A_498 = tpu.memref_slice %arg9[%dma_wait3A_497] : memref<80xi32, #tpu.memory_space<vmem>> -> memref<80xi32, #tpu.memory_space<vmem>>
      %dma_wait3A_499 = tpu.memref_slice %arg3[%add3A_493] : memref<320000xi32, #tpu.memory_space<hbm>> -> memref<80xi32, #tpu.memory_space<hbm>>
      tpu.wait_dma2 semaphore(%arg18 : memref<!tpu.dma_semaphore, #tpu.memory_space<semaphore_mem>>) src(%dma_wait3A_499 : memref<80xi32, #tpu.memory_space<hbm>>) dst(%dma_wait3A_498 : memref<80xi32, #tpu.memory_space<vmem>>)
      %dma_wait3A_500 = arith.constant 0 : i32
      %dma_wait3A_501 = tpu.memref_slice %arg11[%dma_wait3A_500] : memref<80xi32, #tpu.memory_space<vmem>> -> memref<80xi32, #tpu.memory_space<vmem>>
      %dma_wait3A_502 = tpu.memref_slice %arg4[%add3A_493] : memref<320000xi32, #tpu.memory_space<hbm>> -> memref<80xi32, #tpu.memory_space<hbm>>
      %dma_wait3A_503 = arith.constant 0 : i32
      %dma_wait3A_504 = tpu.memref_slice %arg11[%dma_wait3A_503] : memref<80xi32, #tpu.memory_space<vmem>> -> memref<80xi32, #tpu.memory_space<vmem>>
      %dma_wait3A_505 = tpu.memref_slice %arg4[%add3A_493] : memref<320000xi32, #tpu.memory_space<hbm>> -> memref<80xi32, #tpu.memory_space<hbm>>
      tpu.wait_dma2 semaphore(%arg18 : memref<!tpu.dma_semaphore, #tpu.memory_space<semaphore_mem>>) src(%dma_wait3A_505 : memref<80xi32, #tpu.memory_space<hbm>>) dst(%dma_wait3A_504 : memref<80xi32, #tpu.memory_space<vmem>>)
      %get3A_506 = arith.constant 0 : index
      %get3A_507 = tpu.vector_load %arg9[%get3A_506] {strides = array<i32>} : memref<80xi32, #tpu.memory_space<vmem>>, vector<16xi32>,
      %get3A_508 = vector.shape_cast %get3A_507 : vector<16xi32> to vector<16xi32>
      %mul3A_509 = arith.constant 2 : i32
      %mul3A_510 = vector.broadcast %mul3A_509 : i32 to vector<16xi32>
      %mul3A_511 = arith.muli %get3A_508, %mul3A_510 : vector<16xi32>
      %add3A_512 = arith.constant 1 : i32
      %add3A_513 = vector.broadcast %add3A_512 : i32 to vector<16xi32>
      %add3A_514 = arith.addi %mul3A_511, %add3A_513 : vector<16xi32>
      %swap3A_515 = arith.constant 0 : index
      %swap3A_516 = tpu.vector_load %arg13[%swap3A_515] {strides = array<i32>} : memref<80xi32, #tpu.memory_space<vmem>>, vector<16xi32>,
      %swap3A_517 = vector.shape_cast %swap3A_516 : vector<16xi32> to vector<16xi32>
      %swap3A_518 = vector.shape_cast %add3A_514 : vector<16xi32> to vector<16xi32>
      tpu.vector_store %arg13[%swap3A_515], %swap3A_518 {strides = array<i32>} : memref<80xi32, #tpu.memory_space<vmem>>, vector<16xi32>,
      %get3A_519 = arith.constant 0 : index
      %get3A_520 = tpu.vector_load %arg11[%get3A_519] {strides = array<i32>} : memref<80xi32, #tpu.memory_space<vmem>>, vector<16xi32>,
      %get3A_521 = vector.shape_cast %get3A_520 : vector<16xi32> to vector<16xi32>
      %sub3A_522 = vector.broadcast %mul3A_0 : i32 to vector<16xi32>
      %sub3A_523 = arith.subi %get3A_521, %sub3A_522 : vector<16xi32>
      %lt3A_524 = arith.constant 0 : i32
      %lt3A_525 = vector.broadcast %lt3A_524 : i32 to vector<16xi32>
      %lt3A_526 = arith.cmpi slt, %sub3A_523, %lt3A_525 : vector<16xi32>
      %ge3A_527 = arith.constant 5120 : i32
      %ge3A_528 = vector.broadcast %ge3A_527 : i32 to vector<16xi32>
      %ge3A_529 = arith.cmpi sge, %sub3A_523, %ge3A_528 : vector<16xi32>
      %or3A_530 = arith.ori %lt3A_526, %ge3A_529 : vector<16xi1>
      %jit3A_531 = arith.constant 5120 : i32
      %broadcast_in_dim3A_532 = vector.broadcast %jit3A_531 : i32 to vector<16xi32>
      %select_n3A_533 = arith.select %or3A_530, %broadcast_in_dim3A_532, %sub3A_523 : vector<16xi1>, vector<16xi32>
      %swap3A_534 = arith.constant 0 : index
      %swap3A_535 = tpu.vector_load %arg15[%swap3A_534] {strides = array<i32>} : memref<80xi32, #tpu.memory_space<vmem>>, vector<16xi32>,
      %swap3A_536 = vector.shape_cast %swap3A_535 : vector<16xi32> to vector<16xi32>
      %swap3A_537 = vector.shape_cast %select_n3A_533 : vector<16xi32> to vector<16xi32>
      tpu.vector_store %arg15[%swap3A_534], %swap3A_537 {strides = array<i32>} : memref<80xi32, #tpu.memory_space<vmem>>, vector<16xi32>,
      %get3A_538 = arith.constant 16 : index
      %get3A_539 = tpu.vector_load %arg9[%get3A_538] {strides = array<i32>} : memref<80xi32, #tpu.memory_space<vmem>>, vector<16xi32>,
      %get3A_540 = vector.shape_cast %get3A_539 : vector<16xi32> to vector<16xi32>
      %mul3A_541 = arith.constant 2 : i32
      %mul3A_542 = vector.broadcast %mul3A_541 : i32 to vector<16xi32>
      %mul3A_543 = arith.muli %get3A_540, %mul3A_542 : vector<16xi32>
      %add3A_544 = arith.constant 1 : i32
      %add3A_545 = vector.broadcast %add3A_544 : i32 to vector<16xi32>
      %add3A_546 = arith.addi %mul3A_543, %add3A_545 : vector<16xi32>
      %swap3A_547 = arith.constant 16 : index
      %swap3A_548 = tpu.vector_load %arg13[%swap3A_547] {strides = array<i32>} : memref<80xi32, #tpu.memory_space<vmem>>, vector<16xi32>,
      %swap3A_549 = vector.shape_cast %swap3A_548 : vector<16xi32> to vector<16xi32>
      %swap3A_550 = vector.shape_cast %add3A_546 : vector<16xi32> to vector<16xi32>
      tpu.vector_store %arg13[%swap3A_547], %swap3A_550 {strides = array<i32>} : memref<80xi32, #tpu.memory_space<vmem>>, vector<16xi32>,
      %get3A_551 = arith.constant 16 : index
      %get3A_552 = tpu.vector_load %arg11[%get3A_551] {strides = array<i32>} : memref<80xi32, #tpu.memory_space<vmem>>, vector<16xi32>,
      %get3A_553 = vector.shape_cast %get3A_552 : vector<16xi32> to vector<16xi32>
      %sub3A_554 = vector.broadcast %mul3A_0 : i32 to vector<16xi32>
      %sub3A_555 = arith.subi %get3A_553, %sub3A_554 : vector<16xi32>
      %lt3A_556 = arith.constant 0 : i32
      %lt3A_557 = vector.broadcast %lt3A_556 : i32 to vector<16xi32>
      %lt3A_558 = arith.cmpi slt, %sub3A_555, %lt3A_557 : vector<16xi32>
      %ge3A_559 = arith.constant 5120 : i32
      %ge3A_560 = vector.broadcast %ge3A_559 : i32 to vector<16xi32>
      %ge3A_561 = arith.cmpi sge, %sub3A_555, %ge3A_560 : vector<16xi32>
      %or3A_562 = arith.ori %lt3A_558, %ge3A_561 : vector<16xi1>
      %jit3A_563 = arith.constant 5120 : i32
      %broadcast_in_dim3A_564 = vector.broadcast %jit3A_563 : i32 to vector<16xi32>
      %select_n3A_565 = arith.select %or3A_562, %broadcast_in_dim3A_564, %sub3A_555 : vector<16xi1>, vector<16xi32>
      %swap3A_566 = arith.constant 16 : index
      %swap3A_567 = tpu.vector_load %arg15[%swap3A_566] {strides = array<i32>} : memref<80xi32, #tpu.memory_space<vmem>>, vector<16xi32>,
      %swap3A_568 = vector.shape_cast %swap3A_567 : vector<16xi32> to vector<16xi32>
      %swap3A_569 = vector.shape_cast %select_n3A_565 : vector<16xi32> to vector<16xi32>
      tpu.vector_store %arg15[%swap3A_566], %swap3A_569 {strides = array<i32>} : memref<80xi32, #tpu.memory_space<vmem>>, vector<16xi32>,
      %get3A_570 = arith.constant 32 : index
      %get3A_571 = tpu.vector_load %arg9[%get3A_570] {strides = array<i32>} : memref<80xi32, #tpu.memory_space<vmem>>, vector<16xi32>,
      %get3A_572 = vector.shape_cast %get3A_571 : vector<16xi32> to vector<16xi32>
      %mul3A_573 = arith.constant 2 : i32
      %mul3A_574 = vector.broadcast %mul3A_573 : i32 to vector<16xi32>
      %mul3A_575 = arith.muli %get3A_572, %mul3A_574 : vector<16xi32>
      %add3A_576 = arith.constant 1 : i32
      %add3A_577 = vector.broadcast %add3A_576 : i32 to vector<16xi32>
      %add3A_578 = arith.addi %mul3A_575, %add3A_577 : vector<16xi32>
      %swap3A_579 = arith.constant 32 : index
      %swap3A_580 = tpu.vector_load %arg13[%swap3A_579] {strides = array<i32>} : memref<80xi32, #tpu.memory_space<vmem>>, vector<16xi32>,
      %swap3A_581 = vector.shape_cast %swap3A_580 : vector<16xi32> to vector<16xi32>
      %swap3A_582 = vector.shape_cast %add3A_578 : vector<16xi32> to vector<16xi32>
      tpu.vector_store %arg13[%swap3A_579], %swap3A_582 {strides = array<i32>} : memref<80xi32, #tpu.memory_space<vmem>>, vector<16xi32>,
      %get3A_583 = arith.constant 32 : index
      %get3A_584 = tpu.vector_load %arg11[%get3A_583] {strides = array<i32>} : memref<80xi32, #tpu.memory_space<vmem>>, vector<16xi32>,
      %get3A_585 = vector.shape_cast %get3A_584 : vector<16xi32> to vector<16xi32>
      %sub3A_586 = vector.broadcast %mul3A_0 : i32 to vector<16xi32>
      %sub3A_587 = arith.subi %get3A_585, %sub3A_586 : vector<16xi32>
      %lt3A_588 = arith.constant 0 : i32
      %lt3A_589 = vector.broadcast %lt3A_588 : i32 to vector<16xi32>
      %lt3A_590 = arith.cmpi slt, %sub3A_587, %lt3A_589 : vector<16xi32>
      %ge3A_591 = arith.constant 5120 : i32
      %ge3A_592 = vector.broadcast %ge3A_591 : i32 to vector<16xi32>
      %ge3A_593 = arith.cmpi sge, %sub3A_587, %ge3A_592 : vector<16xi32>
      %or3A_594 = arith.ori %lt3A_590, %ge3A_593 : vector<16xi1>
      %jit3A_595 = arith.constant 5120 : i32
      %broadcast_in_dim3A_596 = vector.broadcast %jit3A_595 : i32 to vector<16xi32>
      %select_n3A_597 = arith.select %or3A_594, %broadcast_in_dim3A_596, %sub3A_587 : vector<16xi1>, vector<16xi32>
      %swap3A_598 = arith.constant 32 : index
      %swap3A_599 = tpu.vector_load %arg15[%swap3A_598] {strides = array<i32>} : memref<80xi32, #tpu.memory_space<vmem>>, vector<16xi32>,
      %swap3A_600 = vector.shape_cast %swap3A_599 : vector<16xi32> to vector<16xi32>
      %swap3A_601 = vector.shape_cast %select_n3A_597 : vector<16xi32> to vector<16xi32>
      tpu.vector_store %arg15[%swap3A_598], %swap3A_601 {strides = array<i32>} : memref<80xi32, #tpu.memory_space<vmem>>, vector<16xi32>,
      %get3A_602 = arith.constant 48 : index
      %get3A_603 = tpu.vector_load %arg9[%get3A_602] {strides = array<i32>} : memref<80xi32, #tpu.memory_space<vmem>>, vector<16xi32>,
      %get3A_604 = vector.shape_cast %get3A_603 : vector<16xi32> to vector<16xi32>
      %mul3A_605 = arith.constant 2 : i32
      %mul3A_606 = vector.broadcast %mul3A_605 : i32 to vector<16xi32>
      %mul3A_607 = arith.muli %get3A_604, %mul3A_606 : vector<16xi32>
      %add3A_608 = arith.constant 1 : i32
      %add3A_609 = vector.broadcast %add3A_608 : i32 to vector<16xi32>
      %add3A_610 = arith.addi %mul3A_607, %add3A_609 : vector<16xi32>
      %swap3A_611 = arith.constant 48 : index
      %swap3A_612 = tpu.vector_load %arg13[%swap3A_611] {strides = array<i32>} : memref<80xi32, #tpu.memory_space<vmem>>, vector<16xi32>,
      %swap3A_613 = vector.shape_cast %swap3A_612 : vector<16xi32> to vector<16xi32>
      %swap3A_614 = vector.shape_cast %add3A_610 : vector<16xi32> to vector<16xi32>
      tpu.vector_store %arg13[%swap3A_611], %swap3A_614 {strides = array<i32>} : memref<80xi32, #tpu.memory_space<vmem>>, vector<16xi32>,
      %get3A_615 = arith.constant 48 : index
      %get3A_616 = tpu.vector_load %arg11[%get3A_615] {strides = array<i32>} : memref<80xi32, #tpu.memory_space<vmem>>, vector<16xi32>,
      %get3A_617 = vector.shape_cast %get3A_616 : vector<16xi32> to vector<16xi32>
      %sub3A_618 = vector.broadcast %mul3A_0 : i32 to vector<16xi32>
      %sub3A_619 = arith.subi %get3A_617, %sub3A_618 : vector<16xi32>
      %lt3A_620 = arith.constant 0 : i32
      %lt3A_621 = vector.broadcast %lt3A_620 : i32 to vector<16xi32>
      %lt3A_622 = arith.cmpi slt, %sub3A_619, %lt3A_621 : vector<16xi32>
      %ge3A_623 = arith.constant 5120 : i32
      %ge3A_624 = vector.broadcast %ge3A_623 : i32 to vector<16xi32>
      %ge3A_625 = arith.cmpi sge, %sub3A_619, %ge3A_624 : vector<16xi32>
      %or3A_626 = arith.ori %lt3A_622, %ge3A_625 : vector<16xi1>
      %jit3A_627 = arith.constant 5120 : i32
      %broadcast_in_dim3A_628 = vector.broadcast %jit3A_627 : i32 to vector<16xi32>
      %select_n3A_629 = arith.select %or3A_626, %broadcast_in_dim3A_628, %sub3A_619 : vector<16xi1>, vector<16xi32>
      %swap3A_630 = arith.constant 48 : index
      %swap3A_631 = tpu.vector_load %arg15[%swap3A_630] {strides = array<i32>} : memref<80xi32, #tpu.memory_space<vmem>>, vector<16xi32>,
      %swap3A_632 = vector.shape_cast %swap3A_631 : vector<16xi32> to vector<16xi32>
      %swap3A_633 = vector.shape_cast %select_n3A_629 : vector<16xi32> to vector<16xi32>
      tpu.vector_store %arg15[%swap3A_630], %swap3A_633 {strides = array<i32>} : memref<80xi32, #tpu.memory_space<vmem>>, vector<16xi32>,
      %get3A_634 = arith.constant 64 : index
      %get3A_635 = tpu.vector_load %arg9[%get3A_634] {strides = array<i32>} : memref<80xi32, #tpu.memory_space<vmem>>, vector<16xi32>,
      %get3A_636 = vector.shape_cast %get3A_635 : vector<16xi32> to vector<16xi32>
      %mul3A_637 = arith.constant 2 : i32
      %mul3A_638 = vector.broadcast %mul3A_637 : i32 to vector<16xi32>
      %mul3A_639 = arith.muli %get3A_636, %mul3A_638 : vector<16xi32>
      %add3A_640 = arith.constant 1 : i32
      %add3A_641 = vector.broadcast %add3A_640 : i32 to vector<16xi32>
      %add3A_642 = arith.addi %mul3A_639, %add3A_641 : vector<16xi32>
      %swap3A_643 = arith.constant 64 : index
      %swap3A_644 = tpu.vector_load %arg13[%swap3A_643] {strides = array<i32>} : memref<80xi32, #tpu.memory_space<vmem>>, vector<16xi32>,
      %swap3A_645 = vector.shape_cast %swap3A_644 : vector<16xi32> to vector<16xi32>
      %swap3A_646 = vector.shape_cast %add3A_642 : vector<16xi32> to vector<16xi32>
      tpu.vector_store %arg13[%swap3A_643], %swap3A_646 {strides = array<i32>} : memref<80xi32, #tpu.memory_space<vmem>>, vector<16xi32>,
      %get3A_647 = arith.constant 64 : index
      %get3A_648 = tpu.vector_load %arg11[%get3A_647] {strides = array<i32>} : memref<80xi32, #tpu.memory_space<vmem>>, vector<16xi32>,
      %get3A_649 = vector.shape_cast %get3A_648 : vector<16xi32> to vector<16xi32>
      %sub3A_650 = vector.broadcast %mul3A_0 : i32 to vector<16xi32>
      %sub3A_651 = arith.subi %get3A_649, %sub3A_650 : vector<16xi32>
      %lt3A_652 = arith.constant 0 : i32
      %lt3A_653 = vector.broadcast %lt3A_652 : i32 to vector<16xi32>
      %lt3A_654 = arith.cmpi slt, %sub3A_651, %lt3A_653 : vector<16xi32>
      %ge3A_655 = arith.constant 5120 : i32
      %ge3A_656 = vector.broadcast %ge3A_655 : i32 to vector<16xi32>
      %ge3A_657 = arith.cmpi sge, %sub3A_651, %ge3A_656 : vector<16xi32>
      %or3A_658 = arith.ori %lt3A_654, %ge3A_657 : vector<16xi1>
      %jit3A_659 = arith.constant 5120 : i32
      %broadcast_in_dim3A_660 = vector.broadcast %jit3A_659 : i32 to vector<16xi32>
      %select_n3A_661 = arith.select %or3A_658, %broadcast_in_dim3A_660, %sub3A_651 : vector<16xi1>, vector<16xi32>
      %swap3A_662 = arith.constant 64 : index
      %swap3A_663 = tpu.vector_load %arg15[%swap3A_662] {strides = array<i32>} : memref<80xi32, #tpu.memory_space<vmem>>, vector<16xi32>,
      %swap3A_664 = vector.shape_cast %swap3A_663 : vector<16xi32> to vector<16xi32>
      %swap3A_665 = vector.shape_cast %select_n3A_661 : vector<16xi32> to vector<16xi32>
      tpu.vector_store %arg15[%swap3A_662], %swap3A_665 {strides = array<i32>} : memref<80xi32, #tpu.memory_space<vmem>>, vector<16xi32>,
      %dma_start3A_666 = arith.constant 80 : i32
      %dma_start3A_667 = arith.constant 0 : i32
      %dma_start3A_668 = tpu.memref_slice %arg16[%dma_start3A_666, %dma_start3A_667] : memref<160x128xf32, #tpu.memory_space<vmem>> -> memref<80x128xf32, #tpu.memory_space<vmem>>
      %dma_start3A_669 = arith.constant 0 : i32
      %dma_start3A_670 = arith.constant 0 : i32
      %dma_start3A_671 = tpu.memref_slice %arg2[%dma_start3A_669, %dma_start3A_670] : memref<20000x128xf32, #tpu.memory_space<hbm>> -> memref<20000x128xf32, #tpu.memory_space<hbm>>
      tpu.enqueue_indirect_dma source(%dma_start3A_671 : memref<20000x128xf32, #tpu.memory_space<hbm>>) target(%dma_start3A_668 : memref<80x128xf32, #tpu.memory_space<vmem>>) offsets(%arg13 : memref<80xi32, #tpu.memory_space<vmem>>) semaphore(%arg20 : memref<!tpu.dma_semaphore, #tpu.memory_space<semaphore_mem>>)
      %lt3A_672 = arith.constant 124 : i32
      %lt3A_673 = arith.cmpi slt, %scan3A_486, %lt3A_672 : i32
      %convert_element_type3A = arith.extui %lt3A_673 : i1 to i32
      %cond3A = arith.constant 0 : i32
      %cond3A_674 = arith.cmpi ne, %convert_element_type3A, %cond3A : i32
      scf.if %cond3A_674 {
        %add3A_692 = arith.constant 2 : i32
        %add3A_693 = arith.addi %mul3A_488, %add3A_692 : i32
        %mul3A_694 = arith.constant 80 : i32
        %mul3A_695 = arith.muli %add3A_693, %mul3A_694 : i32
        %add3A_696 = arith.addi %mul3A_254, %mul3A_695 : i32
        %dma_start3A_697 = arith.constant 0 : i32
        %dma_start3A_698 = tpu.memref_slice %arg8[%dma_start3A_697] : memref<80xi32, #tpu.memory_space<vmem>> -> memref<80xi32, #tpu.memory_space<vmem>>
        %dma_start3A_699 = tpu.memref_slice %arg3[%add3A_696] : memref<320000xi32, #tpu.memory_space<hbm>> -> memref<80xi32, #tpu.memory_space<hbm>>
        %dma_start3A_700 = arith.constant 0 : i32
        %dma_start3A_701 = tpu.memref_slice %arg8[%dma_start3A_700] : memref<80xi32, #tpu.memory_space<vmem>> -> memref<80xi32, #tpu.memory_space<vmem>>
        %dma_start3A_702 = tpu.memref_slice %arg3[%add3A_696] : memref<320000xi32, #tpu.memory_space<hbm>> -> memref<80xi32, #tpu.memory_space<hbm>>
        tpu.enqueue_dma source(%dma_start3A_702 : memref<80xi32, #tpu.memory_space<hbm>>) target(%dma_start3A_701 : memref<80xi32, #tpu.memory_space<vmem>>) target_semaphore(%arg17 : memref<!tpu.dma_semaphore, #tpu.memory_space<semaphore_mem>>)
        %dma_start3A_703 = arith.constant 0 : i32
        %dma_start3A_704 = tpu.memref_slice %arg10[%dma_start3A_703] : memref<80xi32, #tpu.memory_space<vmem>> -> memref<80xi32, #tpu.memory_space<vmem>>
        %dma_start3A_705 = tpu.memref_slice %arg4[%add3A_696] : memref<320000xi32, #tpu.memory_space<hbm>> -> memref<80xi32, #tpu.memory_space<hbm>>
        %dma_start3A_706 = arith.constant 0 : i32
        %dma_start3A_707 = tpu.memref_slice %arg10[%dma_start3A_706] : memref<80xi32, #tpu.memory_space<vmem>> -> memref<80xi32, #tpu.memory_space<vmem>>
        %dma_start3A_708 = tpu.memref_slice %arg4[%add3A_696] : memref<320000xi32, #tpu.memory_space<hbm>> -> memref<80xi32, #tpu.memory_space<hbm>>
        tpu.enqueue_dma source(%dma_start3A_708 : memref<80xi32, #tpu.memory_space<hbm>>) target(%dma_start3A_707 : memref<80xi32, #tpu.memory_space<vmem>>) target_semaphore(%arg17 : memref<!tpu.dma_semaphore, #tpu.memory_space<semaphore_mem>>)
      } else {
      }
      %dma_wait3A_675 = arith.constant 0 : i32
      %dma_wait3A_676 = arith.constant 0 : i32
      %dma_wait3A_677 = tpu.memref_slice %arg16[%dma_wait3A_675, %dma_wait3A_676] : memref<160x128xf32, #tpu.memory_space<vmem>> -> memref<80x128xf32, #tpu.memory_space<vmem>>
      %dma_wait3A_678 = arith.constant 0 : i32
      %dma_wait3A_679 = arith.constant 0 : i32
      %dma_wait3A_680 = tpu.memref_slice %arg2[%dma_wait3A_678, %dma_wait3A_679] : memref<20000x128xf32, #tpu.memory_space<hbm>> -> memref<20000x128xf32, #tpu.memory_space<hbm>>
      tpu.wait_indirect_dma semaphore(%arg19 : memref<!tpu.dma_semaphore, #tpu.memory_space<semaphore_mem>>) src(%dma_wait3A_680 : memref<20000x128xf32, #tpu.memory_space<hbm>>) dst(%dma_wait3A_677 : memref<80x128xf32, #tpu.memory_space<vmem>>)
      "tpu.region"() ({
        %run_scoped3A_692 = tpu.sem_alloc : memref<!tpu.dma_semaphore, #tpu.memory_space<semaphore_mem>>
        %dma_start3A_693 = arith.constant 0 : i32
        %dma_start3A_694 = arith.constant 0 : i32
        %dma_start3A_695 = tpu.memref_slice %arg16[%dma_start3A_693, %dma_start3A_694] : memref<160x128xf32, #tpu.memory_space<vmem>> -> memref<80x128xf32, #tpu.memory_space<vmem>>
        %dma_start3A_696 = arith.constant 0 : i32
        %dma_start3A_697 = arith.constant 0 : i32
        %dma_start3A_698 = tpu.memref_slice %arg7[%dma_start3A_696, %dma_start3A_697] : memref<5248x128xf32, #tpu.memory_space<vmem_shared>> -> memref<5248x128xf32, #tpu.memory_space<vmem_shared>>
        tpu.enqueue_indirect_dma source(%dma_start3A_695 : memref<80x128xf32, #tpu.memory_space<vmem>>) target(%dma_start3A_698 : memref<5248x128xf32, #tpu.memory_space<vmem_shared>>) offsets(%arg14 : memref<80xi32, #tpu.memory_space<vmem>>) semaphore(%run_scoped3A_692 : memref<!tpu.dma_semaphore, #tpu.memory_space<semaphore_mem>>) {add = true}
        %dma_wait3A_699 = arith.constant 0 : i32
        %dma_wait3A_700 = arith.constant 0 : i32
        %dma_wait3A_701 = tpu.memref_slice %arg16[%dma_wait3A_699, %dma_wait3A_700] : memref<160x128xf32, #tpu.memory_space<vmem>> -> memref<80x128xf32, #tpu.memory_space<vmem>>
        %dma_wait3A_702 = arith.constant 0 : i32
        %dma_wait3A_703 = arith.constant 0 : i32
        %dma_wait3A_704 = tpu.memref_slice %arg7[%dma_wait3A_702, %dma_wait3A_703] : memref<5248x128xf32, #tpu.memory_space<vmem_shared>> -> memref<5248x128xf32, #tpu.memory_space<vmem_shared>>
        tpu.wait_indirect_dma semaphore(%run_scoped3A_692 : memref<!tpu.dma_semaphore, #tpu.memory_space<semaphore_mem>>) src(%dma_wait3A_701 : memref<80x128xf32, #tpu.memory_space<vmem>>) dst(%dma_wait3A_704 : memref<5248x128xf32, #tpu.memory_space<vmem_shared>>)
        tpu.yield
      }) : () -> ()
      %lt3A_681 = arith.constant 124 : i32
      %lt3A_682 = arith.cmpi slt, %scan3A_486, %lt3A_681 : i32
      %convert_element_type3A_683 = arith.extui %lt3A_682 : i1 to i32
      %cond3A_684 = arith.constant 0 : i32
      %cond3A_685 = arith.cmpi ne, %convert_element_type3A_683, %cond3A_684 : i32
      scf.if %cond3A_685 {
        %add3A_692 = arith.constant 2 : i32
        %add3A_693 = arith.addi %mul3A_488, %add3A_692 : i32
        %mul3A_694 = arith.constant 80 : i32
        %mul3A_695 = arith.muli %add3A_693, %mul3A_694 : i32
        %add3A_696 = arith.addi %mul3A_254, %mul3A_695 : i32
        %dma_wait3A_697 = arith.constant 0 : i32
        %dma_wait3A_698 = tpu.memref_slice %arg8[%dma_wait3A_697] : memref<80xi32, #tpu.memory_space<vmem>> -> memref<80xi32, #tpu.memory_space<vmem>>
        %dma_wait3A_699 = tpu.memref_slice %arg3[%add3A_696] : memref<320000xi32, #tpu.memory_space<hbm>> -> memref<80xi32, #tpu.memory_space<hbm>>
        %dma_wait3A_700 = arith.constant 0 : i32
        %dma_wait3A_701 = tpu.memref_slice %arg8[%dma_wait3A_700] : memref<80xi32, #tpu.memory_space<vmem>> -> memref<80xi32, #tpu.memory_space<vmem>>
        %dma_wait3A_702 = tpu.memref_slice %arg3[%add3A_696] : memref<320000xi32, #tpu.memory_space<hbm>> -> memref<80xi32, #tpu.memory_space<hbm>>
        tpu.wait_dma2 semaphore(%arg17 : memref<!tpu.dma_semaphore, #tpu.memory_space<semaphore_mem>>) src(%dma_wait3A_702 : memref<80xi32, #tpu.memory_space<hbm>>) dst(%dma_wait3A_701 : memref<80xi32, #tpu.memory_space<vmem>>)
        %dma_wait3A_703 = arith.constant 0 : i32
        %dma_wait3A_704 = tpu.memref_slice %arg10[%dma_wait3A_703] : memref<80xi32, #tpu.memory_space<vmem>> -> memref<80xi32, #tpu.memory_space<vmem>>
        %dma_wait3A_705 = tpu.memref_slice %arg4[%add3A_696] : memref<320000xi32, #tpu.memory_space<hbm>> -> memref<80xi32, #tpu.memory_space<hbm>>
        %dma_wait3A_706 = arith.constant 0 : i32
        %dma_wait3A_707 = tpu.memref_slice %arg10[%dma_wait3A_706] : memref<80xi32, #tpu.memory_space<vmem>> -> memref<80xi32, #tpu.memory_space<vmem>>
        %dma_wait3A_708 = tpu.memref_slice %arg4[%add3A_696] : memref<320000xi32, #tpu.memory_space<hbm>> -> memref<80xi32, #tpu.memory_space<hbm>>
        tpu.wait_dma2 semaphore(%arg17 : memref<!tpu.dma_semaphore, #tpu.memory_space<semaphore_mem>>) src(%dma_wait3A_708 : memref<80xi32, #tpu.memory_space<hbm>>) dst(%dma_wait3A_707 : memref<80xi32, #tpu.memory_space<vmem>>)
        %get3A_709 = arith.constant 0 : index
        %get3A_710 = tpu.vector_load %arg8[%get3A_709] {strides = array<i32>} : memref<80xi32, #tpu.memory_space<vmem>>, vector<16xi32>,
        %get3A_711 = vector.shape_cast %get3A_710 : vector<16xi32> to vector<16xi32>
        %mul3A_712 = arith.constant 2 : i32
        %mul3A_713 = vector.broadcast %mul3A_712 : i32 to vector<16xi32>
        %mul3A_714 = arith.muli %get3A_711, %mul3A_713 : vector<16xi32>
        %add3A_715 = arith.constant 1 : i32
        %add3A_716 = vector.broadcast %add3A_715 : i32 to vector<16xi32>
        %add3A_717 = arith.addi %mul3A_714, %add3A_716 : vector<16xi32>
        %swap3A_718 = arith.constant 0 : index
        %swap3A_719 = tpu.vector_load %arg12[%swap3A_718] {strides = array<i32>} : memref<80xi32, #tpu.memory_space<vmem>>, vector<16xi32>,
        %swap3A_720 = vector.shape_cast %swap3A_719 : vector<16xi32> to vector<16xi32>
        %swap3A_721 = vector.shape_cast %add3A_717 : vector<16xi32> to vector<16xi32>
        tpu.vector_store %arg12[%swap3A_718], %swap3A_721 {strides = array<i32>} : memref<80xi32, #tpu.memory_space<vmem>>, vector<16xi32>,
        %get3A_722 = arith.constant 0 : index
        %get3A_723 = tpu.vector_load %arg10[%get3A_722] {strides = array<i32>} : memref<80xi32, #tpu.memory_space<vmem>>, vector<16xi32>,
        %get3A_724 = vector.shape_cast %get3A_723 : vector<16xi32> to vector<16xi32>
        %sub3A_725 = vector.broadcast %mul3A_0 : i32 to vector<16xi32>
        %sub3A_726 = arith.subi %get3A_724, %sub3A_725 : vector<16xi32>
        %lt3A_727 = arith.constant 0 : i32
        %lt3A_728 = vector.broadcast %lt3A_727 : i32 to vector<16xi32>
        %lt3A_729 = arith.cmpi slt, %sub3A_726, %lt3A_728 : vector<16xi32>
        %ge3A_730 = arith.constant 5120 : i32
        %ge3A_731 = vector.broadcast %ge3A_730 : i32 to vector<16xi32>
        %ge3A_732 = arith.cmpi sge, %sub3A_726, %ge3A_731 : vector<16xi32>
        %or3A_733 = arith.ori %lt3A_729, %ge3A_732 : vector<16xi1>
        %jit3A_734 = arith.constant 5120 : i32
        %broadcast_in_dim3A_735 = vector.broadcast %jit3A_734 : i32 to vector<16xi32>
        %select_n3A_736 = arith.select %or3A_733, %broadcast_in_dim3A_735, %sub3A_726 : vector<16xi1>, vector<16xi32>
        %swap3A_737 = arith.constant 0 : index
        %swap3A_738 = tpu.vector_load %arg14[%swap3A_737] {strides = array<i32>} : memref<80xi32, #tpu.memory_space<vmem>>, vector<16xi32>,
        %swap3A_739 = vector.shape_cast %swap3A_738 : vector<16xi32> to vector<16xi32>
        %swap3A_740 = vector.shape_cast %select_n3A_736 : vector<16xi32> to vector<16xi32>
        tpu.vector_store %arg14[%swap3A_737], %swap3A_740 {strides = array<i32>} : memref<80xi32, #tpu.memory_space<vmem>>, vector<16xi32>,
        %get3A_741 = arith.constant 16 : index
        %get3A_742 = tpu.vector_load %arg8[%get3A_741] {strides = array<i32>} : memref<80xi32, #tpu.memory_space<vmem>>, vector<16xi32>,
        %get3A_743 = vector.shape_cast %get3A_742 : vector<16xi32> to vector<16xi32>
        %mul3A_744 = arith.constant 2 : i32
        %mul3A_745 = vector.broadcast %mul3A_744 : i32 to vector<16xi32>
        %mul3A_746 = arith.muli %get3A_743, %mul3A_745 : vector<16xi32>
        %add3A_747 = arith.constant 1 : i32
        %add3A_748 = vector.broadcast %add3A_747 : i32 to vector<16xi32>
        %add3A_749 = arith.addi %mul3A_746, %add3A_748 : vector<16xi32>
        %swap3A_750 = arith.constant 16 : index
        %swap3A_751 = tpu.vector_load %arg12[%swap3A_750] {strides = array<i32>} : memref<80xi32, #tpu.memory_space<vmem>>, vector<16xi32>,
        %swap3A_752 = vector.shape_cast %swap3A_751 : vector<16xi32> to vector<16xi32>
        %swap3A_753 = vector.shape_cast %add3A_749 : vector<16xi32> to vector<16xi32>
        tpu.vector_store %arg12[%swap3A_750], %swap3A_753 {strides = array<i32>} : memref<80xi32, #tpu.memory_space<vmem>>, vector<16xi32>,
        %get3A_754 = arith.constant 16 : index
        %get3A_755 = tpu.vector_load %arg10[%get3A_754] {strides = array<i32>} : memref<80xi32, #tpu.memory_space<vmem>>, vector<16xi32>,
        %get3A_756 = vector.shape_cast %get3A_755 : vector<16xi32> to vector<16xi32>
        %sub3A_757 = vector.broadcast %mul3A_0 : i32 to vector<16xi32>
        %sub3A_758 = arith.subi %get3A_756, %sub3A_757 : vector<16xi32>
        %lt3A_759 = arith.constant 0 : i32
        %lt3A_760 = vector.broadcast %lt3A_759 : i32 to vector<16xi32>
        %lt3A_761 = arith.cmpi slt, %sub3A_758, %lt3A_760 : vector<16xi32>
        %ge3A_762 = arith.constant 5120 : i32
        %ge3A_763 = vector.broadcast %ge3A_762 : i32 to vector<16xi32>
        %ge3A_764 = arith.cmpi sge, %sub3A_758, %ge3A_763 : vector<16xi32>
        %or3A_765 = arith.ori %lt3A_761, %ge3A_764 : vector<16xi1>
        %jit3A_766 = arith.constant 5120 : i32
        %broadcast_in_dim3A_767 = vector.broadcast %jit3A_766 : i32 to vector<16xi32>
        %select_n3A_768 = arith.select %or3A_765, %broadcast_in_dim3A_767, %sub3A_758 : vector<16xi1>, vector<16xi32>
        %swap3A_769 = arith.constant 16 : index
        %swap3A_770 = tpu.vector_load %arg14[%swap3A_769] {strides = array<i32>} : memref<80xi32, #tpu.memory_space<vmem>>, vector<16xi32>,
        %swap3A_771 = vector.shape_cast %swap3A_770 : vector<16xi32> to vector<16xi32>
        %swap3A_772 = vector.shape_cast %select_n3A_768 : vector<16xi32> to vector<16xi32>
        tpu.vector_store %arg14[%swap3A_769], %swap3A_772 {strides = array<i32>} : memref<80xi32, #tpu.memory_space<vmem>>, vector<16xi32>,
        %get3A_773 = arith.constant 32 : index
        %get3A_774 = tpu.vector_load %arg8[%get3A_773] {strides = array<i32>} : memref<80xi32, #tpu.memory_space<vmem>>, vector<16xi32>,
        %get3A_775 = vector.shape_cast %get3A_774 : vector<16xi32> to vector<16xi32>
        %mul3A_776 = arith.constant 2 : i32
        %mul3A_777 = vector.broadcast %mul3A_776 : i32 to vector<16xi32>
        %mul3A_778 = arith.muli %get3A_775, %mul3A_777 : vector<16xi32>
        %add3A_779 = arith.constant 1 : i32
        %add3A_780 = vector.broadcast %add3A_779 : i32 to vector<16xi32>
        %add3A_781 = arith.addi %mul3A_778, %add3A_780 : vector<16xi32>
        %swap3A_782 = arith.constant 32 : index
        %swap3A_783 = tpu.vector_load %arg12[%swap3A_782] {strides = array<i32>} : memref<80xi32, #tpu.memory_space<vmem>>, vector<16xi32>,
        %swap3A_784 = vector.shape_cast %swap3A_783 : vector<16xi32> to vector<16xi32>
        %swap3A_785 = vector.shape_cast %add3A_781 : vector<16xi32> to vector<16xi32>
        tpu.vector_store %arg12[%swap3A_782], %swap3A_785 {strides = array<i32>} : memref<80xi32, #tpu.memory_space<vmem>>, vector<16xi32>,
        %get3A_786 = arith.constant 32 : index
        %get3A_787 = tpu.vector_load %arg10[%get3A_786] {strides = array<i32>} : memref<80xi32, #tpu.memory_space<vmem>>, vector<16xi32>,
        %get3A_788 = vector.shape_cast %get3A_787 : vector<16xi32> to vector<16xi32>
        %sub3A_789 = vector.broadcast %mul3A_0 : i32 to vector<16xi32>
        %sub3A_790 = arith.subi %get3A_788, %sub3A_789 : vector<16xi32>
        %lt3A_791 = arith.constant 0 : i32
        %lt3A_792 = vector.broadcast %lt3A_791 : i32 to vector<16xi32>
        %lt3A_793 = arith.cmpi slt, %sub3A_790, %lt3A_792 : vector<16xi32>
        %ge3A_794 = arith.constant 5120 : i32
        %ge3A_795 = vector.broadcast %ge3A_794 : i32 to vector<16xi32>
        %ge3A_796 = arith.cmpi sge, %sub3A_790, %ge3A_795 : vector<16xi32>
        %or3A_797 = arith.ori %lt3A_793, %ge3A_796 : vector<16xi1>
        %jit3A_798 = arith.constant 5120 : i32
        %broadcast_in_dim3A_799 = vector.broadcast %jit3A_798 : i32 to vector<16xi32>
        %select_n3A_800 = arith.select %or3A_797, %broadcast_in_dim3A_799, %sub3A_790 : vector<16xi1>, vector<16xi32>
        %swap3A_801 = arith.constant 32 : index
        %swap3A_802 = tpu.vector_load %arg14[%swap3A_801] {strides = array<i32>} : memref<80xi32, #tpu.memory_space<vmem>>, vector<16xi32>,
        %swap3A_803 = vector.shape_cast %swap3A_802 : vector<16xi32> to vector<16xi32>
        %swap3A_804 = vector.shape_cast %select_n3A_800 : vector<16xi32> to vector<16xi32>
        tpu.vector_store %arg14[%swap3A_801], %swap3A_804 {strides = array<i32>} : memref<80xi32, #tpu.memory_space<vmem>>, vector<16xi32>,
        %get3A_805 = arith.constant 48 : index
        %get3A_806 = tpu.vector_load %arg8[%get3A_805] {strides = array<i32>} : memref<80xi32, #tpu.memory_space<vmem>>, vector<16xi32>,
        %get3A_807 = vector.shape_cast %get3A_806 : vector<16xi32> to vector<16xi32>
        %mul3A_808 = arith.constant 2 : i32
        %mul3A_809 = vector.broadcast %mul3A_808 : i32 to vector<16xi32>
        %mul3A_810 = arith.muli %get3A_807, %mul3A_809 : vector<16xi32>
        %add3A_811 = arith.constant 1 : i32
        %add3A_812 = vector.broadcast %add3A_811 : i32 to vector<16xi32>
        %add3A_813 = arith.addi %mul3A_810, %add3A_812 : vector<16xi32>
        %swap3A_814 = arith.constant 48 : index
        %swap3A_815 = tpu.vector_load %arg12[%swap3A_814] {strides = array<i32>} : memref<80xi32, #tpu.memory_space<vmem>>, vector<16xi32>,
        %swap3A_816 = vector.shape_cast %swap3A_815 : vector<16xi32> to vector<16xi32>
        %swap3A_817 = vector.shape_cast %add3A_813 : vector<16xi32> to vector<16xi32>
        tpu.vector_store %arg12[%swap3A_814], %swap3A_817 {strides = array<i32>} : memref<80xi32, #tpu.memory_space<vmem>>, vector<16xi32>,
        %get3A_818 = arith.constant 48 : index
        %get3A_819 = tpu.vector_load %arg10[%get3A_818] {strides = array<i32>} : memref<80xi32, #tpu.memory_space<vmem>>, vector<16xi32>,
        %get3A_820 = vector.shape_cast %get3A_819 : vector<16xi32> to vector<16xi32>
        %sub3A_821 = vector.broadcast %mul3A_0 : i32 to vector<16xi32>
        %sub3A_822 = arith.subi %get3A_820, %sub3A_821 : vector<16xi32>
        %lt3A_823 = arith.constant 0 : i32
        %lt3A_824 = vector.broadcast %lt3A_823 : i32 to vector<16xi32>
        %lt3A_825 = arith.cmpi slt, %sub3A_822, %lt3A_824 : vector<16xi32>
        %ge3A_826 = arith.constant 5120 : i32
        %ge3A_827 = vector.broadcast %ge3A_826 : i32 to vector<16xi32>
        %ge3A_828 = arith.cmpi sge, %sub3A_822, %ge3A_827 : vector<16xi32>
        %or3A_829 = arith.ori %lt3A_825, %ge3A_828 : vector<16xi1>
        %jit3A_830 = arith.constant 5120 : i32
        %broadcast_in_dim3A_831 = vector.broadcast %jit3A_830 : i32 to vector<16xi32>
        %select_n3A_832 = arith.select %or3A_829, %broadcast_in_dim3A_831, %sub3A_822 : vector<16xi1>, vector<16xi32>
        %swap3A_833 = arith.constant 48 : index
        %swap3A_834 = tpu.vector_load %arg14[%swap3A_833] {strides = array<i32>} : memref<80xi32, #tpu.memory_space<vmem>>, vector<16xi32>,
        %swap3A_835 = vector.shape_cast %swap3A_834 : vector<16xi32> to vector<16xi32>
        %swap3A_836 = vector.shape_cast %select_n3A_832 : vector<16xi32> to vector<16xi32>
        tpu.vector_store %arg14[%swap3A_833], %swap3A_836 {strides = array<i32>} : memref<80xi32, #tpu.memory_space<vmem>>, vector<16xi32>,
        %get3A_837 = arith.constant 64 : index
        %get3A_838 = tpu.vector_load %arg8[%get3A_837] {strides = array<i32>} : memref<80xi32, #tpu.memory_space<vmem>>, vector<16xi32>,
        %get3A_839 = vector.shape_cast %get3A_838 : vector<16xi32> to vector<16xi32>
        %mul3A_840 = arith.constant 2 : i32
        %mul3A_841 = vector.broadcast %mul3A_840 : i32 to vector<16xi32>
        %mul3A_842 = arith.muli %get3A_839, %mul3A_841 : vector<16xi32>
        %add3A_843 = arith.constant 1 : i32
        %add3A_844 = vector.broadcast %add3A_843 : i32 to vector<16xi32>
        %add3A_845 = arith.addi %mul3A_842, %add3A_844 : vector<16xi32>
        %swap3A_846 = arith.constant 64 : index
        %swap3A_847 = tpu.vector_load %arg12[%swap3A_846] {strides = array<i32>} : memref<80xi32, #tpu.memory_space<vmem>>, vector<16xi32>,
        %swap3A_848 = vector.shape_cast %swap3A_847 : vector<16xi32> to vector<16xi32>
        %swap3A_849 = vector.shape_cast %add3A_845 : vector<16xi32> to vector<16xi32>
        tpu.vector_store %arg12[%swap3A_846], %swap3A_849 {strides = array<i32>} : memref<80xi32, #tpu.memory_space<vmem>>, vector<16xi32>,
        %get3A_850 = arith.constant 64 : index
        %get3A_851 = tpu.vector_load %arg10[%get3A_850] {strides = array<i32>} : memref<80xi32, #tpu.memory_space<vmem>>, vector<16xi32>,
        %get3A_852 = vector.shape_cast %get3A_851 : vector<16xi32> to vector<16xi32>
        %sub3A_853 = vector.broadcast %mul3A_0 : i32 to vector<16xi32>
        %sub3A_854 = arith.subi %get3A_852, %sub3A_853 : vector<16xi32>
        %lt3A_855 = arith.constant 0 : i32
        %lt3A_856 = vector.broadcast %lt3A_855 : i32 to vector<16xi32>
        %lt3A_857 = arith.cmpi slt, %sub3A_854, %lt3A_856 : vector<16xi32>
        %ge3A_858 = arith.constant 5120 : i32
        %ge3A_859 = vector.broadcast %ge3A_858 : i32 to vector<16xi32>
        %ge3A_860 = arith.cmpi sge, %sub3A_854, %ge3A_859 : vector<16xi32>
        %or3A_861 = arith.ori %lt3A_857, %ge3A_860 : vector<16xi1>
        %jit3A_862 = arith.constant 5120 : i32
        %broadcast_in_dim3A_863 = vector.broadcast %jit3A_862 : i32 to vector<16xi32>
        %select_n3A_864 = arith.select %or3A_861, %broadcast_in_dim3A_863, %sub3A_854 : vector<16xi1>, vector<16xi32>
        %swap3A_865 = arith.constant 64 : index
        %swap3A_866 = tpu.vector_load %arg14[%swap3A_865] {strides = array<i32>} : memref<80xi32, #tpu.memory_space<vmem>>, vector<16xi32>,
        %swap3A_867 = vector.shape_cast %swap3A_866 : vector<16xi32> to vector<16xi32>
        %swap3A_868 = vector.shape_cast %select_n3A_864 : vector<16xi32> to vector<16xi32>
        tpu.vector_store %arg14[%swap3A_865], %swap3A_868 {strides = array<i32>} : memref<80xi32, #tpu.memory_space<vmem>>, vector<16xi32>,
        %dma_start3A_869 = arith.constant 0 : i32
        %dma_start3A_870 = arith.constant 0 : i32
        %dma_start3A_871 = tpu.memref_slice %arg16[%dma_start3A_869, %dma_start3A_870] : memref<160x128xf32, #tpu.memory_space<vmem>> -> memref<80x128xf32, #tpu.memory_space<vmem>>
        %dma_start3A_872 = arith.constant 0 : i32
        %dma_start3A_873 = arith.constant 0 : i32
        %dma_start3A_874 = tpu.memref_slice %arg2[%dma_start3A_872, %dma_start3A_873] : memref<20000x128xf32, #tpu.memory_space<hbm>> -> memref<20000x128xf32, #tpu.memory_space<hbm>>
        tpu.enqueue_indirect_dma source(%dma_start3A_874 : memref<20000x128xf32, #tpu.memory_space<hbm>>) target(%dma_start3A_871 : memref<80x128xf32, #tpu.memory_space<vmem>>) offsets(%arg12 : memref<80xi32, #tpu.memory_space<vmem>>) semaphore(%arg19 : memref<!tpu.dma_semaphore, #tpu.memory_space<semaphore_mem>>)
        %add3A_875 = arith.constant 3 : i32
        %add3A_876 = arith.addi %mul3A_488, %add3A_875 : i32
        %mul3A_877 = arith.constant 80 : i32
        %mul3A_878 = arith.muli %add3A_876, %mul3A_877 : i32
        %add3A_879 = arith.addi %mul3A_254, %mul3A_878 : i32
        %dma_start3A_880 = arith.constant 0 : i32
        %dma_start3A_881 = tpu.memref_slice %arg9[%dma_start3A_880] : memref<80xi32, #tpu.memory_space<vmem>> -> memref<80xi32, #tpu.memory_space<vmem>>
        %dma_start3A_882 = tpu.memref_slice %arg3[%add3A_879] : memref<320000xi32, #tpu.memory_space<hbm>> -> memref<80xi32, #tpu.memory_space<hbm>>
        %dma_start3A_883 = arith.constant 0 : i32
        %dma_start3A_884 = tpu.memref_slice %arg9[%dma_start3A_883] : memref<80xi32, #tpu.memory_space<vmem>> -> memref<80xi32, #tpu.memory_space<vmem>>
        %dma_start3A_885 = tpu.memref_slice %arg3[%add3A_879] : memref<320000xi32, #tpu.memory_space<hbm>> -> memref<80xi32, #tpu.memory_space<hbm>>
        tpu.enqueue_dma source(%dma_start3A_885 : memref<80xi32, #tpu.memory_space<hbm>>) target(%dma_start3A_884 : memref<80xi32, #tpu.memory_space<vmem>>) target_semaphore(%arg18 : memref<!tpu.dma_semaphore, #tpu.memory_space<semaphore_mem>>)
        %dma_start3A_886 = arith.constant 0 : i32
        %dma_start3A_887 = tpu.memref_slice %arg11[%dma_start3A_886] : memref<80xi32, #tpu.memory_space<vmem>> -> memref<80xi32, #tpu.memory_space<vmem>>
        %dma_start3A_888 = tpu.memref_slice %arg4[%add3A_879] : memref<320000xi32, #tpu.memory_space<hbm>> -> memref<80xi32, #tpu.memory_space<hbm>>
        %dma_start3A_889 = arith.constant 0 : i32
        %dma_start3A_890 = tpu.memref_slice %arg11[%dma_start3A_889] : memref<80xi32, #tpu.memory_space<vmem>> -> memref<80xi32, #tpu.memory_space<vmem>>
        %dma_start3A_891 = tpu.memref_slice %arg4[%add3A_879] : memref<320000xi32, #tpu.memory_space<hbm>> -> memref<80xi32, #tpu.memory_space<hbm>>
        tpu.enqueue_dma source(%dma_start3A_891 : memref<80xi32, #tpu.memory_space<hbm>>) target(%dma_start3A_890 : memref<80xi32, #tpu.memory_space<vmem>>) target_semaphore(%arg18 : memref<!tpu.dma_semaphore, #tpu.memory_space<semaphore_mem>>)
      } else {
      }
      %dma_wait3A_686 = arith.constant 80 : i32
      %dma_wait3A_687 = arith.constant 0 : i32
      %dma_wait3A_688 = tpu.memref_slice %arg16[%dma_wait3A_686, %dma_wait3A_687] : memref<160x128xf32, #tpu.memory_space<vmem>> -> memref<80x128xf32, #tpu.memory_space<vmem>>
      %dma_wait3A_689 = arith.constant 0 : i32
      %dma_wait3A_690 = arith.constant 0 : i32
      %dma_wait3A_691 = tpu.memref_slice %arg2[%dma_wait3A_689, %dma_wait3A_690] : memref<20000x128xf32, #tpu.memory_space<hbm>> -> memref<20000x128xf32, #tpu.memory_space<hbm>>
      tpu.wait_indirect_dma semaphore(%arg20 : memref<!tpu.dma_semaphore, #tpu.memory_space<semaphore_mem>>) src(%dma_wait3A_691 : memref<20000x128xf32, #tpu.memory_space<hbm>>) dst(%dma_wait3A_688 : memref<80x128xf32, #tpu.memory_space<vmem>>)
      "tpu.region"() ({
        %run_scoped3A_692 = tpu.sem_alloc : memref<!tpu.dma_semaphore, #tpu.memory_space<semaphore_mem>>
        %dma_start3A_693 = arith.constant 80 : i32
        %dma_start3A_694 = arith.constant 0 : i32
        %dma_start3A_695 = tpu.memref_slice %arg16[%dma_start3A_693, %dma_start3A_694] : memref<160x128xf32, #tpu.memory_space<vmem>> -> memref<80x128xf32, #tpu.memory_space<vmem>>
        %dma_start3A_696 = arith.constant 0 : i32
        %dma_start3A_697 = arith.constant 0 : i32
        %dma_start3A_698 = tpu.memref_slice %arg7[%dma_start3A_696, %dma_start3A_697] : memref<5248x128xf32, #tpu.memory_space<vmem_shared>> -> memref<5248x128xf32, #tpu.memory_space<vmem_shared>>
        tpu.enqueue_indirect_dma source(%dma_start3A_695 : memref<80x128xf32, #tpu.memory_space<vmem>>) target(%dma_start3A_698 : memref<5248x128xf32, #tpu.memory_space<vmem_shared>>) offsets(%arg15 : memref<80xi32, #tpu.memory_space<vmem>>) semaphore(%run_scoped3A_692 : memref<!tpu.dma_semaphore, #tpu.memory_space<semaphore_mem>>) {add = true}
        %dma_wait3A_699 = arith.constant 80 : i32
        %dma_wait3A_700 = arith.constant 0 : i32
        %dma_wait3A_701 = tpu.memref_slice %arg16[%dma_wait3A_699, %dma_wait3A_700] : memref<160x128xf32, #tpu.memory_space<vmem>> -> memref<80x128xf32, #tpu.memory_space<vmem>>
        %dma_wait3A_702 = arith.constant 0 : i32
        %dma_wait3A_703 = arith.constant 0 : i32
        %dma_wait3A_704 = tpu.memref_slice %arg7[%dma_wait3A_702, %dma_wait3A_703] : memref<5248x128xf32, #tpu.memory_space<vmem_shared>> -> memref<5248x128xf32, #tpu.memory_space<vmem_shared>>
        tpu.wait_indirect_dma semaphore(%run_scoped3A_692 : memref<!tpu.dma_semaphore, #tpu.memory_space<semaphore_mem>>) src(%dma_wait3A_701 : memref<80x128xf32, #tpu.memory_space<vmem>>) dst(%dma_wait3A_704 : memref<5248x128xf32, #tpu.memory_space<vmem_shared>>)
        tpu.yield
      }) : () -> ()
    }
    %scan3A_468 = arith.constant 125 : i32
    %barrier3A_469 = arith.constant 0 : index
    tpu.barrier barrier_id(%barrier3A_469)
    %mul3A_470 = arith.constant 320 : i32
    %mul3A_471 = arith.muli %arg1, %mul3A_470 : i32
    %mul3A_472 = arith.constant 320 : i32
    %mul3A_473 = arith.muli %arg1, %mul3A_472 : i32
    %add3A_474 = arith.addi %mul3A_0, %mul3A_473 : i32
    %add3A_475 = arith.constant 0 : i32
    %add3A_476 = arith.addi %mul3A_471, %add3A_475 : i32
    "tpu.region"() ({
      %run_scoped3A_486 = tpu.sem_alloc : memref<!tpu.dma_semaphore, #tpu.memory_space<semaphore_mem>>
      %dma_start3A_487 = arith.constant 0 : i32
      %dma_start3A_488 = arith.constant 0 : i32
      %dma_start3A_489 = tpu.memref_slice %arg16[%dma_start3A_487, %dma_start3A_488] : memref<160x128xf32, #tpu.memory_space<vmem>> -> memref<160x128xf32, #tpu.memory_space<vmem>>
      %dma_start3A_490 = arith.constant 0 : i32
      %dma_start3A_491 = tpu.memref_slice %arg7[%add3A_476, %dma_start3A_490] : memref<5248x128xf32, #tpu.memory_space<vmem_shared>> -> memref<160x128xf32, #tpu.memory_space<vmem_shared>>
      %dma_start3A_492 = arith.constant 0 : i32
      %dma_start3A_493 = arith.constant 0 : i32
      %dma_start3A_494 = tpu.memref_slice %arg16[%dma_start3A_492, %dma_start3A_493] : memref<160x128xf32, #tpu.memory_space<vmem>> -> memref<160x128xf32, #tpu.memory_space<vmem>>
      %dma_start3A_495 = arith.constant 0 : i32
      %dma_start3A_496 = tpu.memref_slice %arg7[%add3A_476, %dma_start3A_495] : memref<5248x128xf32, #tpu.memory_space<vmem_shared>> -> memref<160x128xf32, #tpu.memory_space<vmem_shared>>
      tpu.enqueue_dma source(%dma_start3A_496 : memref<160x128xf32, #tpu.memory_space<vmem_shared>>) target(%dma_start3A_494 : memref<160x128xf32, #tpu.memory_space<vmem>>) target_semaphore(%run_scoped3A_486 : memref<!tpu.dma_semaphore, #tpu.memory_space<semaphore_mem>>)
      %dma_wait3A_497 = arith.constant 0 : i32
      %dma_wait3A_498 = arith.constant 0 : i32
      %dma_wait3A_499 = tpu.memref_slice %arg16[%dma_wait3A_497, %dma_wait3A_498] : memref<160x128xf32, #tpu.memory_space<vmem>> -> memref<160x128xf32, #tpu.memory_space<vmem>>
      %dma_wait3A_500 = arith.constant 0 : i32
      %dma_wait3A_501 = tpu.memref_slice %arg7[%add3A_476, %dma_wait3A_500] : memref<5248x128xf32, #tpu.memory_space<vmem_shared>> -> memref<160x128xf32, #tpu.memory_space<vmem_shared>>
      %dma_wait3A_502 = arith.constant 0 : i32
      %dma_wait3A_503 = arith.constant 0 : i32
      %dma_wait3A_504 = tpu.memref_slice %arg16[%dma_wait3A_502, %dma_wait3A_503] : memref<160x128xf32, #tpu.memory_space<vmem>> -> memref<160x128xf32, #tpu.memory_space<vmem>>
      %dma_wait3A_505 = arith.constant 0 : i32
      %dma_wait3A_506 = tpu.memref_slice %arg7[%add3A_476, %dma_wait3A_505] : memref<5248x128xf32, #tpu.memory_space<vmem_shared>> -> memref<160x128xf32, #tpu.memory_space<vmem_shared>>
      tpu.wait_dma2 semaphore(%run_scoped3A_486 : memref<!tpu.dma_semaphore, #tpu.memory_space<semaphore_mem>>) src(%dma_wait3A_506 : memref<160x128xf32, #tpu.memory_space<vmem_shared>>) dst(%dma_wait3A_504 : memref<160x128xf32, #tpu.memory_space<vmem>>)
      tpu.yield
    }) : () -> ()
    %add3A_477 = arith.constant 0 : i32
    %add3A_478 = arith.addi %add3A_474, %add3A_477 : i32
    %run_scoped3A_479 = arith.constant 1 : i32
    "tpu.region"() ({
      %run_scoped3A_486 = tpu.sem_alloc : memref<!tpu.dma_semaphore, #tpu.memory_space<semaphore_mem>>
      %dma_start3A_487 = arith.constant 0 : i32
      %dma_start3A_488 = arith.constant 0 : i32
      %dma_start3A_489 = tpu.memref_slice %arg16[%dma_start3A_487, %dma_start3A_488] : memref<160x128xf32, #tpu.memory_space<vmem>> -> memref<160x128xf32, #tpu.memory_space<vmem>>
      %dma_start3A_490 = arith.constant 0 : i32
      %dma_start3A_491 = arith.constant 0 : i32
      %dma_start3A_492 = tpu.memref_slice %arg6[%run_scoped3A_479, %dma_start3A_490, %dma_start3A_491] : memref<2x10240x128xf32, #tpu.memory_space<hbm>> -> memref<1x10240x128xf32, #tpu.memory_space<hbm>>
      %dma_start3A_493 = tpu.memref_squeeze %dma_start3A_492 : memref<1x10240x128xf32, #tpu.memory_space<hbm>> -> memref<10240x128xf32, #tpu.memory_space<hbm>>
      %dma_start3A_494 = arith.constant 0 : i32
      %dma_start3A_495 = tpu.memref_slice %dma_start3A_493[%add3A_478, %dma_start3A_494] : memref<10240x128xf32, #tpu.memory_space<hbm>> -> memref<160x128xf32, #tpu.memory_space<hbm>>
      %dma_start3A_496 = arith.constant 0 : i32
      %dma_start3A_497 = arith.constant 0 : i32
      %dma_start3A_498 = tpu.memref_slice %arg6[%run_scoped3A_479, %dma_start3A_496, %dma_start3A_497] : memref<2x10240x128xf32, #tpu.memory_space<hbm>> -> memref<1x10240x128xf32, #tpu.memory_space<hbm>>
      %dma_start3A_499 = tpu.memref_squeeze %dma_start3A_498 : memref<1x10240x128xf32, #tpu.memory_space<hbm>> -> memref<10240x128xf32, #tpu.memory_space<hbm>>
      %dma_start3A_500 = arith.constant 0 : i32
      %dma_start3A_501 = tpu.memref_slice %dma_start3A_499[%add3A_478, %dma_start3A_500] : memref<10240x128xf32, #tpu.memory_space<hbm>> -> memref<160x128xf32, #tpu.memory_space<hbm>>
      %dma_start3A_502 = arith.constant 0 : i32
      %dma_start3A_503 = arith.constant 0 : i32
      %dma_start3A_504 = tpu.memref_slice %arg16[%dma_start3A_502, %dma_start3A_503] : memref<160x128xf32, #tpu.memory_space<vmem>> -> memref<160x128xf32, #tpu.memory_space<vmem>>
      tpu.enqueue_dma source(%dma_start3A_504 : memref<160x128xf32, #tpu.memory_space<vmem>>) target(%dma_start3A_501 : memref<160x128xf32, #tpu.memory_space<hbm>>) target_semaphore(%run_scoped3A_486 : memref<!tpu.dma_semaphore, #tpu.memory_space<semaphore_mem>>)
      %dma_wait3A_505 = arith.constant 0 : i32
      %dma_wait3A_506 = arith.constant 0 : i32
      %dma_wait3A_507 = tpu.memref_slice %arg16[%dma_wait3A_505, %dma_wait3A_506] : memref<160x128xf32, #tpu.memory_space<vmem>> -> memref<160x128xf32, #tpu.memory_space<vmem>>
      %dma_wait3A_508 = arith.constant 0 : i32
      %dma_wait3A_509 = arith.constant 0 : i32
      %dma_wait3A_510 = tpu.memref_slice %arg6[%run_scoped3A_479, %dma_wait3A_508, %dma_wait3A_509] : memref<2x10240x128xf32, #tpu.memory_space<hbm>> -> memref<1x10240x128xf32, #tpu.memory_space<hbm>>
      %dma_wait3A_511 = tpu.memref_squeeze %dma_wait3A_510 : memref<1x10240x128xf32, #tpu.memory_space<hbm>> -> memref<10240x128xf32, #tpu.memory_space<hbm>>
      %dma_wait3A_512 = arith.constant 0 : i32
      %dma_wait3A_513 = tpu.memref_slice %dma_wait3A_511[%add3A_478, %dma_wait3A_512] : memref<10240x128xf32, #tpu.memory_space<hbm>> -> memref<160x128xf32, #tpu.memory_space<hbm>>
      %dma_wait3A_514 = arith.constant 0 : i32
      %dma_wait3A_515 = arith.constant 0 : i32
      %dma_wait3A_516 = tpu.memref_slice %arg6[%run_scoped3A_479, %dma_wait3A_514, %dma_wait3A_515] : memref<2x10240x128xf32, #tpu.memory_space<hbm>> -> memref<1x10240x128xf32, #tpu.memory_space<hbm>>
      %dma_wait3A_517 = tpu.memref_squeeze %dma_wait3A_516 : memref<1x10240x128xf32, #tpu.memory_space<hbm>> -> memref<10240x128xf32, #tpu.memory_space<hbm>>
      %dma_wait3A_518 = arith.constant 0 : i32
      %dma_wait3A_519 = tpu.memref_slice %dma_wait3A_517[%add3A_478, %dma_wait3A_518] : memref<10240x128xf32, #tpu.memory_space<hbm>> -> memref<160x128xf32, #tpu.memory_space<hbm>>
      %dma_wait3A_520 = arith.constant 0 : i32
      %dma_wait3A_521 = arith.constant 0 : i32
      %dma_wait3A_522 = tpu.memref_slice %arg16[%dma_wait3A_520, %dma_wait3A_521] : memref<160x128xf32, #tpu.memory_space<vmem>> -> memref<160x128xf32, #tpu.memory_space<vmem>>
      tpu.wait_dma2 semaphore(%run_scoped3A_486 : memref<!tpu.dma_semaphore, #tpu.memory_space<semaphore_mem>>) src(%dma_wait3A_522 : memref<160x128xf32, #tpu.memory_space<vmem>>) dst(%dma_wait3A_519 : memref<160x128xf32, #tpu.memory_space<hbm>>)
      tpu.yield
    }) : () -> ()
    %add3A_480 = arith.constant 160 : i32
    %add3A_481 = arith.addi %mul3A_471, %add3A_480 : i32
    "tpu.region"() ({
      %run_scoped3A_486 = tpu.sem_alloc : memref<!tpu.dma_semaphore, #tpu.memory_space<semaphore_mem>>
      %dma_start3A_487 = arith.constant 0 : i32
      %dma_start3A_488 = arith.constant 0 : i32
      %dma_start3A_489 = tpu.memref_slice %arg16[%dma_start3A_487, %dma_start3A_488] : memref<160x128xf32, #tpu.memory_space<vmem>> -> memref<160x128xf32, #tpu.memory_space<vmem>>
      %dma_start3A_490 = arith.constant 0 : i32
      %dma_start3A_491 = tpu.memref_slice %arg7[%add3A_481, %dma_start3A_490] : memref<5248x128xf32, #tpu.memory_space<vmem_shared>> -> memref<160x128xf32, #tpu.memory_space<vmem_shared>>
      %dma_start3A_492 = arith.constant 0 : i32
      %dma_start3A_493 = arith.constant 0 : i32
      %dma_start3A_494 = tpu.memref_slice %arg16[%dma_start3A_492, %dma_start3A_493] : memref<160x128xf32, #tpu.memory_space<vmem>> -> memref<160x128xf32, #tpu.memory_space<vmem>>
      %dma_start3A_495 = arith.constant 0 : i32
      %dma_start3A_496 = tpu.memref_slice %arg7[%add3A_481, %dma_start3A_495] : memref<5248x128xf32, #tpu.memory_space<vmem_shared>> -> memref<160x128xf32, #tpu.memory_space<vmem_shared>>
      tpu.enqueue_dma source(%dma_start3A_496 : memref<160x128xf32, #tpu.memory_space<vmem_shared>>) target(%dma_start3A_494 : memref<160x128xf32, #tpu.memory_space<vmem>>) target_semaphore(%run_scoped3A_486 : memref<!tpu.dma_semaphore, #tpu.memory_space<semaphore_mem>>)
      %dma_wait3A_497 = arith.constant 0 : i32
      %dma_wait3A_498 = arith.constant 0 : i32
      %dma_wait3A_499 = tpu.memref_slice %arg16[%dma_wait3A_497, %dma_wait3A_498] : memref<160x128xf32, #tpu.memory_space<vmem>> -> memref<160x128xf32, #tpu.memory_space<vmem>>
      %dma_wait3A_500 = arith.constant 0 : i32
      %dma_wait3A_501 = tpu.memref_slice %arg7[%add3A_481, %dma_wait3A_500] : memref<5248x128xf32, #tpu.memory_space<vmem_shared>> -> memref<160x128xf32, #tpu.memory_space<vmem_shared>>
      %dma_wait3A_502 = arith.constant 0 : i32
      %dma_wait3A_503 = arith.constant 0 : i32
      %dma_wait3A_504 = tpu.memref_slice %arg16[%dma_wait3A_502, %dma_wait3A_503] : memref<160x128xf32, #tpu.memory_space<vmem>> -> memref<160x128xf32, #tpu.memory_space<vmem>>
      %dma_wait3A_505 = arith.constant 0 : i32
      %dma_wait3A_506 = tpu.memref_slice %arg7[%add3A_481, %dma_wait3A_505] : memref<5248x128xf32, #tpu.memory_space<vmem_shared>> -> memref<160x128xf32, #tpu.memory_space<vmem_shared>>
      tpu.wait_dma2 semaphore(%run_scoped3A_486 : memref<!tpu.dma_semaphore, #tpu.memory_space<semaphore_mem>>) src(%dma_wait3A_506 : memref<160x128xf32, #tpu.memory_space<vmem_shared>>) dst(%dma_wait3A_504 : memref<160x128xf32, #tpu.memory_space<vmem>>)
      tpu.yield
    }) : () -> ()
    %add3A_482 = arith.constant 160 : i32
    %add3A_483 = arith.addi %add3A_474, %add3A_482 : i32
    %run_scoped3A_484 = arith.constant 1 : i32
    "tpu.region"() ({
      %run_scoped3A_486 = tpu.sem_alloc : memref<!tpu.dma_semaphore, #tpu.memory_space<semaphore_mem>>
      %dma_start3A_487 = arith.constant 0 : i32
      %dma_start3A_488 = arith.constant 0 : i32
      %dma_start3A_489 = tpu.memref_slice %arg16[%dma_start3A_487, %dma_start3A_488] : memref<160x128xf32, #tpu.memory_space<vmem>> -> memref<160x128xf32, #tpu.memory_space<vmem>>
      %dma_start3A_490 = arith.constant 0 : i32
      %dma_start3A_491 = arith.constant 0 : i32
      %dma_start3A_492 = tpu.memref_slice %arg6[%run_scoped3A_484, %dma_start3A_490, %dma_start3A_491] : memref<2x10240x128xf32, #tpu.memory_space<hbm>> -> memref<1x10240x128xf32, #tpu.memory_space<hbm>>
      %dma_start3A_493 = tpu.memref_squeeze %dma_start3A_492 : memref<1x10240x128xf32, #tpu.memory_space<hbm>> -> memref<10240x128xf32, #tpu.memory_space<hbm>>
      %dma_start3A_494 = arith.constant 0 : i32
      %dma_start3A_495 = tpu.memref_slice %dma_start3A_493[%add3A_483, %dma_start3A_494] : memref<10240x128xf32, #tpu.memory_space<hbm>> -> memref<160x128xf32, #tpu.memory_space<hbm>>
      %dma_start3A_496 = arith.constant 0 : i32
      %dma_start3A_497 = arith.constant 0 : i32
      %dma_start3A_498 = tpu.memref_slice %arg6[%run_scoped3A_484, %dma_start3A_496, %dma_start3A_497] : memref<2x10240x128xf32, #tpu.memory_space<hbm>> -> memref<1x10240x128xf32, #tpu.memory_space<hbm>>
      %dma_start3A_499 = tpu.memref_squeeze %dma_start3A_498 : memref<1x10240x128xf32, #tpu.memory_space<hbm>> -> memref<10240x128xf32, #tpu.memory_space<hbm>>
      %dma_start3A_500 = arith.constant 0 : i32
      %dma_start3A_501 = tpu.memref_slice %dma_start3A_499[%add3A_483, %dma_start3A_500] : memref<10240x128xf32, #tpu.memory_space<hbm>> -> memref<160x128xf32, #tpu.memory_space<hbm>>
      %dma_start3A_502 = arith.constant 0 : i32
      %dma_start3A_503 = arith.constant 0 : i32
      %dma_start3A_504 = tpu.memref_slice %arg16[%dma_start3A_502, %dma_start3A_503] : memref<160x128xf32, #tpu.memory_space<vmem>> -> memref<160x128xf32, #tpu.memory_space<vmem>>
      tpu.enqueue_dma source(%dma_start3A_504 : memref<160x128xf32, #tpu.memory_space<vmem>>) target(%dma_start3A_501 : memref<160x128xf32, #tpu.memory_space<hbm>>) target_semaphore(%run_scoped3A_486 : memref<!tpu.dma_semaphore, #tpu.memory_space<semaphore_mem>>)
      %dma_wait3A_505 = arith.constant 0 : i32
      %dma_wait3A_506 = arith.constant 0 : i32
      %dma_wait3A_507 = tpu.memref_slice %arg16[%dma_wait3A_505, %dma_wait3A_506] : memref<160x128xf32, #tpu.memory_space<vmem>> -> memref<160x128xf32, #tpu.memory_space<vmem>>
      %dma_wait3A_508 = arith.constant 0 : i32
      %dma_wait3A_509 = arith.constant 0 : i32
      %dma_wait3A_510 = tpu.memref_slice %arg6[%run_scoped3A_484, %dma_wait3A_508, %dma_wait3A_509] : memref<2x10240x128xf32, #tpu.memory_space<hbm>> -> memref<1x10240x128xf32, #tpu.memory_space<hbm>>
      %dma_wait3A_511 = tpu.memref_squeeze %dma_wait3A_510 : memref<1x10240x128xf32, #tpu.memory_space<hbm>> -> memref<10240x128xf32, #tpu.memory_space<hbm>>
      %dma_wait3A_512 = arith.constant 0 : i32
      %dma_wait3A_513 = tpu.memref_slice %dma_wait3A_511[%add3A_483, %dma_wait3A_512] : memref<10240x128xf32, #tpu.memory_space<hbm>> -> memref<160x128xf32, #tpu.memory_space<hbm>>
      %dma_wait3A_514 = arith.constant 0 : i32
      %dma_wait3A_515 = arith.constant 0 : i32
      %dma_wait3A_516 = tpu.memref_slice %arg6[%run_scoped3A_484, %dma_wait3A_514, %dma_wait3A_515] : memref<2x10240x128xf32, #tpu.memory_space<hbm>> -> memref<1x10240x128xf32, #tpu.memory_space<hbm>>
      %dma_wait3A_517 = tpu.memref_squeeze %dma_wait3A_516 : memref<1x10240x128xf32, #tpu.memory_space<hbm>> -> memref<10240x128xf32, #tpu.memory_space<hbm>>
      %dma_wait3A_518 = arith.constant 0 : i32
      %dma_wait3A_519 = tpu.memref_slice %dma_wait3A_517[%add3A_483, %dma_wait3A_518] : memref<10240x128xf32, #tpu.memory_space<hbm>> -> memref<160x128xf32, #tpu.memory_space<hbm>>
      %dma_wait3A_520 = arith.constant 0 : i32
      %dma_wait3A_521 = arith.constant 0 : i32
      %dma_wait3A_522 = tpu.memref_slice %arg16[%dma_wait3A_520, %dma_wait3A_521] : memref<160x128xf32, #tpu.memory_space<vmem>> -> memref<160x128xf32, #tpu.memory_space<vmem>>
      tpu.wait_dma2 semaphore(%run_scoped3A_486 : memref<!tpu.dma_semaphore, #tpu.memory_space<semaphore_mem>>) src(%dma_wait3A_522 : memref<160x128xf32, #tpu.memory_space<vmem>>) dst(%dma_wait3A_519 : memref<160x128xf32, #tpu.memory_space<hbm>>)
      tpu.yield
    }) : () -> ()
    %barrier3A_485 = arith.constant 0 : index
    tpu.barrier barrier_id(%barrier3A_485)
    return
  }
}

#map = affine_map<(d0, d1) -> (0, 0)>
#map1 = affine_map<(d0, d1) -> (0)>
#map2 = affine_map<(d0, d1) -> (0, 0, 0)>
module attributes {stable_mosaic.version = 14 : i64} {
  func.func @_sc_l0_body(%arg0: i32, %arg1: i32, %arg2: memref<10000x128xf32, #tpu.memory_space<hbm>>, %arg3: memref<320000xi32, #tpu.memory_space<hbm>>, %arg4: memref<320000xi32, #tpu.memory_space<hbm>>, %arg5: memref<10240x128xf32, #tpu.memory_space<hbm>>, %arg6: memref<160x128xf32, #tpu.memory_space<hbm>>, %arg7: memref<2x10240x128xf32, #tpu.memory_space<hbm>>, %arg8: memref<5248x128xf32, #tpu.memory_space<vmem_shared>>, %arg9: memref<80xi32, #tpu.memory_space<vmem>>, %arg10: memref<80xi32, #tpu.memory_space<vmem>>, %arg11: memref<160xi32, #tpu.memory_space<vmem>>, %arg12: memref<160xi32, #tpu.memory_space<vmem>>, %arg13: memref<80xi32, #tpu.memory_space<vmem>>, %arg14: memref<80xi32, #tpu.memory_space<vmem>>, %arg15: memref<80xi32, #tpu.memory_space<vmem>>, %arg16: memref<80xi32, #tpu.memory_space<vmem>>, %arg17: memref<160xi32, #tpu.memory_space<vmem>>, %arg18: memref<160xi32, #tpu.memory_space<vmem>>, %arg19: memref<160x128xf32, #tpu.memory_space<vmem>>, %arg20: memref<!tpu.dma_semaphore, #tpu.memory_space<semaphore_mem>>, %arg21: memref<!tpu.dma_semaphore, #tpu.memory_space<semaphore_mem>>, %arg22: memref<!tpu.dma_semaphore, #tpu.memory_space<semaphore_mem>>, %arg23: memref<!tpu.dma_semaphore, #tpu.memory_space<semaphore_mem>>) attributes {dimension_semantics = [#tpu.dimension_semantics<core_parallel>, #tpu.dimension_semantics<subcore_parallel>], iteration_bounds = array<i64: 2, 16>, scalar_prefetch = 0 : i64, scratch_operands = 16 : i64, tpu.core_type = #tpu.core_type<sc_vector_subcore>, window_params = [{transform_indices = #map}, {transform_indices = #map1}, {transform_indices = #map1}, {transform_indices = #map}, {transform_indices = #map}, {transform_indices = #map2}]} {
    %mul3A = arith.constant 5120 : i32
    %mul3A_0 = arith.muli %arg0, %mul3A : i32
    %mul3A_1 = arith.constant 20000 : i32
    %mul3A_2 = arith.muli %arg1, %mul3A_1 : i32
    %mul3A_3 = arith.constant 328 : i32
    %mul3A_4 = arith.muli %arg1, %mul3A_3 : i32
    %mul3A_5 = arith.constant 328 : i32
    %mul3A_6 = arith.muli %arg1, %mul3A_5 : i32
    %add3A = arith.constant 0 : i32
    %add3A_7 = arith.addi %mul3A_4, %add3A : i32
    "tpu.region"() ({
      %run_scoped3A_479 = tpu.sem_alloc : memref<!tpu.dma_semaphore, #tpu.memory_space<semaphore_mem>>
      %dma_start3A_480 = arith.constant 0 : i32
      %dma_start3A_481 = arith.constant 0 : i32
      %dma_start3A_482 = tpu.memref_slice %arg19[%dma_start3A_480, %dma_start3A_481] : memref<160x128xf32, #tpu.memory_space<vmem>> -> memref<160x128xf32, #tpu.memory_space<vmem>>
      %dma_start3A_483 = arith.constant 0 : i32
      %dma_start3A_484 = tpu.memref_slice %arg5[%add3A_7, %dma_start3A_483] : memref<10240x128xf32, #tpu.memory_space<hbm>> -> memref<160x128xf32, #tpu.memory_space<hbm>>
      %dma_start3A_485 = arith.constant 0 : i32
      %dma_start3A_486 = arith.constant 0 : i32
      %dma_start3A_487 = tpu.memref_slice %arg19[%dma_start3A_485, %dma_start3A_486] : memref<160x128xf32, #tpu.memory_space<vmem>> -> memref<160x128xf32, #tpu.memory_space<vmem>>
      %dma_start3A_488 = arith.constant 0 : i32
      %dma_start3A_489 = tpu.memref_slice %arg5[%add3A_7, %dma_start3A_488] : memref<10240x128xf32, #tpu.memory_space<hbm>> -> memref<160x128xf32, #tpu.memory_space<hbm>>
      tpu.enqueue_dma source(%dma_start3A_489 : memref<160x128xf32, #tpu.memory_space<hbm>>) target(%dma_start3A_487 : memref<160x128xf32, #tpu.memory_space<vmem>>) target_semaphore(%run_scoped3A_479 : memref<!tpu.dma_semaphore, #tpu.memory_space<semaphore_mem>>)
      %dma_wait3A_490 = arith.constant 0 : i32
      %dma_wait3A_491 = arith.constant 0 : i32
      %dma_wait3A_492 = tpu.memref_slice %arg19[%dma_wait3A_490, %dma_wait3A_491] : memref<160x128xf32, #tpu.memory_space<vmem>> -> memref<160x128xf32, #tpu.memory_space<vmem>>
      %dma_wait3A_493 = arith.constant 0 : i32
      %dma_wait3A_494 = tpu.memref_slice %arg5[%add3A_7, %dma_wait3A_493] : memref<10240x128xf32, #tpu.memory_space<hbm>> -> memref<160x128xf32, #tpu.memory_space<hbm>>
      %dma_wait3A_495 = arith.constant 0 : i32
      %dma_wait3A_496 = arith.constant 0 : i32
      %dma_wait3A_497 = tpu.memref_slice %arg19[%dma_wait3A_495, %dma_wait3A_496] : memref<160x128xf32, #tpu.memory_space<vmem>> -> memref<160x128xf32, #tpu.memory_space<vmem>>
      %dma_wait3A_498 = arith.constant 0 : i32
      %dma_wait3A_499 = tpu.memref_slice %arg5[%add3A_7, %dma_wait3A_498] : memref<10240x128xf32, #tpu.memory_space<hbm>> -> memref<160x128xf32, #tpu.memory_space<hbm>>
      tpu.wait_dma2 semaphore(%run_scoped3A_479 : memref<!tpu.dma_semaphore, #tpu.memory_space<semaphore_mem>>) src(%dma_wait3A_499 : memref<160x128xf32, #tpu.memory_space<hbm>>) dst(%dma_wait3A_497 : memref<160x128xf32, #tpu.memory_space<vmem>>)
      tpu.yield
    }) : () -> ()
    %add3A_8 = arith.constant 0 : i32
    %add3A_9 = arith.addi %mul3A_6, %add3A_8 : i32
    "tpu.region"() ({
      %run_scoped3A_479 = tpu.sem_alloc : memref<!tpu.dma_semaphore, #tpu.memory_space<semaphore_mem>>
      %dma_start3A_480 = arith.constant 0 : i32
      %dma_start3A_481 = arith.constant 0 : i32
      %dma_start3A_482 = tpu.memref_slice %arg19[%dma_start3A_480, %dma_start3A_481] : memref<160x128xf32, #tpu.memory_space<vmem>> -> memref<160x128xf32, #tpu.memory_space<vmem>>
      %dma_start3A_483 = arith.constant 0 : i32
      %dma_start3A_484 = tpu.memref_slice %arg8[%add3A_9, %dma_start3A_483] : memref<5248x128xf32, #tpu.memory_space<vmem_shared>> -> memref<160x128xf32, #tpu.memory_space<vmem_shared>>
      %dma_start3A_485 = arith.constant 0 : i32
      %dma_start3A_486 = tpu.memref_slice %arg8[%add3A_9, %dma_start3A_485] : memref<5248x128xf32, #tpu.memory_space<vmem_shared>> -> memref<160x128xf32, #tpu.memory_space<vmem_shared>>
      %dma_start3A_487 = arith.constant 0 : i32
      %dma_start3A_488 = arith.constant 0 : i32
      %dma_start3A_489 = tpu.memref_slice %arg19[%dma_start3A_487, %dma_start3A_488] : memref<160x128xf32, #tpu.memory_space<vmem>> -> memref<160x128xf32, #tpu.memory_space<vmem>>
      tpu.enqueue_dma source(%dma_start3A_489 : memref<160x128xf32, #tpu.memory_space<vmem>>) target(%dma_start3A_486 : memref<160x128xf32, #tpu.memory_space<vmem_shared>>) target_semaphore(%run_scoped3A_479 : memref<!tpu.dma_semaphore, #tpu.memory_space<semaphore_mem>>)
      %dma_wait3A_490 = arith.constant 0 : i32
      %dma_wait3A_491 = arith.constant 0 : i32
      %dma_wait3A_492 = tpu.memref_slice %arg19[%dma_wait3A_490, %dma_wait3A_491] : memref<160x128xf32, #tpu.memory_space<vmem>> -> memref<160x128xf32, #tpu.memory_space<vmem>>
      %dma_wait3A_493 = arith.constant 0 : i32
      %dma_wait3A_494 = tpu.memref_slice %arg8[%add3A_9, %dma_wait3A_493] : memref<5248x128xf32, #tpu.memory_space<vmem_shared>> -> memref<160x128xf32, #tpu.memory_space<vmem_shared>>
      %dma_wait3A_495 = arith.constant 0 : i32
      %dma_wait3A_496 = tpu.memref_slice %arg8[%add3A_9, %dma_wait3A_495] : memref<5248x128xf32, #tpu.memory_space<vmem_shared>> -> memref<160x128xf32, #tpu.memory_space<vmem_shared>>
      %dma_wait3A_497 = arith.constant 0 : i32
      %dma_wait3A_498 = arith.constant 0 : i32
      %dma_wait3A_499 = tpu.memref_slice %arg19[%dma_wait3A_497, %dma_wait3A_498] : memref<160x128xf32, #tpu.memory_space<vmem>> -> memref<160x128xf32, #tpu.memory_space<vmem>>
      tpu.wait_dma2 semaphore(%run_scoped3A_479 : memref<!tpu.dma_semaphore, #tpu.memory_space<semaphore_mem>>) src(%dma_wait3A_499 : memref<160x128xf32, #tpu.memory_space<vmem>>) dst(%dma_wait3A_496 : memref<160x128xf32, #tpu.memory_space<vmem_shared>>)
      tpu.yield
    }) : () -> ()
    %add3A_10 = arith.constant 160 : i32
    %add3A_11 = arith.addi %mul3A_4, %add3A_10 : i32
    "tpu.region"() ({
      %run_scoped3A_479 = tpu.sem_alloc : memref<!tpu.dma_semaphore, #tpu.memory_space<semaphore_mem>>
      %dma_start3A_480 = arith.constant 0 : i32
      %dma_start3A_481 = arith.constant 0 : i32
      %dma_start3A_482 = tpu.memref_slice %arg19[%dma_start3A_480, %dma_start3A_481] : memref<160x128xf32, #tpu.memory_space<vmem>> -> memref<160x128xf32, #tpu.memory_space<vmem>>
      %dma_start3A_483 = arith.constant 0 : i32
      %dma_start3A_484 = tpu.memref_slice %arg5[%add3A_11, %dma_start3A_483] : memref<10240x128xf32, #tpu.memory_space<hbm>> -> memref<160x128xf32, #tpu.memory_space<hbm>>
      %dma_start3A_485 = arith.constant 0 : i32
      %dma_start3A_486 = arith.constant 0 : i32
      %dma_start3A_487 = tpu.memref_slice %arg19[%dma_start3A_485, %dma_start3A_486] : memref<160x128xf32, #tpu.memory_space<vmem>> -> memref<160x128xf32, #tpu.memory_space<vmem>>
      %dma_start3A_488 = arith.constant 0 : i32
      %dma_start3A_489 = tpu.memref_slice %arg5[%add3A_11, %dma_start3A_488] : memref<10240x128xf32, #tpu.memory_space<hbm>> -> memref<160x128xf32, #tpu.memory_space<hbm>>
      tpu.enqueue_dma source(%dma_start3A_489 : memref<160x128xf32, #tpu.memory_space<hbm>>) target(%dma_start3A_487 : memref<160x128xf32, #tpu.memory_space<vmem>>) target_semaphore(%run_scoped3A_479 : memref<!tpu.dma_semaphore, #tpu.memory_space<semaphore_mem>>)
      %dma_wait3A_490 = arith.constant 0 : i32
      %dma_wait3A_491 = arith.constant 0 : i32
      %dma_wait3A_492 = tpu.memref_slice %arg19[%dma_wait3A_490, %dma_wait3A_491] : memref<160x128xf32, #tpu.memory_space<vmem>> -> memref<160x128xf32, #tpu.memory_space<vmem>>
      %dma_wait3A_493 = arith.constant 0 : i32
      %dma_wait3A_494 = tpu.memref_slice %arg5[%add3A_11, %dma_wait3A_493] : memref<10240x128xf32, #tpu.memory_space<hbm>> -> memref<160x128xf32, #tpu.memory_space<hbm>>
      %dma_wait3A_495 = arith.constant 0 : i32
      %dma_wait3A_496 = arith.constant 0 : i32
      %dma_wait3A_497 = tpu.memref_slice %arg19[%dma_wait3A_495, %dma_wait3A_496] : memref<160x128xf32, #tpu.memory_space<vmem>> -> memref<160x128xf32, #tpu.memory_space<vmem>>
      %dma_wait3A_498 = arith.constant 0 : i32
      %dma_wait3A_499 = tpu.memref_slice %arg5[%add3A_11, %dma_wait3A_498] : memref<10240x128xf32, #tpu.memory_space<hbm>> -> memref<160x128xf32, #tpu.memory_space<hbm>>
      tpu.wait_dma2 semaphore(%run_scoped3A_479 : memref<!tpu.dma_semaphore, #tpu.memory_space<semaphore_mem>>) src(%dma_wait3A_499 : memref<160x128xf32, #tpu.memory_space<hbm>>) dst(%dma_wait3A_497 : memref<160x128xf32, #tpu.memory_space<vmem>>)
      tpu.yield
    }) : () -> ()
    %add3A_12 = arith.constant 160 : i32
    %add3A_13 = arith.addi %mul3A_6, %add3A_12 : i32
    "tpu.region"() ({
      %run_scoped3A_479 = tpu.sem_alloc : memref<!tpu.dma_semaphore, #tpu.memory_space<semaphore_mem>>
      %dma_start3A_480 = arith.constant 0 : i32
      %dma_start3A_481 = arith.constant 0 : i32
      %dma_start3A_482 = tpu.memref_slice %arg19[%dma_start3A_480, %dma_start3A_481] : memref<160x128xf32, #tpu.memory_space<vmem>> -> memref<160x128xf32, #tpu.memory_space<vmem>>
      %dma_start3A_483 = arith.constant 0 : i32
      %dma_start3A_484 = tpu.memref_slice %arg8[%add3A_13, %dma_start3A_483] : memref<5248x128xf32, #tpu.memory_space<vmem_shared>> -> memref<160x128xf32, #tpu.memory_space<vmem_shared>>
      %dma_start3A_485 = arith.constant 0 : i32
      %dma_start3A_486 = tpu.memref_slice %arg8[%add3A_13, %dma_start3A_485] : memref<5248x128xf32, #tpu.memory_space<vmem_shared>> -> memref<160x128xf32, #tpu.memory_space<vmem_shared>>
      %dma_start3A_487 = arith.constant 0 : i32
      %dma_start3A_488 = arith.constant 0 : i32
      %dma_start3A_489 = tpu.memref_slice %arg19[%dma_start3A_487, %dma_start3A_488] : memref<160x128xf32, #tpu.memory_space<vmem>> -> memref<160x128xf32, #tpu.memory_space<vmem>>
      tpu.enqueue_dma source(%dma_start3A_489 : memref<160x128xf32, #tpu.memory_space<vmem>>) target(%dma_start3A_486 : memref<160x128xf32, #tpu.memory_space<vmem_shared>>) target_semaphore(%run_scoped3A_479 : memref<!tpu.dma_semaphore, #tpu.memory_space<semaphore_mem>>)
      %dma_wait3A_490 = arith.constant 0 : i32
      %dma_wait3A_491 = arith.constant 0 : i32
      %dma_wait3A_492 = tpu.memref_slice %arg19[%dma_wait3A_490, %dma_wait3A_491] : memref<160x128xf32, #tpu.memory_space<vmem>> -> memref<160x128xf32, #tpu.memory_space<vmem>>
      %dma_wait3A_493 = arith.constant 0 : i32
      %dma_wait3A_494 = tpu.memref_slice %arg8[%add3A_13, %dma_wait3A_493] : memref<5248x128xf32, #tpu.memory_space<vmem_shared>> -> memref<160x128xf32, #tpu.memory_space<vmem_shared>>
      %dma_wait3A_495 = arith.constant 0 : i32
      %dma_wait3A_496 = tpu.memref_slice %arg8[%add3A_13, %dma_wait3A_495] : memref<5248x128xf32, #tpu.memory_space<vmem_shared>> -> memref<160x128xf32, #tpu.memory_space<vmem_shared>>
      %dma_wait3A_497 = arith.constant 0 : i32
      %dma_wait3A_498 = arith.constant 0 : i32
      %dma_wait3A_499 = tpu.memref_slice %arg19[%dma_wait3A_497, %dma_wait3A_498] : memref<160x128xf32, #tpu.memory_space<vmem>> -> memref<160x128xf32, #tpu.memory_space<vmem>>
      tpu.wait_dma2 semaphore(%run_scoped3A_479 : memref<!tpu.dma_semaphore, #tpu.memory_space<semaphore_mem>>) src(%dma_wait3A_499 : memref<160x128xf32, #tpu.memory_space<vmem>>) dst(%dma_wait3A_496 : memref<160x128xf32, #tpu.memory_space<vmem_shared>>)
      tpu.yield
    }) : () -> ()
    %add3A_14 = arith.constant 320 : i32
    %add3A_15 = arith.addi %mul3A_4, %add3A_14 : i32
    "tpu.region"() ({
      %run_scoped3A_479 = tpu.sem_alloc : memref<!tpu.dma_semaphore, #tpu.memory_space<semaphore_mem>>
      %dma_start3A_480 = arith.constant 0 : i32
      %dma_start3A_481 = arith.constant 0 : i32
      %dma_start3A_482 = tpu.memref_slice %arg19[%dma_start3A_480, %dma_start3A_481] : memref<160x128xf32, #tpu.memory_space<vmem>> -> memref<8x128xf32, #tpu.memory_space<vmem>>
      %dma_start3A_483 = arith.constant 0 : i32
      %dma_start3A_484 = tpu.memref_slice %arg5[%add3A_15, %dma_start3A_483] : memref<10240x128xf32, #tpu.memory_space<hbm>> -> memref<8x128xf32, #tpu.memory_space<hbm>>
      %dma_start3A_485 = arith.constant 0 : i32
      %dma_start3A_486 = arith.constant 0 : i32
      %dma_start3A_487 = tpu.memref_slice %arg19[%dma_start3A_485, %dma_start3A_486] : memref<160x128xf32, #tpu.memory_space<vmem>> -> memref<8x128xf32, #tpu.memory_space<vmem>>
      %dma_start3A_488 = arith.constant 0 : i32
      %dma_start3A_489 = tpu.memref_slice %arg5[%add3A_15, %dma_start3A_488] : memref<10240x128xf32, #tpu.memory_space<hbm>> -> memref<8x128xf32, #tpu.memory_space<hbm>>
      tpu.enqueue_dma source(%dma_start3A_489 : memref<8x128xf32, #tpu.memory_space<hbm>>) target(%dma_start3A_487 : memref<8x128xf32, #tpu.memory_space<vmem>>) target_semaphore(%run_scoped3A_479 : memref<!tpu.dma_semaphore, #tpu.memory_space<semaphore_mem>>)
      %dma_wait3A_490 = arith.constant 0 : i32
      %dma_wait3A_491 = arith.constant 0 : i32
      %dma_wait3A_492 = tpu.memref_slice %arg19[%dma_wait3A_490, %dma_wait3A_491] : memref<160x128xf32, #tpu.memory_space<vmem>> -> memref<8x128xf32, #tpu.memory_space<vmem>>
      %dma_wait3A_493 = arith.constant 0 : i32
      %dma_wait3A_494 = tpu.memref_slice %arg5[%add3A_15, %dma_wait3A_493] : memref<10240x128xf32, #tpu.memory_space<hbm>> -> memref<8x128xf32, #tpu.memory_space<hbm>>
      %dma_wait3A_495 = arith.constant 0 : i32
      %dma_wait3A_496 = arith.constant 0 : i32
      %dma_wait3A_497 = tpu.memref_slice %arg19[%dma_wait3A_495, %dma_wait3A_496] : memref<160x128xf32, #tpu.memory_space<vmem>> -> memref<8x128xf32, #tpu.memory_space<vmem>>
      %dma_wait3A_498 = arith.constant 0 : i32
      %dma_wait3A_499 = tpu.memref_slice %arg5[%add3A_15, %dma_wait3A_498] : memref<10240x128xf32, #tpu.memory_space<hbm>> -> memref<8x128xf32, #tpu.memory_space<hbm>>
      tpu.wait_dma2 semaphore(%run_scoped3A_479 : memref<!tpu.dma_semaphore, #tpu.memory_space<semaphore_mem>>) src(%dma_wait3A_499 : memref<8x128xf32, #tpu.memory_space<hbm>>) dst(%dma_wait3A_497 : memref<8x128xf32, #tpu.memory_space<vmem>>)
      tpu.yield
    }) : () -> ()
    %add3A_16 = arith.constant 320 : i32
    %add3A_17 = arith.addi %mul3A_6, %add3A_16 : i32
    "tpu.region"() ({
      %run_scoped3A_479 = tpu.sem_alloc : memref<!tpu.dma_semaphore, #tpu.memory_space<semaphore_mem>>
      %dma_start3A_480 = arith.constant 0 : i32
      %dma_start3A_481 = arith.constant 0 : i32
      %dma_start3A_482 = tpu.memref_slice %arg19[%dma_start3A_480, %dma_start3A_481] : memref<160x128xf32, #tpu.memory_space<vmem>> -> memref<8x128xf32, #tpu.memory_space<vmem>>
      %dma_start3A_483 = arith.constant 0 : i32
      %dma_start3A_484 = tpu.memref_slice %arg8[%add3A_17, %dma_start3A_483] : memref<5248x128xf32, #tpu.memory_space<vmem_shared>> -> memref<8x128xf32, #tpu.memory_space<vmem_shared>>
      %dma_start3A_485 = arith.constant 0 : i32
      %dma_start3A_486 = tpu.memref_slice %arg8[%add3A_17, %dma_start3A_485] : memref<5248x128xf32, #tpu.memory_space<vmem_shared>> -> memref<8x128xf32, #tpu.memory_space<vmem_shared>>
      %dma_start3A_487 = arith.constant 0 : i32
      %dma_start3A_488 = arith.constant 0 : i32
      %dma_start3A_489 = tpu.memref_slice %arg19[%dma_start3A_487, %dma_start3A_488] : memref<160x128xf32, #tpu.memory_space<vmem>> -> memref<8x128xf32, #tpu.memory_space<vmem>>
      tpu.enqueue_dma source(%dma_start3A_489 : memref<8x128xf32, #tpu.memory_space<vmem>>) target(%dma_start3A_486 : memref<8x128xf32, #tpu.memory_space<vmem_shared>>) target_semaphore(%run_scoped3A_479 : memref<!tpu.dma_semaphore, #tpu.memory_space<semaphore_mem>>)
      %dma_wait3A_490 = arith.constant 0 : i32
      %dma_wait3A_491 = arith.constant 0 : i32
      %dma_wait3A_492 = tpu.memref_slice %arg19[%dma_wait3A_490, %dma_wait3A_491] : memref<160x128xf32, #tpu.memory_space<vmem>> -> memref<8x128xf32, #tpu.memory_space<vmem>>
      %dma_wait3A_493 = arith.constant 0 : i32
      %dma_wait3A_494 = tpu.memref_slice %arg8[%add3A_17, %dma_wait3A_493] : memref<5248x128xf32, #tpu.memory_space<vmem_shared>> -> memref<8x128xf32, #tpu.memory_space<vmem_shared>>
      %dma_wait3A_495 = arith.constant 0 : i32
      %dma_wait3A_496 = tpu.memref_slice %arg8[%add3A_17, %dma_wait3A_495] : memref<5248x128xf32, #tpu.memory_space<vmem_shared>> -> memref<8x128xf32, #tpu.memory_space<vmem_shared>>
      %dma_wait3A_497 = arith.constant 0 : i32
      %dma_wait3A_498 = arith.constant 0 : i32
      %dma_wait3A_499 = tpu.memref_slice %arg19[%dma_wait3A_497, %dma_wait3A_498] : memref<160x128xf32, #tpu.memory_space<vmem>> -> memref<8x128xf32, #tpu.memory_space<vmem>>
      tpu.wait_dma2 semaphore(%run_scoped3A_479 : memref<!tpu.dma_semaphore, #tpu.memory_space<semaphore_mem>>) src(%dma_wait3A_499 : memref<8x128xf32, #tpu.memory_space<vmem>>) dst(%dma_wait3A_496 : memref<8x128xf32, #tpu.memory_space<vmem_shared>>)
      tpu.yield
    }) : () -> ()
    %barrier3A = arith.constant 0 : index
    tpu.barrier barrier_id(%barrier3A)
    %mul3A_18 = arith.constant 20000 : i32
    %mul3A_19 = arith.muli %arg1, %mul3A_18 : i32
    %add3A_20 = arith.constant 0 : i32
    %add3A_21 = arith.addi %mul3A_19, %add3A_20 : i32
    %dma_start3A = arith.constant 0 : i32
    %dma_start3A_22 = tpu.memref_slice %arg9[%dma_start3A] : memref<80xi32, #tpu.memory_space<vmem>> -> memref<80xi32, #tpu.memory_space<vmem>>
    %dma_start3A_23 = tpu.memref_slice %arg3[%add3A_21] : memref<320000xi32, #tpu.memory_space<hbm>> -> memref<80xi32, #tpu.memory_space<hbm>>
    %dma_start3A_24 = arith.constant 0 : i32
    %dma_start3A_25 = tpu.memref_slice %arg9[%dma_start3A_24] : memref<80xi32, #tpu.memory_space<vmem>> -> memref<80xi32, #tpu.memory_space<vmem>>
    %dma_start3A_26 = tpu.memref_slice %arg3[%add3A_21] : memref<320000xi32, #tpu.memory_space<hbm>> -> memref<80xi32, #tpu.memory_space<hbm>>
    tpu.enqueue_dma source(%dma_start3A_26 : memref<80xi32, #tpu.memory_space<hbm>>) target(%dma_start3A_25 : memref<80xi32, #tpu.memory_space<vmem>>) target_semaphore(%arg20 : memref<!tpu.dma_semaphore, #tpu.memory_space<semaphore_mem>>)
    %dma_start3A_27 = arith.constant 0 : i32
    %dma_start3A_28 = tpu.memref_slice %arg11[%dma_start3A_27] : memref<160xi32, #tpu.memory_space<vmem>> -> memref<80xi32, #tpu.memory_space<vmem>>
    %dma_start3A_29 = tpu.memref_slice %arg4[%add3A_21] : memref<320000xi32, #tpu.memory_space<hbm>> -> memref<80xi32, #tpu.memory_space<hbm>>
    %dma_start3A_30 = arith.constant 0 : i32
    %dma_start3A_31 = tpu.memref_slice %arg11[%dma_start3A_30] : memref<160xi32, #tpu.memory_space<vmem>> -> memref<80xi32, #tpu.memory_space<vmem>>
    %dma_start3A_32 = tpu.memref_slice %arg4[%add3A_21] : memref<320000xi32, #tpu.memory_space<hbm>> -> memref<80xi32, #tpu.memory_space<hbm>>
    tpu.enqueue_dma source(%dma_start3A_32 : memref<80xi32, #tpu.memory_space<hbm>>) target(%dma_start3A_31 : memref<80xi32, #tpu.memory_space<vmem>>) target_semaphore(%arg20 : memref<!tpu.dma_semaphore, #tpu.memory_space<semaphore_mem>>)
    %add3A_33 = arith.constant 0 : i32
    %add3A_34 = arith.addi %mul3A_19, %add3A_33 : i32
    %dma_wait3A = arith.constant 0 : i32
    %dma_wait3A_35 = tpu.memref_slice %arg9[%dma_wait3A] : memref<80xi32, #tpu.memory_space<vmem>> -> memref<80xi32, #tpu.memory_space<vmem>>
    %dma_wait3A_36 = tpu.memref_slice %arg3[%add3A_34] : memref<320000xi32, #tpu.memory_space<hbm>> -> memref<80xi32, #tpu.memory_space<hbm>>
    %dma_wait3A_37 = arith.constant 0 : i32
    %dma_wait3A_38 = tpu.memref_slice %arg9[%dma_wait3A_37] : memref<80xi32, #tpu.memory_space<vmem>> -> memref<80xi32, #tpu.memory_space<vmem>>
    %dma_wait3A_39 = tpu.memref_slice %arg3[%add3A_34] : memref<320000xi32, #tpu.memory_space<hbm>> -> memref<80xi32, #tpu.memory_space<hbm>>
    tpu.wait_dma2 semaphore(%arg20 : memref<!tpu.dma_semaphore, #tpu.memory_space<semaphore_mem>>) src(%dma_wait3A_39 : memref<80xi32, #tpu.memory_space<hbm>>) dst(%dma_wait3A_38 : memref<80xi32, #tpu.memory_space<vmem>>)
    %dma_wait3A_40 = arith.constant 0 : i32
    %dma_wait3A_41 = tpu.memref_slice %arg11[%dma_wait3A_40] : memref<160xi32, #tpu.memory_space<vmem>> -> memref<80xi32, #tpu.memory_space<vmem>>
    %dma_wait3A_42 = tpu.memref_slice %arg4[%add3A_34] : memref<320000xi32, #tpu.memory_space<hbm>> -> memref<80xi32, #tpu.memory_space<hbm>>
    %dma_wait3A_43 = arith.constant 0 : i32
    %dma_wait3A_44 = tpu.memref_slice %arg11[%dma_wait3A_43] : memref<160xi32, #tpu.memory_space<vmem>> -> memref<80xi32, #tpu.memory_space<vmem>>
    %dma_wait3A_45 = tpu.memref_slice %arg4[%add3A_34] : memref<320000xi32, #tpu.memory_space<hbm>> -> memref<80xi32, #tpu.memory_space<hbm>>
    tpu.wait_dma2 semaphore(%arg20 : memref<!tpu.dma_semaphore, #tpu.memory_space<semaphore_mem>>) src(%dma_wait3A_45 : memref<80xi32, #tpu.memory_space<hbm>>) dst(%dma_wait3A_44 : memref<80xi32, #tpu.memory_space<vmem>>)
    %get3A = arith.constant 0 : index
    %get3A_46 = tpu.vector_load %arg9[%get3A] {strides = array<i32>} : memref<80xi32, #tpu.memory_space<vmem>>, vector<16xi32>,
    %get3A_47 = vector.shape_cast %get3A_46 : vector<16xi32> to vector<16xi32>
    %mul3A_48 = arith.constant 1 : i32
    %mul3A_49 = vector.broadcast %mul3A_48 : i32 to vector<16xi32>
    %mul3A_50 = arith.muli %get3A_47, %mul3A_49 : vector<16xi32>
    %add3A_51 = arith.constant 0 : i32
    %add3A_52 = vector.broadcast %add3A_51 : i32 to vector<16xi32>
    %add3A_53 = arith.addi %mul3A_50, %add3A_52 : vector<16xi32>
    %swap3A = arith.constant 0 : index
    %swap3A_54 = tpu.vector_load %arg13[%swap3A] {strides = array<i32>} : memref<80xi32, #tpu.memory_space<vmem>>, vector<16xi32>,
    %swap3A_55 = vector.shape_cast %swap3A_54 : vector<16xi32> to vector<16xi32>
    %swap3A_56 = vector.shape_cast %add3A_53 : vector<16xi32> to vector<16xi32>
    tpu.vector_store %arg13[%swap3A], %swap3A_56 {strides = array<i32>} : memref<80xi32, #tpu.memory_space<vmem>>, vector<16xi32>,
    %get3A_57 = arith.constant 0 : index
    %get3A_58 = tpu.vector_load %arg11[%get3A_57] {strides = array<i32>} : memref<160xi32, #tpu.memory_space<vmem>>, vector<16xi32>,
    %get3A_59 = vector.shape_cast %get3A_58 : vector<16xi32> to vector<16xi32>
    %sub3A = vector.broadcast %mul3A_0 : i32 to vector<16xi32>
    %sub3A_60 = arith.subi %get3A_59, %sub3A : vector<16xi32>
    %lt3A = arith.constant 0 : i32
    %lt3A_61 = vector.broadcast %lt3A : i32 to vector<16xi32>
    %lt3A_62 = arith.cmpi slt, %sub3A_60, %lt3A_61 : vector<16xi32>
    %ge3A = arith.constant 5120 : i32
    %ge3A_63 = vector.broadcast %ge3A : i32 to vector<16xi32>
    %ge3A_64 = arith.cmpi sge, %sub3A_60, %ge3A_63 : vector<16xi32>
    %or3A = arith.ori %lt3A_62, %ge3A_64 : vector<16xi1>
    %jit3A = arith.constant 5120 : i32
    %broadcast_in_dim3A = vector.broadcast %jit3A : i32 to vector<16xi32>
    %select_n3A = arith.select %or3A, %broadcast_in_dim3A, %sub3A_60 : vector<16xi1>, vector<16xi32>
    %swap3A_65 = arith.constant 0 : index
    %swap3A_66 = tpu.vector_load %arg15[%swap3A_65] {strides = array<i32>} : memref<80xi32, #tpu.memory_space<vmem>>, vector<16xi32>,
    %swap3A_67 = vector.shape_cast %swap3A_66 : vector<16xi32> to vector<16xi32>
    %swap3A_68 = vector.shape_cast %select_n3A : vector<16xi32> to vector<16xi32>
    tpu.vector_store %arg15[%swap3A_65], %swap3A_68 {strides = array<i32>} : memref<80xi32, #tpu.memory_space<vmem>>, vector<16xi32>,
    %get3A_69 = arith.constant 16 : index
    %get3A_70 = tpu.vector_load %arg9[%get3A_69] {strides = array<i32>} : memref<80xi32, #tpu.memory_space<vmem>>, vector<16xi32>,
    %get3A_71 = vector.shape_cast %get3A_70 : vector<16xi32> to vector<16xi32>
    %mul3A_72 = arith.constant 1 : i32
    %mul3A_73 = vector.broadcast %mul3A_72 : i32 to vector<16xi32>
    %mul3A_74 = arith.muli %get3A_71, %mul3A_73 : vector<16xi32>
    %add3A_75 = arith.constant 0 : i32
    %add3A_76 = vector.broadcast %add3A_75 : i32 to vector<16xi32>
    %add3A_77 = arith.addi %mul3A_74, %add3A_76 : vector<16xi32>
    %swap3A_78 = arith.constant 16 : index
    %swap3A_79 = tpu.vector_load %arg13[%swap3A_78] {strides = array<i32>} : memref<80xi32, #tpu.memory_space<vmem>>, vector<16xi32>,
    %swap3A_80 = vector.shape_cast %swap3A_79 : vector<16xi32> to vector<16xi32>
    %swap3A_81 = vector.shape_cast %add3A_77 : vector<16xi32> to vector<16xi32>
    tpu.vector_store %arg13[%swap3A_78], %swap3A_81 {strides = array<i32>} : memref<80xi32, #tpu.memory_space<vmem>>, vector<16xi32>,
    %get3A_82 = arith.constant 16 : index
    %get3A_83 = tpu.vector_load %arg11[%get3A_82] {strides = array<i32>} : memref<160xi32, #tpu.memory_space<vmem>>, vector<16xi32>,
    %get3A_84 = vector.shape_cast %get3A_83 : vector<16xi32> to vector<16xi32>
    %sub3A_85 = vector.broadcast %mul3A_0 : i32 to vector<16xi32>
    %sub3A_86 = arith.subi %get3A_84, %sub3A_85 : vector<16xi32>
    %lt3A_87 = arith.constant 0 : i32
    %lt3A_88 = vector.broadcast %lt3A_87 : i32 to vector<16xi32>
    %lt3A_89 = arith.cmpi slt, %sub3A_86, %lt3A_88 : vector<16xi32>
    %ge3A_90 = arith.constant 5120 : i32
    %ge3A_91 = vector.broadcast %ge3A_90 : i32 to vector<16xi32>
    %ge3A_92 = arith.cmpi sge, %sub3A_86, %ge3A_91 : vector<16xi32>
    %or3A_93 = arith.ori %lt3A_89, %ge3A_92 : vector<16xi1>
    %jit3A_94 = arith.constant 5120 : i32
    %broadcast_in_dim3A_95 = vector.broadcast %jit3A_94 : i32 to vector<16xi32>
    %select_n3A_96 = arith.select %or3A_93, %broadcast_in_dim3A_95, %sub3A_86 : vector<16xi1>, vector<16xi32>
    %swap3A_97 = arith.constant 16 : index
    %swap3A_98 = tpu.vector_load %arg15[%swap3A_97] {strides = array<i32>} : memref<80xi32, #tpu.memory_space<vmem>>, vector<16xi32>,
    %swap3A_99 = vector.shape_cast %swap3A_98 : vector<16xi32> to vector<16xi32>
    %swap3A_100 = vector.shape_cast %select_n3A_96 : vector<16xi32> to vector<16xi32>
    tpu.vector_store %arg15[%swap3A_97], %swap3A_100 {strides = array<i32>} : memref<80xi32, #tpu.memory_space<vmem>>, vector<16xi32>,
    %get3A_101 = arith.constant 32 : index
    %get3A_102 = tpu.vector_load %arg9[%get3A_101] {strides = array<i32>} : memref<80xi32, #tpu.memory_space<vmem>>, vector<16xi32>,
    %get3A_103 = vector.shape_cast %get3A_102 : vector<16xi32> to vector<16xi32>
    %mul3A_104 = arith.constant 1 : i32
    %mul3A_105 = vector.broadcast %mul3A_104 : i32 to vector<16xi32>
    %mul3A_106 = arith.muli %get3A_103, %mul3A_105 : vector<16xi32>
    %add3A_107 = arith.constant 0 : i32
    %add3A_108 = vector.broadcast %add3A_107 : i32 to vector<16xi32>
    %add3A_109 = arith.addi %mul3A_106, %add3A_108 : vector<16xi32>
    %swap3A_110 = arith.constant 32 : index
    %swap3A_111 = tpu.vector_load %arg13[%swap3A_110] {strides = array<i32>} : memref<80xi32, #tpu.memory_space<vmem>>, vector<16xi32>,
    %swap3A_112 = vector.shape_cast %swap3A_111 : vector<16xi32> to vector<16xi32>
    %swap3A_113 = vector.shape_cast %add3A_109 : vector<16xi32> to vector<16xi32>
    tpu.vector_store %arg13[%swap3A_110], %swap3A_113 {strides = array<i32>} : memref<80xi32, #tpu.memory_space<vmem>>, vector<16xi32>,
    %get3A_114 = arith.constant 32 : index
    %get3A_115 = tpu.vector_load %arg11[%get3A_114] {strides = array<i32>} : memref<160xi32, #tpu.memory_space<vmem>>, vector<16xi32>,
    %get3A_116 = vector.shape_cast %get3A_115 : vector<16xi32> to vector<16xi32>
    %sub3A_117 = vector.broadcast %mul3A_0 : i32 to vector<16xi32>
    %sub3A_118 = arith.subi %get3A_116, %sub3A_117 : vector<16xi32>
    %lt3A_119 = arith.constant 0 : i32
    %lt3A_120 = vector.broadcast %lt3A_119 : i32 to vector<16xi32>
    %lt3A_121 = arith.cmpi slt, %sub3A_118, %lt3A_120 : vector<16xi32>
    %ge3A_122 = arith.constant 5120 : i32
    %ge3A_123 = vector.broadcast %ge3A_122 : i32 to vector<16xi32>
    %ge3A_124 = arith.cmpi sge, %sub3A_118, %ge3A_123 : vector<16xi32>
    %or3A_125 = arith.ori %lt3A_121, %ge3A_124 : vector<16xi1>
    %jit3A_126 = arith.constant 5120 : i32
    %broadcast_in_dim3A_127 = vector.broadcast %jit3A_126 : i32 to vector<16xi32>
    %select_n3A_128 = arith.select %or3A_125, %broadcast_in_dim3A_127, %sub3A_118 : vector<16xi1>, vector<16xi32>
    %swap3A_129 = arith.constant 32 : index
    %swap3A_130 = tpu.vector_load %arg15[%swap3A_129] {strides = array<i32>} : memref<80xi32, #tpu.memory_space<vmem>>, vector<16xi32>,
    %swap3A_131 = vector.shape_cast %swap3A_130 : vector<16xi32> to vector<16xi32>
    %swap3A_132 = vector.shape_cast %select_n3A_128 : vector<16xi32> to vector<16xi32>
    tpu.vector_store %arg15[%swap3A_129], %swap3A_132 {strides = array<i32>} : memref<80xi32, #tpu.memory_space<vmem>>, vector<16xi32>,
    %get3A_133 = arith.constant 48 : index
    %get3A_134 = tpu.vector_load %arg9[%get3A_133] {strides = array<i32>} : memref<80xi32, #tpu.memory_space<vmem>>, vector<16xi32>,
    %get3A_135 = vector.shape_cast %get3A_134 : vector<16xi32> to vector<16xi32>
    %mul3A_136 = arith.constant 1 : i32
    %mul3A_137 = vector.broadcast %mul3A_136 : i32 to vector<16xi32>
    %mul3A_138 = arith.muli %get3A_135, %mul3A_137 : vector<16xi32>
    %add3A_139 = arith.constant 0 : i32
    %add3A_140 = vector.broadcast %add3A_139 : i32 to vector<16xi32>
    %add3A_141 = arith.addi %mul3A_138, %add3A_140 : vector<16xi32>
    %swap3A_142 = arith.constant 48 : index
    %swap3A_143 = tpu.vector_load %arg13[%swap3A_142] {strides = array<i32>} : memref<80xi32, #tpu.memory_space<vmem>>, vector<16xi32>,
    %swap3A_144 = vector.shape_cast %swap3A_143 : vector<16xi32> to vector<16xi32>
    %swap3A_145 = vector.shape_cast %add3A_141 : vector<16xi32> to vector<16xi32>
    tpu.vector_store %arg13[%swap3A_142], %swap3A_145 {strides = array<i32>} : memref<80xi32, #tpu.memory_space<vmem>>, vector<16xi32>,
    %get3A_146 = arith.constant 48 : index
    %get3A_147 = tpu.vector_load %arg11[%get3A_146] {strides = array<i32>} : memref<160xi32, #tpu.memory_space<vmem>>, vector<16xi32>,
    %get3A_148 = vector.shape_cast %get3A_147 : vector<16xi32> to vector<16xi32>
    %sub3A_149 = vector.broadcast %mul3A_0 : i32 to vector<16xi32>
    %sub3A_150 = arith.subi %get3A_148, %sub3A_149 : vector<16xi32>
    %lt3A_151 = arith.constant 0 : i32
    %lt3A_152 = vector.broadcast %lt3A_151 : i32 to vector<16xi32>
    %lt3A_153 = arith.cmpi slt, %sub3A_150, %lt3A_152 : vector<16xi32>
    %ge3A_154 = arith.constant 5120 : i32
    %ge3A_155 = vector.broadcast %ge3A_154 : i32 to vector<16xi32>
    %ge3A_156 = arith.cmpi sge, %sub3A_150, %ge3A_155 : vector<16xi32>
    %or3A_157 = arith.ori %lt3A_153, %ge3A_156 : vector<16xi1>
    %jit3A_158 = arith.constant 5120 : i32
    %broadcast_in_dim3A_159 = vector.broadcast %jit3A_158 : i32 to vector<16xi32>
    %select_n3A_160 = arith.select %or3A_157, %broadcast_in_dim3A_159, %sub3A_150 : vector<16xi1>, vector<16xi32>
    %swap3A_161 = arith.constant 48 : index
    %swap3A_162 = tpu.vector_load %arg15[%swap3A_161] {strides = array<i32>} : memref<80xi32, #tpu.memory_space<vmem>>, vector<16xi32>,
    %swap3A_163 = vector.shape_cast %swap3A_162 : vector<16xi32> to vector<16xi32>
    %swap3A_164 = vector.shape_cast %select_n3A_160 : vector<16xi32> to vector<16xi32>
    tpu.vector_store %arg15[%swap3A_161], %swap3A_164 {strides = array<i32>} : memref<80xi32, #tpu.memory_space<vmem>>, vector<16xi32>,
    %get3A_165 = arith.constant 64 : index
    %get3A_166 = tpu.vector_load %arg9[%get3A_165] {strides = array<i32>} : memref<80xi32, #tpu.memory_space<vmem>>, vector<16xi32>,
    %get3A_167 = vector.shape_cast %get3A_166 : vector<16xi32> to vector<16xi32>
    %mul3A_168 = arith.constant 1 : i32
    %mul3A_169 = vector.broadcast %mul3A_168 : i32 to vector<16xi32>
    %mul3A_170 = arith.muli %get3A_167, %mul3A_169 : vector<16xi32>
    %add3A_171 = arith.constant 0 : i32
    %add3A_172 = vector.broadcast %add3A_171 : i32 to vector<16xi32>
    %add3A_173 = arith.addi %mul3A_170, %add3A_172 : vector<16xi32>
    %swap3A_174 = arith.constant 64 : index
    %swap3A_175 = tpu.vector_load %arg13[%swap3A_174] {strides = array<i32>} : memref<80xi32, #tpu.memory_space<vmem>>, vector<16xi32>,
    %swap3A_176 = vector.shape_cast %swap3A_175 : vector<16xi32> to vector<16xi32>
    %swap3A_177 = vector.shape_cast %add3A_173 : vector<16xi32> to vector<16xi32>
    tpu.vector_store %arg13[%swap3A_174], %swap3A_177 {strides = array<i32>} : memref<80xi32, #tpu.memory_space<vmem>>, vector<16xi32>,
    %get3A_178 = arith.constant 64 : index
    %get3A_179 = tpu.vector_load %arg11[%get3A_178] {strides = array<i32>} : memref<160xi32, #tpu.memory_space<vmem>>, vector<16xi32>,
    %get3A_180 = vector.shape_cast %get3A_179 : vector<16xi32> to vector<16xi32>
    %sub3A_181 = vector.broadcast %mul3A_0 : i32 to vector<16xi32>
    %sub3A_182 = arith.subi %get3A_180, %sub3A_181 : vector<16xi32>
    %lt3A_183 = arith.constant 0 : i32
    %lt3A_184 = vector.broadcast %lt3A_183 : i32 to vector<16xi32>
    %lt3A_185 = arith.cmpi slt, %sub3A_182, %lt3A_184 : vector<16xi32>
    %ge3A_186 = arith.constant 5120 : i32
    %ge3A_187 = vector.broadcast %ge3A_186 : i32 to vector<16xi32>
    %ge3A_188 = arith.cmpi sge, %sub3A_182, %ge3A_187 : vector<16xi32>
    %or3A_189 = arith.ori %lt3A_185, %ge3A_188 : vector<16xi1>
    %jit3A_190 = arith.constant 5120 : i32
    %broadcast_in_dim3A_191 = vector.broadcast %jit3A_190 : i32 to vector<16xi32>
    %select_n3A_192 = arith.select %or3A_189, %broadcast_in_dim3A_191, %sub3A_182 : vector<16xi1>, vector<16xi32>
    %swap3A_193 = arith.constant 64 : index
    %swap3A_194 = tpu.vector_load %arg15[%swap3A_193] {strides = array<i32>} : memref<80xi32, #tpu.memory_space<vmem>>, vector<16xi32>,
    %swap3A_195 = vector.shape_cast %swap3A_194 : vector<16xi32> to vector<16xi32>
    %swap3A_196 = vector.shape_cast %select_n3A_192 : vector<16xi32> to vector<16xi32>
    tpu.vector_store %arg15[%swap3A_193], %swap3A_196 {strides = array<i32>} : memref<80xi32, #tpu.memory_space<vmem>>, vector<16xi32>,
    %dma_start3A_197 = arith.constant 0 : i32
    %dma_start3A_198 = arith.constant 0 : i32
    %dma_start3A_199 = tpu.memref_slice %arg19[%dma_start3A_197, %dma_start3A_198] : memref<160x128xf32, #tpu.memory_space<vmem>> -> memref<80x128xf32, #tpu.memory_space<vmem>>
    %dma_start3A_200 = arith.constant 0 : i32
    %dma_start3A_201 = arith.constant 0 : i32
    %dma_start3A_202 = tpu.memref_slice %arg2[%dma_start3A_200, %dma_start3A_201] : memref<10000x128xf32, #tpu.memory_space<hbm>> -> memref<10000x128xf32, #tpu.memory_space<hbm>>
    tpu.enqueue_indirect_dma source(%dma_start3A_202 : memref<10000x128xf32, #tpu.memory_space<hbm>>) target(%dma_start3A_199 : memref<80x128xf32, #tpu.memory_space<vmem>>) offsets(%arg13 : memref<80xi32, #tpu.memory_space<vmem>>) semaphore(%arg22 : memref<!tpu.dma_semaphore, #tpu.memory_space<semaphore_mem>>)
    %add3A_203 = arith.constant 80 : i32
    %add3A_204 = arith.addi %mul3A_19, %add3A_203 : i32
    %dma_start3A_205 = arith.constant 0 : i32
    %dma_start3A_206 = tpu.memref_slice %arg10[%dma_start3A_205] : memref<80xi32, #tpu.memory_space<vmem>> -> memref<80xi32, #tpu.memory_space<vmem>>
    %dma_start3A_207 = tpu.memref_slice %arg3[%add3A_204] : memref<320000xi32, #tpu.memory_space<hbm>> -> memref<80xi32, #tpu.memory_space<hbm>>
    %dma_start3A_208 = arith.constant 0 : i32
    %dma_start3A_209 = tpu.memref_slice %arg10[%dma_start3A_208] : memref<80xi32, #tpu.memory_space<vmem>> -> memref<80xi32, #tpu.memory_space<vmem>>
    %dma_start3A_210 = tpu.memref_slice %arg3[%add3A_204] : memref<320000xi32, #tpu.memory_space<hbm>> -> memref<80xi32, #tpu.memory_space<hbm>>
    tpu.enqueue_dma source(%dma_start3A_210 : memref<80xi32, #tpu.memory_space<hbm>>) target(%dma_start3A_209 : memref<80xi32, #tpu.memory_space<vmem>>) target_semaphore(%arg21 : memref<!tpu.dma_semaphore, #tpu.memory_space<semaphore_mem>>)
    %dma_start3A_211 = arith.constant 0 : i32
    %dma_start3A_212 = tpu.memref_slice %arg12[%dma_start3A_211] : memref<160xi32, #tpu.memory_space<vmem>> -> memref<80xi32, #tpu.memory_space<vmem>>
    %dma_start3A_213 = tpu.memref_slice %arg4[%add3A_204] : memref<320000xi32, #tpu.memory_space<hbm>> -> memref<80xi32, #tpu.memory_space<hbm>>
    %dma_start3A_214 = arith.constant 0 : i32
    %dma_start3A_215 = tpu.memref_slice %arg12[%dma_start3A_214] : memref<160xi32, #tpu.memory_space<vmem>> -> memref<80xi32, #tpu.memory_space<vmem>>
    %dma_start3A_216 = tpu.memref_slice %arg4[%add3A_204] : memref<320000xi32, #tpu.memory_space<hbm>> -> memref<80xi32, #tpu.memory_space<hbm>>
    tpu.enqueue_dma source(%dma_start3A_216 : memref<80xi32, #tpu.memory_space<hbm>>) target(%dma_start3A_215 : memref<80xi32, #tpu.memory_space<vmem>>) target_semaphore(%arg21 : memref<!tpu.dma_semaphore, #tpu.memory_space<semaphore_mem>>)
    %scan3A = arith.constant 0 : i32
    %scan3A_217 = arith.constant 0 : i32
    %scan3A_218 = arith.constant 125 : i32
    %scan3A_219 = arith.addi %scan3A_217, %scan3A_218 : i32
    %scan3A_220 = arith.constant 1 : i32
    scf.for %scan3A_479 = %scan3A_217 to %scan3A_219 step %scan3A_220  : i32 {
      %mul3A_480 = arith.constant 2 : i32
      %mul3A_481 = arith.muli %mul3A_480, %scan3A_479 : i32
      %add3A_482 = arith.constant 1 : i32
      %add3A_483 = arith.addi %mul3A_481, %add3A_482 : i32
      %mul3A_484 = arith.constant 80 : i32
      %mul3A_485 = arith.muli %add3A_483, %mul3A_484 : i32
      %add3A_486 = arith.addi %mul3A_19, %mul3A_485 : i32
      %dma_wait3A_487 = arith.constant 0 : i32
      %dma_wait3A_488 = tpu.memref_slice %arg10[%dma_wait3A_487] : memref<80xi32, #tpu.memory_space<vmem>> -> memref<80xi32, #tpu.memory_space<vmem>>
      %dma_wait3A_489 = tpu.memref_slice %arg3[%add3A_486] : memref<320000xi32, #tpu.memory_space<hbm>> -> memref<80xi32, #tpu.memory_space<hbm>>
      %dma_wait3A_490 = arith.constant 0 : i32
      %dma_wait3A_491 = tpu.memref_slice %arg10[%dma_wait3A_490] : memref<80xi32, #tpu.memory_space<vmem>> -> memref<80xi32, #tpu.memory_space<vmem>>
      %dma_wait3A_492 = tpu.memref_slice %arg3[%add3A_486] : memref<320000xi32, #tpu.memory_space<hbm>> -> memref<80xi32, #tpu.memory_space<hbm>>
      tpu.wait_dma2 semaphore(%arg21 : memref<!tpu.dma_semaphore, #tpu.memory_space<semaphore_mem>>) src(%dma_wait3A_492 : memref<80xi32, #tpu.memory_space<hbm>>) dst(%dma_wait3A_491 : memref<80xi32, #tpu.memory_space<vmem>>)
      %dma_wait3A_493 = arith.constant 0 : i32
      %dma_wait3A_494 = tpu.memref_slice %arg12[%dma_wait3A_493] : memref<160xi32, #tpu.memory_space<vmem>> -> memref<80xi32, #tpu.memory_space<vmem>>
      %dma_wait3A_495 = tpu.memref_slice %arg4[%add3A_486] : memref<320000xi32, #tpu.memory_space<hbm>> -> memref<80xi32, #tpu.memory_space<hbm>>
      %dma_wait3A_496 = arith.constant 0 : i32
      %dma_wait3A_497 = tpu.memref_slice %arg12[%dma_wait3A_496] : memref<160xi32, #tpu.memory_space<vmem>> -> memref<80xi32, #tpu.memory_space<vmem>>
      %dma_wait3A_498 = tpu.memref_slice %arg4[%add3A_486] : memref<320000xi32, #tpu.memory_space<hbm>> -> memref<80xi32, #tpu.memory_space<hbm>>
      tpu.wait_dma2 semaphore(%arg21 : memref<!tpu.dma_semaphore, #tpu.memory_space<semaphore_mem>>) src(%dma_wait3A_498 : memref<80xi32, #tpu.memory_space<hbm>>) dst(%dma_wait3A_497 : memref<80xi32, #tpu.memory_space<vmem>>)
      %get3A_499 = arith.constant 0 : index
      %get3A_500 = tpu.vector_load %arg10[%get3A_499] {strides = array<i32>} : memref<80xi32, #tpu.memory_space<vmem>>, vector<16xi32>,
      %get3A_501 = vector.shape_cast %get3A_500 : vector<16xi32> to vector<16xi32>
      %mul3A_502 = arith.constant 1 : i32
      %mul3A_503 = vector.broadcast %mul3A_502 : i32 to vector<16xi32>
      %mul3A_504 = arith.muli %get3A_501, %mul3A_503 : vector<16xi32>
      %add3A_505 = arith.constant 0 : i32
      %add3A_506 = vector.broadcast %add3A_505 : i32 to vector<16xi32>
      %add3A_507 = arith.addi %mul3A_504, %add3A_506 : vector<16xi32>
      %swap3A_508 = arith.constant 0 : index
      %swap3A_509 = tpu.vector_load %arg14[%swap3A_508] {strides = array<i32>} : memref<80xi32, #tpu.memory_space<vmem>>, vector<16xi32>,
      %swap3A_510 = vector.shape_cast %swap3A_509 : vector<16xi32> to vector<16xi32>
      %swap3A_511 = vector.shape_cast %add3A_507 : vector<16xi32> to vector<16xi32>
      tpu.vector_store %arg14[%swap3A_508], %swap3A_511 {strides = array<i32>} : memref<80xi32, #tpu.memory_space<vmem>>, vector<16xi32>,
      %get3A_512 = arith.constant 0 : index
      %get3A_513 = tpu.vector_load %arg12[%get3A_512] {strides = array<i32>} : memref<160xi32, #tpu.memory_space<vmem>>, vector<16xi32>,
      %get3A_514 = vector.shape_cast %get3A_513 : vector<16xi32> to vector<16xi32>
      %sub3A_515 = vector.broadcast %mul3A_0 : i32 to vector<16xi32>
      %sub3A_516 = arith.subi %get3A_514, %sub3A_515 : vector<16xi32>
      %lt3A_517 = arith.constant 0 : i32
      %lt3A_518 = vector.broadcast %lt3A_517 : i32 to vector<16xi32>
      %lt3A_519 = arith.cmpi slt, %sub3A_516, %lt3A_518 : vector<16xi32>
      %ge3A_520 = arith.constant 5120 : i32
      %ge3A_521 = vector.broadcast %ge3A_520 : i32 to vector<16xi32>
      %ge3A_522 = arith.cmpi sge, %sub3A_516, %ge3A_521 : vector<16xi32>
      %or3A_523 = arith.ori %lt3A_519, %ge3A_522 : vector<16xi1>
      %jit3A_524 = arith.constant 5120 : i32
      %broadcast_in_dim3A_525 = vector.broadcast %jit3A_524 : i32 to vector<16xi32>
      %select_n3A_526 = arith.select %or3A_523, %broadcast_in_dim3A_525, %sub3A_516 : vector<16xi1>, vector<16xi32>
      %swap3A_527 = arith.constant 0 : index
      %swap3A_528 = tpu.vector_load %arg16[%swap3A_527] {strides = array<i32>} : memref<80xi32, #tpu.memory_space<vmem>>, vector<16xi32>,
      %swap3A_529 = vector.shape_cast %swap3A_528 : vector<16xi32> to vector<16xi32>
      %swap3A_530 = vector.shape_cast %select_n3A_526 : vector<16xi32> to vector<16xi32>
      tpu.vector_store %arg16[%swap3A_527], %swap3A_530 {strides = array<i32>} : memref<80xi32, #tpu.memory_space<vmem>>, vector<16xi32>,
      %get3A_531 = arith.constant 16 : index
      %get3A_532 = tpu.vector_load %arg10[%get3A_531] {strides = array<i32>} : memref<80xi32, #tpu.memory_space<vmem>>, vector<16xi32>,
      %get3A_533 = vector.shape_cast %get3A_532 : vector<16xi32> to vector<16xi32>
      %mul3A_534 = arith.constant 1 : i32
      %mul3A_535 = vector.broadcast %mul3A_534 : i32 to vector<16xi32>
      %mul3A_536 = arith.muli %get3A_533, %mul3A_535 : vector<16xi32>
      %add3A_537 = arith.constant 0 : i32
      %add3A_538 = vector.broadcast %add3A_537 : i32 to vector<16xi32>
      %add3A_539 = arith.addi %mul3A_536, %add3A_538 : vector<16xi32>
      %swap3A_540 = arith.constant 16 : index
      %swap3A_541 = tpu.vector_load %arg14[%swap3A_540] {strides = array<i32>} : memref<80xi32, #tpu.memory_space<vmem>>, vector<16xi32>,
      %swap3A_542 = vector.shape_cast %swap3A_541 : vector<16xi32> to vector<16xi32>
      %swap3A_543 = vector.shape_cast %add3A_539 : vector<16xi32> to vector<16xi32>
      tpu.vector_store %arg14[%swap3A_540], %swap3A_543 {strides = array<i32>} : memref<80xi32, #tpu.memory_space<vmem>>, vector<16xi32>,
      %get3A_544 = arith.constant 16 : index
      %get3A_545 = tpu.vector_load %arg12[%get3A_544] {strides = array<i32>} : memref<160xi32, #tpu.memory_space<vmem>>, vector<16xi32>,
      %get3A_546 = vector.shape_cast %get3A_545 : vector<16xi32> to vector<16xi32>
      %sub3A_547 = vector.broadcast %mul3A_0 : i32 to vector<16xi32>
      %sub3A_548 = arith.subi %get3A_546, %sub3A_547 : vector<16xi32>
      %lt3A_549 = arith.constant 0 : i32
      %lt3A_550 = vector.broadcast %lt3A_549 : i32 to vector<16xi32>
      %lt3A_551 = arith.cmpi slt, %sub3A_548, %lt3A_550 : vector<16xi32>
      %ge3A_552 = arith.constant 5120 : i32
      %ge3A_553 = vector.broadcast %ge3A_552 : i32 to vector<16xi32>
      %ge3A_554 = arith.cmpi sge, %sub3A_548, %ge3A_553 : vector<16xi32>
      %or3A_555 = arith.ori %lt3A_551, %ge3A_554 : vector<16xi1>
      %jit3A_556 = arith.constant 5120 : i32
      %broadcast_in_dim3A_557 = vector.broadcast %jit3A_556 : i32 to vector<16xi32>
      %select_n3A_558 = arith.select %or3A_555, %broadcast_in_dim3A_557, %sub3A_548 : vector<16xi1>, vector<16xi32>
      %swap3A_559 = arith.constant 16 : index
      %swap3A_560 = tpu.vector_load %arg16[%swap3A_559] {strides = array<i32>} : memref<80xi32, #tpu.memory_space<vmem>>, vector<16xi32>,
      %swap3A_561 = vector.shape_cast %swap3A_560 : vector<16xi32> to vector<16xi32>
      %swap3A_562 = vector.shape_cast %select_n3A_558 : vector<16xi32> to vector<16xi32>
      tpu.vector_store %arg16[%swap3A_559], %swap3A_562 {strides = array<i32>} : memref<80xi32, #tpu.memory_space<vmem>>, vector<16xi32>,
      %get3A_563 = arith.constant 32 : index
      %get3A_564 = tpu.vector_load %arg10[%get3A_563] {strides = array<i32>} : memref<80xi32, #tpu.memory_space<vmem>>, vector<16xi32>,
      %get3A_565 = vector.shape_cast %get3A_564 : vector<16xi32> to vector<16xi32>
      %mul3A_566 = arith.constant 1 : i32
      %mul3A_567 = vector.broadcast %mul3A_566 : i32 to vector<16xi32>
      %mul3A_568 = arith.muli %get3A_565, %mul3A_567 : vector<16xi32>
      %add3A_569 = arith.constant 0 : i32
      %add3A_570 = vector.broadcast %add3A_569 : i32 to vector<16xi32>
      %add3A_571 = arith.addi %mul3A_568, %add3A_570 : vector<16xi32>
      %swap3A_572 = arith.constant 32 : index
      %swap3A_573 = tpu.vector_load %arg14[%swap3A_572] {strides = array<i32>} : memref<80xi32, #tpu.memory_space<vmem>>, vector<16xi32>,
      %swap3A_574 = vector.shape_cast %swap3A_573 : vector<16xi32> to vector<16xi32>
      %swap3A_575 = vector.shape_cast %add3A_571 : vector<16xi32> to vector<16xi32>
      tpu.vector_store %arg14[%swap3A_572], %swap3A_575 {strides = array<i32>} : memref<80xi32, #tpu.memory_space<vmem>>, vector<16xi32>,
      %get3A_576 = arith.constant 32 : index
      %get3A_577 = tpu.vector_load %arg12[%get3A_576] {strides = array<i32>} : memref<160xi32, #tpu.memory_space<vmem>>, vector<16xi32>,
      %get3A_578 = vector.shape_cast %get3A_577 : vector<16xi32> to vector<16xi32>
      %sub3A_579 = vector.broadcast %mul3A_0 : i32 to vector<16xi32>
      %sub3A_580 = arith.subi %get3A_578, %sub3A_579 : vector<16xi32>
      %lt3A_581 = arith.constant 0 : i32
      %lt3A_582 = vector.broadcast %lt3A_581 : i32 to vector<16xi32>
      %lt3A_583 = arith.cmpi slt, %sub3A_580, %lt3A_582 : vector<16xi32>
      %ge3A_584 = arith.constant 5120 : i32
      %ge3A_585 = vector.broadcast %ge3A_584 : i32 to vector<16xi32>
      %ge3A_586 = arith.cmpi sge, %sub3A_580, %ge3A_585 : vector<16xi32>
      %or3A_587 = arith.ori %lt3A_583, %ge3A_586 : vector<16xi1>
      %jit3A_588 = arith.constant 5120 : i32
      %broadcast_in_dim3A_589 = vector.broadcast %jit3A_588 : i32 to vector<16xi32>
      %select_n3A_590 = arith.select %or3A_587, %broadcast_in_dim3A_589, %sub3A_580 : vector<16xi1>, vector<16xi32>
      %swap3A_591 = arith.constant 32 : index
      %swap3A_592 = tpu.vector_load %arg16[%swap3A_591] {strides = array<i32>} : memref<80xi32, #tpu.memory_space<vmem>>, vector<16xi32>,
      %swap3A_593 = vector.shape_cast %swap3A_592 : vector<16xi32> to vector<16xi32>
      %swap3A_594 = vector.shape_cast %select_n3A_590 : vector<16xi32> to vector<16xi32>
      tpu.vector_store %arg16[%swap3A_591], %swap3A_594 {strides = array<i32>} : memref<80xi32, #tpu.memory_space<vmem>>, vector<16xi32>,
      %get3A_595 = arith.constant 48 : index
      %get3A_596 = tpu.vector_load %arg10[%get3A_595] {strides = array<i32>} : memref<80xi32, #tpu.memory_space<vmem>>, vector<16xi32>,
      %get3A_597 = vector.shape_cast %get3A_596 : vector<16xi32> to vector<16xi32>
      %mul3A_598 = arith.constant 1 : i32
      %mul3A_599 = vector.broadcast %mul3A_598 : i32 to vector<16xi32>
      %mul3A_600 = arith.muli %get3A_597, %mul3A_599 : vector<16xi32>
      %add3A_601 = arith.constant 0 : i32
      %add3A_602 = vector.broadcast %add3A_601 : i32 to vector<16xi32>
      %add3A_603 = arith.addi %mul3A_600, %add3A_602 : vector<16xi32>
      %swap3A_604 = arith.constant 48 : index
      %swap3A_605 = tpu.vector_load %arg14[%swap3A_604] {strides = array<i32>} : memref<80xi32, #tpu.memory_space<vmem>>, vector<16xi32>,
      %swap3A_606 = vector.shape_cast %swap3A_605 : vector<16xi32> to vector<16xi32>
      %swap3A_607 = vector.shape_cast %add3A_603 : vector<16xi32> to vector<16xi32>
      tpu.vector_store %arg14[%swap3A_604], %swap3A_607 {strides = array<i32>} : memref<80xi32, #tpu.memory_space<vmem>>, vector<16xi32>,
      %get3A_608 = arith.constant 48 : index
      %get3A_609 = tpu.vector_load %arg12[%get3A_608] {strides = array<i32>} : memref<160xi32, #tpu.memory_space<vmem>>, vector<16xi32>,
      %get3A_610 = vector.shape_cast %get3A_609 : vector<16xi32> to vector<16xi32>
      %sub3A_611 = vector.broadcast %mul3A_0 : i32 to vector<16xi32>
      %sub3A_612 = arith.subi %get3A_610, %sub3A_611 : vector<16xi32>
      %lt3A_613 = arith.constant 0 : i32
      %lt3A_614 = vector.broadcast %lt3A_613 : i32 to vector<16xi32>
      %lt3A_615 = arith.cmpi slt, %sub3A_612, %lt3A_614 : vector<16xi32>
      %ge3A_616 = arith.constant 5120 : i32
      %ge3A_617 = vector.broadcast %ge3A_616 : i32 to vector<16xi32>
      %ge3A_618 = arith.cmpi sge, %sub3A_612, %ge3A_617 : vector<16xi32>
      %or3A_619 = arith.ori %lt3A_615, %ge3A_618 : vector<16xi1>
      %jit3A_620 = arith.constant 5120 : i32
      %broadcast_in_dim3A_621 = vector.broadcast %jit3A_620 : i32 to vector<16xi32>
      %select_n3A_622 = arith.select %or3A_619, %broadcast_in_dim3A_621, %sub3A_612 : vector<16xi1>, vector<16xi32>
      %swap3A_623 = arith.constant 48 : index
      %swap3A_624 = tpu.vector_load %arg16[%swap3A_623] {strides = array<i32>} : memref<80xi32, #tpu.memory_space<vmem>>, vector<16xi32>,
      %swap3A_625 = vector.shape_cast %swap3A_624 : vector<16xi32> to vector<16xi32>
      %swap3A_626 = vector.shape_cast %select_n3A_622 : vector<16xi32> to vector<16xi32>
      tpu.vector_store %arg16[%swap3A_623], %swap3A_626 {strides = array<i32>} : memref<80xi32, #tpu.memory_space<vmem>>, vector<16xi32>,
      %get3A_627 = arith.constant 64 : index
      %get3A_628 = tpu.vector_load %arg10[%get3A_627] {strides = array<i32>} : memref<80xi32, #tpu.memory_space<vmem>>, vector<16xi32>,
      %get3A_629 = vector.shape_cast %get3A_628 : vector<16xi32> to vector<16xi32>
      %mul3A_630 = arith.constant 1 : i32
      %mul3A_631 = vector.broadcast %mul3A_630 : i32 to vector<16xi32>
      %mul3A_632 = arith.muli %get3A_629, %mul3A_631 : vector<16xi32>
      %add3A_633 = arith.constant 0 : i32
      %add3A_634 = vector.broadcast %add3A_633 : i32 to vector<16xi32>
      %add3A_635 = arith.addi %mul3A_632, %add3A_634 : vector<16xi32>
      %swap3A_636 = arith.constant 64 : index
      %swap3A_637 = tpu.vector_load %arg14[%swap3A_636] {strides = array<i32>} : memref<80xi32, #tpu.memory_space<vmem>>, vector<16xi32>,
      %swap3A_638 = vector.shape_cast %swap3A_637 : vector<16xi32> to vector<16xi32>
      %swap3A_639 = vector.shape_cast %add3A_635 : vector<16xi32> to vector<16xi32>
      tpu.vector_store %arg14[%swap3A_636], %swap3A_639 {strides = array<i32>} : memref<80xi32, #tpu.memory_space<vmem>>, vector<16xi32>,
      %get3A_640 = arith.constant 64 : index
      %get3A_641 = tpu.vector_load %arg12[%get3A_640] {strides = array<i32>} : memref<160xi32, #tpu.memory_space<vmem>>, vector<16xi32>,
      %get3A_642 = vector.shape_cast %get3A_641 : vector<16xi32> to vector<16xi32>
      %sub3A_643 = vector.broadcast %mul3A_0 : i32 to vector<16xi32>
      %sub3A_644 = arith.subi %get3A_642, %sub3A_643 : vector<16xi32>
      %lt3A_645 = arith.constant 0 : i32
      %lt3A_646 = vector.broadcast %lt3A_645 : i32 to vector<16xi32>
      %lt3A_647 = arith.cmpi slt, %sub3A_644, %lt3A_646 : vector<16xi32>
      %ge3A_648 = arith.constant 5120 : i32
      %ge3A_649 = vector.broadcast %ge3A_648 : i32 to vector<16xi32>
      %ge3A_650 = arith.cmpi sge, %sub3A_644, %ge3A_649 : vector<16xi32>
      %or3A_651 = arith.ori %lt3A_647, %ge3A_650 : vector<16xi1>
      %jit3A_652 = arith.constant 5120 : i32
      %broadcast_in_dim3A_653 = vector.broadcast %jit3A_652 : i32 to vector<16xi32>
      %select_n3A_654 = arith.select %or3A_651, %broadcast_in_dim3A_653, %sub3A_644 : vector<16xi1>, vector<16xi32>
      %swap3A_655 = arith.constant 64 : index
      %swap3A_656 = tpu.vector_load %arg16[%swap3A_655] {strides = array<i32>} : memref<80xi32, #tpu.memory_space<vmem>>, vector<16xi32>,
      %swap3A_657 = vector.shape_cast %swap3A_656 : vector<16xi32> to vector<16xi32>
      %swap3A_658 = vector.shape_cast %select_n3A_654 : vector<16xi32> to vector<16xi32>
      tpu.vector_store %arg16[%swap3A_655], %swap3A_658 {strides = array<i32>} : memref<80xi32, #tpu.memory_space<vmem>>, vector<16xi32>,
      %dma_start3A_659 = arith.constant 80 : i32
      %dma_start3A_660 = arith.constant 0 : i32
      %dma_start3A_661 = tpu.memref_slice %arg19[%dma_start3A_659, %dma_start3A_660] : memref<160x128xf32, #tpu.memory_space<vmem>> -> memref<80x128xf32, #tpu.memory_space<vmem>>
      %dma_start3A_662 = arith.constant 0 : i32
      %dma_start3A_663 = arith.constant 0 : i32
      %dma_start3A_664 = tpu.memref_slice %arg2[%dma_start3A_662, %dma_start3A_663] : memref<10000x128xf32, #tpu.memory_space<hbm>> -> memref<10000x128xf32, #tpu.memory_space<hbm>>
      tpu.enqueue_indirect_dma source(%dma_start3A_664 : memref<10000x128xf32, #tpu.memory_space<hbm>>) target(%dma_start3A_661 : memref<80x128xf32, #tpu.memory_space<vmem>>) offsets(%arg14 : memref<80xi32, #tpu.memory_space<vmem>>) semaphore(%arg23 : memref<!tpu.dma_semaphore, #tpu.memory_space<semaphore_mem>>)
      %lt3A_665 = arith.constant 124 : i32
      %lt3A_666 = arith.cmpi slt, %scan3A_479, %lt3A_665 : i32
      %convert_element_type3A = arith.extui %lt3A_666 : i1 to i32
      %cond3A = arith.constant 0 : i32
      %cond3A_667 = arith.cmpi ne, %convert_element_type3A, %cond3A : i32
      scf.if %cond3A_667 {
        %add3A_685 = arith.constant 2 : i32
        %add3A_686 = arith.addi %mul3A_481, %add3A_685 : i32
        %mul3A_687 = arith.constant 80 : i32
        %mul3A_688 = arith.muli %add3A_686, %mul3A_687 : i32
        %add3A_689 = arith.addi %mul3A_19, %mul3A_688 : i32
        %dma_start3A_690 = arith.constant 0 : i32
        %dma_start3A_691 = tpu.memref_slice %arg9[%dma_start3A_690] : memref<80xi32, #tpu.memory_space<vmem>> -> memref<80xi32, #tpu.memory_space<vmem>>
        %dma_start3A_692 = tpu.memref_slice %arg3[%add3A_689] : memref<320000xi32, #tpu.memory_space<hbm>> -> memref<80xi32, #tpu.memory_space<hbm>>
        %dma_start3A_693 = arith.constant 0 : i32
        %dma_start3A_694 = tpu.memref_slice %arg9[%dma_start3A_693] : memref<80xi32, #tpu.memory_space<vmem>> -> memref<80xi32, #tpu.memory_space<vmem>>
        %dma_start3A_695 = tpu.memref_slice %arg3[%add3A_689] : memref<320000xi32, #tpu.memory_space<hbm>> -> memref<80xi32, #tpu.memory_space<hbm>>
        tpu.enqueue_dma source(%dma_start3A_695 : memref<80xi32, #tpu.memory_space<hbm>>) target(%dma_start3A_694 : memref<80xi32, #tpu.memory_space<vmem>>) target_semaphore(%arg20 : memref<!tpu.dma_semaphore, #tpu.memory_space<semaphore_mem>>)
        %dma_start3A_696 = arith.constant 0 : i32
        %dma_start3A_697 = tpu.memref_slice %arg11[%dma_start3A_696] : memref<160xi32, #tpu.memory_space<vmem>> -> memref<80xi32, #tpu.memory_space<vmem>>
        %dma_start3A_698 = tpu.memref_slice %arg4[%add3A_689] : memref<320000xi32, #tpu.memory_space<hbm>> -> memref<80xi32, #tpu.memory_space<hbm>>
        %dma_start3A_699 = arith.constant 0 : i32
        %dma_start3A_700 = tpu.memref_slice %arg11[%dma_start3A_699] : memref<160xi32, #tpu.memory_space<vmem>> -> memref<80xi32, #tpu.memory_space<vmem>>
        %dma_start3A_701 = tpu.memref_slice %arg4[%add3A_689] : memref<320000xi32, #tpu.memory_space<hbm>> -> memref<80xi32, #tpu.memory_space<hbm>>
        tpu.enqueue_dma source(%dma_start3A_701 : memref<80xi32, #tpu.memory_space<hbm>>) target(%dma_start3A_700 : memref<80xi32, #tpu.memory_space<vmem>>) target_semaphore(%arg20 : memref<!tpu.dma_semaphore, #tpu.memory_space<semaphore_mem>>)
      } else {
      }
      %dma_wait3A_668 = arith.constant 0 : i32
      %dma_wait3A_669 = arith.constant 0 : i32
      %dma_wait3A_670 = tpu.memref_slice %arg19[%dma_wait3A_668, %dma_wait3A_669] : memref<160x128xf32, #tpu.memory_space<vmem>> -> memref<80x128xf32, #tpu.memory_space<vmem>>
      %dma_wait3A_671 = arith.constant 0 : i32
      %dma_wait3A_672 = arith.constant 0 : i32
      %dma_wait3A_673 = tpu.memref_slice %arg2[%dma_wait3A_671, %dma_wait3A_672] : memref<10000x128xf32, #tpu.memory_space<hbm>> -> memref<10000x128xf32, #tpu.memory_space<hbm>>
      tpu.wait_indirect_dma semaphore(%arg22 : memref<!tpu.dma_semaphore, #tpu.memory_space<semaphore_mem>>) src(%dma_wait3A_673 : memref<10000x128xf32, #tpu.memory_space<hbm>>) dst(%dma_wait3A_670 : memref<80x128xf32, #tpu.memory_space<vmem>>)
      "tpu.region"() ({
        %run_scoped3A_685 = tpu.sem_alloc : memref<!tpu.dma_semaphore, #tpu.memory_space<semaphore_mem>>
        %dma_start3A_686 = arith.constant 0 : i32
        %dma_start3A_687 = arith.constant 0 : i32
        %dma_start3A_688 = tpu.memref_slice %arg19[%dma_start3A_686, %dma_start3A_687] : memref<160x128xf32, #tpu.memory_space<vmem>> -> memref<80x128xf32, #tpu.memory_space<vmem>>
        %dma_start3A_689 = arith.constant 0 : i32
        %dma_start3A_690 = arith.constant 0 : i32
        %dma_start3A_691 = tpu.memref_slice %arg8[%dma_start3A_689, %dma_start3A_690] : memref<5248x128xf32, #tpu.memory_space<vmem_shared>> -> memref<5248x128xf32, #tpu.memory_space<vmem_shared>>
        tpu.enqueue_indirect_dma source(%dma_start3A_688 : memref<80x128xf32, #tpu.memory_space<vmem>>) target(%dma_start3A_691 : memref<5248x128xf32, #tpu.memory_space<vmem_shared>>) offsets(%arg15 : memref<80xi32, #tpu.memory_space<vmem>>) semaphore(%run_scoped3A_685 : memref<!tpu.dma_semaphore, #tpu.memory_space<semaphore_mem>>) {add = true}
        %dma_wait3A_692 = arith.constant 0 : i32
        %dma_wait3A_693 = arith.constant 0 : i32
        %dma_wait3A_694 = tpu.memref_slice %arg19[%dma_wait3A_692, %dma_wait3A_693] : memref<160x128xf32, #tpu.memory_space<vmem>> -> memref<80x128xf32, #tpu.memory_space<vmem>>
        %dma_wait3A_695 = arith.constant 0 : i32
        %dma_wait3A_696 = arith.constant 0 : i32
        %dma_wait3A_697 = tpu.memref_slice %arg8[%dma_wait3A_695, %dma_wait3A_696] : memref<5248x128xf32, #tpu.memory_space<vmem_shared>> -> memref<5248x128xf32, #tpu.memory_space<vmem_shared>>
        tpu.wait_indirect_dma semaphore(%run_scoped3A_685 : memref<!tpu.dma_semaphore, #tpu.memory_space<semaphore_mem>>) src(%dma_wait3A_694 : memref<80x128xf32, #tpu.memory_space<vmem>>) dst(%dma_wait3A_697 : memref<5248x128xf32, #tpu.memory_space<vmem_shared>>)
        tpu.yield
      }) : () -> ()
      %lt3A_674 = arith.constant 124 : i32
      %lt3A_675 = arith.cmpi slt, %scan3A_479, %lt3A_674 : i32
      %convert_element_type3A_676 = arith.extui %lt3A_675 : i1 to i32
      %cond3A_677 = arith.constant 0 : i32
      %cond3A_678 = arith.cmpi ne, %convert_element_type3A_676, %cond3A_677 : i32
      scf.if %cond3A_678 {
        %add3A_685 = arith.constant 2 : i32
        %add3A_686 = arith.addi %mul3A_481, %add3A_685 : i32
        %mul3A_687 = arith.constant 80 : i32
        %mul3A_688 = arith.muli %add3A_686, %mul3A_687 : i32
        %add3A_689 = arith.addi %mul3A_19, %mul3A_688 : i32
        %dma_wait3A_690 = arith.constant 0 : i32
        %dma_wait3A_691 = tpu.memref_slice %arg9[%dma_wait3A_690] : memref<80xi32, #tpu.memory_space<vmem>> -> memref<80xi32, #tpu.memory_space<vmem>>
        %dma_wait3A_692 = tpu.memref_slice %arg3[%add3A_689] : memref<320000xi32, #tpu.memory_space<hbm>> -> memref<80xi32, #tpu.memory_space<hbm>>
        %dma_wait3A_693 = arith.constant 0 : i32
        %dma_wait3A_694 = tpu.memref_slice %arg9[%dma_wait3A_693] : memref<80xi32, #tpu.memory_space<vmem>> -> memref<80xi32, #tpu.memory_space<vmem>>
        %dma_wait3A_695 = tpu.memref_slice %arg3[%add3A_689] : memref<320000xi32, #tpu.memory_space<hbm>> -> memref<80xi32, #tpu.memory_space<hbm>>
        tpu.wait_dma2 semaphore(%arg20 : memref<!tpu.dma_semaphore, #tpu.memory_space<semaphore_mem>>) src(%dma_wait3A_695 : memref<80xi32, #tpu.memory_space<hbm>>) dst(%dma_wait3A_694 : memref<80xi32, #tpu.memory_space<vmem>>)
        %dma_wait3A_696 = arith.constant 0 : i32
        %dma_wait3A_697 = tpu.memref_slice %arg11[%dma_wait3A_696] : memref<160xi32, #tpu.memory_space<vmem>> -> memref<80xi32, #tpu.memory_space<vmem>>
        %dma_wait3A_698 = tpu.memref_slice %arg4[%add3A_689] : memref<320000xi32, #tpu.memory_space<hbm>> -> memref<80xi32, #tpu.memory_space<hbm>>
        %dma_wait3A_699 = arith.constant 0 : i32
        %dma_wait3A_700 = tpu.memref_slice %arg11[%dma_wait3A_699] : memref<160xi32, #tpu.memory_space<vmem>> -> memref<80xi32, #tpu.memory_space<vmem>>
        %dma_wait3A_701 = tpu.memref_slice %arg4[%add3A_689] : memref<320000xi32, #tpu.memory_space<hbm>> -> memref<80xi32, #tpu.memory_space<hbm>>
        tpu.wait_dma2 semaphore(%arg20 : memref<!tpu.dma_semaphore, #tpu.memory_space<semaphore_mem>>) src(%dma_wait3A_701 : memref<80xi32, #tpu.memory_space<hbm>>) dst(%dma_wait3A_700 : memref<80xi32, #tpu.memory_space<vmem>>)
        %get3A_702 = arith.constant 0 : index
        %get3A_703 = tpu.vector_load %arg9[%get3A_702] {strides = array<i32>} : memref<80xi32, #tpu.memory_space<vmem>>, vector<16xi32>,
        %get3A_704 = vector.shape_cast %get3A_703 : vector<16xi32> to vector<16xi32>
        %mul3A_705 = arith.constant 1 : i32
        %mul3A_706 = vector.broadcast %mul3A_705 : i32 to vector<16xi32>
        %mul3A_707 = arith.muli %get3A_704, %mul3A_706 : vector<16xi32>
        %add3A_708 = arith.constant 0 : i32
        %add3A_709 = vector.broadcast %add3A_708 : i32 to vector<16xi32>
        %add3A_710 = arith.addi %mul3A_707, %add3A_709 : vector<16xi32>
        %swap3A_711 = arith.constant 0 : index
        %swap3A_712 = tpu.vector_load %arg13[%swap3A_711] {strides = array<i32>} : memref<80xi32, #tpu.memory_space<vmem>>, vector<16xi32>,
        %swap3A_713 = vector.shape_cast %swap3A_712 : vector<16xi32> to vector<16xi32>
        %swap3A_714 = vector.shape_cast %add3A_710 : vector<16xi32> to vector<16xi32>
        tpu.vector_store %arg13[%swap3A_711], %swap3A_714 {strides = array<i32>} : memref<80xi32, #tpu.memory_space<vmem>>, vector<16xi32>,
        %get3A_715 = arith.constant 0 : index
        %get3A_716 = tpu.vector_load %arg11[%get3A_715] {strides = array<i32>} : memref<160xi32, #tpu.memory_space<vmem>>, vector<16xi32>,
        %get3A_717 = vector.shape_cast %get3A_716 : vector<16xi32> to vector<16xi32>
        %sub3A_718 = vector.broadcast %mul3A_0 : i32 to vector<16xi32>
        %sub3A_719 = arith.subi %get3A_717, %sub3A_718 : vector<16xi32>
        %lt3A_720 = arith.constant 0 : i32
        %lt3A_721 = vector.broadcast %lt3A_720 : i32 to vector<16xi32>
        %lt3A_722 = arith.cmpi slt, %sub3A_719, %lt3A_721 : vector<16xi32>
        %ge3A_723 = arith.constant 5120 : i32
        %ge3A_724 = vector.broadcast %ge3A_723 : i32 to vector<16xi32>
        %ge3A_725 = arith.cmpi sge, %sub3A_719, %ge3A_724 : vector<16xi32>
        %or3A_726 = arith.ori %lt3A_722, %ge3A_725 : vector<16xi1>
        %jit3A_727 = arith.constant 5120 : i32
        %broadcast_in_dim3A_728 = vector.broadcast %jit3A_727 : i32 to vector<16xi32>
        %select_n3A_729 = arith.select %or3A_726, %broadcast_in_dim3A_728, %sub3A_719 : vector<16xi1>, vector<16xi32>
        %swap3A_730 = arith.constant 0 : index
        %swap3A_731 = tpu.vector_load %arg15[%swap3A_730] {strides = array<i32>} : memref<80xi32, #tpu.memory_space<vmem>>, vector<16xi32>,
        %swap3A_732 = vector.shape_cast %swap3A_731 : vector<16xi32> to vector<16xi32>
        %swap3A_733 = vector.shape_cast %select_n3A_729 : vector<16xi32> to vector<16xi32>
        tpu.vector_store %arg15[%swap3A_730], %swap3A_733 {strides = array<i32>} : memref<80xi32, #tpu.memory_space<vmem>>, vector<16xi32>,
        %get3A_734 = arith.constant 16 : index
        %get3A_735 = tpu.vector_load %arg9[%get3A_734] {strides = array<i32>} : memref<80xi32, #tpu.memory_space<vmem>>, vector<16xi32>,
        %get3A_736 = vector.shape_cast %get3A_735 : vector<16xi32> to vector<16xi32>
        %mul3A_737 = arith.constant 1 : i32
        %mul3A_738 = vector.broadcast %mul3A_737 : i32 to vector<16xi32>
        %mul3A_739 = arith.muli %get3A_736, %mul3A_738 : vector<16xi32>
        %add3A_740 = arith.constant 0 : i32
        %add3A_741 = vector.broadcast %add3A_740 : i32 to vector<16xi32>
        %add3A_742 = arith.addi %mul3A_739, %add3A_741 : vector<16xi32>
        %swap3A_743 = arith.constant 16 : index
        %swap3A_744 = tpu.vector_load %arg13[%swap3A_743] {strides = array<i32>} : memref<80xi32, #tpu.memory_space<vmem>>, vector<16xi32>,
        %swap3A_745 = vector.shape_cast %swap3A_744 : vector<16xi32> to vector<16xi32>
        %swap3A_746 = vector.shape_cast %add3A_742 : vector<16xi32> to vector<16xi32>
        tpu.vector_store %arg13[%swap3A_743], %swap3A_746 {strides = array<i32>} : memref<80xi32, #tpu.memory_space<vmem>>, vector<16xi32>,
        %get3A_747 = arith.constant 16 : index
        %get3A_748 = tpu.vector_load %arg11[%get3A_747] {strides = array<i32>} : memref<160xi32, #tpu.memory_space<vmem>>, vector<16xi32>,
        %get3A_749 = vector.shape_cast %get3A_748 : vector<16xi32> to vector<16xi32>
        %sub3A_750 = vector.broadcast %mul3A_0 : i32 to vector<16xi32>
        %sub3A_751 = arith.subi %get3A_749, %sub3A_750 : vector<16xi32>
        %lt3A_752 = arith.constant 0 : i32
        %lt3A_753 = vector.broadcast %lt3A_752 : i32 to vector<16xi32>
        %lt3A_754 = arith.cmpi slt, %sub3A_751, %lt3A_753 : vector<16xi32>
        %ge3A_755 = arith.constant 5120 : i32
        %ge3A_756 = vector.broadcast %ge3A_755 : i32 to vector<16xi32>
        %ge3A_757 = arith.cmpi sge, %sub3A_751, %ge3A_756 : vector<16xi32>
        %or3A_758 = arith.ori %lt3A_754, %ge3A_757 : vector<16xi1>
        %jit3A_759 = arith.constant 5120 : i32
        %broadcast_in_dim3A_760 = vector.broadcast %jit3A_759 : i32 to vector<16xi32>
        %select_n3A_761 = arith.select %or3A_758, %broadcast_in_dim3A_760, %sub3A_751 : vector<16xi1>, vector<16xi32>
        %swap3A_762 = arith.constant 16 : index
        %swap3A_763 = tpu.vector_load %arg15[%swap3A_762] {strides = array<i32>} : memref<80xi32, #tpu.memory_space<vmem>>, vector<16xi32>,
        %swap3A_764 = vector.shape_cast %swap3A_763 : vector<16xi32> to vector<16xi32>
        %swap3A_765 = vector.shape_cast %select_n3A_761 : vector<16xi32> to vector<16xi32>
        tpu.vector_store %arg15[%swap3A_762], %swap3A_765 {strides = array<i32>} : memref<80xi32, #tpu.memory_space<vmem>>, vector<16xi32>,
        %get3A_766 = arith.constant 32 : index
        %get3A_767 = tpu.vector_load %arg9[%get3A_766] {strides = array<i32>} : memref<80xi32, #tpu.memory_space<vmem>>, vector<16xi32>,
        %get3A_768 = vector.shape_cast %get3A_767 : vector<16xi32> to vector<16xi32>
        %mul3A_769 = arith.constant 1 : i32
        %mul3A_770 = vector.broadcast %mul3A_769 : i32 to vector<16xi32>
        %mul3A_771 = arith.muli %get3A_768, %mul3A_770 : vector<16xi32>
        %add3A_772 = arith.constant 0 : i32
        %add3A_773 = vector.broadcast %add3A_772 : i32 to vector<16xi32>
        %add3A_774 = arith.addi %mul3A_771, %add3A_773 : vector<16xi32>
        %swap3A_775 = arith.constant 32 : index
        %swap3A_776 = tpu.vector_load %arg13[%swap3A_775] {strides = array<i32>} : memref<80xi32, #tpu.memory_space<vmem>>, vector<16xi32>,
        %swap3A_777 = vector.shape_cast %swap3A_776 : vector<16xi32> to vector<16xi32>
        %swap3A_778 = vector.shape_cast %add3A_774 : vector<16xi32> to vector<16xi32>
        tpu.vector_store %arg13[%swap3A_775], %swap3A_778 {strides = array<i32>} : memref<80xi32, #tpu.memory_space<vmem>>, vector<16xi32>,
        %get3A_779 = arith.constant 32 : index
        %get3A_780 = tpu.vector_load %arg11[%get3A_779] {strides = array<i32>} : memref<160xi32, #tpu.memory_space<vmem>>, vector<16xi32>,
        %get3A_781 = vector.shape_cast %get3A_780 : vector<16xi32> to vector<16xi32>
        %sub3A_782 = vector.broadcast %mul3A_0 : i32 to vector<16xi32>
        %sub3A_783 = arith.subi %get3A_781, %sub3A_782 : vector<16xi32>
        %lt3A_784 = arith.constant 0 : i32
        %lt3A_785 = vector.broadcast %lt3A_784 : i32 to vector<16xi32>
        %lt3A_786 = arith.cmpi slt, %sub3A_783, %lt3A_785 : vector<16xi32>
        %ge3A_787 = arith.constant 5120 : i32
        %ge3A_788 = vector.broadcast %ge3A_787 : i32 to vector<16xi32>
        %ge3A_789 = arith.cmpi sge, %sub3A_783, %ge3A_788 : vector<16xi32>
        %or3A_790 = arith.ori %lt3A_786, %ge3A_789 : vector<16xi1>
        %jit3A_791 = arith.constant 5120 : i32
        %broadcast_in_dim3A_792 = vector.broadcast %jit3A_791 : i32 to vector<16xi32>
        %select_n3A_793 = arith.select %or3A_790, %broadcast_in_dim3A_792, %sub3A_783 : vector<16xi1>, vector<16xi32>
        %swap3A_794 = arith.constant 32 : index
        %swap3A_795 = tpu.vector_load %arg15[%swap3A_794] {strides = array<i32>} : memref<80xi32, #tpu.memory_space<vmem>>, vector<16xi32>,
        %swap3A_796 = vector.shape_cast %swap3A_795 : vector<16xi32> to vector<16xi32>
        %swap3A_797 = vector.shape_cast %select_n3A_793 : vector<16xi32> to vector<16xi32>
        tpu.vector_store %arg15[%swap3A_794], %swap3A_797 {strides = array<i32>} : memref<80xi32, #tpu.memory_space<vmem>>, vector<16xi32>,
        %get3A_798 = arith.constant 48 : index
        %get3A_799 = tpu.vector_load %arg9[%get3A_798] {strides = array<i32>} : memref<80xi32, #tpu.memory_space<vmem>>, vector<16xi32>,
        %get3A_800 = vector.shape_cast %get3A_799 : vector<16xi32> to vector<16xi32>
        %mul3A_801 = arith.constant 1 : i32
        %mul3A_802 = vector.broadcast %mul3A_801 : i32 to vector<16xi32>
        %mul3A_803 = arith.muli %get3A_800, %mul3A_802 : vector<16xi32>
        %add3A_804 = arith.constant 0 : i32
        %add3A_805 = vector.broadcast %add3A_804 : i32 to vector<16xi32>
        %add3A_806 = arith.addi %mul3A_803, %add3A_805 : vector<16xi32>
        %swap3A_807 = arith.constant 48 : index
        %swap3A_808 = tpu.vector_load %arg13[%swap3A_807] {strides = array<i32>} : memref<80xi32, #tpu.memory_space<vmem>>, vector<16xi32>,
        %swap3A_809 = vector.shape_cast %swap3A_808 : vector<16xi32> to vector<16xi32>
        %swap3A_810 = vector.shape_cast %add3A_806 : vector<16xi32> to vector<16xi32>
        tpu.vector_store %arg13[%swap3A_807], %swap3A_810 {strides = array<i32>} : memref<80xi32, #tpu.memory_space<vmem>>, vector<16xi32>,
        %get3A_811 = arith.constant 48 : index
        %get3A_812 = tpu.vector_load %arg11[%get3A_811] {strides = array<i32>} : memref<160xi32, #tpu.memory_space<vmem>>, vector<16xi32>,
        %get3A_813 = vector.shape_cast %get3A_812 : vector<16xi32> to vector<16xi32>
        %sub3A_814 = vector.broadcast %mul3A_0 : i32 to vector<16xi32>
        %sub3A_815 = arith.subi %get3A_813, %sub3A_814 : vector<16xi32>
        %lt3A_816 = arith.constant 0 : i32
        %lt3A_817 = vector.broadcast %lt3A_816 : i32 to vector<16xi32>
        %lt3A_818 = arith.cmpi slt, %sub3A_815, %lt3A_817 : vector<16xi32>
        %ge3A_819 = arith.constant 5120 : i32
        %ge3A_820 = vector.broadcast %ge3A_819 : i32 to vector<16xi32>
        %ge3A_821 = arith.cmpi sge, %sub3A_815, %ge3A_820 : vector<16xi32>
        %or3A_822 = arith.ori %lt3A_818, %ge3A_821 : vector<16xi1>
        %jit3A_823 = arith.constant 5120 : i32
        %broadcast_in_dim3A_824 = vector.broadcast %jit3A_823 : i32 to vector<16xi32>
        %select_n3A_825 = arith.select %or3A_822, %broadcast_in_dim3A_824, %sub3A_815 : vector<16xi1>, vector<16xi32>
        %swap3A_826 = arith.constant 48 : index
        %swap3A_827 = tpu.vector_load %arg15[%swap3A_826] {strides = array<i32>} : memref<80xi32, #tpu.memory_space<vmem>>, vector<16xi32>,
        %swap3A_828 = vector.shape_cast %swap3A_827 : vector<16xi32> to vector<16xi32>
        %swap3A_829 = vector.shape_cast %select_n3A_825 : vector<16xi32> to vector<16xi32>
        tpu.vector_store %arg15[%swap3A_826], %swap3A_829 {strides = array<i32>} : memref<80xi32, #tpu.memory_space<vmem>>, vector<16xi32>,
        %get3A_830 = arith.constant 64 : index
        %get3A_831 = tpu.vector_load %arg9[%get3A_830] {strides = array<i32>} : memref<80xi32, #tpu.memory_space<vmem>>, vector<16xi32>,
        %get3A_832 = vector.shape_cast %get3A_831 : vector<16xi32> to vector<16xi32>
        %mul3A_833 = arith.constant 1 : i32
        %mul3A_834 = vector.broadcast %mul3A_833 : i32 to vector<16xi32>
        %mul3A_835 = arith.muli %get3A_832, %mul3A_834 : vector<16xi32>
        %add3A_836 = arith.constant 0 : i32
        %add3A_837 = vector.broadcast %add3A_836 : i32 to vector<16xi32>
        %add3A_838 = arith.addi %mul3A_835, %add3A_837 : vector<16xi32>
        %swap3A_839 = arith.constant 64 : index
        %swap3A_840 = tpu.vector_load %arg13[%swap3A_839] {strides = array<i32>} : memref<80xi32, #tpu.memory_space<vmem>>, vector<16xi32>,
        %swap3A_841 = vector.shape_cast %swap3A_840 : vector<16xi32> to vector<16xi32>
        %swap3A_842 = vector.shape_cast %add3A_838 : vector<16xi32> to vector<16xi32>
        tpu.vector_store %arg13[%swap3A_839], %swap3A_842 {strides = array<i32>} : memref<80xi32, #tpu.memory_space<vmem>>, vector<16xi32>,
        %get3A_843 = arith.constant 64 : index
        %get3A_844 = tpu.vector_load %arg11[%get3A_843] {strides = array<i32>} : memref<160xi32, #tpu.memory_space<vmem>>, vector<16xi32>,
        %get3A_845 = vector.shape_cast %get3A_844 : vector<16xi32> to vector<16xi32>
        %sub3A_846 = vector.broadcast %mul3A_0 : i32 to vector<16xi32>
        %sub3A_847 = arith.subi %get3A_845, %sub3A_846 : vector<16xi32>
        %lt3A_848 = arith.constant 0 : i32
        %lt3A_849 = vector.broadcast %lt3A_848 : i32 to vector<16xi32>
        %lt3A_850 = arith.cmpi slt, %sub3A_847, %lt3A_849 : vector<16xi32>
        %ge3A_851 = arith.constant 5120 : i32
        %ge3A_852 = vector.broadcast %ge3A_851 : i32 to vector<16xi32>
        %ge3A_853 = arith.cmpi sge, %sub3A_847, %ge3A_852 : vector<16xi32>
        %or3A_854 = arith.ori %lt3A_850, %ge3A_853 : vector<16xi1>
        %jit3A_855 = arith.constant 5120 : i32
        %broadcast_in_dim3A_856 = vector.broadcast %jit3A_855 : i32 to vector<16xi32>
        %select_n3A_857 = arith.select %or3A_854, %broadcast_in_dim3A_856, %sub3A_847 : vector<16xi1>, vector<16xi32>
        %swap3A_858 = arith.constant 64 : index
        %swap3A_859 = tpu.vector_load %arg15[%swap3A_858] {strides = array<i32>} : memref<80xi32, #tpu.memory_space<vmem>>, vector<16xi32>,
        %swap3A_860 = vector.shape_cast %swap3A_859 : vector<16xi32> to vector<16xi32>
        %swap3A_861 = vector.shape_cast %select_n3A_857 : vector<16xi32> to vector<16xi32>
        tpu.vector_store %arg15[%swap3A_858], %swap3A_861 {strides = array<i32>} : memref<80xi32, #tpu.memory_space<vmem>>, vector<16xi32>,
        %dma_start3A_862 = arith.constant 0 : i32
        %dma_start3A_863 = arith.constant 0 : i32
        %dma_start3A_864 = tpu.memref_slice %arg19[%dma_start3A_862, %dma_start3A_863] : memref<160x128xf32, #tpu.memory_space<vmem>> -> memref<80x128xf32, #tpu.memory_space<vmem>>
        %dma_start3A_865 = arith.constant 0 : i32
        %dma_start3A_866 = arith.constant 0 : i32
        %dma_start3A_867 = tpu.memref_slice %arg2[%dma_start3A_865, %dma_start3A_866] : memref<10000x128xf32, #tpu.memory_space<hbm>> -> memref<10000x128xf32, #tpu.memory_space<hbm>>
        tpu.enqueue_indirect_dma source(%dma_start3A_867 : memref<10000x128xf32, #tpu.memory_space<hbm>>) target(%dma_start3A_864 : memref<80x128xf32, #tpu.memory_space<vmem>>) offsets(%arg13 : memref<80xi32, #tpu.memory_space<vmem>>) semaphore(%arg22 : memref<!tpu.dma_semaphore, #tpu.memory_space<semaphore_mem>>)
        %add3A_868 = arith.constant 3 : i32
        %add3A_869 = arith.addi %mul3A_481, %add3A_868 : i32
        %mul3A_870 = arith.constant 80 : i32
        %mul3A_871 = arith.muli %add3A_869, %mul3A_870 : i32
        %add3A_872 = arith.addi %mul3A_19, %mul3A_871 : i32
        %dma_start3A_873 = arith.constant 0 : i32
        %dma_start3A_874 = tpu.memref_slice %arg10[%dma_start3A_873] : memref<80xi32, #tpu.memory_space<vmem>> -> memref<80xi32, #tpu.memory_space<vmem>>
        %dma_start3A_875 = tpu.memref_slice %arg3[%add3A_872] : memref<320000xi32, #tpu.memory_space<hbm>> -> memref<80xi32, #tpu.memory_space<hbm>>
        %dma_start3A_876 = arith.constant 0 : i32
        %dma_start3A_877 = tpu.memref_slice %arg10[%dma_start3A_876] : memref<80xi32, #tpu.memory_space<vmem>> -> memref<80xi32, #tpu.memory_space<vmem>>
        %dma_start3A_878 = tpu.memref_slice %arg3[%add3A_872] : memref<320000xi32, #tpu.memory_space<hbm>> -> memref<80xi32, #tpu.memory_space<hbm>>
        tpu.enqueue_dma source(%dma_start3A_878 : memref<80xi32, #tpu.memory_space<hbm>>) target(%dma_start3A_877 : memref<80xi32, #tpu.memory_space<vmem>>) target_semaphore(%arg21 : memref<!tpu.dma_semaphore, #tpu.memory_space<semaphore_mem>>)
        %dma_start3A_879 = arith.constant 0 : i32
        %dma_start3A_880 = tpu.memref_slice %arg12[%dma_start3A_879] : memref<160xi32, #tpu.memory_space<vmem>> -> memref<80xi32, #tpu.memory_space<vmem>>
        %dma_start3A_881 = tpu.memref_slice %arg4[%add3A_872] : memref<320000xi32, #tpu.memory_space<hbm>> -> memref<80xi32, #tpu.memory_space<hbm>>
        %dma_start3A_882 = arith.constant 0 : i32
        %dma_start3A_883 = tpu.memref_slice %arg12[%dma_start3A_882] : memref<160xi32, #tpu.memory_space<vmem>> -> memref<80xi32, #tpu.memory_space<vmem>>
        %dma_start3A_884 = tpu.memref_slice %arg4[%add3A_872] : memref<320000xi32, #tpu.memory_space<hbm>> -> memref<80xi32, #tpu.memory_space<hbm>>
        tpu.enqueue_dma source(%dma_start3A_884 : memref<80xi32, #tpu.memory_space<hbm>>) target(%dma_start3A_883 : memref<80xi32, #tpu.memory_space<vmem>>) target_semaphore(%arg21 : memref<!tpu.dma_semaphore, #tpu.memory_space<semaphore_mem>>)
      } else {
      }
      %dma_wait3A_679 = arith.constant 80 : i32
      %dma_wait3A_680 = arith.constant 0 : i32
      %dma_wait3A_681 = tpu.memref_slice %arg19[%dma_wait3A_679, %dma_wait3A_680] : memref<160x128xf32, #tpu.memory_space<vmem>> -> memref<80x128xf32, #tpu.memory_space<vmem>>
      %dma_wait3A_682 = arith.constant 0 : i32
      %dma_wait3A_683 = arith.constant 0 : i32
      %dma_wait3A_684 = tpu.memref_slice %arg2[%dma_wait3A_682, %dma_wait3A_683] : memref<10000x128xf32, #tpu.memory_space<hbm>> -> memref<10000x128xf32, #tpu.memory_space<hbm>>
      tpu.wait_indirect_dma semaphore(%arg23 : memref<!tpu.dma_semaphore, #tpu.memory_space<semaphore_mem>>) src(%dma_wait3A_684 : memref<10000x128xf32, #tpu.memory_space<hbm>>) dst(%dma_wait3A_681 : memref<80x128xf32, #tpu.memory_space<vmem>>)
      "tpu.region"() ({
        %run_scoped3A_685 = tpu.sem_alloc : memref<!tpu.dma_semaphore, #tpu.memory_space<semaphore_mem>>
        %dma_start3A_686 = arith.constant 80 : i32
        %dma_start3A_687 = arith.constant 0 : i32
        %dma_start3A_688 = tpu.memref_slice %arg19[%dma_start3A_686, %dma_start3A_687] : memref<160x128xf32, #tpu.memory_space<vmem>> -> memref<80x128xf32, #tpu.memory_space<vmem>>
        %dma_start3A_689 = arith.constant 0 : i32
        %dma_start3A_690 = arith.constant 0 : i32
        %dma_start3A_691 = tpu.memref_slice %arg8[%dma_start3A_689, %dma_start3A_690] : memref<5248x128xf32, #tpu.memory_space<vmem_shared>> -> memref<5248x128xf32, #tpu.memory_space<vmem_shared>>
        tpu.enqueue_indirect_dma source(%dma_start3A_688 : memref<80x128xf32, #tpu.memory_space<vmem>>) target(%dma_start3A_691 : memref<5248x128xf32, #tpu.memory_space<vmem_shared>>) offsets(%arg16 : memref<80xi32, #tpu.memory_space<vmem>>) semaphore(%run_scoped3A_685 : memref<!tpu.dma_semaphore, #tpu.memory_space<semaphore_mem>>) {add = true}
        %dma_wait3A_692 = arith.constant 80 : i32
        %dma_wait3A_693 = arith.constant 0 : i32
        %dma_wait3A_694 = tpu.memref_slice %arg19[%dma_wait3A_692, %dma_wait3A_693] : memref<160x128xf32, #tpu.memory_space<vmem>> -> memref<80x128xf32, #tpu.memory_space<vmem>>
        %dma_wait3A_695 = arith.constant 0 : i32
        %dma_wait3A_696 = arith.constant 0 : i32
        %dma_wait3A_697 = tpu.memref_slice %arg8[%dma_wait3A_695, %dma_wait3A_696] : memref<5248x128xf32, #tpu.memory_space<vmem_shared>> -> memref<5248x128xf32, #tpu.memory_space<vmem_shared>>
        tpu.wait_indirect_dma semaphore(%run_scoped3A_685 : memref<!tpu.dma_semaphore, #tpu.memory_space<semaphore_mem>>) src(%dma_wait3A_694 : memref<80x128xf32, #tpu.memory_space<vmem>>) dst(%dma_wait3A_697 : memref<5248x128xf32, #tpu.memory_space<vmem_shared>>)
        tpu.yield
      }) : () -> ()
    }
    %scan3A_221 = arith.constant 125 : i32
    %barrier3A_222 = arith.constant 0 : index
    tpu.barrier barrier_id(%barrier3A_222)
    %mul3A_223 = arith.constant 320 : i32
    %mul3A_224 = arith.muli %arg1, %mul3A_223 : i32
    %mul3A_225 = arith.constant 320 : i32
    %mul3A_226 = arith.muli %arg1, %mul3A_225 : i32
    %add3A_227 = arith.addi %mul3A_0, %mul3A_226 : i32
    %add3A_228 = arith.constant 0 : i32
    %add3A_229 = arith.addi %mul3A_224, %add3A_228 : i32
    "tpu.region"() ({
      %run_scoped3A_479 = tpu.sem_alloc : memref<!tpu.dma_semaphore, #tpu.memory_space<semaphore_mem>>
      %dma_start3A_480 = arith.constant 0 : i32
      %dma_start3A_481 = arith.constant 0 : i32
      %dma_start3A_482 = tpu.memref_slice %arg19[%dma_start3A_480, %dma_start3A_481] : memref<160x128xf32, #tpu.memory_space<vmem>> -> memref<160x128xf32, #tpu.memory_space<vmem>>
      %dma_start3A_483 = arith.constant 0 : i32
      %dma_start3A_484 = tpu.memref_slice %arg8[%add3A_229, %dma_start3A_483] : memref<5248x128xf32, #tpu.memory_space<vmem_shared>> -> memref<160x128xf32, #tpu.memory_space<vmem_shared>>
      %dma_start3A_485 = arith.constant 0 : i32
      %dma_start3A_486 = arith.constant 0 : i32
      %dma_start3A_487 = tpu.memref_slice %arg19[%dma_start3A_485, %dma_start3A_486] : memref<160x128xf32, #tpu.memory_space<vmem>> -> memref<160x128xf32, #tpu.memory_space<vmem>>
      %dma_start3A_488 = arith.constant 0 : i32
      %dma_start3A_489 = tpu.memref_slice %arg8[%add3A_229, %dma_start3A_488] : memref<5248x128xf32, #tpu.memory_space<vmem_shared>> -> memref<160x128xf32, #tpu.memory_space<vmem_shared>>
      tpu.enqueue_dma source(%dma_start3A_489 : memref<160x128xf32, #tpu.memory_space<vmem_shared>>) target(%dma_start3A_487 : memref<160x128xf32, #tpu.memory_space<vmem>>) target_semaphore(%run_scoped3A_479 : memref<!tpu.dma_semaphore, #tpu.memory_space<semaphore_mem>>)
      %dma_wait3A_490 = arith.constant 0 : i32
      %dma_wait3A_491 = arith.constant 0 : i32
      %dma_wait3A_492 = tpu.memref_slice %arg19[%dma_wait3A_490, %dma_wait3A_491] : memref<160x128xf32, #tpu.memory_space<vmem>> -> memref<160x128xf32, #tpu.memory_space<vmem>>
      %dma_wait3A_493 = arith.constant 0 : i32
      %dma_wait3A_494 = tpu.memref_slice %arg8[%add3A_229, %dma_wait3A_493] : memref<5248x128xf32, #tpu.memory_space<vmem_shared>> -> memref<160x128xf32, #tpu.memory_space<vmem_shared>>
      %dma_wait3A_495 = arith.constant 0 : i32
      %dma_wait3A_496 = arith.constant 0 : i32
      %dma_wait3A_497 = tpu.memref_slice %arg19[%dma_wait3A_495, %dma_wait3A_496] : memref<160x128xf32, #tpu.memory_space<vmem>> -> memref<160x128xf32, #tpu.memory_space<vmem>>
      %dma_wait3A_498 = arith.constant 0 : i32
      %dma_wait3A_499 = tpu.memref_slice %arg8[%add3A_229, %dma_wait3A_498] : memref<5248x128xf32, #tpu.memory_space<vmem_shared>> -> memref<160x128xf32, #tpu.memory_space<vmem_shared>>
      tpu.wait_dma2 semaphore(%run_scoped3A_479 : memref<!tpu.dma_semaphore, #tpu.memory_space<semaphore_mem>>) src(%dma_wait3A_499 : memref<160x128xf32, #tpu.memory_space<vmem_shared>>) dst(%dma_wait3A_497 : memref<160x128xf32, #tpu.memory_space<vmem>>)
      tpu.yield
    }) : () -> ()
    %add3A_230 = arith.constant 0 : i32
    %add3A_231 = arith.addi %add3A_227, %add3A_230 : i32
    %run_scoped3A = arith.constant 0 : i32
    "tpu.region"() ({
      %run_scoped3A_479 = tpu.sem_alloc : memref<!tpu.dma_semaphore, #tpu.memory_space<semaphore_mem>>
      %dma_start3A_480 = arith.constant 0 : i32
      %dma_start3A_481 = arith.constant 0 : i32
      %dma_start3A_482 = tpu.memref_slice %arg19[%dma_start3A_480, %dma_start3A_481] : memref<160x128xf32, #tpu.memory_space<vmem>> -> memref<160x128xf32, #tpu.memory_space<vmem>>
      %dma_start3A_483 = arith.constant 0 : i32
      %dma_start3A_484 = arith.constant 0 : i32
      %dma_start3A_485 = tpu.memref_slice %arg7[%run_scoped3A, %dma_start3A_483, %dma_start3A_484] : memref<2x10240x128xf32, #tpu.memory_space<hbm>> -> memref<1x10240x128xf32, #tpu.memory_space<hbm>>
      %dma_start3A_486 = tpu.memref_squeeze %dma_start3A_485 : memref<1x10240x128xf32, #tpu.memory_space<hbm>> -> memref<10240x128xf32, #tpu.memory_space<hbm>>
      %dma_start3A_487 = arith.constant 0 : i32
      %dma_start3A_488 = tpu.memref_slice %dma_start3A_486[%add3A_231, %dma_start3A_487] : memref<10240x128xf32, #tpu.memory_space<hbm>> -> memref<160x128xf32, #tpu.memory_space<hbm>>
      %dma_start3A_489 = arith.constant 0 : i32
      %dma_start3A_490 = arith.constant 0 : i32
      %dma_start3A_491 = tpu.memref_slice %arg7[%run_scoped3A, %dma_start3A_489, %dma_start3A_490] : memref<2x10240x128xf32, #tpu.memory_space<hbm>> -> memref<1x10240x128xf32, #tpu.memory_space<hbm>>
      %dma_start3A_492 = tpu.memref_squeeze %dma_start3A_491 : memref<1x10240x128xf32, #tpu.memory_space<hbm>> -> memref<10240x128xf32, #tpu.memory_space<hbm>>
      %dma_start3A_493 = arith.constant 0 : i32
      %dma_start3A_494 = tpu.memref_slice %dma_start3A_492[%add3A_231, %dma_start3A_493] : memref<10240x128xf32, #tpu.memory_space<hbm>> -> memref<160x128xf32, #tpu.memory_space<hbm>>
      %dma_start3A_495 = arith.constant 0 : i32
      %dma_start3A_496 = arith.constant 0 : i32
      %dma_start3A_497 = tpu.memref_slice %arg19[%dma_start3A_495, %dma_start3A_496] : memref<160x128xf32, #tpu.memory_space<vmem>> -> memref<160x128xf32, #tpu.memory_space<vmem>>
      tpu.enqueue_dma source(%dma_start3A_497 : memref<160x128xf32, #tpu.memory_space<vmem>>) target(%dma_start3A_494 : memref<160x128xf32, #tpu.memory_space<hbm>>) target_semaphore(%run_scoped3A_479 : memref<!tpu.dma_semaphore, #tpu.memory_space<semaphore_mem>>)
      %dma_wait3A_498 = arith.constant 0 : i32
      %dma_wait3A_499 = arith.constant 0 : i32
      %dma_wait3A_500 = tpu.memref_slice %arg19[%dma_wait3A_498, %dma_wait3A_499] : memref<160x128xf32, #tpu.memory_space<vmem>> -> memref<160x128xf32, #tpu.memory_space<vmem>>
      %dma_wait3A_501 = arith.constant 0 : i32
      %dma_wait3A_502 = arith.constant 0 : i32
      %dma_wait3A_503 = tpu.memref_slice %arg7[%run_scoped3A, %dma_wait3A_501, %dma_wait3A_502] : memref<2x10240x128xf32, #tpu.memory_space<hbm>> -> memref<1x10240x128xf32, #tpu.memory_space<hbm>>
      %dma_wait3A_504 = tpu.memref_squeeze %dma_wait3A_503 : memref<1x10240x128xf32, #tpu.memory_space<hbm>> -> memref<10240x128xf32, #tpu.memory_space<hbm>>
      %dma_wait3A_505 = arith.constant 0 : i32
      %dma_wait3A_506 = tpu.memref_slice %dma_wait3A_504[%add3A_231, %dma_wait3A_505] : memref<10240x128xf32, #tpu.memory_space<hbm>> -> memref<160x128xf32, #tpu.memory_space<hbm>>
      %dma_wait3A_507 = arith.constant 0 : i32
      %dma_wait3A_508 = arith.constant 0 : i32
      %dma_wait3A_509 = tpu.memref_slice %arg7[%run_scoped3A, %dma_wait3A_507, %dma_wait3A_508] : memref<2x10240x128xf32, #tpu.memory_space<hbm>> -> memref<1x10240x128xf32, #tpu.memory_space<hbm>>
      %dma_wait3A_510 = tpu.memref_squeeze %dma_wait3A_509 : memref<1x10240x128xf32, #tpu.memory_space<hbm>> -> memref<10240x128xf32, #tpu.memory_space<hbm>>
      %dma_wait3A_511 = arith.constant 0 : i32
      %dma_wait3A_512 = tpu.memref_slice %dma_wait3A_510[%add3A_231, %dma_wait3A_511] : memref<10240x128xf32, #tpu.memory_space<hbm>> -> memref<160x128xf32, #tpu.memory_space<hbm>>
      %dma_wait3A_513 = arith.constant 0 : i32
      %dma_wait3A_514 = arith.constant 0 : i32
      %dma_wait3A_515 = tpu.memref_slice %arg19[%dma_wait3A_513, %dma_wait3A_514] : memref<160x128xf32, #tpu.memory_space<vmem>> -> memref<160x128xf32, #tpu.memory_space<vmem>>
      tpu.wait_dma2 semaphore(%run_scoped3A_479 : memref<!tpu.dma_semaphore, #tpu.memory_space<semaphore_mem>>) src(%dma_wait3A_515 : memref<160x128xf32, #tpu.memory_space<vmem>>) dst(%dma_wait3A_512 : memref<160x128xf32, #tpu.memory_space<hbm>>)
      tpu.yield
    }) : () -> ()
    %add3A_232 = arith.constant 160 : i32
    %add3A_233 = arith.addi %mul3A_224, %add3A_232 : i32
    "tpu.region"() ({
      %run_scoped3A_479 = tpu.sem_alloc : memref<!tpu.dma_semaphore, #tpu.memory_space<semaphore_mem>>
      %dma_start3A_480 = arith.constant 0 : i32
      %dma_start3A_481 = arith.constant 0 : i32
      %dma_start3A_482 = tpu.memref_slice %arg19[%dma_start3A_480, %dma_start3A_481] : memref<160x128xf32, #tpu.memory_space<vmem>> -> memref<160x128xf32, #tpu.memory_space<vmem>>
      %dma_start3A_483 = arith.constant 0 : i32
      %dma_start3A_484 = tpu.memref_slice %arg8[%add3A_233, %dma_start3A_483] : memref<5248x128xf32, #tpu.memory_space<vmem_shared>> -> memref<160x128xf32, #tpu.memory_space<vmem_shared>>
      %dma_start3A_485 = arith.constant 0 : i32
      %dma_start3A_486 = arith.constant 0 : i32
      %dma_start3A_487 = tpu.memref_slice %arg19[%dma_start3A_485, %dma_start3A_486] : memref<160x128xf32, #tpu.memory_space<vmem>> -> memref<160x128xf32, #tpu.memory_space<vmem>>
      %dma_start3A_488 = arith.constant 0 : i32
      %dma_start3A_489 = tpu.memref_slice %arg8[%add3A_233, %dma_start3A_488] : memref<5248x128xf32, #tpu.memory_space<vmem_shared>> -> memref<160x128xf32, #tpu.memory_space<vmem_shared>>
      tpu.enqueue_dma source(%dma_start3A_489 : memref<160x128xf32, #tpu.memory_space<vmem_shared>>) target(%dma_start3A_487 : memref<160x128xf32, #tpu.memory_space<vmem>>) target_semaphore(%run_scoped3A_479 : memref<!tpu.dma_semaphore, #tpu.memory_space<semaphore_mem>>)
      %dma_wait3A_490 = arith.constant 0 : i32
      %dma_wait3A_491 = arith.constant 0 : i32
      %dma_wait3A_492 = tpu.memref_slice %arg19[%dma_wait3A_490, %dma_wait3A_491] : memref<160x128xf32, #tpu.memory_space<vmem>> -> memref<160x128xf32, #tpu.memory_space<vmem>>
      %dma_wait3A_493 = arith.constant 0 : i32
      %dma_wait3A_494 = tpu.memref_slice %arg8[%add3A_233, %dma_wait3A_493] : memref<5248x128xf32, #tpu.memory_space<vmem_shared>> -> memref<160x128xf32, #tpu.memory_space<vmem_shared>>
      %dma_wait3A_495 = arith.constant 0 : i32
      %dma_wait3A_496 = arith.constant 0 : i32
      %dma_wait3A_497 = tpu.memref_slice %arg19[%dma_wait3A_495, %dma_wait3A_496] : memref<160x128xf32, #tpu.memory_space<vmem>> -> memref<160x128xf32, #tpu.memory_space<vmem>>
      %dma_wait3A_498 = arith.constant 0 : i32
      %dma_wait3A_499 = tpu.memref_slice %arg8[%add3A_233, %dma_wait3A_498] : memref<5248x128xf32, #tpu.memory_space<vmem_shared>> -> memref<160x128xf32, #tpu.memory_space<vmem_shared>>
      tpu.wait_dma2 semaphore(%run_scoped3A_479 : memref<!tpu.dma_semaphore, #tpu.memory_space<semaphore_mem>>) src(%dma_wait3A_499 : memref<160x128xf32, #tpu.memory_space<vmem_shared>>) dst(%dma_wait3A_497 : memref<160x128xf32, #tpu.memory_space<vmem>>)
      tpu.yield
    }) : () -> ()
    %add3A_234 = arith.constant 160 : i32
    %add3A_235 = arith.addi %add3A_227, %add3A_234 : i32
    %run_scoped3A_236 = arith.constant 0 : i32
    "tpu.region"() ({
      %run_scoped3A_479 = tpu.sem_alloc : memref<!tpu.dma_semaphore, #tpu.memory_space<semaphore_mem>>
      %dma_start3A_480 = arith.constant 0 : i32
      %dma_start3A_481 = arith.constant 0 : i32
      %dma_start3A_482 = tpu.memref_slice %arg19[%dma_start3A_480, %dma_start3A_481] : memref<160x128xf32, #tpu.memory_space<vmem>> -> memref<160x128xf32, #tpu.memory_space<vmem>>
      %dma_start3A_483 = arith.constant 0 : i32
      %dma_start3A_484 = arith.constant 0 : i32
      %dma_start3A_485 = tpu.memref_slice %arg7[%run_scoped3A_236, %dma_start3A_483, %dma_start3A_484] : memref<2x10240x128xf32, #tpu.memory_space<hbm>> -> memref<1x10240x128xf32, #tpu.memory_space<hbm>>
      %dma_start3A_486 = tpu.memref_squeeze %dma_start3A_485 : memref<1x10240x128xf32, #tpu.memory_space<hbm>> -> memref<10240x128xf32, #tpu.memory_space<hbm>>
      %dma_start3A_487 = arith.constant 0 : i32
      %dma_start3A_488 = tpu.memref_slice %dma_start3A_486[%add3A_235, %dma_start3A_487] : memref<10240x128xf32, #tpu.memory_space<hbm>> -> memref<160x128xf32, #tpu.memory_space<hbm>>
      %dma_start3A_489 = arith.constant 0 : i32
      %dma_start3A_490 = arith.constant 0 : i32
      %dma_start3A_491 = tpu.memref_slice %arg7[%run_scoped3A_236, %dma_start3A_489, %dma_start3A_490] : memref<2x10240x128xf32, #tpu.memory_space<hbm>> -> memref<1x10240x128xf32, #tpu.memory_space<hbm>>
      %dma_start3A_492 = tpu.memref_squeeze %dma_start3A_491 : memref<1x10240x128xf32, #tpu.memory_space<hbm>> -> memref<10240x128xf32, #tpu.memory_space<hbm>>
      %dma_start3A_493 = arith.constant 0 : i32
      %dma_start3A_494 = tpu.memref_slice %dma_start3A_492[%add3A_235, %dma_start3A_493] : memref<10240x128xf32, #tpu.memory_space<hbm>> -> memref<160x128xf32, #tpu.memory_space<hbm>>
      %dma_start3A_495 = arith.constant 0 : i32
      %dma_start3A_496 = arith.constant 0 : i32
      %dma_start3A_497 = tpu.memref_slice %arg19[%dma_start3A_495, %dma_start3A_496] : memref<160x128xf32, #tpu.memory_space<vmem>> -> memref<160x128xf32, #tpu.memory_space<vmem>>
      tpu.enqueue_dma source(%dma_start3A_497 : memref<160x128xf32, #tpu.memory_space<vmem>>) target(%dma_start3A_494 : memref<160x128xf32, #tpu.memory_space<hbm>>) target_semaphore(%run_scoped3A_479 : memref<!tpu.dma_semaphore, #tpu.memory_space<semaphore_mem>>)
      %dma_wait3A_498 = arith.constant 0 : i32
      %dma_wait3A_499 = arith.constant 0 : i32
      %dma_wait3A_500 = tpu.memref_slice %arg19[%dma_wait3A_498, %dma_wait3A_499] : memref<160x128xf32, #tpu.memory_space<vmem>> -> memref<160x128xf32, #tpu.memory_space<vmem>>
      %dma_wait3A_501 = arith.constant 0 : i32
      %dma_wait3A_502 = arith.constant 0 : i32
      %dma_wait3A_503 = tpu.memref_slice %arg7[%run_scoped3A_236, %dma_wait3A_501, %dma_wait3A_502] : memref<2x10240x128xf32, #tpu.memory_space<hbm>> -> memref<1x10240x128xf32, #tpu.memory_space<hbm>>
      %dma_wait3A_504 = tpu.memref_squeeze %dma_wait3A_503 : memref<1x10240x128xf32, #tpu.memory_space<hbm>> -> memref<10240x128xf32, #tpu.memory_space<hbm>>
      %dma_wait3A_505 = arith.constant 0 : i32
      %dma_wait3A_506 = tpu.memref_slice %dma_wait3A_504[%add3A_235, %dma_wait3A_505] : memref<10240x128xf32, #tpu.memory_space<hbm>> -> memref<160x128xf32, #tpu.memory_space<hbm>>
      %dma_wait3A_507 = arith.constant 0 : i32
      %dma_wait3A_508 = arith.constant 0 : i32
      %dma_wait3A_509 = tpu.memref_slice %arg7[%run_scoped3A_236, %dma_wait3A_507, %dma_wait3A_508] : memref<2x10240x128xf32, #tpu.memory_space<hbm>> -> memref<1x10240x128xf32, #tpu.memory_space<hbm>>
      %dma_wait3A_510 = tpu.memref_squeeze %dma_wait3A_509 : memref<1x10240x128xf32, #tpu.memory_space<hbm>> -> memref<10240x128xf32, #tpu.memory_space<hbm>>
      %dma_wait3A_511 = arith.constant 0 : i32
      %dma_wait3A_512 = tpu.memref_slice %dma_wait3A_510[%add3A_235, %dma_wait3A_511] : memref<10240x128xf32, #tpu.memory_space<hbm>> -> memref<160x128xf32, #tpu.memory_space<hbm>>
      %dma_wait3A_513 = arith.constant 0 : i32
      %dma_wait3A_514 = arith.constant 0 : i32
      %dma_wait3A_515 = tpu.memref_slice %arg19[%dma_wait3A_513, %dma_wait3A_514] : memref<160x128xf32, #tpu.memory_space<vmem>> -> memref<160x128xf32, #tpu.memory_space<vmem>>
      tpu.wait_dma2 semaphore(%run_scoped3A_479 : memref<!tpu.dma_semaphore, #tpu.memory_space<semaphore_mem>>) src(%dma_wait3A_515 : memref<160x128xf32, #tpu.memory_space<vmem>>) dst(%dma_wait3A_512 : memref<160x128xf32, #tpu.memory_space<hbm>>)
      tpu.yield
    }) : () -> ()
    %barrier3A_237 = arith.constant 0 : index
    tpu.barrier barrier_id(%barrier3A_237)
    %mul3A_238 = arith.constant 328 : i32
    %mul3A_239 = arith.muli %arg1, %mul3A_238 : i32
    %mul3A_240 = arith.constant 328 : i32
    %mul3A_241 = arith.muli %arg1, %mul3A_240 : i32
    %add3A_242 = arith.constant 0 : i32
    %add3A_243 = arith.addi %mul3A_239, %add3A_242 : i32
    "tpu.region"() ({
      %run_scoped3A_479 = tpu.sem_alloc : memref<!tpu.dma_semaphore, #tpu.memory_space<semaphore_mem>>
      %dma_start3A_480 = arith.constant 0 : i32
      %dma_start3A_481 = arith.constant 0 : i32
      %dma_start3A_482 = tpu.memref_slice %arg19[%dma_start3A_480, %dma_start3A_481] : memref<160x128xf32, #tpu.memory_space<vmem>> -> memref<160x128xf32, #tpu.memory_space<vmem>>
      %dma_start3A_483 = arith.constant 0 : i32
      %dma_start3A_484 = tpu.memref_slice %arg5[%add3A_243, %dma_start3A_483] : memref<10240x128xf32, #tpu.memory_space<hbm>> -> memref<160x128xf32, #tpu.memory_space<hbm>>
      %dma_start3A_485 = arith.constant 0 : i32
      %dma_start3A_486 = arith.constant 0 : i32
      %dma_start3A_487 = tpu.memref_slice %arg19[%dma_start3A_485, %dma_start3A_486] : memref<160x128xf32, #tpu.memory_space<vmem>> -> memref<160x128xf32, #tpu.memory_space<vmem>>
      %dma_start3A_488 = arith.constant 0 : i32
      %dma_start3A_489 = tpu.memref_slice %arg5[%add3A_243, %dma_start3A_488] : memref<10240x128xf32, #tpu.memory_space<hbm>> -> memref<160x128xf32, #tpu.memory_space<hbm>>
      tpu.enqueue_dma source(%dma_start3A_489 : memref<160x128xf32, #tpu.memory_space<hbm>>) target(%dma_start3A_487 : memref<160x128xf32, #tpu.memory_space<vmem>>) target_semaphore(%run_scoped3A_479 : memref<!tpu.dma_semaphore, #tpu.memory_space<semaphore_mem>>)
      %dma_wait3A_490 = arith.constant 0 : i32
      %dma_wait3A_491 = arith.constant 0 : i32
      %dma_wait3A_492 = tpu.memref_slice %arg19[%dma_wait3A_490, %dma_wait3A_491] : memref<160x128xf32, #tpu.memory_space<vmem>> -> memref<160x128xf32, #tpu.memory_space<vmem>>
      %dma_wait3A_493 = arith.constant 0 : i32
      %dma_wait3A_494 = tpu.memref_slice %arg5[%add3A_243, %dma_wait3A_493] : memref<10240x128xf32, #tpu.memory_space<hbm>> -> memref<160x128xf32, #tpu.memory_space<hbm>>
      %dma_wait3A_495 = arith.constant 0 : i32
      %dma_wait3A_496 = arith.constant 0 : i32
      %dma_wait3A_497 = tpu.memref_slice %arg19[%dma_wait3A_495, %dma_wait3A_496] : memref<160x128xf32, #tpu.memory_space<vmem>> -> memref<160x128xf32, #tpu.memory_space<vmem>>
      %dma_wait3A_498 = arith.constant 0 : i32
      %dma_wait3A_499 = tpu.memref_slice %arg5[%add3A_243, %dma_wait3A_498] : memref<10240x128xf32, #tpu.memory_space<hbm>> -> memref<160x128xf32, #tpu.memory_space<hbm>>
      tpu.wait_dma2 semaphore(%run_scoped3A_479 : memref<!tpu.dma_semaphore, #tpu.memory_space<semaphore_mem>>) src(%dma_wait3A_499 : memref<160x128xf32, #tpu.memory_space<hbm>>) dst(%dma_wait3A_497 : memref<160x128xf32, #tpu.memory_space<vmem>>)
      tpu.yield
    }) : () -> ()
    %add3A_244 = arith.constant 0 : i32
    %add3A_245 = arith.addi %mul3A_241, %add3A_244 : i32
    "tpu.region"() ({
      %run_scoped3A_479 = tpu.sem_alloc : memref<!tpu.dma_semaphore, #tpu.memory_space<semaphore_mem>>
      %dma_start3A_480 = arith.constant 0 : i32
      %dma_start3A_481 = arith.constant 0 : i32
      %dma_start3A_482 = tpu.memref_slice %arg19[%dma_start3A_480, %dma_start3A_481] : memref<160x128xf32, #tpu.memory_space<vmem>> -> memref<160x128xf32, #tpu.memory_space<vmem>>
      %dma_start3A_483 = arith.constant 0 : i32
      %dma_start3A_484 = tpu.memref_slice %arg8[%add3A_245, %dma_start3A_483] : memref<5248x128xf32, #tpu.memory_space<vmem_shared>> -> memref<160x128xf32, #tpu.memory_space<vmem_shared>>
      %dma_start3A_485 = arith.constant 0 : i32
      %dma_start3A_486 = tpu.memref_slice %arg8[%add3A_245, %dma_start3A_485] : memref<5248x128xf32, #tpu.memory_space<vmem_shared>> -> memref<160x128xf32, #tpu.memory_space<vmem_shared>>
      %dma_start3A_487 = arith.constant 0 : i32
      %dma_start3A_488 = arith.constant 0 : i32
      %dma_start3A_489 = tpu.memref_slice %arg19[%dma_start3A_487, %dma_start3A_488] : memref<160x128xf32, #tpu.memory_space<vmem>> -> memref<160x128xf32, #tpu.memory_space<vmem>>
      tpu.enqueue_dma source(%dma_start3A_489 : memref<160x128xf32, #tpu.memory_space<vmem>>) target(%dma_start3A_486 : memref<160x128xf32, #tpu.memory_space<vmem_shared>>) target_semaphore(%run_scoped3A_479 : memref<!tpu.dma_semaphore, #tpu.memory_space<semaphore_mem>>)
      %dma_wait3A_490 = arith.constant 0 : i32
      %dma_wait3A_491 = arith.constant 0 : i32
      %dma_wait3A_492 = tpu.memref_slice %arg19[%dma_wait3A_490, %dma_wait3A_491] : memref<160x128xf32, #tpu.memory_space<vmem>> -> memref<160x128xf32, #tpu.memory_space<vmem>>
      %dma_wait3A_493 = arith.constant 0 : i32
      %dma_wait3A_494 = tpu.memref_slice %arg8[%add3A_245, %dma_wait3A_493] : memref<5248x128xf32, #tpu.memory_space<vmem_shared>> -> memref<160x128xf32, #tpu.memory_space<vmem_shared>>
      %dma_wait3A_495 = arith.constant 0 : i32
      %dma_wait3A_496 = tpu.memref_slice %arg8[%add3A_245, %dma_wait3A_495] : memref<5248x128xf32, #tpu.memory_space<vmem_shared>> -> memref<160x128xf32, #tpu.memory_space<vmem_shared>>
      %dma_wait3A_497 = arith.constant 0 : i32
      %dma_wait3A_498 = arith.constant 0 : i32
      %dma_wait3A_499 = tpu.memref_slice %arg19[%dma_wait3A_497, %dma_wait3A_498] : memref<160x128xf32, #tpu.memory_space<vmem>> -> memref<160x128xf32, #tpu.memory_space<vmem>>
      tpu.wait_dma2 semaphore(%run_scoped3A_479 : memref<!tpu.dma_semaphore, #tpu.memory_space<semaphore_mem>>) src(%dma_wait3A_499 : memref<160x128xf32, #tpu.memory_space<vmem>>) dst(%dma_wait3A_496 : memref<160x128xf32, #tpu.memory_space<vmem_shared>>)
      tpu.yield
    }) : () -> ()
    %add3A_246 = arith.constant 160 : i32
    %add3A_247 = arith.addi %mul3A_239, %add3A_246 : i32
    "tpu.region"() ({
      %run_scoped3A_479 = tpu.sem_alloc : memref<!tpu.dma_semaphore, #tpu.memory_space<semaphore_mem>>
      %dma_start3A_480 = arith.constant 0 : i32
      %dma_start3A_481 = arith.constant 0 : i32
      %dma_start3A_482 = tpu.memref_slice %arg19[%dma_start3A_480, %dma_start3A_481] : memref<160x128xf32, #tpu.memory_space<vmem>> -> memref<160x128xf32, #tpu.memory_space<vmem>>
      %dma_start3A_483 = arith.constant 0 : i32
      %dma_start3A_484 = tpu.memref_slice %arg5[%add3A_247, %dma_start3A_483] : memref<10240x128xf32, #tpu.memory_space<hbm>> -> memref<160x128xf32, #tpu.memory_space<hbm>>
      %dma_start3A_485 = arith.constant 0 : i32
      %dma_start3A_486 = arith.constant 0 : i32
      %dma_start3A_487 = tpu.memref_slice %arg19[%dma_start3A_485, %dma_start3A_486] : memref<160x128xf32, #tpu.memory_space<vmem>> -> memref<160x128xf32, #tpu.memory_space<vmem>>
      %dma_start3A_488 = arith.constant 0 : i32
      %dma_start3A_489 = tpu.memref_slice %arg5[%add3A_247, %dma_start3A_488] : memref<10240x128xf32, #tpu.memory_space<hbm>> -> memref<160x128xf32, #tpu.memory_space<hbm>>
      tpu.enqueue_dma source(%dma_start3A_489 : memref<160x128xf32, #tpu.memory_space<hbm>>) target(%dma_start3A_487 : memref<160x128xf32, #tpu.memory_space<vmem>>) target_semaphore(%run_scoped3A_479 : memref<!tpu.dma_semaphore, #tpu.memory_space<semaphore_mem>>)
      %dma_wait3A_490 = arith.constant 0 : i32
      %dma_wait3A_491 = arith.constant 0 : i32
      %dma_wait3A_492 = tpu.memref_slice %arg19[%dma_wait3A_490, %dma_wait3A_491] : memref<160x128xf32, #tpu.memory_space<vmem>> -> memref<160x128xf32, #tpu.memory_space<vmem>>
      %dma_wait3A_493 = arith.constant 0 : i32
      %dma_wait3A_494 = tpu.memref_slice %arg5[%add3A_247, %dma_wait3A_493] : memref<10240x128xf32, #tpu.memory_space<hbm>> -> memref<160x128xf32, #tpu.memory_space<hbm>>
      %dma_wait3A_495 = arith.constant 0 : i32
      %dma_wait3A_496 = arith.constant 0 : i32
      %dma_wait3A_497 = tpu.memref_slice %arg19[%dma_wait3A_495, %dma_wait3A_496] : memref<160x128xf32, #tpu.memory_space<vmem>> -> memref<160x128xf32, #tpu.memory_space<vmem>>
      %dma_wait3A_498 = arith.constant 0 : i32
      %dma_wait3A_499 = tpu.memref_slice %arg5[%add3A_247, %dma_wait3A_498] : memref<10240x128xf32, #tpu.memory_space<hbm>> -> memref<160x128xf32, #tpu.memory_space<hbm>>
      tpu.wait_dma2 semaphore(%run_scoped3A_479 : memref<!tpu.dma_semaphore, #tpu.memory_space<semaphore_mem>>) src(%dma_wait3A_499 : memref<160x128xf32, #tpu.memory_space<hbm>>) dst(%dma_wait3A_497 : memref<160x128xf32, #tpu.memory_space<vmem>>)
      tpu.yield
    }) : () -> ()
    %add3A_248 = arith.constant 160 : i32
    %add3A_249 = arith.addi %mul3A_241, %add3A_248 : i32
    "tpu.region"() ({
      %run_scoped3A_479 = tpu.sem_alloc : memref<!tpu.dma_semaphore, #tpu.memory_space<semaphore_mem>>
      %dma_start3A_480 = arith.constant 0 : i32
      %dma_start3A_481 = arith.constant 0 : i32
      %dma_start3A_482 = tpu.memref_slice %arg19[%dma_start3A_480, %dma_start3A_481] : memref<160x128xf32, #tpu.memory_space<vmem>> -> memref<160x128xf32, #tpu.memory_space<vmem>>
      %dma_start3A_483 = arith.constant 0 : i32
      %dma_start3A_484 = tpu.memref_slice %arg8[%add3A_249, %dma_start3A_483] : memref<5248x128xf32, #tpu.memory_space<vmem_shared>> -> memref<160x128xf32, #tpu.memory_space<vmem_shared>>
      %dma_start3A_485 = arith.constant 0 : i32
      %dma_start3A_486 = tpu.memref_slice %arg8[%add3A_249, %dma_start3A_485] : memref<5248x128xf32, #tpu.memory_space<vmem_shared>> -> memref<160x128xf32, #tpu.memory_space<vmem_shared>>
      %dma_start3A_487 = arith.constant 0 : i32
      %dma_start3A_488 = arith.constant 0 : i32
      %dma_start3A_489 = tpu.memref_slice %arg19[%dma_start3A_487, %dma_start3A_488] : memref<160x128xf32, #tpu.memory_space<vmem>> -> memref<160x128xf32, #tpu.memory_space<vmem>>
      tpu.enqueue_dma source(%dma_start3A_489 : memref<160x128xf32, #tpu.memory_space<vmem>>) target(%dma_start3A_486 : memref<160x128xf32, #tpu.memory_space<vmem_shared>>) target_semaphore(%run_scoped3A_479 : memref<!tpu.dma_semaphore, #tpu.memory_space<semaphore_mem>>)
      %dma_wait3A_490 = arith.constant 0 : i32
      %dma_wait3A_491 = arith.constant 0 : i32
      %dma_wait3A_492 = tpu.memref_slice %arg19[%dma_wait3A_490, %dma_wait3A_491] : memref<160x128xf32, #tpu.memory_space<vmem>> -> memref<160x128xf32, #tpu.memory_space<vmem>>
      %dma_wait3A_493 = arith.constant 0 : i32
      %dma_wait3A_494 = tpu.memref_slice %arg8[%add3A_249, %dma_wait3A_493] : memref<5248x128xf32, #tpu.memory_space<vmem_shared>> -> memref<160x128xf32, #tpu.memory_space<vmem_shared>>
      %dma_wait3A_495 = arith.constant 0 : i32
      %dma_wait3A_496 = tpu.memref_slice %arg8[%add3A_249, %dma_wait3A_495] : memref<5248x128xf32, #tpu.memory_space<vmem_shared>> -> memref<160x128xf32, #tpu.memory_space<vmem_shared>>
      %dma_wait3A_497 = arith.constant 0 : i32
      %dma_wait3A_498 = arith.constant 0 : i32
      %dma_wait3A_499 = tpu.memref_slice %arg19[%dma_wait3A_497, %dma_wait3A_498] : memref<160x128xf32, #tpu.memory_space<vmem>> -> memref<160x128xf32, #tpu.memory_space<vmem>>
      tpu.wait_dma2 semaphore(%run_scoped3A_479 : memref<!tpu.dma_semaphore, #tpu.memory_space<semaphore_mem>>) src(%dma_wait3A_499 : memref<160x128xf32, #tpu.memory_space<vmem>>) dst(%dma_wait3A_496 : memref<160x128xf32, #tpu.memory_space<vmem_shared>>)
      tpu.yield
    }) : () -> ()
    %add3A_250 = arith.constant 320 : i32
    %add3A_251 = arith.addi %mul3A_239, %add3A_250 : i32
    "tpu.region"() ({
      %run_scoped3A_479 = tpu.sem_alloc : memref<!tpu.dma_semaphore, #tpu.memory_space<semaphore_mem>>
      %dma_start3A_480 = arith.constant 0 : i32
      %dma_start3A_481 = arith.constant 0 : i32
      %dma_start3A_482 = tpu.memref_slice %arg19[%dma_start3A_480, %dma_start3A_481] : memref<160x128xf32, #tpu.memory_space<vmem>> -> memref<8x128xf32, #tpu.memory_space<vmem>>
      %dma_start3A_483 = arith.constant 0 : i32
      %dma_start3A_484 = tpu.memref_slice %arg5[%add3A_251, %dma_start3A_483] : memref<10240x128xf32, #tpu.memory_space<hbm>> -> memref<8x128xf32, #tpu.memory_space<hbm>>
      %dma_start3A_485 = arith.constant 0 : i32
      %dma_start3A_486 = arith.constant 0 : i32
      %dma_start3A_487 = tpu.memref_slice %arg19[%dma_start3A_485, %dma_start3A_486] : memref<160x128xf32, #tpu.memory_space<vmem>> -> memref<8x128xf32, #tpu.memory_space<vmem>>
      %dma_start3A_488 = arith.constant 0 : i32
      %dma_start3A_489 = tpu.memref_slice %arg5[%add3A_251, %dma_start3A_488] : memref<10240x128xf32, #tpu.memory_space<hbm>> -> memref<8x128xf32, #tpu.memory_space<hbm>>
      tpu.enqueue_dma source(%dma_start3A_489 : memref<8x128xf32, #tpu.memory_space<hbm>>) target(%dma_start3A_487 : memref<8x128xf32, #tpu.memory_space<vmem>>) target_semaphore(%run_scoped3A_479 : memref<!tpu.dma_semaphore, #tpu.memory_space<semaphore_mem>>)
      %dma_wait3A_490 = arith.constant 0 : i32
      %dma_wait3A_491 = arith.constant 0 : i32
      %dma_wait3A_492 = tpu.memref_slice %arg19[%dma_wait3A_490, %dma_wait3A_491] : memref<160x128xf32, #tpu.memory_space<vmem>> -> memref<8x128xf32, #tpu.memory_space<vmem>>
      %dma_wait3A_493 = arith.constant 0 : i32
      %dma_wait3A_494 = tpu.memref_slice %arg5[%add3A_251, %dma_wait3A_493] : memref<10240x128xf32, #tpu.memory_space<hbm>> -> memref<8x128xf32, #tpu.memory_space<hbm>>
      %dma_wait3A_495 = arith.constant 0 : i32
      %dma_wait3A_496 = arith.constant 0 : i32
      %dma_wait3A_497 = tpu.memref_slice %arg19[%dma_wait3A_495, %dma_wait3A_496] : memref<160x128xf32, #tpu.memory_space<vmem>> -> memref<8x128xf32, #tpu.memory_space<vmem>>
      %dma_wait3A_498 = arith.constant 0 : i32
      %dma_wait3A_499 = tpu.memref_slice %arg5[%add3A_251, %dma_wait3A_498] : memref<10240x128xf32, #tpu.memory_space<hbm>> -> memref<8x128xf32, #tpu.memory_space<hbm>>
      tpu.wait_dma2 semaphore(%run_scoped3A_479 : memref<!tpu.dma_semaphore, #tpu.memory_space<semaphore_mem>>) src(%dma_wait3A_499 : memref<8x128xf32, #tpu.memory_space<hbm>>) dst(%dma_wait3A_497 : memref<8x128xf32, #tpu.memory_space<vmem>>)
      tpu.yield
    }) : () -> ()
    %add3A_252 = arith.constant 320 : i32
    %add3A_253 = arith.addi %mul3A_241, %add3A_252 : i32
    "tpu.region"() ({
      %run_scoped3A_479 = tpu.sem_alloc : memref<!tpu.dma_semaphore, #tpu.memory_space<semaphore_mem>>
      %dma_start3A_480 = arith.constant 0 : i32
      %dma_start3A_481 = arith.constant 0 : i32
      %dma_start3A_482 = tpu.memref_slice %arg19[%dma_start3A_480, %dma_start3A_481] : memref<160x128xf32, #tpu.memory_space<vmem>> -> memref<8x128xf32, #tpu.memory_space<vmem>>
      %dma_start3A_483 = arith.constant 0 : i32
      %dma_start3A_484 = tpu.memref_slice %arg8[%add3A_253, %dma_start3A_483] : memref<5248x128xf32, #tpu.memory_space<vmem_shared>> -> memref<8x128xf32, #tpu.memory_space<vmem_shared>>
      %dma_start3A_485 = arith.constant 0 : i32
      %dma_start3A_486 = tpu.memref_slice %arg8[%add3A_253, %dma_start3A_485] : memref<5248x128xf32, #tpu.memory_space<vmem_shared>> -> memref<8x128xf32, #tpu.memory_space<vmem_shared>>
      %dma_start3A_487 = arith.constant 0 : i32
      %dma_start3A_488 = arith.constant 0 : i32
      %dma_start3A_489 = tpu.memref_slice %arg19[%dma_start3A_487, %dma_start3A_488] : memref<160x128xf32, #tpu.memory_space<vmem>> -> memref<8x128xf32, #tpu.memory_space<vmem>>
      tpu.enqueue_dma source(%dma_start3A_489 : memref<8x128xf32, #tpu.memory_space<vmem>>) target(%dma_start3A_486 : memref<8x128xf32, #tpu.memory_space<vmem_shared>>) target_semaphore(%run_scoped3A_479 : memref<!tpu.dma_semaphore, #tpu.memory_space<semaphore_mem>>)
      %dma_wait3A_490 = arith.constant 0 : i32
      %dma_wait3A_491 = arith.constant 0 : i32
      %dma_wait3A_492 = tpu.memref_slice %arg19[%dma_wait3A_490, %dma_wait3A_491] : memref<160x128xf32, #tpu.memory_space<vmem>> -> memref<8x128xf32, #tpu.memory_space<vmem>>
      %dma_wait3A_493 = arith.constant 0 : i32
      %dma_wait3A_494 = tpu.memref_slice %arg8[%add3A_253, %dma_wait3A_493] : memref<5248x128xf32, #tpu.memory_space<vmem_shared>> -> memref<8x128xf32, #tpu.memory_space<vmem_shared>>
      %dma_wait3A_495 = arith.constant 0 : i32
      %dma_wait3A_496 = tpu.memref_slice %arg8[%add3A_253, %dma_wait3A_495] : memref<5248x128xf32, #tpu.memory_space<vmem_shared>> -> memref<8x128xf32, #tpu.memory_space<vmem_shared>>
      %dma_wait3A_497 = arith.constant 0 : i32
      %dma_wait3A_498 = arith.constant 0 : i32
      %dma_wait3A_499 = tpu.memref_slice %arg19[%dma_wait3A_497, %dma_wait3A_498] : memref<160x128xf32, #tpu.memory_space<vmem>> -> memref<8x128xf32, #tpu.memory_space<vmem>>
      tpu.wait_dma2 semaphore(%run_scoped3A_479 : memref<!tpu.dma_semaphore, #tpu.memory_space<semaphore_mem>>) src(%dma_wait3A_499 : memref<8x128xf32, #tpu.memory_space<vmem>>) dst(%dma_wait3A_496 : memref<8x128xf32, #tpu.memory_space<vmem_shared>>)
      tpu.yield
    }) : () -> ()
    "tpu.region"() ({
      %run_scoped3A_479 = tpu.sem_alloc : memref<!tpu.dma_semaphore, #tpu.memory_space<semaphore_mem>>
      tpu.enqueue_dma source(%arg6 : memref<160x128xf32, #tpu.memory_space<hbm>>) target(%arg19 : memref<160x128xf32, #tpu.memory_space<vmem>>) target_semaphore(%run_scoped3A_479 : memref<!tpu.dma_semaphore, #tpu.memory_space<semaphore_mem>>)
      tpu.wait_dma2 semaphore(%run_scoped3A_479 : memref<!tpu.dma_semaphore, #tpu.memory_space<semaphore_mem>>) src(%arg6 : memref<160x128xf32, #tpu.memory_space<hbm>>) dst(%arg19 : memref<160x128xf32, #tpu.memory_space<vmem>>)
      tpu.yield
    }) : () -> ()
    %barrier3A_254 = arith.constant 0 : index
    tpu.barrier barrier_id(%barrier3A_254)
    %add3A_255 = arith.constant 0 : i32
    %add3A_256 = arith.addi %mul3A_2, %add3A_255 : i32
    %dma_start3A_257 = tpu.memref_slice %arg4[%add3A_256] : memref<320000xi32, #tpu.memory_space<hbm>> -> memref<160xi32, #tpu.memory_space<hbm>>
    %dma_start3A_258 = tpu.memref_slice %arg4[%add3A_256] : memref<320000xi32, #tpu.memory_space<hbm>> -> memref<160xi32, #tpu.memory_space<hbm>>
    tpu.enqueue_dma source(%dma_start3A_258 : memref<160xi32, #tpu.memory_space<hbm>>) target(%arg11 : memref<160xi32, #tpu.memory_space<vmem>>) target_semaphore(%arg20 : memref<!tpu.dma_semaphore, #tpu.memory_space<semaphore_mem>>)
    %add3A_259 = arith.constant 160 : i32
    %add3A_260 = arith.addi %mul3A_2, %add3A_259 : i32
    %dma_start3A_261 = tpu.memref_slice %arg4[%add3A_260] : memref<320000xi32, #tpu.memory_space<hbm>> -> memref<160xi32, #tpu.memory_space<hbm>>
    %dma_start3A_262 = tpu.memref_slice %arg4[%add3A_260] : memref<320000xi32, #tpu.memory_space<hbm>> -> memref<160xi32, #tpu.memory_space<hbm>>
    tpu.enqueue_dma source(%dma_start3A_262 : memref<160xi32, #tpu.memory_space<hbm>>) target(%arg12 : memref<160xi32, #tpu.memory_space<vmem>>) target_semaphore(%arg21 : memref<!tpu.dma_semaphore, #tpu.memory_space<semaphore_mem>>)
    %add3A_263 = arith.constant 0 : i32
    %add3A_264 = arith.addi %mul3A_2, %add3A_263 : i32
    %dma_wait3A_265 = tpu.memref_slice %arg4[%add3A_264] : memref<320000xi32, #tpu.memory_space<hbm>> -> memref<160xi32, #tpu.memory_space<hbm>>
    %dma_wait3A_266 = tpu.memref_slice %arg4[%add3A_264] : memref<320000xi32, #tpu.memory_space<hbm>> -> memref<160xi32, #tpu.memory_space<hbm>>
    tpu.wait_dma2 semaphore(%arg20 : memref<!tpu.dma_semaphore, #tpu.memory_space<semaphore_mem>>) src(%dma_wait3A_266 : memref<160xi32, #tpu.memory_space<hbm>>) dst(%arg11 : memref<160xi32, #tpu.memory_space<vmem>>)
    %get3A_267 = arith.constant 0 : index
    %get3A_268 = tpu.vector_load %arg11[%get3A_267] {strides = array<i32>} : memref<160xi32, #tpu.memory_space<vmem>>, vector<16xi32>,
    %get3A_269 = vector.shape_cast %get3A_268 : vector<16xi32> to vector<16xi32>
    %sub3A_270 = vector.broadcast %mul3A_0 : i32 to vector<16xi32>
    %sub3A_271 = arith.subi %get3A_269, %sub3A_270 : vector<16xi32>
    %lt3A_272 = arith.constant 0 : i32
    %lt3A_273 = vector.broadcast %lt3A_272 : i32 to vector<16xi32>
    %lt3A_274 = arith.cmpi slt, %sub3A_271, %lt3A_273 : vector<16xi32>
    %ge3A_275 = arith.constant 5120 : i32
    %ge3A_276 = vector.broadcast %ge3A_275 : i32 to vector<16xi32>
    %ge3A_277 = arith.cmpi sge, %sub3A_271, %ge3A_276 : vector<16xi32>
    %or3A_278 = arith.ori %lt3A_274, %ge3A_277 : vector<16xi1>
    %jit3A_279 = arith.constant 5120 : i32
    %broadcast_in_dim3A_280 = vector.broadcast %jit3A_279 : i32 to vector<16xi32>
    %select_n3A_281 = arith.select %or3A_278, %broadcast_in_dim3A_280, %sub3A_271 : vector<16xi1>, vector<16xi32>
    %swap3A_282 = arith.constant 0 : index
    %swap3A_283 = tpu.vector_load %arg17[%swap3A_282] {strides = array<i32>} : memref<160xi32, #tpu.memory_space<vmem>>, vector<16xi32>,
    %swap3A_284 = vector.shape_cast %swap3A_283 : vector<16xi32> to vector<16xi32>
    %swap3A_285 = vector.shape_cast %select_n3A_281 : vector<16xi32> to vector<16xi32>
    tpu.vector_store %arg17[%swap3A_282], %swap3A_285 {strides = array<i32>} : memref<160xi32, #tpu.memory_space<vmem>>, vector<16xi32>,
    %get3A_286 = arith.constant 16 : index
    %get3A_287 = tpu.vector_load %arg11[%get3A_286] {strides = array<i32>} : memref<160xi32, #tpu.memory_space<vmem>>, vector<16xi32>,
    %get3A_288 = vector.shape_cast %get3A_287 : vector<16xi32> to vector<16xi32>
    %sub3A_289 = vector.broadcast %mul3A_0 : i32 to vector<16xi32>
    %sub3A_290 = arith.subi %get3A_288, %sub3A_289 : vector<16xi32>
    %lt3A_291 = arith.constant 0 : i32
    %lt3A_292 = vector.broadcast %lt3A_291 : i32 to vector<16xi32>
    %lt3A_293 = arith.cmpi slt, %sub3A_290, %lt3A_292 : vector<16xi32>
    %ge3A_294 = arith.constant 5120 : i32
    %ge3A_295 = vector.broadcast %ge3A_294 : i32 to vector<16xi32>
    %ge3A_296 = arith.cmpi sge, %sub3A_290, %ge3A_295 : vector<16xi32>
    %or3A_297 = arith.ori %lt3A_293, %ge3A_296 : vector<16xi1>
    %jit3A_298 = arith.constant 5120 : i32
    %broadcast_in_dim3A_299 = vector.broadcast %jit3A_298 : i32 to vector<16xi32>
    %select_n3A_300 = arith.select %or3A_297, %broadcast_in_dim3A_299, %sub3A_290 : vector<16xi1>, vector<16xi32>
    %swap3A_301 = arith.constant 16 : index
    %swap3A_302 = tpu.vector_load %arg17[%swap3A_301] {strides = array<i32>} : memref<160xi32, #tpu.memory_space<vmem>>, vector<16xi32>,
    %swap3A_303 = vector.shape_cast %swap3A_302 : vector<16xi32> to vector<16xi32>
    %swap3A_304 = vector.shape_cast %select_n3A_300 : vector<16xi32> to vector<16xi32>
    tpu.vector_store %arg17[%swap3A_301], %swap3A_304 {strides = array<i32>} : memref<160xi32, #tpu.memory_space<vmem>>, vector<16xi32>,
    %get3A_305 = arith.constant 32 : index
    %get3A_306 = tpu.vector_load %arg11[%get3A_305] {strides = array<i32>} : memref<160xi32, #tpu.memory_space<vmem>>, vector<16xi32>,
    %get3A_307 = vector.shape_cast %get3A_306 : vector<16xi32> to vector<16xi32>
    %sub3A_308 = vector.broadcast %mul3A_0 : i32 to vector<16xi32>
    %sub3A_309 = arith.subi %get3A_307, %sub3A_308 : vector<16xi32>
    %lt3A_310 = arith.constant 0 : i32
    %lt3A_311 = vector.broadcast %lt3A_310 : i32 to vector<16xi32>
    %lt3A_312 = arith.cmpi slt, %sub3A_309, %lt3A_311 : vector<16xi32>
    %ge3A_313 = arith.constant 5120 : i32
    %ge3A_314 = vector.broadcast %ge3A_313 : i32 to vector<16xi32>
    %ge3A_315 = arith.cmpi sge, %sub3A_309, %ge3A_314 : vector<16xi32>
    %or3A_316 = arith.ori %lt3A_312, %ge3A_315 : vector<16xi1>
    %jit3A_317 = arith.constant 5120 : i32
    %broadcast_in_dim3A_318 = vector.broadcast %jit3A_317 : i32 to vector<16xi32>
    %select_n3A_319 = arith.select %or3A_316, %broadcast_in_dim3A_318, %sub3A_309 : vector<16xi1>, vector<16xi32>
    %swap3A_320 = arith.constant 32 : index
    %swap3A_321 = tpu.vector_load %arg17[%swap3A_320] {strides = array<i32>} : memref<160xi32, #tpu.memory_space<vmem>>, vector<16xi32>,
    %swap3A_322 = vector.shape_cast %swap3A_321 : vector<16xi32> to vector<16xi32>
    %swap3A_323 = vector.shape_cast %select_n3A_319 : vector<16xi32> to vector<16xi32>
    tpu.vector_store %arg17[%swap3A_320], %swap3A_323 {strides = array<i32>} : memref<160xi32, #tpu.memory_space<vmem>>, vector<16xi32>,
    %get3A_324 = arith.constant 48 : index
    %get3A_325 = tpu.vector_load %arg11[%get3A_324] {strides = array<i32>} : memref<160xi32, #tpu.memory_space<vmem>>, vector<16xi32>,
    %get3A_326 = vector.shape_cast %get3A_325 : vector<16xi32> to vector<16xi32>
    %sub3A_327 = vector.broadcast %mul3A_0 : i32 to vector<16xi32>
    %sub3A_328 = arith.subi %get3A_326, %sub3A_327 : vector<16xi32>
    %lt3A_329 = arith.constant 0 : i32
    %lt3A_330 = vector.broadcast %lt3A_329 : i32 to vector<16xi32>
    %lt3A_331 = arith.cmpi slt, %sub3A_328, %lt3A_330 : vector<16xi32>
    %ge3A_332 = arith.constant 5120 : i32
    %ge3A_333 = vector.broadcast %ge3A_332 : i32 to vector<16xi32>
    %ge3A_334 = arith.cmpi sge, %sub3A_328, %ge3A_333 : vector<16xi32>
    %or3A_335 = arith.ori %lt3A_331, %ge3A_334 : vector<16xi1>
    %jit3A_336 = arith.constant 5120 : i32
    %broadcast_in_dim3A_337 = vector.broadcast %jit3A_336 : i32 to vector<16xi32>
    %select_n3A_338 = arith.select %or3A_335, %broadcast_in_dim3A_337, %sub3A_328 : vector<16xi1>, vector<16xi32>
    %swap3A_339 = arith.constant 48 : index
    %swap3A_340 = tpu.vector_load %arg17[%swap3A_339] {strides = array<i32>} : memref<160xi32, #tpu.memory_space<vmem>>, vector<16xi32>,
    %swap3A_341 = vector.shape_cast %swap3A_340 : vector<16xi32> to vector<16xi32>
    %swap3A_342 = vector.shape_cast %select_n3A_338 : vector<16xi32> to vector<16xi32>
    tpu.vector_store %arg17[%swap3A_339], %swap3A_342 {strides = array<i32>} : memref<160xi32, #tpu.memory_space<vmem>>, vector<16xi32>,
    %get3A_343 = arith.constant 64 : index
    %get3A_344 = tpu.vector_load %arg11[%get3A_343] {strides = array<i32>} : memref<160xi32, #tpu.memory_space<vmem>>, vector<16xi32>,
    %get3A_345 = vector.shape_cast %get3A_344 : vector<16xi32> to vector<16xi32>
    %sub3A_346 = vector.broadcast %mul3A_0 : i32 to vector<16xi32>
    %sub3A_347 = arith.subi %get3A_345, %sub3A_346 : vector<16xi32>
    %lt3A_348 = arith.constant 0 : i32
    %lt3A_349 = vector.broadcast %lt3A_348 : i32 to vector<16xi32>
    %lt3A_350 = arith.cmpi slt, %sub3A_347, %lt3A_349 : vector<16xi32>
    %ge3A_351 = arith.constant 5120 : i32
    %ge3A_352 = vector.broadcast %ge3A_351 : i32 to vector<16xi32>
    %ge3A_353 = arith.cmpi sge, %sub3A_347, %ge3A_352 : vector<16xi32>
    %or3A_354 = arith.ori %lt3A_350, %ge3A_353 : vector<16xi1>
    %jit3A_355 = arith.constant 5120 : i32
    %broadcast_in_dim3A_356 = vector.broadcast %jit3A_355 : i32 to vector<16xi32>
    %select_n3A_357 = arith.select %or3A_354, %broadcast_in_dim3A_356, %sub3A_347 : vector<16xi1>, vector<16xi32>
    %swap3A_358 = arith.constant 64 : index
    %swap3A_359 = tpu.vector_load %arg17[%swap3A_358] {strides = array<i32>} : memref<160xi32, #tpu.memory_space<vmem>>, vector<16xi32>,
    %swap3A_360 = vector.shape_cast %swap3A_359 : vector<16xi32> to vector<16xi32>
    %swap3A_361 = vector.shape_cast %select_n3A_357 : vector<16xi32> to vector<16xi32>
    tpu.vector_store %arg17[%swap3A_358], %swap3A_361 {strides = array<i32>} : memref<160xi32, #tpu.memory_space<vmem>>, vector<16xi32>,
    %get3A_362 = arith.constant 80 : index
    %get3A_363 = tpu.vector_load %arg11[%get3A_362] {strides = array<i32>} : memref<160xi32, #tpu.memory_space<vmem>>, vector<16xi32>,
    %get3A_364 = vector.shape_cast %get3A_363 : vector<16xi32> to vector<16xi32>
    %sub3A_365 = vector.broadcast %mul3A_0 : i32 to vector<16xi32>
    %sub3A_366 = arith.subi %get3A_364, %sub3A_365 : vector<16xi32>
    %lt3A_367 = arith.constant 0 : i32
    %lt3A_368 = vector.broadcast %lt3A_367 : i32 to vector<16xi32>
    %lt3A_369 = arith.cmpi slt, %sub3A_366, %lt3A_368 : vector<16xi32>
    %ge3A_370 = arith.constant 5120 : i32
    %ge3A_371 = vector.broadcast %ge3A_370 : i32 to vector<16xi32>
    %ge3A_372 = arith.cmpi sge, %sub3A_366, %ge3A_371 : vector<16xi32>
    %or3A_373 = arith.ori %lt3A_369, %ge3A_372 : vector<16xi1>
    %jit3A_374 = arith.constant 5120 : i32
    %broadcast_in_dim3A_375 = vector.broadcast %jit3A_374 : i32 to vector<16xi32>
    %select_n3A_376 = arith.select %or3A_373, %broadcast_in_dim3A_375, %sub3A_366 : vector<16xi1>, vector<16xi32>
    %swap3A_377 = arith.constant 80 : index
    %swap3A_378 = tpu.vector_load %arg17[%swap3A_377] {strides = array<i32>} : memref<160xi32, #tpu.memory_space<vmem>>, vector<16xi32>,
    %swap3A_379 = vector.shape_cast %swap3A_378 : vector<16xi32> to vector<16xi32>
    %swap3A_380 = vector.shape_cast %select_n3A_376 : vector<16xi32> to vector<16xi32>
    tpu.vector_store %arg17[%swap3A_377], %swap3A_380 {strides = array<i32>} : memref<160xi32, #tpu.memory_space<vmem>>, vector<16xi32>,
    %get3A_381 = arith.constant 96 : index
    %get3A_382 = tpu.vector_load %arg11[%get3A_381] {strides = array<i32>} : memref<160xi32, #tpu.memory_space<vmem>>, vector<16xi32>,
    %get3A_383 = vector.shape_cast %get3A_382 : vector<16xi32> to vector<16xi32>
    %sub3A_384 = vector.broadcast %mul3A_0 : i32 to vector<16xi32>
    %sub3A_385 = arith.subi %get3A_383, %sub3A_384 : vector<16xi32>
    %lt3A_386 = arith.constant 0 : i32
    %lt3A_387 = vector.broadcast %lt3A_386 : i32 to vector<16xi32>
    %lt3A_388 = arith.cmpi slt, %sub3A_385, %lt3A_387 : vector<16xi32>
    %ge3A_389 = arith.constant 5120 : i32
    %ge3A_390 = vector.broadcast %ge3A_389 : i32 to vector<16xi32>
    %ge3A_391 = arith.cmpi sge, %sub3A_385, %ge3A_390 : vector<16xi32>
    %or3A_392 = arith.ori %lt3A_388, %ge3A_391 : vector<16xi1>
    %jit3A_393 = arith.constant 5120 : i32
    %broadcast_in_dim3A_394 = vector.broadcast %jit3A_393 : i32 to vector<16xi32>
    %select_n3A_395 = arith.select %or3A_392, %broadcast_in_dim3A_394, %sub3A_385 : vector<16xi1>, vector<16xi32>
    %swap3A_396 = arith.constant 96 : index
    %swap3A_397 = tpu.vector_load %arg17[%swap3A_396] {strides = array<i32>} : memref<160xi32, #tpu.memory_space<vmem>>, vector<16xi32>,
    %swap3A_398 = vector.shape_cast %swap3A_397 : vector<16xi32> to vector<16xi32>
    %swap3A_399 = vector.shape_cast %select_n3A_395 : vector<16xi32> to vector<16xi32>
    tpu.vector_store %arg17[%swap3A_396], %swap3A_399 {strides = array<i32>} : memref<160xi32, #tpu.memory_space<vmem>>, vector<16xi32>,
    %get3A_400 = arith.constant 112 : index
    %get3A_401 = tpu.vector_load %arg11[%get3A_400] {strides = array<i32>} : memref<160xi32, #tpu.memory_space<vmem>>, vector<16xi32>,
    %get3A_402 = vector.shape_cast %get3A_401 : vector<16xi32> to vector<16xi32>
    %sub3A_403 = vector.broadcast %mul3A_0 : i32 to vector<16xi32>
    %sub3A_404 = arith.subi %get3A_402, %sub3A_403 : vector<16xi32>
    %lt3A_405 = arith.constant 0 : i32
    %lt3A_406 = vector.broadcast %lt3A_405 : i32 to vector<16xi32>
    %lt3A_407 = arith.cmpi slt, %sub3A_404, %lt3A_406 : vector<16xi32>
    %ge3A_408 = arith.constant 5120 : i32
    %ge3A_409 = vector.broadcast %ge3A_408 : i32 to vector<16xi32>
    %ge3A_410 = arith.cmpi sge, %sub3A_404, %ge3A_409 : vector<16xi32>
    %or3A_411 = arith.ori %lt3A_407, %ge3A_410 : vector<16xi1>
    %jit3A_412 = arith.constant 5120 : i32
    %broadcast_in_dim3A_413 = vector.broadcast %jit3A_412 : i32 to vector<16xi32>
    %select_n3A_414 = arith.select %or3A_411, %broadcast_in_dim3A_413, %sub3A_404 : vector<16xi1>, vector<16xi32>
    %swap3A_415 = arith.constant 112 : index
    %swap3A_416 = tpu.vector_load %arg17[%swap3A_415] {strides = array<i32>} : memref<160xi32, #tpu.memory_space<vmem>>, vector<16xi32>,
    %swap3A_417 = vector.shape_cast %swap3A_416 : vector<16xi32> to vector<16xi32>
    %swap3A_418 = vector.shape_cast %select_n3A_414 : vector<16xi32> to vector<16xi32>
    tpu.vector_store %arg17[%swap3A_415], %swap3A_418 {strides = array<i32>} : memref<160xi32, #tpu.memory_space<vmem>>, vector<16xi32>,
    %get3A_419 = arith.constant 128 : index
    %get3A_420 = tpu.vector_load %arg11[%get3A_419] {strides = array<i32>} : memref<160xi32, #tpu.memory_space<vmem>>, vector<16xi32>,
    %get3A_421 = vector.shape_cast %get3A_420 : vector<16xi32> to vector<16xi32>
    %sub3A_422 = vector.broadcast %mul3A_0 : i32 to vector<16xi32>
    %sub3A_423 = arith.subi %get3A_421, %sub3A_422 : vector<16xi32>
    %lt3A_424 = arith.constant 0 : i32
    %lt3A_425 = vector.broadcast %lt3A_424 : i32 to vector<16xi32>
    %lt3A_426 = arith.cmpi slt, %sub3A_423, %lt3A_425 : vector<16xi32>
    %ge3A_427 = arith.constant 5120 : i32
    %ge3A_428 = vector.broadcast %ge3A_427 : i32 to vector<16xi32>
    %ge3A_429 = arith.cmpi sge, %sub3A_423, %ge3A_428 : vector<16xi32>
    %or3A_430 = arith.ori %lt3A_426, %ge3A_429 : vector<16xi1>
    %jit3A_431 = arith.constant 5120 : i32
    %broadcast_in_dim3A_432 = vector.broadcast %jit3A_431 : i32 to vector<16xi32>
    %select_n3A_433 = arith.select %or3A_430, %broadcast_in_dim3A_432, %sub3A_423 : vector<16xi1>, vector<16xi32>
    %swap3A_434 = arith.constant 128 : index
    %swap3A_435 = tpu.vector_load %arg17[%swap3A_434] {strides = array<i32>} : memref<160xi32, #tpu.memory_space<vmem>>, vector<16xi32>,
    %swap3A_436 = vector.shape_cast %swap3A_435 : vector<16xi32> to vector<16xi32>
    %swap3A_437 = vector.shape_cast %select_n3A_433 : vector<16xi32> to vector<16xi32>
    tpu.vector_store %arg17[%swap3A_434], %swap3A_437 {strides = array<i32>} : memref<160xi32, #tpu.memory_space<vmem>>, vector<16xi32>,
    %get3A_438 = arith.constant 144 : index
    %get3A_439 = tpu.vector_load %arg11[%get3A_438] {strides = array<i32>} : memref<160xi32, #tpu.memory_space<vmem>>, vector<16xi32>,
    %get3A_440 = vector.shape_cast %get3A_439 : vector<16xi32> to vector<16xi32>
    %sub3A_441 = vector.broadcast %mul3A_0 : i32 to vector<16xi32>
    %sub3A_442 = arith.subi %get3A_440, %sub3A_441 : vector<16xi32>
    %lt3A_443 = arith.constant 0 : i32
    %lt3A_444 = vector.broadcast %lt3A_443 : i32 to vector<16xi32>
    %lt3A_445 = arith.cmpi slt, %sub3A_442, %lt3A_444 : vector<16xi32>
    %ge3A_446 = arith.constant 5120 : i32
    %ge3A_447 = vector.broadcast %ge3A_446 : i32 to vector<16xi32>
    %ge3A_448 = arith.cmpi sge, %sub3A_442, %ge3A_447 : vector<16xi32>
    %or3A_449 = arith.ori %lt3A_445, %ge3A_448 : vector<16xi1>
    %jit3A_450 = arith.constant 5120 : i32
    %broadcast_in_dim3A_451 = vector.broadcast %jit3A_450 : i32 to vector<16xi32>
    %select_n3A_452 = arith.select %or3A_449, %broadcast_in_dim3A_451, %sub3A_442 : vector<16xi1>, vector<16xi32>
    %swap3A_453 = arith.constant 144 : index
    %swap3A_454 = tpu.vector_load %arg17[%swap3A_453] {strides = array<i32>} : memref<160xi32, #tpu.memory_space<vmem>>, vector<16xi32>,
    %swap3A_455 = vector.shape_cast %swap3A_454 : vector<16xi32> to vector<16xi32>
    %swap3A_456 = vector.shape_cast %select_n3A_452 : vector<16xi32> to vector<16xi32>
    tpu.vector_store %arg17[%swap3A_453], %swap3A_456 {strides = array<i32>} : memref<160xi32, #tpu.memory_space<vmem>>, vector<16xi32>,
    %scan3A_457 = arith.constant 0 : i32
    %scan3A_458 = arith.constant 0 : i32
    %scan3A_459 = arith.constant 62 : i32
    %scan3A_460 = arith.addi %scan3A_458, %scan3A_459 : i32
    %scan3A_461 = arith.constant 1 : i32
    scf.for %scan3A_479 = %scan3A_458 to %scan3A_460 step %scan3A_461  : i32 {
      %mul3A_480 = arith.constant 2 : i32
      %mul3A_481 = arith.muli %mul3A_480, %scan3A_479 : i32
      %add3A_482 = arith.constant 2 : i32
      %add3A_483 = arith.addi %mul3A_481, %add3A_482 : i32
      %mul3A_484 = arith.constant 160 : i32
      %mul3A_485 = arith.muli %add3A_483, %mul3A_484 : i32
      %add3A_486 = arith.addi %mul3A_2, %mul3A_485 : i32
      %dma_start3A_487 = tpu.memref_slice %arg4[%add3A_486] : memref<320000xi32, #tpu.memory_space<hbm>> -> memref<160xi32, #tpu.memory_space<hbm>>
      %dma_start3A_488 = tpu.memref_slice %arg4[%add3A_486] : memref<320000xi32, #tpu.memory_space<hbm>> -> memref<160xi32, #tpu.memory_space<hbm>>
      tpu.enqueue_dma source(%dma_start3A_488 : memref<160xi32, #tpu.memory_space<hbm>>) target(%arg11 : memref<160xi32, #tpu.memory_space<vmem>>) target_semaphore(%arg20 : memref<!tpu.dma_semaphore, #tpu.memory_space<semaphore_mem>>)
      "tpu.region"() ({
        %run_scoped3A_886 = tpu.sem_alloc : memref<!tpu.dma_semaphore, #tpu.memory_space<semaphore_mem>>
        %dma_start3A_887 = arith.constant 0 : i32
        %dma_start3A_888 = arith.constant 0 : i32
        %dma_start3A_889 = tpu.memref_slice %arg8[%dma_start3A_887, %dma_start3A_888] : memref<5248x128xf32, #tpu.memory_space<vmem_shared>> -> memref<5248x128xf32, #tpu.memory_space<vmem_shared>>
        tpu.enqueue_indirect_dma source(%arg19 : memref<160x128xf32, #tpu.memory_space<vmem>>) target(%dma_start3A_889 : memref<5248x128xf32, #tpu.memory_space<vmem_shared>>) offsets(%arg17 : memref<160xi32, #tpu.memory_space<vmem>>) semaphore(%run_scoped3A_886 : memref<!tpu.dma_semaphore, #tpu.memory_space<semaphore_mem>>) {add = true}
        %dma_wait3A_890 = arith.constant 0 : i32
        %dma_wait3A_891 = arith.constant 0 : i32
        %dma_wait3A_892 = tpu.memref_slice %arg8[%dma_wait3A_890, %dma_wait3A_891] : memref<5248x128xf32, #tpu.memory_space<vmem_shared>> -> memref<5248x128xf32, #tpu.memory_space<vmem_shared>>
        tpu.wait_indirect_dma semaphore(%run_scoped3A_886 : memref<!tpu.dma_semaphore, #tpu.memory_space<semaphore_mem>>) src(%arg19 : memref<160x128xf32, #tpu.memory_space<vmem>>) dst(%dma_wait3A_892 : memref<5248x128xf32, #tpu.memory_space<vmem_shared>>)
        tpu.yield
      }) : () -> ()
      %add3A_489 = arith.constant 1 : i32
      %add3A_490 = arith.addi %mul3A_481, %add3A_489 : i32
      %mul3A_491 = arith.constant 160 : i32
      %mul3A_492 = arith.muli %add3A_490, %mul3A_491 : i32
      %add3A_493 = arith.addi %mul3A_2, %mul3A_492 : i32
      %dma_wait3A_494 = tpu.memref_slice %arg4[%add3A_493] : memref<320000xi32, #tpu.memory_space<hbm>> -> memref<160xi32, #tpu.memory_space<hbm>>
      %dma_wait3A_495 = tpu.memref_slice %arg4[%add3A_493] : memref<320000xi32, #tpu.memory_space<hbm>> -> memref<160xi32, #tpu.memory_space<hbm>>
      tpu.wait_dma2 semaphore(%arg21 : memref<!tpu.dma_semaphore, #tpu.memory_space<semaphore_mem>>) src(%dma_wait3A_495 : memref<160xi32, #tpu.memory_space<hbm>>) dst(%arg12 : memref<160xi32, #tpu.memory_space<vmem>>)
      %get3A_496 = arith.constant 0 : index
      %get3A_497 = tpu.vector_load %arg12[%get3A_496] {strides = array<i32>} : memref<160xi32, #tpu.memory_space<vmem>>, vector<16xi32>,
      %get3A_498 = vector.shape_cast %get3A_497 : vector<16xi32> to vector<16xi32>
      %sub3A_499 = vector.broadcast %mul3A_0 : i32 to vector<16xi32>
      %sub3A_500 = arith.subi %get3A_498, %sub3A_499 : vector<16xi32>
      %lt3A_501 = arith.constant 0 : i32
      %lt3A_502 = vector.broadcast %lt3A_501 : i32 to vector<16xi32>
      %lt3A_503 = arith.cmpi slt, %sub3A_500, %lt3A_502 : vector<16xi32>
      %ge3A_504 = arith.constant 5120 : i32
      %ge3A_505 = vector.broadcast %ge3A_504 : i32 to vector<16xi32>
      %ge3A_506 = arith.cmpi sge, %sub3A_500, %ge3A_505 : vector<16xi32>
      %or3A_507 = arith.ori %lt3A_503, %ge3A_506 : vector<16xi1>
      %jit3A_508 = arith.constant 5120 : i32
      %broadcast_in_dim3A_509 = vector.broadcast %jit3A_508 : i32 to vector<16xi32>
      %select_n3A_510 = arith.select %or3A_507, %broadcast_in_dim3A_509, %sub3A_500 : vector<16xi1>, vector<16xi32>
      %swap3A_511 = arith.constant 0 : index
      %swap3A_512 = tpu.vector_load %arg18[%swap3A_511] {strides = array<i32>} : memref<160xi32, #tpu.memory_space<vmem>>, vector<16xi32>,
      %swap3A_513 = vector.shape_cast %swap3A_512 : vector<16xi32> to vector<16xi32>
      %swap3A_514 = vector.shape_cast %select_n3A_510 : vector<16xi32> to vector<16xi32>
      tpu.vector_store %arg18[%swap3A_511], %swap3A_514 {strides = array<i32>} : memref<160xi32, #tpu.memory_space<vmem>>, vector<16xi32>,
      %get3A_515 = arith.constant 16 : index
      %get3A_516 = tpu.vector_load %arg12[%get3A_515] {strides = array<i32>} : memref<160xi32, #tpu.memory_space<vmem>>, vector<16xi32>,
      %get3A_517 = vector.shape_cast %get3A_516 : vector<16xi32> to vector<16xi32>
      %sub3A_518 = vector.broadcast %mul3A_0 : i32 to vector<16xi32>
      %sub3A_519 = arith.subi %get3A_517, %sub3A_518 : vector<16xi32>
      %lt3A_520 = arith.constant 0 : i32
      %lt3A_521 = vector.broadcast %lt3A_520 : i32 to vector<16xi32>
      %lt3A_522 = arith.cmpi slt, %sub3A_519, %lt3A_521 : vector<16xi32>
      %ge3A_523 = arith.constant 5120 : i32
      %ge3A_524 = vector.broadcast %ge3A_523 : i32 to vector<16xi32>
      %ge3A_525 = arith.cmpi sge, %sub3A_519, %ge3A_524 : vector<16xi32>
      %or3A_526 = arith.ori %lt3A_522, %ge3A_525 : vector<16xi1>
      %jit3A_527 = arith.constant 5120 : i32
      %broadcast_in_dim3A_528 = vector.broadcast %jit3A_527 : i32 to vector<16xi32>
      %select_n3A_529 = arith.select %or3A_526, %broadcast_in_dim3A_528, %sub3A_519 : vector<16xi1>, vector<16xi32>
      %swap3A_530 = arith.constant 16 : index
      %swap3A_531 = tpu.vector_load %arg18[%swap3A_530] {strides = array<i32>} : memref<160xi32, #tpu.memory_space<vmem>>, vector<16xi32>,
      %swap3A_532 = vector.shape_cast %swap3A_531 : vector<16xi32> to vector<16xi32>
      %swap3A_533 = vector.shape_cast %select_n3A_529 : vector<16xi32> to vector<16xi32>
      tpu.vector_store %arg18[%swap3A_530], %swap3A_533 {strides = array<i32>} : memref<160xi32, #tpu.memory_space<vmem>>, vector<16xi32>,
      %get3A_534 = arith.constant 32 : index
      %get3A_535 = tpu.vector_load %arg12[%get3A_534] {strides = array<i32>} : memref<160xi32, #tpu.memory_space<vmem>>, vector<16xi32>,
      %get3A_536 = vector.shape_cast %get3A_535 : vector<16xi32> to vector<16xi32>
      %sub3A_537 = vector.broadcast %mul3A_0 : i32 to vector<16xi32>
      %sub3A_538 = arith.subi %get3A_536, %sub3A_537 : vector<16xi32>
      %lt3A_539 = arith.constant 0 : i32
      %lt3A_540 = vector.broadcast %lt3A_539 : i32 to vector<16xi32>
      %lt3A_541 = arith.cmpi slt, %sub3A_538, %lt3A_540 : vector<16xi32>
      %ge3A_542 = arith.constant 5120 : i32
      %ge3A_543 = vector.broadcast %ge3A_542 : i32 to vector<16xi32>
      %ge3A_544 = arith.cmpi sge, %sub3A_538, %ge3A_543 : vector<16xi32>
      %or3A_545 = arith.ori %lt3A_541, %ge3A_544 : vector<16xi1>
      %jit3A_546 = arith.constant 5120 : i32
      %broadcast_in_dim3A_547 = vector.broadcast %jit3A_546 : i32 to vector<16xi32>
      %select_n3A_548 = arith.select %or3A_545, %broadcast_in_dim3A_547, %sub3A_538 : vector<16xi1>, vector<16xi32>
      %swap3A_549 = arith.constant 32 : index
      %swap3A_550 = tpu.vector_load %arg18[%swap3A_549] {strides = array<i32>} : memref<160xi32, #tpu.memory_space<vmem>>, vector<16xi32>,
      %swap3A_551 = vector.shape_cast %swap3A_550 : vector<16xi32> to vector<16xi32>
      %swap3A_552 = vector.shape_cast %select_n3A_548 : vector<16xi32> to vector<16xi32>
      tpu.vector_store %arg18[%swap3A_549], %swap3A_552 {strides = array<i32>} : memref<160xi32, #tpu.memory_space<vmem>>, vector<16xi32>,
      %get3A_553 = arith.constant 48 : index
      %get3A_554 = tpu.vector_load %arg12[%get3A_553] {strides = array<i32>} : memref<160xi32, #tpu.memory_space<vmem>>, vector<16xi32>,
      %get3A_555 = vector.shape_cast %get3A_554 : vector<16xi32> to vector<16xi32>
      %sub3A_556 = vector.broadcast %mul3A_0 : i32 to vector<16xi32>
      %sub3A_557 = arith.subi %get3A_555, %sub3A_556 : vector<16xi32>
      %lt3A_558 = arith.constant 0 : i32
      %lt3A_559 = vector.broadcast %lt3A_558 : i32 to vector<16xi32>
      %lt3A_560 = arith.cmpi slt, %sub3A_557, %lt3A_559 : vector<16xi32>
      %ge3A_561 = arith.constant 5120 : i32
      %ge3A_562 = vector.broadcast %ge3A_561 : i32 to vector<16xi32>
      %ge3A_563 = arith.cmpi sge, %sub3A_557, %ge3A_562 : vector<16xi32>
      %or3A_564 = arith.ori %lt3A_560, %ge3A_563 : vector<16xi1>
      %jit3A_565 = arith.constant 5120 : i32
      %broadcast_in_dim3A_566 = vector.broadcast %jit3A_565 : i32 to vector<16xi32>
      %select_n3A_567 = arith.select %or3A_564, %broadcast_in_dim3A_566, %sub3A_557 : vector<16xi1>, vector<16xi32>
      %swap3A_568 = arith.constant 48 : index
      %swap3A_569 = tpu.vector_load %arg18[%swap3A_568] {strides = array<i32>} : memref<160xi32, #tpu.memory_space<vmem>>, vector<16xi32>,
      %swap3A_570 = vector.shape_cast %swap3A_569 : vector<16xi32> to vector<16xi32>
      %swap3A_571 = vector.shape_cast %select_n3A_567 : vector<16xi32> to vector<16xi32>
      tpu.vector_store %arg18[%swap3A_568], %swap3A_571 {strides = array<i32>} : memref<160xi32, #tpu.memory_space<vmem>>, vector<16xi32>,
      %get3A_572 = arith.constant 64 : index
      %get3A_573 = tpu.vector_load %arg12[%get3A_572] {strides = array<i32>} : memref<160xi32, #tpu.memory_space<vmem>>, vector<16xi32>,
      %get3A_574 = vector.shape_cast %get3A_573 : vector<16xi32> to vector<16xi32>
      %sub3A_575 = vector.broadcast %mul3A_0 : i32 to vector<16xi32>
      %sub3A_576 = arith.subi %get3A_574, %sub3A_575 : vector<16xi32>
      %lt3A_577 = arith.constant 0 : i32
      %lt3A_578 = vector.broadcast %lt3A_577 : i32 to vector<16xi32>
      %lt3A_579 = arith.cmpi slt, %sub3A_576, %lt3A_578 : vector<16xi32>
      %ge3A_580 = arith.constant 5120 : i32
      %ge3A_581 = vector.broadcast %ge3A_580 : i32 to vector<16xi32>
      %ge3A_582 = arith.cmpi sge, %sub3A_576, %ge3A_581 : vector<16xi32>
      %or3A_583 = arith.ori %lt3A_579, %ge3A_582 : vector<16xi1>
      %jit3A_584 = arith.constant 5120 : i32
      %broadcast_in_dim3A_585 = vector.broadcast %jit3A_584 : i32 to vector<16xi32>
      %select_n3A_586 = arith.select %or3A_583, %broadcast_in_dim3A_585, %sub3A_576 : vector<16xi1>, vector<16xi32>
      %swap3A_587 = arith.constant 64 : index
      %swap3A_588 = tpu.vector_load %arg18[%swap3A_587] {strides = array<i32>} : memref<160xi32, #tpu.memory_space<vmem>>, vector<16xi32>,
      %swap3A_589 = vector.shape_cast %swap3A_588 : vector<16xi32> to vector<16xi32>
      %swap3A_590 = vector.shape_cast %select_n3A_586 : vector<16xi32> to vector<16xi32>
      tpu.vector_store %arg18[%swap3A_587], %swap3A_590 {strides = array<i32>} : memref<160xi32, #tpu.memory_space<vmem>>, vector<16xi32>,
      %get3A_591 = arith.constant 80 : index
      %get3A_592 = tpu.vector_load %arg12[%get3A_591] {strides = array<i32>} : memref<160xi32, #tpu.memory_space<vmem>>, vector<16xi32>,
      %get3A_593 = vector.shape_cast %get3A_592 : vector<16xi32> to vector<16xi32>
      %sub3A_594 = vector.broadcast %mul3A_0 : i32 to vector<16xi32>
      %sub3A_595 = arith.subi %get3A_593, %sub3A_594 : vector<16xi32>
      %lt3A_596 = arith.constant 0 : i32
      %lt3A_597 = vector.broadcast %lt3A_596 : i32 to vector<16xi32>
      %lt3A_598 = arith.cmpi slt, %sub3A_595, %lt3A_597 : vector<16xi32>
      %ge3A_599 = arith.constant 5120 : i32
      %ge3A_600 = vector.broadcast %ge3A_599 : i32 to vector<16xi32>
      %ge3A_601 = arith.cmpi sge, %sub3A_595, %ge3A_600 : vector<16xi32>
      %or3A_602 = arith.ori %lt3A_598, %ge3A_601 : vector<16xi1>
      %jit3A_603 = arith.constant 5120 : i32
      %broadcast_in_dim3A_604 = vector.broadcast %jit3A_603 : i32 to vector<16xi32>
      %select_n3A_605 = arith.select %or3A_602, %broadcast_in_dim3A_604, %sub3A_595 : vector<16xi1>, vector<16xi32>
      %swap3A_606 = arith.constant 80 : index
      %swap3A_607 = tpu.vector_load %arg18[%swap3A_606] {strides = array<i32>} : memref<160xi32, #tpu.memory_space<vmem>>, vector<16xi32>,
      %swap3A_608 = vector.shape_cast %swap3A_607 : vector<16xi32> to vector<16xi32>
      %swap3A_609 = vector.shape_cast %select_n3A_605 : vector<16xi32> to vector<16xi32>
      tpu.vector_store %arg18[%swap3A_606], %swap3A_609 {strides = array<i32>} : memref<160xi32, #tpu.memory_space<vmem>>, vector<16xi32>,
      %get3A_610 = arith.constant 96 : index
      %get3A_611 = tpu.vector_load %arg12[%get3A_610] {strides = array<i32>} : memref<160xi32, #tpu.memory_space<vmem>>, vector<16xi32>,
      %get3A_612 = vector.shape_cast %get3A_611 : vector<16xi32> to vector<16xi32>
      %sub3A_613 = vector.broadcast %mul3A_0 : i32 to vector<16xi32>
      %sub3A_614 = arith.subi %get3A_612, %sub3A_613 : vector<16xi32>
      %lt3A_615 = arith.constant 0 : i32
      %lt3A_616 = vector.broadcast %lt3A_615 : i32 to vector<16xi32>
      %lt3A_617 = arith.cmpi slt, %sub3A_614, %lt3A_616 : vector<16xi32>
      %ge3A_618 = arith.constant 5120 : i32
      %ge3A_619 = vector.broadcast %ge3A_618 : i32 to vector<16xi32>
      %ge3A_620 = arith.cmpi sge, %sub3A_614, %ge3A_619 : vector<16xi32>
      %or3A_621 = arith.ori %lt3A_617, %ge3A_620 : vector<16xi1>
      %jit3A_622 = arith.constant 5120 : i32
      %broadcast_in_dim3A_623 = vector.broadcast %jit3A_622 : i32 to vector<16xi32>
      %select_n3A_624 = arith.select %or3A_621, %broadcast_in_dim3A_623, %sub3A_614 : vector<16xi1>, vector<16xi32>
      %swap3A_625 = arith.constant 96 : index
      %swap3A_626 = tpu.vector_load %arg18[%swap3A_625] {strides = array<i32>} : memref<160xi32, #tpu.memory_space<vmem>>, vector<16xi32>,
      %swap3A_627 = vector.shape_cast %swap3A_626 : vector<16xi32> to vector<16xi32>
      %swap3A_628 = vector.shape_cast %select_n3A_624 : vector<16xi32> to vector<16xi32>
      tpu.vector_store %arg18[%swap3A_625], %swap3A_628 {strides = array<i32>} : memref<160xi32, #tpu.memory_space<vmem>>, vector<16xi32>,
      %get3A_629 = arith.constant 112 : index
      %get3A_630 = tpu.vector_load %arg12[%get3A_629] {strides = array<i32>} : memref<160xi32, #tpu.memory_space<vmem>>, vector<16xi32>,
      %get3A_631 = vector.shape_cast %get3A_630 : vector<16xi32> to vector<16xi32>
      %sub3A_632 = vector.broadcast %mul3A_0 : i32 to vector<16xi32>
      %sub3A_633 = arith.subi %get3A_631, %sub3A_632 : vector<16xi32>
      %lt3A_634 = arith.constant 0 : i32
      %lt3A_635 = vector.broadcast %lt3A_634 : i32 to vector<16xi32>
      %lt3A_636 = arith.cmpi slt, %sub3A_633, %lt3A_635 : vector<16xi32>
      %ge3A_637 = arith.constant 5120 : i32
      %ge3A_638 = vector.broadcast %ge3A_637 : i32 to vector<16xi32>
      %ge3A_639 = arith.cmpi sge, %sub3A_633, %ge3A_638 : vector<16xi32>
      %or3A_640 = arith.ori %lt3A_636, %ge3A_639 : vector<16xi1>
      %jit3A_641 = arith.constant 5120 : i32
      %broadcast_in_dim3A_642 = vector.broadcast %jit3A_641 : i32 to vector<16xi32>
      %select_n3A_643 = arith.select %or3A_640, %broadcast_in_dim3A_642, %sub3A_633 : vector<16xi1>, vector<16xi32>
      %swap3A_644 = arith.constant 112 : index
      %swap3A_645 = tpu.vector_load %arg18[%swap3A_644] {strides = array<i32>} : memref<160xi32, #tpu.memory_space<vmem>>, vector<16xi32>,
      %swap3A_646 = vector.shape_cast %swap3A_645 : vector<16xi32> to vector<16xi32>
      %swap3A_647 = vector.shape_cast %select_n3A_643 : vector<16xi32> to vector<16xi32>
      tpu.vector_store %arg18[%swap3A_644], %swap3A_647 {strides = array<i32>} : memref<160xi32, #tpu.memory_space<vmem>>, vector<16xi32>,
      %get3A_648 = arith.constant 128 : index
      %get3A_649 = tpu.vector_load %arg12[%get3A_648] {strides = array<i32>} : memref<160xi32, #tpu.memory_space<vmem>>, vector<16xi32>,
      %get3A_650 = vector.shape_cast %get3A_649 : vector<16xi32> to vector<16xi32>
      %sub3A_651 = vector.broadcast %mul3A_0 : i32 to vector<16xi32>
      %sub3A_652 = arith.subi %get3A_650, %sub3A_651 : vector<16xi32>
      %lt3A_653 = arith.constant 0 : i32
      %lt3A_654 = vector.broadcast %lt3A_653 : i32 to vector<16xi32>
      %lt3A_655 = arith.cmpi slt, %sub3A_652, %lt3A_654 : vector<16xi32>
      %ge3A_656 = arith.constant 5120 : i32
      %ge3A_657 = vector.broadcast %ge3A_656 : i32 to vector<16xi32>
      %ge3A_658 = arith.cmpi sge, %sub3A_652, %ge3A_657 : vector<16xi32>
      %or3A_659 = arith.ori %lt3A_655, %ge3A_658 : vector<16xi1>
      %jit3A_660 = arith.constant 5120 : i32
      %broadcast_in_dim3A_661 = vector.broadcast %jit3A_660 : i32 to vector<16xi32>
      %select_n3A_662 = arith.select %or3A_659, %broadcast_in_dim3A_661, %sub3A_652 : vector<16xi1>, vector<16xi32>
      %swap3A_663 = arith.constant 128 : index
      %swap3A_664 = tpu.vector_load %arg18[%swap3A_663] {strides = array<i32>} : memref<160xi32, #tpu.memory_space<vmem>>, vector<16xi32>,
      %swap3A_665 = vector.shape_cast %swap3A_664 : vector<16xi32> to vector<16xi32>
      %swap3A_666 = vector.shape_cast %select_n3A_662 : vector<16xi32> to vector<16xi32>
      tpu.vector_store %arg18[%swap3A_663], %swap3A_666 {strides = array<i32>} : memref<160xi32, #tpu.memory_space<vmem>>, vector<16xi32>,
      %get3A_667 = arith.constant 144 : index
      %get3A_668 = tpu.vector_load %arg12[%get3A_667] {strides = array<i32>} : memref<160xi32, #tpu.memory_space<vmem>>, vector<16xi32>,
      %get3A_669 = vector.shape_cast %get3A_668 : vector<16xi32> to vector<16xi32>
      %sub3A_670 = vector.broadcast %mul3A_0 : i32 to vector<16xi32>
      %sub3A_671 = arith.subi %get3A_669, %sub3A_670 : vector<16xi32>
      %lt3A_672 = arith.constant 0 : i32
      %lt3A_673 = vector.broadcast %lt3A_672 : i32 to vector<16xi32>
      %lt3A_674 = arith.cmpi slt, %sub3A_671, %lt3A_673 : vector<16xi32>
      %ge3A_675 = arith.constant 5120 : i32
      %ge3A_676 = vector.broadcast %ge3A_675 : i32 to vector<16xi32>
      %ge3A_677 = arith.cmpi sge, %sub3A_671, %ge3A_676 : vector<16xi32>
      %or3A_678 = arith.ori %lt3A_674, %ge3A_677 : vector<16xi1>
      %jit3A_679 = arith.constant 5120 : i32
      %broadcast_in_dim3A_680 = vector.broadcast %jit3A_679 : i32 to vector<16xi32>
      %select_n3A_681 = arith.select %or3A_678, %broadcast_in_dim3A_680, %sub3A_671 : vector<16xi1>, vector<16xi32>
      %swap3A_682 = arith.constant 144 : index
      %swap3A_683 = tpu.vector_load %arg18[%swap3A_682] {strides = array<i32>} : memref<160xi32, #tpu.memory_space<vmem>>, vector<16xi32>,
      %swap3A_684 = vector.shape_cast %swap3A_683 : vector<16xi32> to vector<16xi32>
      %swap3A_685 = vector.shape_cast %select_n3A_681 : vector<16xi32> to vector<16xi32>
      tpu.vector_store %arg18[%swap3A_682], %swap3A_685 {strides = array<i32>} : memref<160xi32, #tpu.memory_space<vmem>>, vector<16xi32>,
      %lt3A_686 = arith.constant 61 : i32
      %lt3A_687 = arith.cmpi slt, %scan3A_479, %lt3A_686 : i32
      %convert_element_type3A = arith.extui %lt3A_687 : i1 to i32
      %cond3A = arith.constant 0 : i32
      %cond3A_688 = arith.cmpi ne, %convert_element_type3A, %cond3A : i32
      scf.if %cond3A_688 {
        %add3A_886 = arith.constant 3 : i32
        %add3A_887 = arith.addi %mul3A_481, %add3A_886 : i32
        %mul3A_888 = arith.constant 160 : i32
        %mul3A_889 = arith.muli %add3A_887, %mul3A_888 : i32
        %add3A_890 = arith.addi %mul3A_2, %mul3A_889 : i32
        %dma_start3A_891 = tpu.memref_slice %arg4[%add3A_890] : memref<320000xi32, #tpu.memory_space<hbm>> -> memref<160xi32, #tpu.memory_space<hbm>>
        %dma_start3A_892 = tpu.memref_slice %arg4[%add3A_890] : memref<320000xi32, #tpu.memory_space<hbm>> -> memref<160xi32, #tpu.memory_space<hbm>>
        tpu.enqueue_dma source(%dma_start3A_892 : memref<160xi32, #tpu.memory_space<hbm>>) target(%arg12 : memref<160xi32, #tpu.memory_space<vmem>>) target_semaphore(%arg21 : memref<!tpu.dma_semaphore, #tpu.memory_space<semaphore_mem>>)
      } else {
      }
      "tpu.region"() ({
        %run_scoped3A_886 = tpu.sem_alloc : memref<!tpu.dma_semaphore, #tpu.memory_space<semaphore_mem>>
        %dma_start3A_887 = arith.constant 0 : i32
        %dma_start3A_888 = arith.constant 0 : i32
        %dma_start3A_889 = tpu.memref_slice %arg8[%dma_start3A_887, %dma_start3A_888] : memref<5248x128xf32, #tpu.memory_space<vmem_shared>> -> memref<5248x128xf32, #tpu.memory_space<vmem_shared>>
        tpu.enqueue_indirect_dma source(%arg19 : memref<160x128xf32, #tpu.memory_space<vmem>>) target(%dma_start3A_889 : memref<5248x128xf32, #tpu.memory_space<vmem_shared>>) offsets(%arg18 : memref<160xi32, #tpu.memory_space<vmem>>) semaphore(%run_scoped3A_886 : memref<!tpu.dma_semaphore, #tpu.memory_space<semaphore_mem>>) {add = true}
        %dma_wait3A_890 = arith.constant 0 : i32
        %dma_wait3A_891 = arith.constant 0 : i32
        %dma_wait3A_892 = tpu.memref_slice %arg8[%dma_wait3A_890, %dma_wait3A_891] : memref<5248x128xf32, #tpu.memory_space<vmem_shared>> -> memref<5248x128xf32, #tpu.memory_space<vmem_shared>>
        tpu.wait_indirect_dma semaphore(%run_scoped3A_886 : memref<!tpu.dma_semaphore, #tpu.memory_space<semaphore_mem>>) src(%arg19 : memref<160x128xf32, #tpu.memory_space<vmem>>) dst(%dma_wait3A_892 : memref<5248x128xf32, #tpu.memory_space<vmem_shared>>)
        tpu.yield
      }) : () -> ()
      %add3A_689 = arith.constant 2 : i32
      %add3A_690 = arith.addi %mul3A_481, %add3A_689 : i32
      %mul3A_691 = arith.constant 160 : i32
      %mul3A_692 = arith.muli %add3A_690, %mul3A_691 : i32
      %add3A_693 = arith.addi %mul3A_2, %mul3A_692 : i32
      %dma_wait3A_694 = tpu.memref_slice %arg4[%add3A_693] : memref<320000xi32, #tpu.memory_space<hbm>> -> memref<160xi32, #tpu.memory_space<hbm>>
      %dma_wait3A_695 = tpu.memref_slice %arg4[%add3A_693] : memref<320000xi32, #tpu.memory_space<hbm>> -> memref<160xi32, #tpu.memory_space<hbm>>
      tpu.wait_dma2 semaphore(%arg20 : memref<!tpu.dma_semaphore, #tpu.memory_space<semaphore_mem>>) src(%dma_wait3A_695 : memref<160xi32, #tpu.memory_space<hbm>>) dst(%arg11 : memref<160xi32, #tpu.memory_space<vmem>>)
      %get3A_696 = arith.constant 0 : index
      %get3A_697 = tpu.vector_load %arg11[%get3A_696] {strides = array<i32>} : memref<160xi32, #tpu.memory_space<vmem>>, vector<16xi32>,
      %get3A_698 = vector.shape_cast %get3A_697 : vector<16xi32> to vector<16xi32>
      %sub3A_699 = vector.broadcast %mul3A_0 : i32 to vector<16xi32>
      %sub3A_700 = arith.subi %get3A_698, %sub3A_699 : vector<16xi32>
      %lt3A_701 = arith.constant 0 : i32
      %lt3A_702 = vector.broadcast %lt3A_701 : i32 to vector<16xi32>
      %lt3A_703 = arith.cmpi slt, %sub3A_700, %lt3A_702 : vector<16xi32>
      %ge3A_704 = arith.constant 5120 : i32
      %ge3A_705 = vector.broadcast %ge3A_704 : i32 to vector<16xi32>
      %ge3A_706 = arith.cmpi sge, %sub3A_700, %ge3A_705 : vector<16xi32>
      %or3A_707 = arith.ori %lt3A_703, %ge3A_706 : vector<16xi1>
      %jit3A_708 = arith.constant 5120 : i32
      %broadcast_in_dim3A_709 = vector.broadcast %jit3A_708 : i32 to vector<16xi32>
      %select_n3A_710 = arith.select %or3A_707, %broadcast_in_dim3A_709, %sub3A_700 : vector<16xi1>, vector<16xi32>
      %swap3A_711 = arith.constant 0 : index
      %swap3A_712 = tpu.vector_load %arg17[%swap3A_711] {strides = array<i32>} : memref<160xi32, #tpu.memory_space<vmem>>, vector<16xi32>,
      %swap3A_713 = vector.shape_cast %swap3A_712 : vector<16xi32> to vector<16xi32>
      %swap3A_714 = vector.shape_cast %select_n3A_710 : vector<16xi32> to vector<16xi32>
      tpu.vector_store %arg17[%swap3A_711], %swap3A_714 {strides = array<i32>} : memref<160xi32, #tpu.memory_space<vmem>>, vector<16xi32>,
      %get3A_715 = arith.constant 16 : index
      %get3A_716 = tpu.vector_load %arg11[%get3A_715] {strides = array<i32>} : memref<160xi32, #tpu.memory_space<vmem>>, vector<16xi32>,
      %get3A_717 = vector.shape_cast %get3A_716 : vector<16xi32> to vector<16xi32>
      %sub3A_718 = vector.broadcast %mul3A_0 : i32 to vector<16xi32>
      %sub3A_719 = arith.subi %get3A_717, %sub3A_718 : vector<16xi32>
      %lt3A_720 = arith.constant 0 : i32
      %lt3A_721 = vector.broadcast %lt3A_720 : i32 to vector<16xi32>
      %lt3A_722 = arith.cmpi slt, %sub3A_719, %lt3A_721 : vector<16xi32>
      %ge3A_723 = arith.constant 5120 : i32
      %ge3A_724 = vector.broadcast %ge3A_723 : i32 to vector<16xi32>
      %ge3A_725 = arith.cmpi sge, %sub3A_719, %ge3A_724 : vector<16xi32>
      %or3A_726 = arith.ori %lt3A_722, %ge3A_725 : vector<16xi1>
      %jit3A_727 = arith.constant 5120 : i32
      %broadcast_in_dim3A_728 = vector.broadcast %jit3A_727 : i32 to vector<16xi32>
      %select_n3A_729 = arith.select %or3A_726, %broadcast_in_dim3A_728, %sub3A_719 : vector<16xi1>, vector<16xi32>
      %swap3A_730 = arith.constant 16 : index
      %swap3A_731 = tpu.vector_load %arg17[%swap3A_730] {strides = array<i32>} : memref<160xi32, #tpu.memory_space<vmem>>, vector<16xi32>,
      %swap3A_732 = vector.shape_cast %swap3A_731 : vector<16xi32> to vector<16xi32>
      %swap3A_733 = vector.shape_cast %select_n3A_729 : vector<16xi32> to vector<16xi32>
      tpu.vector_store %arg17[%swap3A_730], %swap3A_733 {strides = array<i32>} : memref<160xi32, #tpu.memory_space<vmem>>, vector<16xi32>,
      %get3A_734 = arith.constant 32 : index
      %get3A_735 = tpu.vector_load %arg11[%get3A_734] {strides = array<i32>} : memref<160xi32, #tpu.memory_space<vmem>>, vector<16xi32>,
      %get3A_736 = vector.shape_cast %get3A_735 : vector<16xi32> to vector<16xi32>
      %sub3A_737 = vector.broadcast %mul3A_0 : i32 to vector<16xi32>
      %sub3A_738 = arith.subi %get3A_736, %sub3A_737 : vector<16xi32>
      %lt3A_739 = arith.constant 0 : i32
      %lt3A_740 = vector.broadcast %lt3A_739 : i32 to vector<16xi32>
      %lt3A_741 = arith.cmpi slt, %sub3A_738, %lt3A_740 : vector<16xi32>
      %ge3A_742 = arith.constant 5120 : i32
      %ge3A_743 = vector.broadcast %ge3A_742 : i32 to vector<16xi32>
      %ge3A_744 = arith.cmpi sge, %sub3A_738, %ge3A_743 : vector<16xi32>
      %or3A_745 = arith.ori %lt3A_741, %ge3A_744 : vector<16xi1>
      %jit3A_746 = arith.constant 5120 : i32
      %broadcast_in_dim3A_747 = vector.broadcast %jit3A_746 : i32 to vector<16xi32>
      %select_n3A_748 = arith.select %or3A_745, %broadcast_in_dim3A_747, %sub3A_738 : vector<16xi1>, vector<16xi32>
      %swap3A_749 = arith.constant 32 : index
      %swap3A_750 = tpu.vector_load %arg17[%swap3A_749] {strides = array<i32>} : memref<160xi32, #tpu.memory_space<vmem>>, vector<16xi32>,
      %swap3A_751 = vector.shape_cast %swap3A_750 : vector<16xi32> to vector<16xi32>
      %swap3A_752 = vector.shape_cast %select_n3A_748 : vector<16xi32> to vector<16xi32>
      tpu.vector_store %arg17[%swap3A_749], %swap3A_752 {strides = array<i32>} : memref<160xi32, #tpu.memory_space<vmem>>, vector<16xi32>,
      %get3A_753 = arith.constant 48 : index
      %get3A_754 = tpu.vector_load %arg11[%get3A_753] {strides = array<i32>} : memref<160xi32, #tpu.memory_space<vmem>>, vector<16xi32>,
      %get3A_755 = vector.shape_cast %get3A_754 : vector<16xi32> to vector<16xi32>
      %sub3A_756 = vector.broadcast %mul3A_0 : i32 to vector<16xi32>
      %sub3A_757 = arith.subi %get3A_755, %sub3A_756 : vector<16xi32>
      %lt3A_758 = arith.constant 0 : i32
      %lt3A_759 = vector.broadcast %lt3A_758 : i32 to vector<16xi32>
      %lt3A_760 = arith.cmpi slt, %sub3A_757, %lt3A_759 : vector<16xi32>
      %ge3A_761 = arith.constant 5120 : i32
      %ge3A_762 = vector.broadcast %ge3A_761 : i32 to vector<16xi32>
      %ge3A_763 = arith.cmpi sge, %sub3A_757, %ge3A_762 : vector<16xi32>
      %or3A_764 = arith.ori %lt3A_760, %ge3A_763 : vector<16xi1>
      %jit3A_765 = arith.constant 5120 : i32
      %broadcast_in_dim3A_766 = vector.broadcast %jit3A_765 : i32 to vector<16xi32>
      %select_n3A_767 = arith.select %or3A_764, %broadcast_in_dim3A_766, %sub3A_757 : vector<16xi1>, vector<16xi32>
      %swap3A_768 = arith.constant 48 : index
      %swap3A_769 = tpu.vector_load %arg17[%swap3A_768] {strides = array<i32>} : memref<160xi32, #tpu.memory_space<vmem>>, vector<16xi32>,
      %swap3A_770 = vector.shape_cast %swap3A_769 : vector<16xi32> to vector<16xi32>
      %swap3A_771 = vector.shape_cast %select_n3A_767 : vector<16xi32> to vector<16xi32>
      tpu.vector_store %arg17[%swap3A_768], %swap3A_771 {strides = array<i32>} : memref<160xi32, #tpu.memory_space<vmem>>, vector<16xi32>,
      %get3A_772 = arith.constant 64 : index
      %get3A_773 = tpu.vector_load %arg11[%get3A_772] {strides = array<i32>} : memref<160xi32, #tpu.memory_space<vmem>>, vector<16xi32>,
      %get3A_774 = vector.shape_cast %get3A_773 : vector<16xi32> to vector<16xi32>
      %sub3A_775 = vector.broadcast %mul3A_0 : i32 to vector<16xi32>
      %sub3A_776 = arith.subi %get3A_774, %sub3A_775 : vector<16xi32>
      %lt3A_777 = arith.constant 0 : i32
      %lt3A_778 = vector.broadcast %lt3A_777 : i32 to vector<16xi32>
      %lt3A_779 = arith.cmpi slt, %sub3A_776, %lt3A_778 : vector<16xi32>
      %ge3A_780 = arith.constant 5120 : i32
      %ge3A_781 = vector.broadcast %ge3A_780 : i32 to vector<16xi32>
      %ge3A_782 = arith.cmpi sge, %sub3A_776, %ge3A_781 : vector<16xi32>
      %or3A_783 = arith.ori %lt3A_779, %ge3A_782 : vector<16xi1>
      %jit3A_784 = arith.constant 5120 : i32
      %broadcast_in_dim3A_785 = vector.broadcast %jit3A_784 : i32 to vector<16xi32>
      %select_n3A_786 = arith.select %or3A_783, %broadcast_in_dim3A_785, %sub3A_776 : vector<16xi1>, vector<16xi32>
      %swap3A_787 = arith.constant 64 : index
      %swap3A_788 = tpu.vector_load %arg17[%swap3A_787] {strides = array<i32>} : memref<160xi32, #tpu.memory_space<vmem>>, vector<16xi32>,
      %swap3A_789 = vector.shape_cast %swap3A_788 : vector<16xi32> to vector<16xi32>
      %swap3A_790 = vector.shape_cast %select_n3A_786 : vector<16xi32> to vector<16xi32>
      tpu.vector_store %arg17[%swap3A_787], %swap3A_790 {strides = array<i32>} : memref<160xi32, #tpu.memory_space<vmem>>, vector<16xi32>,
      %get3A_791 = arith.constant 80 : index
      %get3A_792 = tpu.vector_load %arg11[%get3A_791] {strides = array<i32>} : memref<160xi32, #tpu.memory_space<vmem>>, vector<16xi32>,
      %get3A_793 = vector.shape_cast %get3A_792 : vector<16xi32> to vector<16xi32>
      %sub3A_794 = vector.broadcast %mul3A_0 : i32 to vector<16xi32>
      %sub3A_795 = arith.subi %get3A_793, %sub3A_794 : vector<16xi32>
      %lt3A_796 = arith.constant 0 : i32
      %lt3A_797 = vector.broadcast %lt3A_796 : i32 to vector<16xi32>
      %lt3A_798 = arith.cmpi slt, %sub3A_795, %lt3A_797 : vector<16xi32>
      %ge3A_799 = arith.constant 5120 : i32
      %ge3A_800 = vector.broadcast %ge3A_799 : i32 to vector<16xi32>
      %ge3A_801 = arith.cmpi sge, %sub3A_795, %ge3A_800 : vector<16xi32>
      %or3A_802 = arith.ori %lt3A_798, %ge3A_801 : vector<16xi1>
      %jit3A_803 = arith.constant 5120 : i32
      %broadcast_in_dim3A_804 = vector.broadcast %jit3A_803 : i32 to vector<16xi32>
      %select_n3A_805 = arith.select %or3A_802, %broadcast_in_dim3A_804, %sub3A_795 : vector<16xi1>, vector<16xi32>
      %swap3A_806 = arith.constant 80 : index
      %swap3A_807 = tpu.vector_load %arg17[%swap3A_806] {strides = array<i32>} : memref<160xi32, #tpu.memory_space<vmem>>, vector<16xi32>,
      %swap3A_808 = vector.shape_cast %swap3A_807 : vector<16xi32> to vector<16xi32>
      %swap3A_809 = vector.shape_cast %select_n3A_805 : vector<16xi32> to vector<16xi32>
      tpu.vector_store %arg17[%swap3A_806], %swap3A_809 {strides = array<i32>} : memref<160xi32, #tpu.memory_space<vmem>>, vector<16xi32>,
      %get3A_810 = arith.constant 96 : index
      %get3A_811 = tpu.vector_load %arg11[%get3A_810] {strides = array<i32>} : memref<160xi32, #tpu.memory_space<vmem>>, vector<16xi32>,
      %get3A_812 = vector.shape_cast %get3A_811 : vector<16xi32> to vector<16xi32>
      %sub3A_813 = vector.broadcast %mul3A_0 : i32 to vector<16xi32>
      %sub3A_814 = arith.subi %get3A_812, %sub3A_813 : vector<16xi32>
      %lt3A_815 = arith.constant 0 : i32
      %lt3A_816 = vector.broadcast %lt3A_815 : i32 to vector<16xi32>
      %lt3A_817 = arith.cmpi slt, %sub3A_814, %lt3A_816 : vector<16xi32>
      %ge3A_818 = arith.constant 5120 : i32
      %ge3A_819 = vector.broadcast %ge3A_818 : i32 to vector<16xi32>
      %ge3A_820 = arith.cmpi sge, %sub3A_814, %ge3A_819 : vector<16xi32>
      %or3A_821 = arith.ori %lt3A_817, %ge3A_820 : vector<16xi1>
      %jit3A_822 = arith.constant 5120 : i32
      %broadcast_in_dim3A_823 = vector.broadcast %jit3A_822 : i32 to vector<16xi32>
      %select_n3A_824 = arith.select %or3A_821, %broadcast_in_dim3A_823, %sub3A_814 : vector<16xi1>, vector<16xi32>
      %swap3A_825 = arith.constant 96 : index
      %swap3A_826 = tpu.vector_load %arg17[%swap3A_825] {strides = array<i32>} : memref<160xi32, #tpu.memory_space<vmem>>, vector<16xi32>,
      %swap3A_827 = vector.shape_cast %swap3A_826 : vector<16xi32> to vector<16xi32>
      %swap3A_828 = vector.shape_cast %select_n3A_824 : vector<16xi32> to vector<16xi32>
      tpu.vector_store %arg17[%swap3A_825], %swap3A_828 {strides = array<i32>} : memref<160xi32, #tpu.memory_space<vmem>>, vector<16xi32>,
      %get3A_829 = arith.constant 112 : index
      %get3A_830 = tpu.vector_load %arg11[%get3A_829] {strides = array<i32>} : memref<160xi32, #tpu.memory_space<vmem>>, vector<16xi32>,
      %get3A_831 = vector.shape_cast %get3A_830 : vector<16xi32> to vector<16xi32>
      %sub3A_832 = vector.broadcast %mul3A_0 : i32 to vector<16xi32>
      %sub3A_833 = arith.subi %get3A_831, %sub3A_832 : vector<16xi32>
      %lt3A_834 = arith.constant 0 : i32
      %lt3A_835 = vector.broadcast %lt3A_834 : i32 to vector<16xi32>
      %lt3A_836 = arith.cmpi slt, %sub3A_833, %lt3A_835 : vector<16xi32>
      %ge3A_837 = arith.constant 5120 : i32
      %ge3A_838 = vector.broadcast %ge3A_837 : i32 to vector<16xi32>
      %ge3A_839 = arith.cmpi sge, %sub3A_833, %ge3A_838 : vector<16xi32>
      %or3A_840 = arith.ori %lt3A_836, %ge3A_839 : vector<16xi1>
      %jit3A_841 = arith.constant 5120 : i32
      %broadcast_in_dim3A_842 = vector.broadcast %jit3A_841 : i32 to vector<16xi32>
      %select_n3A_843 = arith.select %or3A_840, %broadcast_in_dim3A_842, %sub3A_833 : vector<16xi1>, vector<16xi32>
      %swap3A_844 = arith.constant 112 : index
      %swap3A_845 = tpu.vector_load %arg17[%swap3A_844] {strides = array<i32>} : memref<160xi32, #tpu.memory_space<vmem>>, vector<16xi32>,
      %swap3A_846 = vector.shape_cast %swap3A_845 : vector<16xi32> to vector<16xi32>
      %swap3A_847 = vector.shape_cast %select_n3A_843 : vector<16xi32> to vector<16xi32>
      tpu.vector_store %arg17[%swap3A_844], %swap3A_847 {strides = array<i32>} : memref<160xi32, #tpu.memory_space<vmem>>, vector<16xi32>,
      %get3A_848 = arith.constant 128 : index
      %get3A_849 = tpu.vector_load %arg11[%get3A_848] {strides = array<i32>} : memref<160xi32, #tpu.memory_space<vmem>>, vector<16xi32>,
      %get3A_850 = vector.shape_cast %get3A_849 : vector<16xi32> to vector<16xi32>
      %sub3A_851 = vector.broadcast %mul3A_0 : i32 to vector<16xi32>
      %sub3A_852 = arith.subi %get3A_850, %sub3A_851 : vector<16xi32>
      %lt3A_853 = arith.constant 0 : i32
      %lt3A_854 = vector.broadcast %lt3A_853 : i32 to vector<16xi32>
      %lt3A_855 = arith.cmpi slt, %sub3A_852, %lt3A_854 : vector<16xi32>
      %ge3A_856 = arith.constant 5120 : i32
      %ge3A_857 = vector.broadcast %ge3A_856 : i32 to vector<16xi32>
      %ge3A_858 = arith.cmpi sge, %sub3A_852, %ge3A_857 : vector<16xi32>
      %or3A_859 = arith.ori %lt3A_855, %ge3A_858 : vector<16xi1>
      %jit3A_860 = arith.constant 5120 : i32
      %broadcast_in_dim3A_861 = vector.broadcast %jit3A_860 : i32 to vector<16xi32>
      %select_n3A_862 = arith.select %or3A_859, %broadcast_in_dim3A_861, %sub3A_852 : vector<16xi1>, vector<16xi32>
      %swap3A_863 = arith.constant 128 : index
      %swap3A_864 = tpu.vector_load %arg17[%swap3A_863] {strides = array<i32>} : memref<160xi32, #tpu.memory_space<vmem>>, vector<16xi32>,
      %swap3A_865 = vector.shape_cast %swap3A_864 : vector<16xi32> to vector<16xi32>
      %swap3A_866 = vector.shape_cast %select_n3A_862 : vector<16xi32> to vector<16xi32>
      tpu.vector_store %arg17[%swap3A_863], %swap3A_866 {strides = array<i32>} : memref<160xi32, #tpu.memory_space<vmem>>, vector<16xi32>,
      %get3A_867 = arith.constant 144 : index
      %get3A_868 = tpu.vector_load %arg11[%get3A_867] {strides = array<i32>} : memref<160xi32, #tpu.memory_space<vmem>>, vector<16xi32>,
      %get3A_869 = vector.shape_cast %get3A_868 : vector<16xi32> to vector<16xi32>
      %sub3A_870 = vector.broadcast %mul3A_0 : i32 to vector<16xi32>
      %sub3A_871 = arith.subi %get3A_869, %sub3A_870 : vector<16xi32>
      %lt3A_872 = arith.constant 0 : i32
      %lt3A_873 = vector.broadcast %lt3A_872 : i32 to vector<16xi32>
      %lt3A_874 = arith.cmpi slt, %sub3A_871, %lt3A_873 : vector<16xi32>
      %ge3A_875 = arith.constant 5120 : i32
      %ge3A_876 = vector.broadcast %ge3A_875 : i32 to vector<16xi32>
      %ge3A_877 = arith.cmpi sge, %sub3A_871, %ge3A_876 : vector<16xi32>
      %or3A_878 = arith.ori %lt3A_874, %ge3A_877 : vector<16xi1>
      %jit3A_879 = arith.constant 5120 : i32
      %broadcast_in_dim3A_880 = vector.broadcast %jit3A_879 : i32 to vector<16xi32>
      %select_n3A_881 = arith.select %or3A_878, %broadcast_in_dim3A_880, %sub3A_871 : vector<16xi1>, vector<16xi32>
      %swap3A_882 = arith.constant 144 : index
      %swap3A_883 = tpu.vector_load %arg17[%swap3A_882] {strides = array<i32>} : memref<160xi32, #tpu.memory_space<vmem>>, vector<16xi32>,
      %swap3A_884 = vector.shape_cast %swap3A_883 : vector<16xi32> to vector<16xi32>
      %swap3A_885 = vector.shape_cast %select_n3A_881 : vector<16xi32> to vector<16xi32>
      tpu.vector_store %arg17[%swap3A_882], %swap3A_885 {strides = array<i32>} : memref<160xi32, #tpu.memory_space<vmem>>, vector<16xi32>,
    }
    %scan3A_462 = arith.constant 62 : i32
    "tpu.region"() ({
      %run_scoped3A_479 = tpu.sem_alloc : memref<!tpu.dma_semaphore, #tpu.memory_space<semaphore_mem>>
      %dma_start3A_480 = arith.constant 0 : i32
      %dma_start3A_481 = arith.constant 0 : i32
      %dma_start3A_482 = tpu.memref_slice %arg8[%dma_start3A_480, %dma_start3A_481] : memref<5248x128xf32, #tpu.memory_space<vmem_shared>> -> memref<5248x128xf32, #tpu.memory_space<vmem_shared>>
      tpu.enqueue_indirect_dma source(%arg19 : memref<160x128xf32, #tpu.memory_space<vmem>>) target(%dma_start3A_482 : memref<5248x128xf32, #tpu.memory_space<vmem_shared>>) offsets(%arg17 : memref<160xi32, #tpu.memory_space<vmem>>) semaphore(%run_scoped3A_479 : memref<!tpu.dma_semaphore, #tpu.memory_space<semaphore_mem>>) {add = true}
      %dma_wait3A_483 = arith.constant 0 : i32
      %dma_wait3A_484 = arith.constant 0 : i32
      %dma_wait3A_485 = tpu.memref_slice %arg8[%dma_wait3A_483, %dma_wait3A_484] : memref<5248x128xf32, #tpu.memory_space<vmem_shared>> -> memref<5248x128xf32, #tpu.memory_space<vmem_shared>>
      tpu.wait_indirect_dma semaphore(%run_scoped3A_479 : memref<!tpu.dma_semaphore, #tpu.memory_space<semaphore_mem>>) src(%arg19 : memref<160x128xf32, #tpu.memory_space<vmem>>) dst(%dma_wait3A_485 : memref<5248x128xf32, #tpu.memory_space<vmem_shared>>)
      tpu.yield
    }) : () -> ()
    %barrier3A_463 = arith.constant 0 : index
    tpu.barrier barrier_id(%barrier3A_463)
    %mul3A_464 = arith.constant 320 : i32
    %mul3A_465 = arith.muli %arg1, %mul3A_464 : i32
    %mul3A_466 = arith.constant 320 : i32
    %mul3A_467 = arith.muli %arg1, %mul3A_466 : i32
    %add3A_468 = arith.addi %mul3A_0, %mul3A_467 : i32
    %add3A_469 = arith.constant 0 : i32
    %add3A_470 = arith.addi %mul3A_465, %add3A_469 : i32
    "tpu.region"() ({
      %run_scoped3A_479 = tpu.sem_alloc : memref<!tpu.dma_semaphore, #tpu.memory_space<semaphore_mem>>
      %dma_start3A_480 = arith.constant 0 : i32
      %dma_start3A_481 = arith.constant 0 : i32
      %dma_start3A_482 = tpu.memref_slice %arg19[%dma_start3A_480, %dma_start3A_481] : memref<160x128xf32, #tpu.memory_space<vmem>> -> memref<160x128xf32, #tpu.memory_space<vmem>>
      %dma_start3A_483 = arith.constant 0 : i32
      %dma_start3A_484 = tpu.memref_slice %arg8[%add3A_470, %dma_start3A_483] : memref<5248x128xf32, #tpu.memory_space<vmem_shared>> -> memref<160x128xf32, #tpu.memory_space<vmem_shared>>
      %dma_start3A_485 = arith.constant 0 : i32
      %dma_start3A_486 = arith.constant 0 : i32
      %dma_start3A_487 = tpu.memref_slice %arg19[%dma_start3A_485, %dma_start3A_486] : memref<160x128xf32, #tpu.memory_space<vmem>> -> memref<160x128xf32, #tpu.memory_space<vmem>>
      %dma_start3A_488 = arith.constant 0 : i32
      %dma_start3A_489 = tpu.memref_slice %arg8[%add3A_470, %dma_start3A_488] : memref<5248x128xf32, #tpu.memory_space<vmem_shared>> -> memref<160x128xf32, #tpu.memory_space<vmem_shared>>
      tpu.enqueue_dma source(%dma_start3A_489 : memref<160x128xf32, #tpu.memory_space<vmem_shared>>) target(%dma_start3A_487 : memref<160x128xf32, #tpu.memory_space<vmem>>) target_semaphore(%run_scoped3A_479 : memref<!tpu.dma_semaphore, #tpu.memory_space<semaphore_mem>>)
      %dma_wait3A_490 = arith.constant 0 : i32
      %dma_wait3A_491 = arith.constant 0 : i32
      %dma_wait3A_492 = tpu.memref_slice %arg19[%dma_wait3A_490, %dma_wait3A_491] : memref<160x128xf32, #tpu.memory_space<vmem>> -> memref<160x128xf32, #tpu.memory_space<vmem>>
      %dma_wait3A_493 = arith.constant 0 : i32
      %dma_wait3A_494 = tpu.memref_slice %arg8[%add3A_470, %dma_wait3A_493] : memref<5248x128xf32, #tpu.memory_space<vmem_shared>> -> memref<160x128xf32, #tpu.memory_space<vmem_shared>>
      %dma_wait3A_495 = arith.constant 0 : i32
      %dma_wait3A_496 = arith.constant 0 : i32
      %dma_wait3A_497 = tpu.memref_slice %arg19[%dma_wait3A_495, %dma_wait3A_496] : memref<160x128xf32, #tpu.memory_space<vmem>> -> memref<160x128xf32, #tpu.memory_space<vmem>>
      %dma_wait3A_498 = arith.constant 0 : i32
      %dma_wait3A_499 = tpu.memref_slice %arg8[%add3A_470, %dma_wait3A_498] : memref<5248x128xf32, #tpu.memory_space<vmem_shared>> -> memref<160x128xf32, #tpu.memory_space<vmem_shared>>
      tpu.wait_dma2 semaphore(%run_scoped3A_479 : memref<!tpu.dma_semaphore, #tpu.memory_space<semaphore_mem>>) src(%dma_wait3A_499 : memref<160x128xf32, #tpu.memory_space<vmem_shared>>) dst(%dma_wait3A_497 : memref<160x128xf32, #tpu.memory_space<vmem>>)
      tpu.yield
    }) : () -> ()
    %add3A_471 = arith.constant 0 : i32
    %add3A_472 = arith.addi %add3A_468, %add3A_471 : i32
    %run_scoped3A_473 = arith.constant 1 : i32
    "tpu.region"() ({
      %run_scoped3A_479 = tpu.sem_alloc : memref<!tpu.dma_semaphore, #tpu.memory_space<semaphore_mem>>
      %dma_start3A_480 = arith.constant 0 : i32
      %dma_start3A_481 = arith.constant 0 : i32
      %dma_start3A_482 = tpu.memref_slice %arg19[%dma_start3A_480, %dma_start3A_481] : memref<160x128xf32, #tpu.memory_space<vmem>> -> memref<160x128xf32, #tpu.memory_space<vmem>>
      %dma_start3A_483 = arith.constant 0 : i32
      %dma_start3A_484 = arith.constant 0 : i32
      %dma_start3A_485 = tpu.memref_slice %arg7[%run_scoped3A_473, %dma_start3A_483, %dma_start3A_484] : memref<2x10240x128xf32, #tpu.memory_space<hbm>> -> memref<1x10240x128xf32, #tpu.memory_space<hbm>>
      %dma_start3A_486 = tpu.memref_squeeze %dma_start3A_485 : memref<1x10240x128xf32, #tpu.memory_space<hbm>> -> memref<10240x128xf32, #tpu.memory_space<hbm>>
      %dma_start3A_487 = arith.constant 0 : i32
      %dma_start3A_488 = tpu.memref_slice %dma_start3A_486[%add3A_472, %dma_start3A_487] : memref<10240x128xf32, #tpu.memory_space<hbm>> -> memref<160x128xf32, #tpu.memory_space<hbm>>
      %dma_start3A_489 = arith.constant 0 : i32
      %dma_start3A_490 = arith.constant 0 : i32
      %dma_start3A_491 = tpu.memref_slice %arg7[%run_scoped3A_473, %dma_start3A_489, %dma_start3A_490] : memref<2x10240x128xf32, #tpu.memory_space<hbm>> -> memref<1x10240x128xf32, #tpu.memory_space<hbm>>
      %dma_start3A_492 = tpu.memref_squeeze %dma_start3A_491 : memref<1x10240x128xf32, #tpu.memory_space<hbm>> -> memref<10240x128xf32, #tpu.memory_space<hbm>>
      %dma_start3A_493 = arith.constant 0 : i32
      %dma_start3A_494 = tpu.memref_slice %dma_start3A_492[%add3A_472, %dma_start3A_493] : memref<10240x128xf32, #tpu.memory_space<hbm>> -> memref<160x128xf32, #tpu.memory_space<hbm>>
      %dma_start3A_495 = arith.constant 0 : i32
      %dma_start3A_496 = arith.constant 0 : i32
      %dma_start3A_497 = tpu.memref_slice %arg19[%dma_start3A_495, %dma_start3A_496] : memref<160x128xf32, #tpu.memory_space<vmem>> -> memref<160x128xf32, #tpu.memory_space<vmem>>
      tpu.enqueue_dma source(%dma_start3A_497 : memref<160x128xf32, #tpu.memory_space<vmem>>) target(%dma_start3A_494 : memref<160x128xf32, #tpu.memory_space<hbm>>) target_semaphore(%run_scoped3A_479 : memref<!tpu.dma_semaphore, #tpu.memory_space<semaphore_mem>>)
      %dma_wait3A_498 = arith.constant 0 : i32
      %dma_wait3A_499 = arith.constant 0 : i32
      %dma_wait3A_500 = tpu.memref_slice %arg19[%dma_wait3A_498, %dma_wait3A_499] : memref<160x128xf32, #tpu.memory_space<vmem>> -> memref<160x128xf32, #tpu.memory_space<vmem>>
      %dma_wait3A_501 = arith.constant 0 : i32
      %dma_wait3A_502 = arith.constant 0 : i32
      %dma_wait3A_503 = tpu.memref_slice %arg7[%run_scoped3A_473, %dma_wait3A_501, %dma_wait3A_502] : memref<2x10240x128xf32, #tpu.memory_space<hbm>> -> memref<1x10240x128xf32, #tpu.memory_space<hbm>>
      %dma_wait3A_504 = tpu.memref_squeeze %dma_wait3A_503 : memref<1x10240x128xf32, #tpu.memory_space<hbm>> -> memref<10240x128xf32, #tpu.memory_space<hbm>>
      %dma_wait3A_505 = arith.constant 0 : i32
      %dma_wait3A_506 = tpu.memref_slice %dma_wait3A_504[%add3A_472, %dma_wait3A_505] : memref<10240x128xf32, #tpu.memory_space<hbm>> -> memref<160x128xf32, #tpu.memory_space<hbm>>
      %dma_wait3A_507 = arith.constant 0 : i32
      %dma_wait3A_508 = arith.constant 0 : i32
      %dma_wait3A_509 = tpu.memref_slice %arg7[%run_scoped3A_473, %dma_wait3A_507, %dma_wait3A_508] : memref<2x10240x128xf32, #tpu.memory_space<hbm>> -> memref<1x10240x128xf32, #tpu.memory_space<hbm>>
      %dma_wait3A_510 = tpu.memref_squeeze %dma_wait3A_509 : memref<1x10240x128xf32, #tpu.memory_space<hbm>> -> memref<10240x128xf32, #tpu.memory_space<hbm>>
      %dma_wait3A_511 = arith.constant 0 : i32
      %dma_wait3A_512 = tpu.memref_slice %dma_wait3A_510[%add3A_472, %dma_wait3A_511] : memref<10240x128xf32, #tpu.memory_space<hbm>> -> memref<160x128xf32, #tpu.memory_space<hbm>>
      %dma_wait3A_513 = arith.constant 0 : i32
      %dma_wait3A_514 = arith.constant 0 : i32
      %dma_wait3A_515 = tpu.memref_slice %arg19[%dma_wait3A_513, %dma_wait3A_514] : memref<160x128xf32, #tpu.memory_space<vmem>> -> memref<160x128xf32, #tpu.memory_space<vmem>>
      tpu.wait_dma2 semaphore(%run_scoped3A_479 : memref<!tpu.dma_semaphore, #tpu.memory_space<semaphore_mem>>) src(%dma_wait3A_515 : memref<160x128xf32, #tpu.memory_space<vmem>>) dst(%dma_wait3A_512 : memref<160x128xf32, #tpu.memory_space<hbm>>)
      tpu.yield
    }) : () -> ()
    %add3A_474 = arith.constant 160 : i32
    %add3A_475 = arith.addi %mul3A_465, %add3A_474 : i32
    "tpu.region"() ({
      %run_scoped3A_479 = tpu.sem_alloc : memref<!tpu.dma_semaphore, #tpu.memory_space<semaphore_mem>>
      %dma_start3A_480 = arith.constant 0 : i32
      %dma_start3A_481 = arith.constant 0 : i32
      %dma_start3A_482 = tpu.memref_slice %arg19[%dma_start3A_480, %dma_start3A_481] : memref<160x128xf32, #tpu.memory_space<vmem>> -> memref<160x128xf32, #tpu.memory_space<vmem>>
      %dma_start3A_483 = arith.constant 0 : i32
      %dma_start3A_484 = tpu.memref_slice %arg8[%add3A_475, %dma_start3A_483] : memref<5248x128xf32, #tpu.memory_space<vmem_shared>> -> memref<160x128xf32, #tpu.memory_space<vmem_shared>>
      %dma_start3A_485 = arith.constant 0 : i32
      %dma_start3A_486 = arith.constant 0 : i32
      %dma_start3A_487 = tpu.memref_slice %arg19[%dma_start3A_485, %dma_start3A_486] : memref<160x128xf32, #tpu.memory_space<vmem>> -> memref<160x128xf32, #tpu.memory_space<vmem>>
      %dma_start3A_488 = arith.constant 0 : i32
      %dma_start3A_489 = tpu.memref_slice %arg8[%add3A_475, %dma_start3A_488] : memref<5248x128xf32, #tpu.memory_space<vmem_shared>> -> memref<160x128xf32, #tpu.memory_space<vmem_shared>>
      tpu.enqueue_dma source(%dma_start3A_489 : memref<160x128xf32, #tpu.memory_space<vmem_shared>>) target(%dma_start3A_487 : memref<160x128xf32, #tpu.memory_space<vmem>>) target_semaphore(%run_scoped3A_479 : memref<!tpu.dma_semaphore, #tpu.memory_space<semaphore_mem>>)
      %dma_wait3A_490 = arith.constant 0 : i32
      %dma_wait3A_491 = arith.constant 0 : i32
      %dma_wait3A_492 = tpu.memref_slice %arg19[%dma_wait3A_490, %dma_wait3A_491] : memref<160x128xf32, #tpu.memory_space<vmem>> -> memref<160x128xf32, #tpu.memory_space<vmem>>
      %dma_wait3A_493 = arith.constant 0 : i32
      %dma_wait3A_494 = tpu.memref_slice %arg8[%add3A_475, %dma_wait3A_493] : memref<5248x128xf32, #tpu.memory_space<vmem_shared>> -> memref<160x128xf32, #tpu.memory_space<vmem_shared>>
      %dma_wait3A_495 = arith.constant 0 : i32
      %dma_wait3A_496 = arith.constant 0 : i32
      %dma_wait3A_497 = tpu.memref_slice %arg19[%dma_wait3A_495, %dma_wait3A_496] : memref<160x128xf32, #tpu.memory_space<vmem>> -> memref<160x128xf32, #tpu.memory_space<vmem>>
      %dma_wait3A_498 = arith.constant 0 : i32
      %dma_wait3A_499 = tpu.memref_slice %arg8[%add3A_475, %dma_wait3A_498] : memref<5248x128xf32, #tpu.memory_space<vmem_shared>> -> memref<160x128xf32, #tpu.memory_space<vmem_shared>>
      tpu.wait_dma2 semaphore(%run_scoped3A_479 : memref<!tpu.dma_semaphore, #tpu.memory_space<semaphore_mem>>) src(%dma_wait3A_499 : memref<160x128xf32, #tpu.memory_space<vmem_shared>>) dst(%dma_wait3A_497 : memref<160x128xf32, #tpu.memory_space<vmem>>)
      tpu.yield
    }) : () -> ()
    %add3A_476 = arith.constant 160 : i32
    %add3A_477 = arith.addi %add3A_468, %add3A_476 : i32
    %run_scoped3A_478 = arith.constant 1 : i32
    "tpu.region"() ({
      %run_scoped3A_479 = tpu.sem_alloc : memref<!tpu.dma_semaphore, #tpu.memory_space<semaphore_mem>>
      %dma_start3A_480 = arith.constant 0 : i32
      %dma_start3A_481 = arith.constant 0 : i32
      %dma_start3A_482 = tpu.memref_slice %arg19[%dma_start3A_480, %dma_start3A_481] : memref<160x128xf32, #tpu.memory_space<vmem>> -> memref<160x128xf32, #tpu.memory_space<vmem>>
      %dma_start3A_483 = arith.constant 0 : i32
      %dma_start3A_484 = arith.constant 0 : i32
      %dma_start3A_485 = tpu.memref_slice %arg7[%run_scoped3A_478, %dma_start3A_483, %dma_start3A_484] : memref<2x10240x128xf32, #tpu.memory_space<hbm>> -> memref<1x10240x128xf32, #tpu.memory_space<hbm>>
      %dma_start3A_486 = tpu.memref_squeeze %dma_start3A_485 : memref<1x10240x128xf32, #tpu.memory_space<hbm>> -> memref<10240x128xf32, #tpu.memory_space<hbm>>
      %dma_start3A_487 = arith.constant 0 : i32
      %dma_start3A_488 = tpu.memref_slice %dma_start3A_486[%add3A_477, %dma_start3A_487] : memref<10240x128xf32, #tpu.memory_space<hbm>> -> memref<160x128xf32, #tpu.memory_space<hbm>>
      %dma_start3A_489 = arith.constant 0 : i32
      %dma_start3A_490 = arith.constant 0 : i32
      %dma_start3A_491 = tpu.memref_slice %arg7[%run_scoped3A_478, %dma_start3A_489, %dma_start3A_490] : memref<2x10240x128xf32, #tpu.memory_space<hbm>> -> memref<1x10240x128xf32, #tpu.memory_space<hbm>>
      %dma_start3A_492 = tpu.memref_squeeze %dma_start3A_491 : memref<1x10240x128xf32, #tpu.memory_space<hbm>> -> memref<10240x128xf32, #tpu.memory_space<hbm>>
      %dma_start3A_493 = arith.constant 0 : i32
      %dma_start3A_494 = tpu.memref_slice %dma_start3A_492[%add3A_477, %dma_start3A_493] : memref<10240x128xf32, #tpu.memory_space<hbm>> -> memref<160x128xf32, #tpu.memory_space<hbm>>
      %dma_start3A_495 = arith.constant 0 : i32
      %dma_start3A_496 = arith.constant 0 : i32
      %dma_start3A_497 = tpu.memref_slice %arg19[%dma_start3A_495, %dma_start3A_496] : memref<160x128xf32, #tpu.memory_space<vmem>> -> memref<160x128xf32, #tpu.memory_space<vmem>>
      tpu.enqueue_dma source(%dma_start3A_497 : memref<160x128xf32, #tpu.memory_space<vmem>>) target(%dma_start3A_494 : memref<160x128xf32, #tpu.memory_space<hbm>>) target_semaphore(%run_scoped3A_479 : memref<!tpu.dma_semaphore, #tpu.memory_space<semaphore_mem>>)
      %dma_wait3A_498 = arith.constant 0 : i32
      %dma_wait3A_499 = arith.constant 0 : i32
      %dma_wait3A_500 = tpu.memref_slice %arg19[%dma_wait3A_498, %dma_wait3A_499] : memref<160x128xf32, #tpu.memory_space<vmem>> -> memref<160x128xf32, #tpu.memory_space<vmem>>
      %dma_wait3A_501 = arith.constant 0 : i32
      %dma_wait3A_502 = arith.constant 0 : i32
      %dma_wait3A_503 = tpu.memref_slice %arg7[%run_scoped3A_478, %dma_wait3A_501, %dma_wait3A_502] : memref<2x10240x128xf32, #tpu.memory_space<hbm>> -> memref<1x10240x128xf32, #tpu.memory_space<hbm>>
      %dma_wait3A_504 = tpu.memref_squeeze %dma_wait3A_503 : memref<1x10240x128xf32, #tpu.memory_space<hbm>> -> memref<10240x128xf32, #tpu.memory_space<hbm>>
      %dma_wait3A_505 = arith.constant 0 : i32
      %dma_wait3A_506 = tpu.memref_slice %dma_wait3A_504[%add3A_477, %dma_wait3A_505] : memref<10240x128xf32, #tpu.memory_space<hbm>> -> memref<160x128xf32, #tpu.memory_space<hbm>>
      %dma_wait3A_507 = arith.constant 0 : i32
      %dma_wait3A_508 = arith.constant 0 : i32
      %dma_wait3A_509 = tpu.memref_slice %arg7[%run_scoped3A_478, %dma_wait3A_507, %dma_wait3A_508] : memref<2x10240x128xf32, #tpu.memory_space<hbm>> -> memref<1x10240x128xf32, #tpu.memory_space<hbm>>
      %dma_wait3A_510 = tpu.memref_squeeze %dma_wait3A_509 : memref<1x10240x128xf32, #tpu.memory_space<hbm>> -> memref<10240x128xf32, #tpu.memory_space<hbm>>
      %dma_wait3A_511 = arith.constant 0 : i32
      %dma_wait3A_512 = tpu.memref_slice %dma_wait3A_510[%add3A_477, %dma_wait3A_511] : memref<10240x128xf32, #tpu.memory_space<hbm>> -> memref<160x128xf32, #tpu.memory_space<hbm>>
      %dma_wait3A_513 = arith.constant 0 : i32
      %dma_wait3A_514 = arith.constant 0 : i32
      %dma_wait3A_515 = tpu.memref_slice %arg19[%dma_wait3A_513, %dma_wait3A_514] : memref<160x128xf32, #tpu.memory_space<vmem>> -> memref<160x128xf32, #tpu.memory_space<vmem>>
      tpu.wait_dma2 semaphore(%run_scoped3A_479 : memref<!tpu.dma_semaphore, #tpu.memory_space<semaphore_mem>>) src(%dma_wait3A_515 : memref<160x128xf32, #tpu.memory_space<vmem>>) dst(%dma_wait3A_512 : memref<160x128xf32, #tpu.memory_space<hbm>>)
      tpu.yield
    }) : () -> ()
    return
  }
}

module attributes {stable_mosaic.version = 14 : i64} {
  func.func @_k_log1p(%arg0: i32, %arg1: memref<400x128xf32, #tpu.memory_space<vmem>>, %arg2: memref<400x128xf32, #tpu.memory_space<vmem>>) attributes {dimension_semantics = [#tpu.dimension_semantics<arbitrary>], iteration_bounds = array<i64: 25>, scalar_prefetch = 0 : i64, scratch_operands = 0 : i64, tpu.core_type = #tpu.core_type<tc>, window_params = [{transform_indices = @transform_0, window_bounds = array<i64: 400, 128>}, {transform_indices = @transform_1, window_bounds = array<i64: 400, 128>}]} {
    %get3A = arith.constant 0 : index
    %get3A_0 = arith.constant 0 : index
    %get3A_1 = vector.load %arg1[%get3A, %get3A_0] : memref<400x128xf32, #tpu.memory_space<vmem>>, vector<400x128xf32>
    %log1p3A = math.log1p %get3A_1 : vector<400x128xf32>
    %swap3A = arith.constant 0 : index
    %swap3A_2 = arith.constant 0 : index
    %swap3A_3 = vector.load %arg2[%swap3A, %swap3A_2] : memref<400x128xf32, #tpu.memory_space<vmem>>, vector<400x128xf32>
    tpu.vector_store %arg2[%swap3A, %swap3A_2], %log1p3A {strides = array<i32>} : memref<400x128xf32, #tpu.memory_space<vmem>>, vector<400x128xf32>,
    return
  }
  func.func @transform_0(%arg0: i32) -> (i32, i32) {
    %c0_i32 = arith.constant 0 : i32
    %c0_i32_0 = arith.constant 0 : i32
    return %arg0, %c0_i32 : i32, i32
  }
  func.func @transform_1(%arg0: i32) -> (i32, i32) {
    %c0_i32 = arith.constant 0 : i32
    %c0_i32_0 = arith.constant 0 : i32
    return %arg0, %c0_i32 : i32, i32
  }
}

module attributes {stable_mosaic.version = 14 : i64} {
  func.func @_k_layer0(%arg0: i32, %arg1: memref<400x128xf32, #tpu.memory_space<vmem>>, %arg2: memref<400x128xf32, #tpu.memory_space<vmem>>, %arg3: memref<400x128xf32, #tpu.memory_space<vmem>>, %arg4: memref<128x256xf32, #tpu.memory_space<vmem>>, %arg5: memref<128x256xf32, #tpu.memory_space<vmem>>, %arg6: memref<1x256xf32, #tpu.memory_space<vmem>>, %arg7: memref<400x256xf32, #tpu.memory_space<vmem>>) attributes {dimension_semantics = [#tpu.dimension_semantics<arbitrary>], iteration_bounds = array<i64: 25>, scalar_prefetch = 0 : i64, scratch_operands = 0 : i64, tpu.core_type = #tpu.core_type<tc>, window_params = [{transform_indices = @transform_0, window_bounds = array<i64: 400, 128>}, {transform_indices = @transform_1, window_bounds = array<i64: 400, 128>}, {transform_indices = @transform_2, window_bounds = array<i64: 400, 128>}, {pipeline_mode = #tpu.pipeline_mode<synchronous>, transform_indices = @transform_3, window_bounds = array<i64: 128, 256>}, {pipeline_mode = #tpu.pipeline_mode<synchronous>, transform_indices = @transform_4, window_bounds = array<i64: 128, 256>}, {pipeline_mode = #tpu.pipeline_mode<synchronous>, transform_indices = @transform_5, window_bounds = array<i64: 1, 256>}, {transform_indices = @transform_6, window_bounds = array<i64: 400, 256>}]} {
    %get3A = arith.constant 0 : index
    %get3A_0 = arith.constant 0 : index
    %get3A_1 = vector.load %arg3[%get3A, %get3A_0] : memref<400x128xf32, #tpu.memory_space<vmem>>, vector<400x1xf32>
    %jit3A = arith.constant 1.000000e+00 : f32
    %max3A = vector.broadcast %jit3A : f32 to vector<400x1xf32>
    %max3A_2 = arith.maximumf %max3A, %get3A_1 : vector<400x1xf32>
    %div3A = arith.constant 1.000000e+00 : f32
    %div3A_3 = vector.broadcast %div3A : f32 to vector<400x1xf32>
    %div3A_4 = arith.divf %div3A_3, %max3A_2 : vector<400x1xf32>
    %get3A_5 = arith.constant 0 : index
    %get3A_6 = arith.constant 0 : index
    %get3A_7 = vector.load %arg2[%get3A_5, %get3A_6] : memref<400x128xf32, #tpu.memory_space<vmem>>, vector<400x128xf32>
    %mul3A = vector.broadcast %div3A_4 : vector<400x1xf32> to vector<400x128xf32>
    %mul3A_8 = arith.mulf %get3A_7, %mul3A : vector<400x128xf32>
    %get3A_9 = arith.constant 0 : index
    %get3A_10 = arith.constant 0 : index
    %get3A_11 = vector.load %arg1[%get3A_9, %get3A_10] : memref<400x128xf32, #tpu.memory_space<vmem>>, vector<400x128xf32>
    %get3A_12 = arith.constant 0 : index
    %get3A_13 = arith.constant 0 : index
    %get3A_14 = vector.load %arg4[%get3A_12, %get3A_13] : memref<128x256xf32, #tpu.memory_space<vmem>>, vector<128x256xf32>
    %dot_general3A = arith.constant dense<0.000000e+00> : vector<400x256xf32>
    %dot_general3A_15 = tpu.matmul %get3A_11, %get3A_14, %dot_general3A {dimension_numbers = #tpu.dot_dimension_numbers<[1], [0], [0], [1], [0, 0, 1, 1], [], []>, transpose_lhs_hint = false} : vector<400x128xf32>, vector<128x256xf32>, vector<400x256xf32> -> vector<400x256xf32>
    %get3A_16 = arith.constant 0 : index
    %get3A_17 = arith.constant 0 : index
    %get3A_18 = vector.load %arg5[%get3A_16, %get3A_17] : memref<128x256xf32, #tpu.memory_space<vmem>>, vector<128x256xf32>
    %dot_general3A_19 = arith.constant dense<0.000000e+00> : vector<400x256xf32>
    %dot_general3A_20 = tpu.matmul %mul3A_8, %get3A_18, %dot_general3A_19 {dimension_numbers = #tpu.dot_dimension_numbers<[1], [0], [0], [1], [0, 0, 1, 1], [], []>, transpose_lhs_hint = false} : vector<400x128xf32>, vector<128x256xf32>, vector<400x256xf32> -> vector<400x256xf32>
    %add3A = arith.addf %dot_general3A_15, %dot_general3A_20 : vector<400x256xf32>
    %get3A_21 = arith.constant 0 : index
    %get3A_22 = arith.constant 0 : index
    %get3A_23 = vector.load %arg6[%get3A_21, %get3A_22] : memref<1x256xf32, #tpu.memory_space<vmem>>, vector<1x256xf32>
    %add3A_24 = vector.broadcast %get3A_23 : vector<1x256xf32> to vector<400x256xf32>
    %add3A_25 = arith.addf %add3A, %add3A_24 : vector<400x256xf32>
    %max3A_26 = arith.constant 0.000000e+00 : f32
    %max3A_27 = vector.broadcast %max3A_26 : f32 to vector<400x256xf32>
    %max3A_28 = arith.maximumf %add3A_25, %max3A_27 : vector<400x256xf32>
    %mul3A_29 = arith.mulf %max3A_28, %max3A_28 : vector<400x256xf32>
    %reduce_sum3A = arith.constant dense<0.000000e+00> : vector<400xf32>
    %reduce_sum3A_30 = vector.multi_reduction <add>, %mul3A_29, %reduce_sum3A [1] : vector<400x256xf32> to vector<400xf32>
    %broadcast_in_dim3A = vector.shape_cast %reduce_sum3A_30 : vector<400xf32> to vector<400x1xf32>
    %sqrt3A = math.sqrt %broadcast_in_dim3A : vector<400x1xf32>
    %max3A_31 = arith.constant 9.99999996E-13 : f32
    %max3A_32 = vector.broadcast %max3A_31 : f32 to vector<400x1xf32>
    %max3A_33 = arith.maximumf %sqrt3A, %max3A_32 : vector<400x1xf32>
    %div3A_34 = vector.broadcast %max3A_33 : vector<400x1xf32> to vector<400x256xf32>
    %div3A_35 = arith.divf %max3A_28, %div3A_34 : vector<400x256xf32>
    %swap3A = arith.constant 0 : index
    %swap3A_36 = arith.constant 0 : index
    %swap3A_37 = vector.load %arg7[%swap3A, %swap3A_36] : memref<400x256xf32, #tpu.memory_space<vmem>>, vector<400x256xf32>
    tpu.vector_store %arg7[%swap3A, %swap3A_36], %div3A_35 {strides = array<i32>} : memref<400x256xf32, #tpu.memory_space<vmem>>, vector<400x256xf32>,
    return
  }
  func.func @transform_0(%arg0: i32) -> (i32, i32) {
    %c0_i32 = arith.constant 0 : i32
    %c0_i32_0 = arith.constant 0 : i32
    return %arg0, %c0_i32 : i32, i32
  }
  func.func @transform_1(%arg0: i32) -> (i32, i32) {
    %c0_i32 = arith.constant 0 : i32
    %c0_i32_0 = arith.constant 0 : i32
    return %arg0, %c0_i32 : i32, i32
  }
  func.func @transform_2(%arg0: i32) -> (i32, i32) {
    %c0_i32 = arith.constant 0 : i32
    %c0_i32_0 = arith.constant 0 : i32
    return %arg0, %c0_i32 : i32, i32
  }
  func.func @transform_3(%arg0: i32) -> (i32, i32) {
    %c0_i32 = arith.constant 0 : i32
    %c0_i32_0 = arith.constant 0 : i32
    %c0_i32_1 = arith.constant 0 : i32
    return %c0_i32, %c0_i32_0 : i32, i32
  }
  func.func @transform_4(%arg0: i32) -> (i32, i32) {
    %c0_i32 = arith.constant 0 : i32
    %c0_i32_0 = arith.constant 0 : i32
    %c0_i32_1 = arith.constant 0 : i32
    return %c0_i32, %c0_i32_0 : i32, i32
  }
  func.func @transform_5(%arg0: i32) -> (i32, i32) {
    %c0_i32 = arith.constant 0 : i32
    %c0_i32_0 = arith.constant 0 : i32
    %c0_i32_1 = arith.constant 0 : i32
    return %c0_i32, %c0_i32_0 : i32, i32
  }
  func.func @transform_6(%arg0: i32) -> (i32, i32) {
    %c0_i32 = arith.constant 0 : i32
    %c0_i32_0 = arith.constant 0 : i32
    return %arg0, %c0_i32 : i32, i32
  }
}

module attributes {stable_mosaic.version = 14 : i64} {
  func.func @_k_layer1fc(%arg0: i32, %arg1: memref<400x256xf32, #tpu.memory_space<vmem>>, %arg2: memref<400x128xf32, #tpu.memory_space<vmem>>, %arg3: memref<400x128xf32, #tpu.memory_space<vmem>>, %arg4: memref<400x128xf32, #tpu.memory_space<vmem>>, %arg5: memref<256x256xf32, #tpu.memory_space<vmem>>, %arg6: memref<128x256xf32, #tpu.memory_space<vmem>>, %arg7: memref<128x256xf32, #tpu.memory_space<vmem>>, %arg8: memref<1x256xf32, #tpu.memory_space<vmem>>, %arg9: memref<256x256xf32, #tpu.memory_space<vmem>>, %arg10: memref<1x256xf32, #tpu.memory_space<vmem>>, %arg11: memref<400x256xf32, #tpu.memory_space<vmem>>, %arg12: memref<8x256xf32, #tpu.memory_space<vmem>>) attributes {dimension_semantics = [#tpu.dimension_semantics<arbitrary>], iteration_bounds = array<i64: 25>, scalar_prefetch = 0 : i64, scratch_operands = 0 : i64, tpu.core_type = #tpu.core_type<tc>, window_params = [{transform_indices = @transform_0, window_bounds = array<i64: 400, 256>}, {transform_indices = @transform_1, window_bounds = array<i64: 400, 128>}, {transform_indices = @transform_2, window_bounds = array<i64: 400, 128>}, {transform_indices = @transform_3, window_bounds = array<i64: 400, 128>}, {pipeline_mode = #tpu.pipeline_mode<synchronous>, transform_indices = @transform_4, window_bounds = array<i64: 256, 256>}, {pipeline_mode = #tpu.pipeline_mode<synchronous>, transform_indices = @transform_5, window_bounds = array<i64: 128, 256>}, {pipeline_mode = #tpu.pipeline_mode<synchronous>, transform_indices = @transform_6, window_bounds = array<i64: 128, 256>}, {pipeline_mode = #tpu.pipeline_mode<synchronous>, transform_indices = @transform_7, window_bounds = array<i64: 1, 256>}, {pipeline_mode = #tpu.pipeline_mode<synchronous>, transform_indices = @transform_8, window_bounds = array<i64: 256, 256>}, {pipeline_mode = #tpu.pipeline_mode<synchronous>, transform_indices = @transform_9, window_bounds = array<i64: 1, 256>}, {transform_indices = @transform_10, window_bounds = array<i64: 400, 256>}, {pipeline_mode = #tpu.pipeline_mode<synchronous>, transform_indices = @transform_11, window_bounds = array<i64: 8, 256>}]} {
    %get3A = arith.constant 0 : index
    %get3A_0 = arith.constant 0 : index
    %get3A_1 = vector.load %arg4[%get3A, %get3A_0] : memref<400x128xf32, #tpu.memory_space<vmem>>, vector<400x1xf32>
    %jit3A = arith.constant 1.000000e+00 : f32
    %max3A = vector.broadcast %jit3A : f32 to vector<400x1xf32>
    %max3A_2 = arith.maximumf %max3A, %get3A_1 : vector<400x1xf32>
    %div3A = arith.constant 1.000000e+00 : f32
    %div3A_3 = vector.broadcast %div3A : f32 to vector<400x1xf32>
    %div3A_4 = arith.divf %div3A_3, %max3A_2 : vector<400x1xf32>
    %get3A_5 = arith.constant 0 : index
    %get3A_6 = arith.constant 0 : index
    %get3A_7 = vector.load %arg1[%get3A_5, %get3A_6] : memref<400x256xf32, #tpu.memory_space<vmem>>, vector<400x256xf32>
    %get3A_8 = arith.constant 0 : index
    %get3A_9 = arith.constant 0 : index
    %get3A_10 = vector.load %arg5[%get3A_8, %get3A_9] : memref<256x256xf32, #tpu.memory_space<vmem>>, vector<256x256xf32>
    %dot_general3A = arith.constant dense<0.000000e+00> : vector<400x256xf32>
    %dot_general3A_11 = tpu.matmul %get3A_7, %get3A_10, %dot_general3A {dimension_numbers = #tpu.dot_dimension_numbers<[1], [0], [0], [1], [0, 0, 1, 1], [], []>, transpose_lhs_hint = false} : vector<400x256xf32>, vector<256x256xf32>, vector<400x256xf32> -> vector<400x256xf32>
    %get3A_12 = arith.constant 0 : index
    %get3A_13 = arith.constant 0 : index
    %get3A_14 = vector.load %arg2[%get3A_12, %get3A_13] : memref<400x128xf32, #tpu.memory_space<vmem>>, vector<400x128xf32>
    %mul3A = vector.broadcast %div3A_4 : vector<400x1xf32> to vector<400x128xf32>
    %mul3A_15 = arith.mulf %get3A_14, %mul3A : vector<400x128xf32>
    %get3A_16 = arith.constant 0 : index
    %get3A_17 = arith.constant 0 : index
    %get3A_18 = vector.load %arg6[%get3A_16, %get3A_17] : memref<128x256xf32, #tpu.memory_space<vmem>>, vector<128x256xf32>
    %dot_general3A_19 = arith.constant dense<0.000000e+00> : vector<400x256xf32>
    %dot_general3A_20 = tpu.matmul %mul3A_15, %get3A_18, %dot_general3A_19 {dimension_numbers = #tpu.dot_dimension_numbers<[1], [0], [0], [1], [0, 0, 1, 1], [], []>, transpose_lhs_hint = false} : vector<400x128xf32>, vector<128x256xf32>, vector<400x256xf32> -> vector<400x256xf32>
    %add3A = arith.addf %dot_general3A_11, %dot_general3A_20 : vector<400x256xf32>
    %get3A_21 = arith.constant 0 : index
    %get3A_22 = arith.constant 0 : index
    %get3A_23 = vector.load %arg3[%get3A_21, %get3A_22] : memref<400x128xf32, #tpu.memory_space<vmem>>, vector<400x128xf32>
    %mul3A_24 = vector.broadcast %div3A_4 : vector<400x1xf32> to vector<400x128xf32>
    %mul3A_25 = arith.mulf %get3A_23, %mul3A_24 : vector<400x128xf32>
    %get3A_26 = arith.constant 0 : index
    %get3A_27 = arith.constant 0 : index
    %get3A_28 = vector.load %arg7[%get3A_26, %get3A_27] : memref<128x256xf32, #tpu.memory_space<vmem>>, vector<128x256xf32>
    %dot_general3A_29 = arith.constant dense<0.000000e+00> : vector<400x256xf32>
    %dot_general3A_30 = tpu.matmul %mul3A_25, %get3A_28, %dot_general3A_29 {dimension_numbers = #tpu.dot_dimension_numbers<[1], [0], [0], [1], [0, 0, 1, 1], [], []>, transpose_lhs_hint = false} : vector<400x128xf32>, vector<128x256xf32>, vector<400x256xf32> -> vector<400x256xf32>
    %add3A_31 = arith.addf %add3A, %dot_general3A_30 : vector<400x256xf32>
    %get3A_32 = arith.constant 0 : index
    %get3A_33 = arith.constant 0 : index
    %get3A_34 = vector.load %arg8[%get3A_32, %get3A_33] : memref<1x256xf32, #tpu.memory_space<vmem>>, vector<1x256xf32>
    %add3A_35 = vector.broadcast %get3A_34 : vector<1x256xf32> to vector<400x256xf32>
    %add3A_36 = arith.addf %add3A_31, %add3A_35 : vector<400x256xf32>
    %get3A_37 = arith.constant 0 : index
    %get3A_38 = arith.constant 0 : index
    %get3A_39 = vector.load %arg9[%get3A_37, %get3A_38] : memref<256x256xf32, #tpu.memory_space<vmem>>, vector<256x256xf32>
    %dot_general3A_40 = arith.constant dense<0.000000e+00> : vector<400x256xf32>
    %dot_general3A_41 = tpu.matmul %add3A_36, %get3A_39, %dot_general3A_40 {dimension_numbers = #tpu.dot_dimension_numbers<[1], [0], [0], [1], [0, 0, 1, 1], [], []>, transpose_lhs_hint = false} : vector<400x256xf32>, vector<256x256xf32>, vector<400x256xf32> -> vector<400x256xf32>
    %get3A_42 = arith.constant 0 : index
    %get3A_43 = arith.constant 0 : index
    %get3A_44 = vector.load %arg10[%get3A_42, %get3A_43] : memref<1x256xf32, #tpu.memory_space<vmem>>, vector<1x256xf32>
    %add3A_45 = vector.broadcast %get3A_44 : vector<1x256xf32> to vector<400x256xf32>
    %add3A_46 = arith.addf %dot_general3A_41, %add3A_45 : vector<400x256xf32>
    %swap3A = arith.constant 0 : index
    %swap3A_47 = arith.constant 0 : index
    %swap3A_48 = vector.load %arg11[%swap3A, %swap3A_47] : memref<400x256xf32, #tpu.memory_space<vmem>>, vector<400x256xf32>
    tpu.vector_store %arg11[%swap3A, %swap3A_47], %add3A_46 {strides = array<i32>} : memref<400x256xf32, #tpu.memory_space<vmem>>, vector<400x256xf32>,
    %eq3A = arith.constant 0 : i32
    %eq3A_49 = arith.cmpi eq, %arg0, %eq3A : i32
    %convert_element_type3A = arith.extui %eq3A_49 : i1 to i32
    %cond3A = arith.constant 0 : i32
    %cond3A_50 = arith.cmpi ne, %convert_element_type3A, %cond3A : i32
    scf.if %cond3A_50 {
      %broadcast_in_dim3A_70 = arith.constant 0.000000e+00 : f32
      %broadcast_in_dim3A_71 = vector.broadcast %broadcast_in_dim3A_70 : f32 to vector<8x256xf32>
      %swap3A_72 = arith.constant 0 : index
      %swap3A_73 = arith.constant 0 : index
      %swap3A_74 = vector.load %arg12[%swap3A_72, %swap3A_73] : memref<8x256xf32, #tpu.memory_space<vmem>>, vector<8x256xf32>
      tpu.vector_store %arg12[%swap3A_72, %swap3A_73], %broadcast_in_dim3A_71 {strides = array<i32>} : memref<8x256xf32, #tpu.memory_space<vmem>>, vector<8x256xf32>,
    } else {
    }
    %get3A_51 = arith.constant 0 : index
    %get3A_52 = arith.constant 0 : index
    %get3A_53 = vector.load %arg12[%get3A_51, %get3A_52] : memref<8x256xf32, #tpu.memory_space<vmem>>, vector<1x256xf32>
    %reduce_sum3A = arith.constant dense<0.000000e+00> : vector<256xf32>
    %reduce_sum3A_54 = vector.multi_reduction <add>, %add3A_46, %reduce_sum3A [0] : vector<400x256xf32> to vector<256xf32>
    %broadcast_in_dim3A = vector.shape_cast %reduce_sum3A_54 : vector<256xf32> to vector<1x256xf32>
    %add3A_55 = arith.addf %get3A_53, %broadcast_in_dim3A : vector<1x256xf32>
    %swap3A_56 = arith.constant 0 : index
    %swap3A_57 = arith.constant 0 : index
    %swap3A_58 = vector.load %arg12[%swap3A_56, %swap3A_57] : memref<8x256xf32, #tpu.memory_space<vmem>>, vector<1x256xf32>
    tpu.vector_store %arg12[%swap3A_56, %swap3A_57], %add3A_55 {strides = array<i32>} : memref<8x256xf32, #tpu.memory_space<vmem>>, vector<1x256xf32>,
    %get3A_59 = arith.constant 1 : index
    %get3A_60 = arith.constant 0 : index
    %get3A_61 = vector.load %arg12[%get3A_59, %get3A_60] : memref<8x256xf32, #tpu.memory_space<vmem>>, vector<1x256xf32>
    %mul3A_62 = arith.mulf %add3A_46, %add3A_46 : vector<400x256xf32>
    %reduce_sum3A_63 = arith.constant dense<0.000000e+00> : vector<256xf32>
    %reduce_sum3A_64 = vector.multi_reduction <add>, %mul3A_62, %reduce_sum3A_63 [0] : vector<400x256xf32> to vector<256xf32>
    %broadcast_in_dim3A_65 = vector.shape_cast %reduce_sum3A_64 : vector<256xf32> to vector<1x256xf32>
    %add3A_66 = arith.addf %get3A_61, %broadcast_in_dim3A_65 : vector<1x256xf32>
    %swap3A_67 = arith.constant 1 : index
    %swap3A_68 = arith.constant 0 : index
    %swap3A_69 = vector.load %arg12[%swap3A_67, %swap3A_68] : memref<8x256xf32, #tpu.memory_space<vmem>>, vector<1x256xf32>
    tpu.vector_store %arg12[%swap3A_67, %swap3A_68], %add3A_66 {strides = array<i32>} : memref<8x256xf32, #tpu.memory_space<vmem>>, vector<1x256xf32>,
    return
  }
  func.func @transform_0(%arg0: i32) -> (i32, i32) {
    %c0_i32 = arith.constant 0 : i32
    %c0_i32_0 = arith.constant 0 : i32
    return %arg0, %c0_i32 : i32, i32
  }
  func.func @transform_1(%arg0: i32) -> (i32, i32) {
    %c0_i32 = arith.constant 0 : i32
    %c0_i32_0 = arith.constant 0 : i32
    return %arg0, %c0_i32 : i32, i32
  }
  func.func @transform_2(%arg0: i32) -> (i32, i32) {
    %c0_i32 = arith.constant 0 : i32
    %c0_i32_0 = arith.constant 0 : i32
    return %arg0, %c0_i32 : i32, i32
  }
  func.func @transform_3(%arg0: i32) -> (i32, i32) {
    %c0_i32 = arith.constant 0 : i32
    %c0_i32_0 = arith.constant 0 : i32
    return %arg0, %c0_i32 : i32, i32
  }
  func.func @transform_4(%arg0: i32) -> (i32, i32) {
    %c0_i32 = arith.constant 0 : i32
    %c0_i32_0 = arith.constant 0 : i32
    %c0_i32_1 = arith.constant 0 : i32
    return %c0_i32, %c0_i32_0 : i32, i32
  }
  func.func @transform_5(%arg0: i32) -> (i32, i32) {
    %c0_i32 = arith.constant 0 : i32
    %c0_i32_0 = arith.constant 0 : i32
    %c0_i32_1 = arith.constant 0 : i32
    return %c0_i32, %c0_i32_0 : i32, i32
  }
  func.func @transform_6(%arg0: i32) -> (i32, i32) {
    %c0_i32 = arith.constant 0 : i32
    %c0_i32_0 = arith.constant 0 : i32
    %c0_i32_1 = arith.constant 0 : i32
    return %c0_i32, %c0_i32_0 : i32, i32
  }
  func.func @transform_7(%arg0: i32) -> (i32, i32) {
    %c0_i32 = arith.constant 0 : i32
    %c0_i32_0 = arith.constant 0 : i32
    %c0_i32_1 = arith.constant 0 : i32
    return %c0_i32, %c0_i32_0 : i32, i32
  }
  func.func @transform_8(%arg0: i32) -> (i32, i32) {
    %c0_i32 = arith.constant 0 : i32
    %c0_i32_0 = arith.constant 0 : i32
    %c0_i32_1 = arith.constant 0 : i32
    return %c0_i32, %c0_i32_0 : i32, i32
  }
  func.func @transform_9(%arg0: i32) -> (i32, i32) {
    %c0_i32 = arith.constant 0 : i32
    %c0_i32_0 = arith.constant 0 : i32
    %c0_i32_1 = arith.constant 0 : i32
    return %c0_i32, %c0_i32_0 : i32, i32
  }
  func.func @transform_10(%arg0: i32) -> (i32, i32) {
    %c0_i32 = arith.constant 0 : i32
    %c0_i32_0 = arith.constant 0 : i32
    return %arg0, %c0_i32 : i32, i32
  }
  func.func @transform_11(%arg0: i32) -> (i32, i32) {
    %c0_i32 = arith.constant 0 : i32
    %c0_i32_0 = arith.constant 0 : i32
    %c0_i32_1 = arith.constant 0 : i32
    return %c0_i32, %c0_i32_0 : i32, i32
  }
}

module attributes {stable_mosaic.version = 14 : i64} {
  func.func @_k_encdec(%arg0: i32, %arg1: memref<400x256xf32, #tpu.memory_space<vmem>>, %arg2: memref<8x256xf32, #tpu.memory_space<vmem>>, %arg3: memref<1x256xf32, #tpu.memory_space<vmem>>, %arg4: memref<1x256xf32, #tpu.memory_space<vmem>>, %arg5: memref<256x256xf32, #tpu.memory_space<vmem>>, %arg6: memref<1x256xf32, #tpu.memory_space<vmem>>, %arg7: memref<256x256xf32, #tpu.memory_space<vmem>>, %arg8: memref<1x256xf32, #tpu.memory_space<vmem>>, %arg9: memref<256x256xf32, #tpu.memory_space<vmem>>, %arg10: memref<1x256xf32, #tpu.memory_space<vmem>>, %arg11: memref<400x256xf32, #tpu.memory_space<vmem>>, %arg12: memref<400x256xf32, #tpu.memory_space<vmem>>, %arg13: memref<400x256xf32, #tpu.memory_space<vmem>>, %arg14: memref<8x256xf32, #tpu.memory_space<vmem>>) attributes {dimension_semantics = [#tpu.dimension_semantics<arbitrary>], iteration_bounds = array<i64: 25>, scalar_prefetch = 0 : i64, scratch_operands = 0 : i64, tpu.core_type = #tpu.core_type<tc>, window_params = [{transform_indices = @transform_0, window_bounds = array<i64: 400, 256>}, {pipeline_mode = #tpu.pipeline_mode<synchronous>, transform_indices = @transform_1, window_bounds = array<i64: 8, 256>}, {pipeline_mode = #tpu.pipeline_mode<synchronous>, transform_indices = @transform_2, window_bounds = array<i64: 1, 256>}, {pipeline_mode = #tpu.pipeline_mode<synchronous>, transform_indices = @transform_3, window_bounds = array<i64: 1, 256>}, {pipeline_mode = #tpu.pipeline_mode<synchronous>, transform_indices = @transform_4, window_bounds = array<i64: 256, 256>}, {pipeline_mode = #tpu.pipeline_mode<synchronous>, transform_indices = @transform_5, window_bounds = array<i64: 1, 256>}, {pipeline_mode = #tpu.pipeline_mode<synchronous>, transform_indices = @transform_6, window_bounds = array<i64: 256, 256>}, {pipeline_mode = #tpu.pipeline_mode<synchronous>, transform_indices = @transform_7, window_bounds = array<i64: 1, 256>}, {pipeline_mode = #tpu.pipeline_mode<synchronous>, transform_indices = @transform_8, window_bounds = array<i64: 256, 256>}, {pipeline_mode = #tpu.pipeline_mode<synchronous>, transform_indices = @transform_9, window_bounds = array<i64: 1, 256>}, {transform_indices = @transform_10, window_bounds = array<i64: 400, 256>}, {transform_indices = @transform_11, window_bounds = array<i64: 400, 256>}, {transform_indices = @transform_12, window_bounds = array<i64: 400, 256>}, {pipeline_mode = #tpu.pipeline_mode<synchronous>, transform_indices = @transform_13, window_bounds = array<i64: 8, 256>}]} {
    %get3A = arith.constant 0 : index
    %get3A_0 = arith.constant 0 : index
    %get3A_1 = vector.load %arg1[%get3A, %get3A_0] : memref<400x256xf32, #tpu.memory_space<vmem>>, vector<400x256xf32>
    %get3A_2 = arith.constant 0 : index
    %get3A_3 = arith.constant 0 : index
    %get3A_4 = vector.load %arg2[%get3A_2, %get3A_3] : memref<8x256xf32, #tpu.memory_space<vmem>>, vector<1x256xf32>
    %div3A = arith.constant 1.000000e+04 : f32
    %div3A_5 = vector.broadcast %div3A : f32 to vector<1x256xf32>
    %div3A_6 = arith.divf %get3A_4, %div3A_5 : vector<1x256xf32>
    %get3A_7 = arith.constant 1 : index
    %get3A_8 = arith.constant 0 : index
    %get3A_9 = vector.load %arg2[%get3A_7, %get3A_8] : memref<8x256xf32, #tpu.memory_space<vmem>>, vector<1x256xf32>
    %div3A_10 = arith.constant 1.000000e+04 : f32
    %div3A_11 = vector.broadcast %div3A_10 : f32 to vector<1x256xf32>
    %div3A_12 = arith.divf %get3A_9, %div3A_11 : vector<1x256xf32>
    %mul3A = arith.mulf %div3A_6, %div3A_6 : vector<1x256xf32>
    %sub3A = arith.subf %div3A_12, %mul3A : vector<1x256xf32>
    %sub3A_13 = vector.broadcast %div3A_6 : vector<1x256xf32> to vector<400x256xf32>
    %sub3A_14 = arith.subf %get3A_1, %sub3A_13 : vector<400x256xf32>
    %add3A = arith.constant 9.99999974E-6 : f32
    %add3A_15 = vector.broadcast %add3A : f32 to vector<1x256xf32>
    %add3A_16 = arith.addf %sub3A, %add3A_15 : vector<1x256xf32>
    %sqrt3A = math.sqrt %add3A_16 : vector<1x256xf32>
    %div3A_17 = vector.broadcast %sqrt3A : vector<1x256xf32> to vector<400x256xf32>
    %div3A_18 = arith.divf %sub3A_14, %div3A_17 : vector<400x256xf32>
    %get3A_19 = arith.constant 0 : index
    %get3A_20 = arith.constant 0 : index
    %get3A_21 = vector.load %arg3[%get3A_19, %get3A_20] : memref<1x256xf32, #tpu.memory_space<vmem>>, vector<1x256xf32>
    %mul3A_22 = vector.broadcast %get3A_21 : vector<1x256xf32> to vector<400x256xf32>
    %mul3A_23 = arith.mulf %div3A_18, %mul3A_22 : vector<400x256xf32>
    %get3A_24 = arith.constant 0 : index
    %get3A_25 = arith.constant 0 : index
    %get3A_26 = vector.load %arg4[%get3A_24, %get3A_25] : memref<1x256xf32, #tpu.memory_space<vmem>>, vector<1x256xf32>
    %add3A_27 = vector.broadcast %get3A_26 : vector<1x256xf32> to vector<400x256xf32>
    %add3A_28 = arith.addf %mul3A_23, %add3A_27 : vector<400x256xf32>
    %max3A = arith.constant 0.000000e+00 : f32
    %max3A_29 = vector.broadcast %max3A : f32 to vector<400x256xf32>
    %max3A_30 = arith.maximumf %add3A_28, %max3A_29 : vector<400x256xf32>
    %max3A_31 = arith.constant 0.000000e+00 : f32
    %max3A_32 = vector.broadcast %max3A_31 : f32 to vector<400x256xf32>
    %max3A_33 = arith.maximumf %max3A_30, %max3A_32 : vector<400x256xf32>
    %abs3A = math.absf %max3A_30 : vector<400x256xf32>
    %neg3A = arith.constant 0.000000e+00 : f32
    %neg3A_34 = vector.broadcast %neg3A : f32 to vector<400x256xf32>
    %neg3A_35 = arith.subf %neg3A_34, %abs3A : vector<400x256xf32>
    %exp3A = math.exp %neg3A_35 : vector<400x256xf32>
    %log1p3A = math.log1p %exp3A : vector<400x256xf32>
    %add3A_36 = arith.addf %max3A_33, %log1p3A : vector<400x256xf32>
    %get3A_37 = arith.constant 0 : index
    %get3A_38 = arith.constant 0 : index
    %get3A_39 = vector.load %arg5[%get3A_37, %get3A_38] : memref<256x256xf32, #tpu.memory_space<vmem>>, vector<256x256xf32>
    %dot_general3A = arith.constant dense<0.000000e+00> : vector<400x256xf32>
    %dot_general3A_40 = tpu.matmul %add3A_36, %get3A_39, %dot_general3A {dimension_numbers = #tpu.dot_dimension_numbers<[1], [0], [0], [1], [0, 0, 1, 1], [], []>, transpose_lhs_hint = false} : vector<400x256xf32>, vector<256x256xf32>, vector<400x256xf32> -> vector<400x256xf32>
    %get3A_41 = arith.constant 0 : index
    %get3A_42 = arith.constant 0 : index
    %get3A_43 = vector.load %arg6[%get3A_41, %get3A_42] : memref<1x256xf32, #tpu.memory_space<vmem>>, vector<1x256xf32>
    %add3A_44 = vector.broadcast %get3A_43 : vector<1x256xf32> to vector<400x256xf32>
    %add3A_45 = arith.addf %dot_general3A_40, %add3A_44 : vector<400x256xf32>
    %swap3A = arith.constant 0 : index
    %swap3A_46 = arith.constant 0 : index
    %swap3A_47 = vector.load %arg11[%swap3A, %swap3A_46] : memref<400x256xf32, #tpu.memory_space<vmem>>, vector<400x256xf32>
    tpu.vector_store %arg11[%swap3A, %swap3A_46], %add3A_45 {strides = array<i32>} : memref<400x256xf32, #tpu.memory_space<vmem>>, vector<400x256xf32>,
    %get3A_48 = arith.constant 0 : index
    %get3A_49 = arith.constant 0 : index
    %get3A_50 = vector.load %arg7[%get3A_48, %get3A_49] : memref<256x256xf32, #tpu.memory_space<vmem>>, vector<256x256xf32>
    %dot_general3A_51 = arith.constant dense<0.000000e+00> : vector<400x256xf32>
    %dot_general3A_52 = tpu.matmul %add3A_36, %get3A_50, %dot_general3A_51 {dimension_numbers = #tpu.dot_dimension_numbers<[1], [0], [0], [1], [0, 0, 1, 1], [], []>, transpose_lhs_hint = false} : vector<400x256xf32>, vector<256x256xf32>, vector<400x256xf32> -> vector<400x256xf32>
    %get3A_53 = arith.constant 0 : index
    %get3A_54 = arith.constant 0 : index
    %get3A_55 = vector.load %arg8[%get3A_53, %get3A_54] : memref<1x256xf32, #tpu.memory_space<vmem>>, vector<1x256xf32>
    %add3A_56 = vector.broadcast %get3A_55 : vector<1x256xf32> to vector<400x256xf32>
    %add3A_57 = arith.addf %dot_general3A_52, %add3A_56 : vector<400x256xf32>
    %exp3A_58 = math.exp %add3A_57 : vector<400x256xf32>
    %swap3A_59 = arith.constant 0 : index
    %swap3A_60 = arith.constant 0 : index
    %swap3A_61 = vector.load %arg12[%swap3A_59, %swap3A_60] : memref<400x256xf32, #tpu.memory_space<vmem>>, vector<400x256xf32>
    tpu.vector_store %arg12[%swap3A_59, %swap3A_60], %exp3A_58 {strides = array<i32>} : memref<400x256xf32, #tpu.memory_space<vmem>>, vector<400x256xf32>,
    %get3A_62 = arith.constant 0 : index
    %get3A_63 = arith.constant 0 : index
    %get3A_64 = vector.load %arg9[%get3A_62, %get3A_63] : memref<256x256xf32, #tpu.memory_space<vmem>>, vector<256x256xf32>
    %dot_general3A_65 = arith.constant dense<0.000000e+00> : vector<400x256xf32>
    %dot_general3A_66 = tpu.matmul %add3A_45, %get3A_64, %dot_general3A_65 {dimension_numbers = #tpu.dot_dimension_numbers<[1], [0], [0], [1], [0, 0, 1, 1], [], []>, transpose_lhs_hint = false} : vector<400x256xf32>, vector<256x256xf32>, vector<400x256xf32> -> vector<400x256xf32>
    %get3A_67 = arith.constant 0 : index
    %get3A_68 = arith.constant 0 : index
    %get3A_69 = vector.load %arg10[%get3A_67, %get3A_68] : memref<1x256xf32, #tpu.memory_space<vmem>>, vector<1x256xf32>
    %add3A_70 = vector.broadcast %get3A_69 : vector<1x256xf32> to vector<400x256xf32>
    %add3A_71 = arith.addf %dot_general3A_66, %add3A_70 : vector<400x256xf32>
    %swap3A_72 = arith.constant 0 : index
    %swap3A_73 = arith.constant 0 : index
    %swap3A_74 = vector.load %arg13[%swap3A_72, %swap3A_73] : memref<400x256xf32, #tpu.memory_space<vmem>>, vector<400x256xf32>
    tpu.vector_store %arg13[%swap3A_72, %swap3A_73], %add3A_71 {strides = array<i32>} : memref<400x256xf32, #tpu.memory_space<vmem>>, vector<400x256xf32>,
    %eq3A = arith.constant 0 : i32
    %eq3A_75 = arith.cmpi eq, %arg0, %eq3A : i32
    %convert_element_type3A = arith.extui %eq3A_75 : i1 to i32
    %cond3A = arith.constant 0 : i32
    %cond3A_76 = arith.cmpi ne, %convert_element_type3A, %cond3A : i32
    scf.if %cond3A_76 {
      %broadcast_in_dim3A_96 = arith.constant 0.000000e+00 : f32
      %broadcast_in_dim3A_97 = vector.broadcast %broadcast_in_dim3A_96 : f32 to vector<8x256xf32>
      %swap3A_98 = arith.constant 0 : index
      %swap3A_99 = arith.constant 0 : index
      %swap3A_100 = vector.load %arg14[%swap3A_98, %swap3A_99] : memref<8x256xf32, #tpu.memory_space<vmem>>, vector<8x256xf32>
      tpu.vector_store %arg14[%swap3A_98, %swap3A_99], %broadcast_in_dim3A_97 {strides = array<i32>} : memref<8x256xf32, #tpu.memory_space<vmem>>, vector<8x256xf32>,
    } else {
    }
    %get3A_77 = arith.constant 0 : index
    %get3A_78 = arith.constant 0 : index
    %get3A_79 = vector.load %arg14[%get3A_77, %get3A_78] : memref<8x256xf32, #tpu.memory_space<vmem>>, vector<1x256xf32>
    %reduce_sum3A = arith.constant dense<0.000000e+00> : vector<256xf32>
    %reduce_sum3A_80 = vector.multi_reduction <add>, %add3A_71, %reduce_sum3A [0] : vector<400x256xf32> to vector<256xf32>
    %broadcast_in_dim3A = vector.shape_cast %reduce_sum3A_80 : vector<256xf32> to vector<1x256xf32>
    %add3A_81 = arith.addf %get3A_79, %broadcast_in_dim3A : vector<1x256xf32>
    %swap3A_82 = arith.constant 0 : index
    %swap3A_83 = arith.constant 0 : index
    %swap3A_84 = vector.load %arg14[%swap3A_82, %swap3A_83] : memref<8x256xf32, #tpu.memory_space<vmem>>, vector<1x256xf32>
    tpu.vector_store %arg14[%swap3A_82, %swap3A_83], %add3A_81 {strides = array<i32>} : memref<8x256xf32, #tpu.memory_space<vmem>>, vector<1x256xf32>,
    %get3A_85 = arith.constant 1 : index
    %get3A_86 = arith.constant 0 : index
    %get3A_87 = vector.load %arg14[%get3A_85, %get3A_86] : memref<8x256xf32, #tpu.memory_space<vmem>>, vector<1x256xf32>
    %mul3A_88 = arith.mulf %add3A_71, %add3A_71 : vector<400x256xf32>
    %reduce_sum3A_89 = arith.constant dense<0.000000e+00> : vector<256xf32>
    %reduce_sum3A_90 = vector.multi_reduction <add>, %mul3A_88, %reduce_sum3A_89 [0] : vector<400x256xf32> to vector<256xf32>
    %broadcast_in_dim3A_91 = vector.shape_cast %reduce_sum3A_90 : vector<256xf32> to vector<1x256xf32>
    %add3A_92 = arith.addf %get3A_87, %broadcast_in_dim3A_91 : vector<1x256xf32>
    %swap3A_93 = arith.constant 1 : index
    %swap3A_94 = arith.constant 0 : index
    %swap3A_95 = vector.load %arg14[%swap3A_93, %swap3A_94] : memref<8x256xf32, #tpu.memory_space<vmem>>, vector<1x256xf32>
    tpu.vector_store %arg14[%swap3A_93, %swap3A_94], %add3A_92 {strides = array<i32>} : memref<8x256xf32, #tpu.memory_space<vmem>>, vector<1x256xf32>,
    return
  }
  func.func @transform_0(%arg0: i32) -> (i32, i32) {
    %c0_i32 = arith.constant 0 : i32
    %c0_i32_0 = arith.constant 0 : i32
    return %arg0, %c0_i32 : i32, i32
  }
  func.func @transform_1(%arg0: i32) -> (i32, i32) {
    %c0_i32 = arith.constant 0 : i32
    %c0_i32_0 = arith.constant 0 : i32
    %c0_i32_1 = arith.constant 0 : i32
    return %c0_i32, %c0_i32_0 : i32, i32
  }
  func.func @transform_2(%arg0: i32) -> (i32, i32) {
    %c0_i32 = arith.constant 0 : i32
    %c0_i32_0 = arith.constant 0 : i32
    %c0_i32_1 = arith.constant 0 : i32
    return %c0_i32, %c0_i32_0 : i32, i32
  }
  func.func @transform_3(%arg0: i32) -> (i32, i32) {
    %c0_i32 = arith.constant 0 : i32
    %c0_i32_0 = arith.constant 0 : i32
    %c0_i32_1 = arith.constant 0 : i32
    return %c0_i32, %c0_i32_0 : i32, i32
  }
  func.func @transform_4(%arg0: i32) -> (i32, i32) {
    %c0_i32 = arith.constant 0 : i32
    %c0_i32_0 = arith.constant 0 : i32
    %c0_i32_1 = arith.constant 0 : i32
    return %c0_i32, %c0_i32_0 : i32, i32
  }
  func.func @transform_5(%arg0: i32) -> (i32, i32) {
    %c0_i32 = arith.constant 0 : i32
    %c0_i32_0 = arith.constant 0 : i32
    %c0_i32_1 = arith.constant 0 : i32
    return %c0_i32, %c0_i32_0 : i32, i32
  }
  func.func @transform_6(%arg0: i32) -> (i32, i32) {
    %c0_i32 = arith.constant 0 : i32
    %c0_i32_0 = arith.constant 0 : i32
    %c0_i32_1 = arith.constant 0 : i32
    return %c0_i32, %c0_i32_0 : i32, i32
  }
  func.func @transform_7(%arg0: i32) -> (i32, i32) {
    %c0_i32 = arith.constant 0 : i32
    %c0_i32_0 = arith.constant 0 : i32
    %c0_i32_1 = arith.constant 0 : i32
    return %c0_i32, %c0_i32_0 : i32, i32
  }
  func.func @transform_8(%arg0: i32) -> (i32, i32) {
    %c0_i32 = arith.constant 0 : i32
    %c0_i32_0 = arith.constant 0 : i32
    %c0_i32_1 = arith.constant 0 : i32
    return %c0_i32, %c0_i32_0 : i32, i32
  }
  func.func @transform_9(%arg0: i32) -> (i32, i32) {
    %c0_i32 = arith.constant 0 : i32
    %c0_i32_0 = arith.constant 0 : i32
    %c0_i32_1 = arith.constant 0 : i32
    return %c0_i32, %c0_i32_0 : i32, i32
  }
  func.func @transform_10(%arg0: i32) -> (i32, i32) {
    %c0_i32 = arith.constant 0 : i32
    %c0_i32_0 = arith.constant 0 : i32
    return %arg0, %c0_i32 : i32, i32
  }
  func.func @transform_11(%arg0: i32) -> (i32, i32) {
    %c0_i32 = arith.constant 0 : i32
    %c0_i32_0 = arith.constant 0 : i32
    return %arg0, %c0_i32 : i32, i32
  }
  func.func @transform_12(%arg0: i32) -> (i32, i32) {
    %c0_i32 = arith.constant 0 : i32
    %c0_i32_0 = arith.constant 0 : i32
    return %arg0, %c0_i32 : i32, i32
  }
  func.func @transform_13(%arg0: i32) -> (i32, i32) {
    %c0_i32 = arith.constant 0 : i32
    %c0_i32_0 = arith.constant 0 : i32
    %c0_i32_1 = arith.constant 0 : i32
    return %c0_i32, %c0_i32_0 : i32, i32
  }
}

module attributes {stable_mosaic.version = 14 : i64} {
  func.func @_k_head(%arg0: i32, %arg1: memref<400x256xf32, #tpu.memory_space<vmem>>, %arg2: memref<8x256xf32, #tpu.memory_space<vmem>>, %arg3: memref<1x256xf32, #tpu.memory_space<vmem>>, %arg4: memref<1x256xf32, #tpu.memory_space<vmem>>, %arg5: memref<256x128xf32, #tpu.memory_space<vmem>>, %arg6: memref<1x128xf32, #tpu.memory_space<vmem>>, %arg7: memref<256x128xf32, #tpu.memory_space<vmem>>, %arg8: memref<1x128xf32, #tpu.memory_space<vmem>>, %arg9: memref<400x128xf32, #tpu.memory_space<vmem>>, %arg10: memref<400x128xf32, #tpu.memory_space<vmem>>) attributes {dimension_semantics = [#tpu.dimension_semantics<arbitrary>], iteration_bounds = array<i64: 25>, scalar_prefetch = 0 : i64, scratch_operands = 0 : i64, tpu.core_type = #tpu.core_type<tc>, window_params = [{transform_indices = @transform_0, window_bounds = array<i64: 400, 256>}, {pipeline_mode = #tpu.pipeline_mode<synchronous>, transform_indices = @transform_1, window_bounds = array<i64: 8, 256>}, {pipeline_mode = #tpu.pipeline_mode<synchronous>, transform_indices = @transform_2, window_bounds = array<i64: 1, 256>}, {pipeline_mode = #tpu.pipeline_mode<synchronous>, transform_indices = @transform_3, window_bounds = array<i64: 1, 256>}, {pipeline_mode = #tpu.pipeline_mode<synchronous>, transform_indices = @transform_4, window_bounds = array<i64: 256, 128>}, {pipeline_mode = #tpu.pipeline_mode<synchronous>, transform_indices = @transform_5, window_bounds = array<i64: 1, 128>}, {pipeline_mode = #tpu.pipeline_mode<synchronous>, transform_indices = @transform_6, window_bounds = array<i64: 256, 128>}, {pipeline_mode = #tpu.pipeline_mode<synchronous>, transform_indices = @transform_7, window_bounds = array<i64: 1, 128>}, {transform_indices = @transform_8, window_bounds = array<i64: 400, 128>}, {transform_indices = @transform_9, window_bounds = array<i64: 400, 128>}]} {
    %get3A = arith.constant 0 : index
    %get3A_0 = arith.constant 0 : index
    %get3A_1 = vector.load %arg1[%get3A, %get3A_0] : memref<400x256xf32, #tpu.memory_space<vmem>>, vector<400x256xf32>
    %get3A_2 = arith.constant 0 : index
    %get3A_3 = arith.constant 0 : index
    %get3A_4 = vector.load %arg2[%get3A_2, %get3A_3] : memref<8x256xf32, #tpu.memory_space<vmem>>, vector<1x256xf32>
    %div3A = arith.constant 1.000000e+04 : f32
    %div3A_5 = vector.broadcast %div3A : f32 to vector<1x256xf32>
    %div3A_6 = arith.divf %get3A_4, %div3A_5 : vector<1x256xf32>
    %get3A_7 = arith.constant 1 : index
    %get3A_8 = arith.constant 0 : index
    %get3A_9 = vector.load %arg2[%get3A_7, %get3A_8] : memref<8x256xf32, #tpu.memory_space<vmem>>, vector<1x256xf32>
    %div3A_10 = arith.constant 1.000000e+04 : f32
    %div3A_11 = vector.broadcast %div3A_10 : f32 to vector<1x256xf32>
    %div3A_12 = arith.divf %get3A_9, %div3A_11 : vector<1x256xf32>
    %mul3A = arith.mulf %div3A_6, %div3A_6 : vector<1x256xf32>
    %sub3A = arith.subf %div3A_12, %mul3A : vector<1x256xf32>
    %sub3A_13 = vector.broadcast %div3A_6 : vector<1x256xf32> to vector<400x256xf32>
    %sub3A_14 = arith.subf %get3A_1, %sub3A_13 : vector<400x256xf32>
    %add3A = arith.constant 9.99999974E-6 : f32
    %add3A_15 = vector.broadcast %add3A : f32 to vector<1x256xf32>
    %add3A_16 = arith.addf %sub3A, %add3A_15 : vector<1x256xf32>
    %sqrt3A = math.sqrt %add3A_16 : vector<1x256xf32>
    %div3A_17 = vector.broadcast %sqrt3A : vector<1x256xf32> to vector<400x256xf32>
    %div3A_18 = arith.divf %sub3A_14, %div3A_17 : vector<400x256xf32>
    %get3A_19 = arith.constant 0 : index
    %get3A_20 = arith.constant 0 : index
    %get3A_21 = vector.load %arg3[%get3A_19, %get3A_20] : memref<1x256xf32, #tpu.memory_space<vmem>>, vector<1x256xf32>
    %mul3A_22 = vector.broadcast %get3A_21 : vector<1x256xf32> to vector<400x256xf32>
    %mul3A_23 = arith.mulf %div3A_18, %mul3A_22 : vector<400x256xf32>
    %get3A_24 = arith.constant 0 : index
    %get3A_25 = arith.constant 0 : index
    %get3A_26 = vector.load %arg4[%get3A_24, %get3A_25] : memref<1x256xf32, #tpu.memory_space<vmem>>, vector<1x256xf32>
    %add3A_27 = vector.broadcast %get3A_26 : vector<1x256xf32> to vector<400x256xf32>
    %add3A_28 = arith.addf %mul3A_23, %add3A_27 : vector<400x256xf32>
    %max3A = arith.constant 0.000000e+00 : f32
    %max3A_29 = vector.broadcast %max3A : f32 to vector<400x256xf32>
    %max3A_30 = arith.maximumf %add3A_28, %max3A_29 : vector<400x256xf32>
    %max3A_31 = arith.constant 0.000000e+00 : f32
    %max3A_32 = vector.broadcast %max3A_31 : f32 to vector<400x256xf32>
    %max3A_33 = arith.maximumf %max3A_30, %max3A_32 : vector<400x256xf32>
    %abs3A = math.absf %max3A_30 : vector<400x256xf32>
    %neg3A = arith.constant 0.000000e+00 : f32
    %neg3A_34 = vector.broadcast %neg3A : f32 to vector<400x256xf32>
    %neg3A_35 = arith.subf %neg3A_34, %abs3A : vector<400x256xf32>
    %exp3A = math.exp %neg3A_35 : vector<400x256xf32>
    %log1p3A = math.log1p %exp3A : vector<400x256xf32>
    %add3A_36 = arith.addf %max3A_33, %log1p3A : vector<400x256xf32>
    %get3A_37 = arith.constant 0 : index
    %get3A_38 = arith.constant 0 : index
    %get3A_39 = vector.load %arg5[%get3A_37, %get3A_38] : memref<256x128xf32, #tpu.memory_space<vmem>>, vector<256x128xf32>
    %dot_general3A = arith.constant dense<0.000000e+00> : vector<400x128xf32>
    %dot_general3A_40 = tpu.matmul %add3A_36, %get3A_39, %dot_general3A {dimension_numbers = #tpu.dot_dimension_numbers<[1], [0], [0], [1], [0, 0, 1, 1], [], []>, transpose_lhs_hint = false} : vector<400x256xf32>, vector<256x128xf32>, vector<400x128xf32> -> vector<400x128xf32>
    %get3A_41 = arith.constant 0 : index
    %get3A_42 = arith.constant 0 : index
    %get3A_43 = vector.load %arg6[%get3A_41, %get3A_42] : memref<1x128xf32, #tpu.memory_space<vmem>>, vector<1x128xf32>
    %add3A_44 = vector.broadcast %get3A_43 : vector<1x128xf32> to vector<400x128xf32>
    %add3A_45 = arith.addf %dot_general3A_40, %add3A_44 : vector<400x128xf32>
    %max3A_46 = arith.constant 0.000000e+00 : f32
    %max3A_47 = vector.broadcast %max3A_46 : f32 to vector<400x128xf32>
    %max3A_48 = arith.maximumf %add3A_45, %max3A_47 : vector<400x128xf32>
    %abs3A_49 = math.absf %add3A_45 : vector<400x128xf32>
    %neg3A_50 = arith.constant 0.000000e+00 : f32
    %neg3A_51 = vector.broadcast %neg3A_50 : f32 to vector<400x128xf32>
    %neg3A_52 = arith.subf %neg3A_51, %abs3A_49 : vector<400x128xf32>
    %exp3A_53 = math.exp %neg3A_52 : vector<400x128xf32>
    %log1p3A_54 = math.log1p %exp3A_53 : vector<400x128xf32>
    %add3A_55 = arith.addf %max3A_48, %log1p3A_54 : vector<400x128xf32>
    %swap3A = arith.constant 0 : index
    %swap3A_56 = arith.constant 0 : index
    %swap3A_57 = vector.load %arg9[%swap3A, %swap3A_56] : memref<400x128xf32, #tpu.memory_space<vmem>>, vector<400x128xf32>
    tpu.vector_store %arg9[%swap3A, %swap3A_56], %add3A_55 {strides = array<i32>} : memref<400x128xf32, #tpu.memory_space<vmem>>, vector<400x128xf32>,
    %get3A_58 = arith.constant 0 : index
    %get3A_59 = arith.constant 0 : index
    %get3A_60 = vector.load %arg7[%get3A_58, %get3A_59] : memref<256x128xf32, #tpu.memory_space<vmem>>, vector<256x128xf32>
    %dot_general3A_61 = arith.constant dense<0.000000e+00> : vector<400x128xf32>
    %dot_general3A_62 = tpu.matmul %add3A_36, %get3A_60, %dot_general3A_61 {dimension_numbers = #tpu.dot_dimension_numbers<[1], [0], [0], [1], [0, 0, 1, 1], [], []>, transpose_lhs_hint = false} : vector<400x256xf32>, vector<256x128xf32>, vector<400x128xf32> -> vector<400x128xf32>
    %get3A_63 = arith.constant 0 : index
    %get3A_64 = arith.constant 0 : index
    %get3A_65 = vector.load %arg8[%get3A_63, %get3A_64] : memref<1x128xf32, #tpu.memory_space<vmem>>, vector<1x128xf32>
    %add3A_66 = vector.broadcast %get3A_65 : vector<1x128xf32> to vector<400x128xf32>
    %add3A_67 = arith.addf %dot_general3A_62, %add3A_66 : vector<400x128xf32>
    %max3A_68 = arith.constant 0.000000e+00 : f32
    %max3A_69 = vector.broadcast %max3A_68 : f32 to vector<400x128xf32>
    %max3A_70 = arith.maximumf %add3A_67, %max3A_69 : vector<400x128xf32>
    %abs3A_71 = math.absf %add3A_67 : vector<400x128xf32>
    %neg3A_72 = arith.constant 0.000000e+00 : f32
    %neg3A_73 = vector.broadcast %neg3A_72 : f32 to vector<400x128xf32>
    %neg3A_74 = arith.subf %neg3A_73, %abs3A_71 : vector<400x128xf32>
    %exp3A_75 = math.exp %neg3A_74 : vector<400x128xf32>
    %log1p3A_76 = math.log1p %exp3A_75 : vector<400x128xf32>
    %add3A_77 = arith.addf %max3A_70, %log1p3A_76 : vector<400x128xf32>
    %swap3A_78 = arith.constant 0 : index
    %swap3A_79 = arith.constant 0 : index
    %swap3A_80 = vector.load %arg10[%swap3A_78, %swap3A_79] : memref<400x128xf32, #tpu.memory_space<vmem>>, vector<400x128xf32>
    tpu.vector_store %arg10[%swap3A_78, %swap3A_79], %add3A_77 {strides = array<i32>} : memref<400x128xf32, #tpu.memory_space<vmem>>, vector<400x128xf32>,
    return
  }
  func.func @transform_0(%arg0: i32) -> (i32, i32) {
    %c0_i32 = arith.constant 0 : i32
    %c0_i32_0 = arith.constant 0 : i32
    return %arg0, %c0_i32 : i32, i32
  }
  func.func @transform_1(%arg0: i32) -> (i32, i32) {
    %c0_i32 = arith.constant 0 : i32
    %c0_i32_0 = arith.constant 0 : i32
    %c0_i32_1 = arith.constant 0 : i32
    return %c0_i32, %c0_i32_0 : i32, i32
  }
  func.func @transform_2(%arg0: i32) -> (i32, i32) {
    %c0_i32 = arith.constant 0 : i32
    %c0_i32_0 = arith.constant 0 : i32
    %c0_i32_1 = arith.constant 0 : i32
    return %c0_i32, %c0_i32_0 : i32, i32
  }
  func.func @transform_3(%arg0: i32) -> (i32, i32) {
    %c0_i32 = arith.constant 0 : i32
    %c0_i32_0 = arith.constant 0 : i32
    %c0_i32_1 = arith.constant 0 : i32
    return %c0_i32, %c0_i32_0 : i32, i32
  }
  func.func @transform_4(%arg0: i32) -> (i32, i32) {
    %c0_i32 = arith.constant 0 : i32
    %c0_i32_0 = arith.constant 0 : i32
    %c0_i32_1 = arith.constant 0 : i32
    return %c0_i32, %c0_i32_0 : i32, i32
  }
  func.func @transform_5(%arg0: i32) -> (i32, i32) {
    %c0_i32 = arith.constant 0 : i32
    %c0_i32_0 = arith.constant 0 : i32
    %c0_i32_1 = arith.constant 0 : i32
    return %c0_i32, %c0_i32_0 : i32, i32
  }
  func.func @transform_6(%arg0: i32) -> (i32, i32) {
    %c0_i32 = arith.constant 0 : i32
    %c0_i32_0 = arith.constant 0 : i32
    %c0_i32_1 = arith.constant 0 : i32
    return %c0_i32, %c0_i32_0 : i32, i32
  }
  func.func @transform_7(%arg0: i32) -> (i32, i32) {
    %c0_i32 = arith.constant 0 : i32
    %c0_i32_0 = arith.constant 0 : i32
    %c0_i32_1 = arith.constant 0 : i32
    return %c0_i32, %c0_i32_0 : i32, i32
  }
  func.func @transform_8(%arg0: i32) -> (i32, i32) {
    %c0_i32 = arith.constant 0 : i32
    %c0_i32_0 = arith.constant 0 : i32
    return %arg0, %c0_i32 : i32, i32
  }
  func.func @transform_9(%arg0: i32) -> (i32, i32) {
    %c0_i32 = arith.constant 0 : i32
    %c0_i32_0 = arith.constant 0 : i32
    return %arg0, %c0_i32 : i32, i32
  }
}

</mosaic_0001>

<sc_bundles>
// kernel: kernel.12.cloned.1.call-start
scs
__scs_entry_jumppad:
0x0: {  	(pc) =	sbr.rel $0x88, $3  }
0x1: {  	(tag) =	ssettag $0x0;
	lr =	simm.s32 $0x1  }
0x2: {  	[smem:$0x3F89] =	sst lr;
	_ =	strace $0xD0000000  }
0x3: {  	_ = 	snop  }
0x4: {  	_ = 	snop  }
0x5: {  	_ = 	snop  }
0x6: {  	_ = 	snop  }
0x7: {  	_ = 	snop  }
__scs_overlays_trampoline_lowered:
0x8: {  	[smem:$0x3F98] =	sst s0  }
0x9: {  	[smem:$0x3F99] =	sst s1  }
0xa: {  	[smem:$0x3F9A] =	sst s2  }
0xb: {  	[smem:$0x3F9B] =	sst s3  }
0xc: {  	[smem:$0x3F9C] =	sst s4  }
0xd: {  	[smem:$0x3F9D] =	sst s5  }
0xe: {  	[smem:$0x3F9E] =	sst s6  }
0xf: {  	[smem:$0x3F9F] =	sst s7  }
0x10: {  	[smem:$0x3FA0] =	sst s8  }
0x11: {  	[smem:$0x3FA1] =	sst s9;
	s0 =	simm.s32 @!p0 $0x0  }
0x12: {  	s1 =	sld [smem:$0x3F87];
	s0 =	simm.s32 @p0 $0x1  }
0x13: {  	[smem:$0x3FA2] =	sst s0;
	s0 =	simm.s32 @!p1 $0x0  }
0x14: {  	s2 =	sld [smem:$0x3F86];
	s0 =	simm.s32 @p1 $0x1  }
0x15: {  	[smem:$0x3FA3] =	sst s0;
	s0 =	simm.s32 @!p2 $0x0  }
0x16: {  	s3 =	sld [smem:$0x3FDB];
	s0 =	simm.s32 @p2 $0x1  }
0x17: {  	s4 =	simm.s32 $0x1BF5;
	[smem:$0x3FA5] =	sst s0  }
0x18: {  	s0 =	sld [smem:$0x3F88];
	_ =	swait.ge [sflag:s4], $0x0  }
0x19: {  	s7 =	sld [smem:$0x3F89]  }
0x1a: {  	s8 =	sadd.s32 $0xFFFFE003, lr  }
0x1b: {  	s9 =	sadd.s32 $0xFFFFFEF7, lr;
	s5 =	simm.s32 $0xFFFFFFFF;
	p2 =	slt.u32 s8, $0xFFFFF086  }
0x1c: {  	p1 =	slt.u32 s9, $0xF7A;
	s5 =	simm.s32 @!p2 $0x0  }
0x1d: {  	s5 =	simm.s32 @p1 $0x1;
	p0 =	seq.s32 s7, s2  }
0x1e: {  	s7 =	smul.u32 @!p0 $0xF7A, s2;
	p2 =	seq.s32 @!p0 s5, $0x0  }
0x1f: {  	s9 =	smul.u32 $0xF7A, s1;
	s8 =	simm.s32 @!p0 $0x1BF5;
	p2 =	por !p2, p0  }
0x20: {  	[sflag:s8] =	ssyncset.s32 @!p0 $0xFFFFF086;
	s6 =	sadd.s32 @!p0 s3, s7;
	s7 =	simm.s32 @!p0 $0x108  }
0x21: {  	s3 =	sadd.s32 s3, s9;
	s6 =	sadd.s32 @!p0 $0x88, s6;
	s7 =	simm.s32 @p2 $0x1082  }
0x22: {  	[simem:s7], [sflag:s8] =	dma.local @!p0 [hbm:s6], $0xF7A  }
0x23: {  	s9 =	sor.u32 $0xD0000000, s2;
	s6 =	simm.s32 $0x108;
	_ =	swait.ge @!p0 [sflag:s8], $0x0  }
0x24: {  	s3 =	sadd.s32 $0x88, s3;
	s6 =	simm.s32 @!p1 $0x1082;
	[sflag:s4] =	ssyncset.s32 $0xFFFFF086  }
0x25: {  	[simem:s6], [sflag:s4] =	dma.local [hbm:s3], $0xF7A  }
0x26: {  	[smem:$0x3F89] =	sst s1;
	(tag) =	ssettag s2;
	_ =	strace s9  }
0x27: {  	s1 =	sld [smem:$0x3F99]  }
0x28: {  	s2 =	sld [smem:$0x3F9A]  }
0x29: {  	s4 =	sld [smem:$0x3F9C]  }
0x2a: {  	p0 =	seq.s32 s5, $0x0;
	s5 =	sld [smem:$0x3F9D]  }
0x2b: {  	s6 =	sld [smem:$0x3F9E]  }
0x2c: {  	s7 =	sld [smem:$0x3F9F]  }
0x2d: {  	s3 =	simm.s32 $0x108;
	s8 =	sld [smem:$0x3FA0]  }
0x2e: {  	s3 =	simm.s32 @!p0 $0x1082;
	s9 =	sld [smem:$0x3FA1]  }
0x2f: {  	lr =	sadd.s32 s0, s3;
	s0 =	sld [smem:$0x3F98]  }
0x30: {  	s3 =	sld [smem:$0x3F9B]  }
0x31: {  	[smem:$0x3FA4] =	sst s10  }
0x32: {  	s10 =	sld [smem:$0x3FA2];
	_ =	sdelay $0x3  }
0x33: {  	p0 =	seq.s32 s10, $0x1;
	s10 =	sld [smem:$0x3FA4];
	_ =	sdelay $0x3  }
0x34: {  	[smem:$0x3FA4] =	sst s10  }
0x35: {  	s10 =	sld [smem:$0x3FA3];
	_ =	sdelay $0x3  }
0x36: {  	p1 =	seq.s32 s10, $0x1;
	s10 =	sld [smem:$0x3FA4];
	_ =	sdelay $0x3  }
0x37: {  	[smem:$0x3FA4] =	sst s10  }
0x38: {  	s10 =	sld [smem:$0x3FA5]  }
0x39: {  	_ = 	snop;
	(pc) =	sbr.ind lr, $3  }
0x3a: {  	_ = 	snop  }
0x3b: {  	_ = 	snop  }
0x3c: {  	p2 =	seq.s32 s10, $0x1;
	s10 =	sld [smem:$0x3FA4]  }
0x3d: {  	_ =	shalt  }
0x3e: {  	_ =	shalt  }
0x3f: {  	_ =	shalt  }
0x40: {  	_ =	shalt  }
0x41: {  	_ =	shalt  }
0x42: {  	_ =	shalt  }
0x43: {  	_ =	shalt  }
0x44: {  	_ =	shalt  }
0x45: {  	_ =	shalt  }
0x46: {  	_ =	shalt  }
0x47: {  	_ =	shalt  }
0x48: {  	_ =	shalt  }
0x49: {  	_ =	shalt  }
0x4a: {  	_ =	shalt  }
0x4b: {  	_ =	shalt  }
0x4c: {  	_ =	shalt  }
0x4d: {  	_ =	shalt  }
0x4e: {  	_ =	shalt  }
0x4f: {  	_ =	shalt  }
0x50: {  	_ =	shalt  }
0x51: {  	_ =	shalt  }
0x52: {  	_ =	shalt  }
0x53: {  	_ =	shalt  }
0x54: {  	_ =	shalt  }
0x55: {  	_ =	shalt  }
0x56: {  	_ =	shalt  }
0x57: {  	_ =	shalt  }
0x58: {  	_ =	shalt  }
0x59: {  	_ =	shalt  }
0x5a: {  	_ =	shalt  }
0x5b: {  	_ =	shalt  }
0x5c: {  	_ =	shalt  }
0x5d: {  	_ =	shalt  }
0x5e: {  	_ =	shalt  }
0x5f: {  	_ =	shalt  }
0x60: {  	_ =	shalt  }
0x61: {  	_ =	shalt  }
0x62: {  	_ =	shalt  }
0x63: {  	_ =	shalt  }
0x64: {  	_ =	shalt  }
0x65: {  	_ =	shalt  }
0x66: {  	_ =	shalt  }
0x67: {  	_ =	shalt  }
0x68: {  	_ =	shalt  }
0x69: {  	_ =	shalt  }
0x6a: {  	_ =	shalt  }
0x6b: {  	_ =	shalt  }
0x6c: {  	_ =	shalt  }
0x6d: {  	_ =	shalt  }
0x6e: {  	_ =	shalt  }
0x6f: {  	_ =	shalt  }
0x70: {  	_ =	shalt  }
0x71: {  	_ =	shalt  }
0x72: {  	_ =	shalt  }
0x73: {  	_ =	shalt  }
0x74: {  	_ =	shalt  }
0x75: {  	_ =	shalt  }
0x76: {  	_ =	shalt  }
0x77: {  	_ =	shalt  }
0x78: {  	_ =	shalt  }
0x79: {  	_ =	shalt  }
0x7a: {  	_ =	shalt  }
0x7b: {  	_ =	shalt  }
0x7c: {  	_ =	shalt  }
0x7d: {  	_ =	shalt  }
0x7e: {  	_ =	shalt  }
0x7f: {  	_ =	shalt  }
0x80: {  	_ =	shalt  }
0x81: {  	_ =	shalt  }
0x82: {  	_ =	shalt  }
0x83: {  	_ =	shalt  }
0x84: {  	_ =	shalt  }
0x85: {  	_ =	shalt  }
0x86: {  	_ =	shalt  }
0x87: {  	_ =	shalt  }
.Lfunc_end0:
.L_simem_size_0:
called_computation.1_lowered:
.L_overlay_start_0:
0x88: {  	s2 =	sld [smem:$0x3FD9]  }
0x89: {  	s3 =	sld [smem:$0x3FFE];
	_ =	sdelay $0x1  }
0x8a: {  	s1 =	srdreg.scid  }
0x8b: {  	s0 =	sand.u32 $0x1, s1  }
0x8c: {  	s14 =	sshll.u32 s0, $0xA;
	s2 =	sadd.s32 s3, s2  }
0x8d: {  	s2 =	sadd.s32 s2, s14  }
0x8e: {  	[smem:$0x3FB0] =	sst s2  }
0x8f: {  	_ = 	snop  }
0x90: {  	s2 =	sld [smem:$0x3FD0];
	_ =	sdelay $0x2  }
0x91: {  	s15 =	simm.s32 $0xA;
	s4 =	simm.s32 $0x10  }
0x92: {  	[smem:s4], [sflag:s15] =	dma.local [hbm:s2], $0x1  }
0x93: {  	_ =	swait.eq [sflag:s15], $0x1  }
0x94: {  	[sflag:s15] =	ssyncset.done $0x0  }
0x95: {  	s16 =	sld [smem:$0x10];
	[sflag:s15] =	ssyncadd.s32 $0xFFFFFFFF  }
0x96: {  	s17 =	sld [smem:$0x12];
	(tm) =	ssettm $0x1  }
0x97: {  	s18 =	sld [smem:$0x3FFB];
	_ =	sdelay $0x3  }
0x98: {  	_ =	strace s18  }
0x99: {  	s4 =	sld [smem:$0x3FFC];
	_ =	sdelay $0x3  }
0x9a: {  	_ =	strace s4  }
0x9b: {  	s4 =	sld [smem:$0x3FFD];
	_ =	sdelay $0x3  }
0x9c: {  	_ =	strace s4  }
0x9d: {  	_ =	strace $0x8FFFFFFF  }
0x9e: {  	s19 =	sld [smem:$0x3FDB];
	_ =	sdelay $0x1  }
0x9f: {  	s5 =	simm.s32 $_scs_section_size  }
0xa0: {  	s6 =	simm.s32 $_size__tile_overlayer_lowered;
	s7 =	simm.s32 $_tile_overlayer_lowered  }
0xa1: {  	s22 =	simm.s32 $0x1BFF;
	s21 =	sshll.u32 s7, $0x1;
	s4 =	sadd.s32 s5, s19  }
0xa2: {  	s8 =	simm.s32 $0x0;
	s20 =	sshll.u32 s6, $0x1;
	s6 =	sadd.s32 s21, s4  }
0xa3: {  	[timem:s8], [sflag:s22] =	dma.local [hbm:s6], s20  }
0xa4: {  	_ =	swait.ge [sflag:s22], s20  }
0xa5: {  	s5 =	ssub.s32 $0x0, s20;
	[sflag:s22] =	ssyncset.done $0x0  }
0xa6: {  	[sflag:s22] =	ssyncadd.s32 s5;
	_ =	sdelay $0x1  }
0xa7: {  	s23 =	simm.s32 $0x1B8B  }
0xa8: {  	_ =	swait.ge [sflag:s23], $0x1  }
0xa9: {  	[sflag:s23] =	ssyncset.done $0x0  }
0xaa: {  	s25 =	simm.s32 $0x1B8E;
	s24 =	sld [smem:$0x3FFE];
	[sflag:s23] =	ssyncadd.s32 $0xFFFFFFFF  }
0xab: {  	s26 =	simm.s32 $execute0_lowered;
	[smem:$0x3FD2] =	sst s25  }
0xac: {  	s6 =	sshll.u32 s26, $0x1;
	_ =	strace $0x80000049;
	[dreg:$0x1] =	wrdreg $0xFFFFFFFF  }
0xad: {  	s28 =	simm.s32 $_size_execute0_lowered;
	s4 =	sadd.s32 s4, s6;
	[dreg:$0x0] =	wrdreg $0x0  }
0xae: {  	s6 =	sshll.u32 s28, $0x1;
	[dreg:$0x2] =	wrdreg s4  }
0xaf: {  	[dreg:$0x3] =	wrdreg s6  }
0xb0: {  	[dreg:$0x4] =	wrdreg $0xC0  }
0xb1: {  	_ =	task [dreg:s8], $0x5FFFF  }
0xb2: {  	[dreg:$0x1] =	wrdreg $0xFFFFFFFF  }
0xb3: {  	[dreg:$0x0] =	wrdreg $0x60  }
0xb4: {  	[dreg:$0x2] =	wrdreg s16  }
0xb5: {  	[dreg:$0x3] =	wrdreg s24  }
0xb6: {  	[dreg:$0x4] =	wrdreg s17  }
0xb7: {  	[dreg:$0x5] =	wrdreg $0x0  }
0xb8: {  	[dreg:$0x6] =	wrdreg $0x9  }
0xb9: {  	_ =	task.clear_ibuf [dreg:s8], $0x7FFFF;
	_ =	strace $0x90000049  }
0xba: {  	s29 =	simm.s32 $0x9;
	_ =	strace $0x8000004B  }
0xbb: {  	_ =	swait.ge [sflag:s29], $0x1  }
0xbc: {  	[sflag:s29] =	ssyncadd.s32 $0xFFFFFFFF  }
0xbd: {  	_ =	strace $0x9000004B  }
0xbe: {  	_ =	sfence  }
0xbf: {  	s30 =	sld [smem:$0x0];
	_ =	sdelay $0x2  }
0xc0: {  	s31 =	sshll.u32 s1, $0xD;
	s1 =	sshrl.u32 s1, $0x2  }
0xc1: {  	s3 =	sand.u32 $0x4000, s31;
	s1 =	sadd.s32 s1, s30  }
0xc2: {  	s0 =	sor.u32 s3, s0;
	s1 =	sshll.u32 s1, $0x11  }
0xc3: {  	s0 =	sor.u32 s1, s0  }
0xc4: {  	s0 =	sadd.s32 $0x8F2B, s0  }
0xc5: {  	[sflag:s0] =	ssyncadd.remote.s32 $0x1  }
0xc6: {  	_ =	sfence.sel $0xFFFF  }
0xc7: {  	[dreg:$0x0] =	wrdreg $0xFFFFFFFF;
	(pc) =	sbr.abs _section_cstart, $3  }
0xc8: {  	[dreg:$0x1] =	wrdreg $0xFFFFFFFF  }
0xc9: {  	_ =	task.clear_ibuf [dreg:s8], $0x2FFFF;
	_ =	strace $0x9FFFFFFF  }
0xca: {  	(tm) =	ssettm $0x7FFFFFFF  }
0xcb: {  	_ =	shalt  }
tec
execute0_lowered:
.L_overlay_start_1:
0x0: {  	(tag) =	ssettag $0x1  }
0x1: {  	s1 =	rddreg [dreg:$0x0]  }
0x2: {  	s0 =	rddreg [dreg:$0x1]  }
0x3: {  	s3 =	rddreg [dreg:$0x2]  }
0x4: {  	s2 =	rddreg [dreg:$0x3];
	s4 =	simm.s32 $0x0  }
0x5: {  	s5 =	srdreg.scid;
	s16 =	stileid.u32;
	s28 =	simm.s32 $0xA400  }
0x6: {  	s29 =	simm.s32 $0xA500;
	s30 =	simm.s32 $0x1;
	s31 =	simm.s32 $0x50  }
0x7: {  	[smem:$0x7FF] =	sst s4;
	s6 =	sadd.s32 $0x4600, s0;
	s7 =	smul.u32 $0x148, s16  }
0x8: {  	s5 =	sand.u32 $0x1, s5;
	s8 =	sadd.s32 $0xE400, s0;
	s10 =	smul.u32 $0x1480, s16  }
0x9: {  	s14 =	sadd.s32 $0x36400, s0;
	s12 =	smul.u32 $0x29000, s16;
	s9 =	ssub.s32 $0x2, s5  }
0xa: {  	s26 =	smul.u32 $0x4E20, s16;
	_ =	strace $0x8000004A;
	s11 =	sshrl.u32 s9, $0x1  }
0xb: {  	s21 =	sadd.s32 $0xA0, s7;
	s10 =	sadd.s32 s8, s10;
	s22 =	sshrl.u32 s12, $0x2  }
0xc: {  	s7 =	sadd.s32 $0x140, s7;
	s12 =	smul.u32 $0x140, s16;
	s17 =	ssub.s32 s9, s11  }
0xd: {  	s9 =	smul.u32 $0x1400, s5;
	[dreg:$0x5] =	wrdreg s10;
	s23 =	sshll.u32 s21, $0x4  }
0xe: {  	s10 =	sadd.s32 s22, s2;
	s5 =	sshll.u32 s21, $0x7;
	s25 =	sshll.u32 s7, $0x4  }
0xf: {  	s11 =	sshrl.u32 s26, $0x3;
	s22 =	smul.u32 $0x9C4, s16;
	[dreg:$0x6] =	wrdreg s10  }
0x10: {  	s24 =	sadd.s32 s8, s23;
	s5 =	sadd.s32 s5, s2;
	s8 =	sadd.s32 s8, s25  }
0x11: {  	s10 =	sshll.u32 s7, $0x7;
	s15 =	sadd.s32 s6, s11;
	[dreg:$0x7] =	wrdreg s24  }
0x12: {  	s18 =	sadd.s32 $0xA, s11;
	s26 =	smax.u32 s17, $0x1;
	[dreg:$0x8] =	wrdreg s5  }
0x13: {  	s17 =	simm.s32 $0xA580;
	s7 =	simm.s32 $0xA780;
	[dreg:$0x9] =	wrdreg s8  }
0x14: {  	s5 =	sadd.s32 s10, s2;
	[dreg:$0xb] =	wrdreg s15;
	s15 =	smul.u32 $0x28000, s16  }
0x15: {  	s13 =	sadd.s32 s6, s18;
	s19 =	sadd.s32 s12, s9;
	[dreg:$0x11] =	wrdreg s26  }
0x16: {  	s26 =	simm.s32 $0x5;
	s8 =	simm.s32 $0x0;
	[dreg:$0xa] =	wrdreg s5  }
0x17: {  	s5 =	sadd.s32 s3, s11;
	s21 =	sshll.u32 s19, $0x4;
	s19 =	sadd.s32 s22, s3  }
0x18: {  	[dreg:$0xc] =	wrdreg s5;
	s20 =	sshrl.u32 s15, $0x2;
	s15 =	sadd.s32 s3, s18  }
0x19: {  	s23 =	sadd.s32 s14, s21;
	[dreg:$0xd] =	wrdreg s21;
	s24 =	sadd.s32 $0xA00, s21  }
0x1a: {  	s3 =	simm.s32 $0xA480;
	s18 =	simm.s32 $0xD000;
	s5 =	simm.s32 $0xA700  }
.Ltmp0:
0x1b: {  	s16 =	sadd.s32 s20, s2;
	[dreg:$0xe] =	wrdreg s23;
	(pc) =	sbr.rel .LBB2_1-.Ltmp0, $4  }
0x1c: {  	s20 =	sadd.s32 s22, s6;
	[dreg:$0xf] =	wrdreg s24;
	s25 =	sadd.s32 s14, s24  }
0x1d: {  	s23 =	sadd.s32 $0x5E400, s0;
	s0 =	simm.s32 $0xA600;
	s22 =	simm.s32 $0x2  }
0x1e: {  	s24 =	simm.s32 $0xA680;
	s14 =	simm.s32 $0x3;
	s6 =	simm.s32 $0x4  }
0x1f: {  	v0 =	vmov s9;
	s21 =	sadd.s32 $0x5000, s16;
	[dreg:$0x10] =	wrdreg s25;
	s25 =	simm.s32 $0xA800  }
.LBB2_11:
0x20: {  	[bflag:$0x0] =	sbarrier.arrive $0xFFFF  }
0x21: {  	[tilespmem:s25], [sflag:$0x5] =	stream.linear.gather [spmem:s16], $0x5000, $0x38;
	[tilespmem:$0xF800] =	vst v63  }
0x22: {  	_ =	swait.ge [sflag:s26], $0x5000  }
0x23: {  	[sflag:s26] =	ssyncset.done $0x0;
	s9 =	rddreg [dreg:$0xd]  }
0x24: {  	[sflag:s26] =	ssyncadd.s32 $0xFFFFB000;
	s9 =	sadd.s32 s9, s23  }
0x25: {  	[hbm4b:s9+s4] =	stream.linear.scatter [tilespmem:s25], [sflag:$0x5], $0x5000, $0x38;
	[tilespmem:$0xF800] =	vst v63  }
0x26: {  	_ =	swait.ge [sflag:s26], $0x5000  }
0x27: {  	[sflag:s26] =	ssyncset.done $0x0  }
0x28: {  	[sflag:s26] =	ssyncadd.s32 $0xFFFFB000  }
0x29: {  	[tilespmem:s25], [sflag:$0x5] =	stream.linear.gather [spmem:s21], $0x5000, $0x38;
	[tilespmem:$0xF800] =	vst v63  }
0x2a: {  	_ =	swait.ge [sflag:s26], $0x5000  }
0x2b: {  	[sflag:s26] =	ssyncset.done $0x0;
	s11 =	rddreg [dreg:$0xf]  }
0x2c: {  	[sflag:s26] =	ssyncadd.s32 $0xFFFFB000;
	s9 =	sadd.s32 s11, s23  }
0x2d: {  	[hbm4b:s9+s4] =	stream.linear.scatter [tilespmem:s25], [sflag:$0x5], $0x5000, $0x38;
	[tilespmem:$0xF800] =	vst v63  }
0x2e: {  	_ =	swait.ge [sflag:s26], $0x5000  }
0x2f: {  	s8 =	sadd.s32 $0x1, s8;
	s12 =	rddreg [dreg:$0x11]  }
0x30: {  	p0 =	sne.s32 s8, s12  }
.Ltmp1:
0x31: {  	_ = 	snop;
	(pc) =	sbr.rel @!p0 .LBB2_12-.Ltmp1, $3  }
0x32: {  	[sflag:s26] =	ssyncset.done $0x0  }
0x33: {  	[sflag:s26] =	ssyncadd.s32 $0xFFFFB000  }
0x34: {  	[bflag:$0x0] =	sbarrier.arrive $0xFFFF;
	_ =	sdelay $0x1  }
.LBB2_1:
0x35: {  	s9 =	rddreg [dreg:$0x5]  }
0x36: {  	[tilespmem:s25], [sflag:$0x5] =	stream.linear.gather [hbm4b:s9+s4], $0x5000, $0x38;
	[tilespmem:$0xF800] =	vst v63  }
0x37: {  	_ =	swait.ge [sflag:s26], $0x5000  }
0x38: {  	[sflag:s26] =	ssyncset.done $0x0  }
0x39: {  	s12 =	rddreg [dreg:$0x6];
	[sflag:s26] =	ssyncadd.s32 $0xFFFFB000  }
0x3a: {  	[spmem:s12] =	stream.linear.scatter [tilespmem:s25], [sflag:$0x5], $0x5000, $0x38;
	[tilespmem:$0xF800] =	vst v63  }
0x3b: {  	_ =	swait.ge [sflag:s26], $0x5000  }
0x3c: {  	[sflag:s26] =	ssyncset.done $0x0  }
0x3d: {  	s10 =	rddreg [dreg:$0x7];
	[sflag:s26] =	ssyncadd.s32 $0xFFFFB000  }
0x3e: {  	[tilespmem:s25], [sflag:$0x5] =	stream.linear.gather [hbm4b:s10+s4], $0x5000, $0x38;
	[tilespmem:$0xF800] =	vst v63  }
0x3f: {  	_ =	swait.ge [sflag:s26], $0x5000  }
0x40: {  	[sflag:s26] =	ssyncset.done $0x0  }
0x41: {  	s11 =	rddreg [dreg:$0x8];
	[sflag:s26] =	ssyncadd.s32 $0xFFFFB000  }
0x42: {  	[spmem:s11] =	stream.linear.scatter [tilespmem:s25], [sflag:$0x5], $0x5000, $0x38;
	[tilespmem:$0xF800] =	vst v63  }
0x43: {  	_ =	swait.ge [sflag:s26], $0x5000  }
0x44: {  	[sflag:s26] =	ssyncset.done $0x0  }
0x45: {  	s12 =	rddreg [dreg:$0x9];
	[sflag:s26] =	ssyncadd.s32 $0xFFFFB000  }
0x46: {  	[tilespmem:s25], [sflag:$0x5] =	stream.linear.gather [hbm4b:s12+s4], $0x400, $0x38;
	[tilespmem:$0xF800] =	vst v63  }
0x47: {  	_ =	swait.ge [sflag:s26], $0x400  }
0x48: {  	[sflag:s26] =	ssyncset.done $0x0  }
0x49: {  	s10 =	rddreg [dreg:$0xa];
	[sflag:s26] =	ssyncadd.s32 $0xFFFFFC00  }
0x4a: {  	[spmem:s10] =	stream.linear.scatter [tilespmem:s25], [sflag:$0x5], $0x400, $0x38;
	[tilespmem:$0xF800] =	vst v63  }
0x4b: {  	_ =	swait.ge [sflag:s26], $0x400  }
0x4c: {  	[sflag:s26] =	ssyncset.done $0x0  }
0x4d: {  	[sflag:s26] =	ssyncadd.s32 $0xFFFFFC00  }
0x4e: {  	[bflag:$0x0] =	sbarrier.arrive $0xFFFF  }
0x4f: {  	s11 =	rddreg [dreg:$0xb]  }
0x50: {  	[tilespmem:s28], [sflag:$0x1] =	stream.linear.gather [hbm4b:s11+s4], $0x50, $0x38;
	[tilespmem:$0xF800] =	vst v63  }
0x51: {  	s12 =	rddreg [dreg:$0xc]  }
0x52: {  	[tilespmem:s29], [sflag:$0x1] =	stream.linear.gather [hbm4b:s12+s4], $0x50, $0x38;
	[tilespmem:$0xF800] =	vst v63  }
0x53: {  	_ =	swait.ge [sflag:s30], $0x50  }
0x54: {  	[sflag:s30] =	ssyncset.done $0x0  }
0x55: {  	[sflag:s30] =	ssyncadd.s32 $0xFFFFFFB0  }
0x56: {  	_ =	swait.ge [sflag:s30], $0x50  }
0x57: {  	[sflag:s30] =	ssyncset.done $0x0  }
0x58: {  	[sflag:s30] =	ssyncadd.s32 $0xFFFFFFB0  }
0x59: {  	v1 =	vld [tilespmem:$0xA400]  }
0x5a: {  	v2 =	vld [tilespmem:$0xA500]  }
0x5b: {  	v3 =	vld [tilespmem:$0xA410]  }
0x5c: {  	v4 =	vld [tilespmem:$0xA510]  }
0x5d: {  	v5 =	vld [tilespmem:$0xA420]  }
0x5e: {  	v6 =	vld [tilespmem:$0xA520]  }
0x5f: {  	v7 =	vld [tilespmem:$0xA430];
	v1 =	vshll.u32 v1, $0x1;
	v2 =	vsub.s32 v2, v0  }
0x60: {  	[tilespmem:$0xA600] =	vst v1;
	v1 =	vmin.u32 v2, $0x1400;
	v2 =	vld [tilespmem:$0xA530]  }
0x61: {  	v62 =	vld [tilespmem:$0xA440];
	[tilespmem:$0xA700] =	vst v1;
	v1 =	vshll.u32 v3, $0x1;
	v3 =	vsub.s32 v4, v0  }
0x62: {  	[tilespmem:$0xA610] =	vst v1;
	v1 =	vmin.u32 v3, $0x1400;
	v3 =	vld [tilespmem:$0xA540]  }
0x63: {  	v63 =	vsub.s32 v6, v0;
	[tilespmem:$0xA710] =	vst v1;
	v1 =	vshll.u32 v5, $0x1  }
0x64: {  	[tilespmem:$0xA620] =	vst v1;
	v1 =	vmin.u32 v63, $0x1400  }
0x65: {  	[tilespmem:$0xA720] =	vst v1;
	v1 =	vshll.u32 v7, $0x1;
	v2 =	vsub.s32 v2, v0  }
0x66: {  	[tilespmem:$0xA630] =	vst v1;
	v1 =	vmin.u32 v2, $0x1400  }
0x67: {  	[tilespmem:$0xA730] =	vst v1;
	v1 =	vshll.u32 v62, $0x1;
	v2 =	vsub.s32 v3, v0  }
0x68: {  	[tilespmem:$0xA640] =	vst v1;
	v1 =	vmin.u32 v2, $0x1400  }
0x69: {  	[tilespmem:$0xA740] =	vst v1  }
0x6a: {  	[tilespmem:s25], [sflag:$0x3] =	stream.indirect.gather [hbm4b:s1+s31], $0x80, s0, s31, $0xb8;
	[tilespmem:$0xF800] =	vst v63  }
.Ltmp2:
0x6b: {  	_ = 	snop;
	(pc) =	sbr.rel .LBB2_2-.Ltmp2, $4  }
0x6c: {  	_ = 	snop  }
0x6d: {  	[tilespmem:s3], [sflag:$0x2] =	stream.linear.gather [hbm4b:s13+s4], $0x50, $0x38;
	[tilespmem:$0xF800] =	vst v63  }
0x6e: {  	s9 =	simm.s32 $0x0  }
0x6f: {  	[tilespmem:s17], [sflag:$0x2] =	stream.linear.gather [hbm4b:s15+s4], $0x50, $0x38;
	[tilespmem:$0xF800] =	vst v63  }
.LBB2_4:
0x70: {  	_ =	swait.ge [sflag:s14], $0x2800  }
0x71: {  	[sflag:s14] =	ssyncset.done $0x0  }
0x72: {  	[sflag:s14] =	ssyncadd.s32 $0xFFFFD800  }
0x73: {  	[spmem:s2] =	stream.indirect.scatter.add.f32 [tilespmem:s25], [sflag:$0x5], $0x80, s5, s31, $0xb8;
	[tilespmem:$0xF800] =	vst v63  }
0x74: {  	_ =	swait.ge [sflag:s26], $0x2800  }
0x75: {  	[sflag:s26] =	ssyncset.done $0x0  }
0x76: {  	[sflag:s26] =	ssyncadd.s32 $0xFFFFD800  }
.LBB2_5:
0x77: {  	_ =	swait.ge [sflag:s6], $0x2800;
	s9 =	sadd.s32 $0x14, s9  }
0x78: {  	[sflag:s6] =	ssyncset.done $0x0;
	p0 =	sne.s32 s9, $0x9C4  }
.Ltmp3:
0x79: {  	[sflag:s6] =	ssyncadd.s32 $0xFFFFD800;
	(pc) =	sbr.rel @!p0 .LBB2_6-.Ltmp3, $4  }
0x7a: {  	[spmem:s2] =	stream.indirect.scatter.add.f32 [tilespmem:s18], [sflag:$0x5], $0x80, s7, s31, $0xb8;
	[tilespmem:$0xF800] =	vst v63  }
0x7b: {  	_ =	swait.ge [sflag:s26], $0x2800  }
0x7c: {  	[sflag:s26] =	ssyncset.done $0x0  }
0x7d: {  	[sflag:s26] =	ssyncadd.s32 $0xFFFFD800  }
.LBB2_2:
0x7e: {  	_ =	swait.ge [sflag:s22], $0x50  }
0x7f: {  	[sflag:s22] =	ssyncset.done $0x0  }
0x80: {  	[sflag:s22] =	ssyncadd.s32 $0xFFFFFFB0  }
0x81: {  	_ =	swait.ge [sflag:s22], $0x50  }
0x82: {  	[sflag:s22] =	ssyncset.done $0x0  }
0x83: {  	[sflag:s22] =	ssyncadd.s32 $0xFFFFFFB0  }
0x84: {  	v1 =	vld [tilespmem:$0xA480]  }
0x85: {  	v2 =	vld [tilespmem:$0xA580]  }
0x86: {  	v3 =	vld [tilespmem:$0xA490]  }
0x87: {  	v4 =	vld [tilespmem:$0xA590]  }
0x88: {  	v5 =	vld [tilespmem:$0xA4A0]  }
0x89: {  	v6 =	vld [tilespmem:$0xA5A0]  }
0x8a: {  	v7 =	vld [tilespmem:$0xA4B0];
	v1 =	vshll.u32 v1, $0x1;
	v2 =	vsub.s32 v2, v0  }
0x8b: {  	[tilespmem:$0xA680] =	vst v1;
	v1 =	vmin.u32 v2, $0x1400;
	v2 =	vld [tilespmem:$0xA5B0]  }
0x8c: {  	v62 =	vld [tilespmem:$0xA4C0];
	[tilespmem:$0xA780] =	vst v1;
	v1 =	vshll.u32 v3, $0x1;
	v3 =	vsub.s32 v4, v0  }
0x8d: {  	[tilespmem:$0xA690] =	vst v1;
	v1 =	vmin.u32 v3, $0x1400;
	v3 =	vld [tilespmem:$0xA5C0]  }
0x8e: {  	v63 =	vsub.s32 v6, v0;
	[tilespmem:$0xA790] =	vst v1;
	v1 =	vshll.u32 v5, $0x1  }
0x8f: {  	[tilespmem:$0xA6A0] =	vst v1;
	v1 =	vmin.u32 v63, $0x1400  }
0x90: {  	p0 =	seq.s32 s9, $0x9B0;
	[tilespmem:$0xA7A0] =	vst v1;
	v1 =	vshll.u32 v7, $0x1;
	v2 =	vsub.s32 v2, v0  }
.Ltmp4:
0x91: {  	[tilespmem:$0xA6B0] =	vst v1;
	v1 =	vmin.u32 v2, $0x1400;
	(pc) =	sbr.rel @p0 .LBB2_4-.Ltmp4, $4  }
0x92: {  	[tilespmem:$0xA7B0] =	vst v1;
	v1 =	vshll.u32 v62, $0x1;
	v2 =	vsub.s32 v3, v0  }
0x93: {  	[tilespmem:$0xA6C0] =	vst v1;
	v1 =	vmin.u32 v2, $0x1400  }
0x94: {  	[tilespmem:$0xA7C0] =	vst v1  }
0x95: {  	[tilespmem:s18], [sflag:$0x4] =	stream.indirect.gather [hbm4b:s1+s31], $0x80, s24, s31, $0xb8;
	[tilespmem:$0xF800] =	vst v63  }
0x96: {  	s10 =	sadd.s32 s9, s20  }
0x97: {  	s11 =	sadd.s32 $0x14, s10  }
0x98: {  	[tilespmem:s28], [sflag:$0x1] =	stream.linear.gather [hbm4b:s11+s4], $0x50, $0x38;
	[tilespmem:$0xF800] =	vst v63  }
0x99: {  	s11 =	sadd.s32 s9, s19  }
0x9a: {  	s12 =	sadd.s32 $0x14, s11  }
0x9b: {  	[tilespmem:s29], [sflag:$0x1] =	stream.linear.gather [hbm4b:s12+s4], $0x50, $0x38;
	[tilespmem:$0xF800] =	vst v63  }
0x9c: {  	_ =	swait.ge [sflag:s14], $0x2800  }
0x9d: {  	[sflag:s14] =	ssyncset.done $0x0  }
0x9e: {  	[sflag:s14] =	ssyncadd.s32 $0xFFFFD800  }
0x9f: {  	[spmem:s2] =	stream.indirect.scatter.add.f32 [tilespmem:s25], [sflag:$0x5], $0x80, s5, s31, $0xb8;
	[tilespmem:$0xF800] =	vst v63  }
0xa0: {  	_ =	swait.ge [sflag:s26], $0x2800  }
0xa1: {  	[sflag:s26] =	ssyncset.done $0x0  }
0xa2: {  	[sflag:s26] =	ssyncadd.s32 $0xFFFFD800  }
0xa3: {  	_ =	swait.ge [sflag:s30], $0x50  }
0xa4: {  	[sflag:s30] =	ssyncset.done $0x0  }
0xa5: {  	[sflag:s30] =	ssyncadd.s32 $0xFFFFFFB0  }
0xa6: {  	_ =	swait.ge [sflag:s30], $0x50  }
0xa7: {  	[sflag:s30] =	ssyncset.done $0x0  }
0xa8: {  	[sflag:s30] =	ssyncadd.s32 $0xFFFFFFB0  }
0xa9: {  	v1 =	vld [tilespmem:$0xA400]  }
0xaa: {  	v2 =	vld [tilespmem:$0xA500]  }
0xab: {  	v3 =	vld [tilespmem:$0xA410]  }
0xac: {  	v4 =	vld [tilespmem:$0xA510]  }
0xad: {  	v5 =	vld [tilespmem:$0xA420]  }
0xae: {  	v6 =	vld [tilespmem:$0xA520]  }
0xaf: {  	v7 =	vld [tilespmem:$0xA430];
	v1 =	vshll.u32 v1, $0x1;
	v2 =	vsub.s32 v2, v0  }
0xb0: {  	[tilespmem:$0xA600] =	vst v1;
	v1 =	vmin.u32 v2, $0x1400;
	v2 =	vld [tilespmem:$0xA530]  }
0xb1: {  	v62 =	vld [tilespmem:$0xA440];
	[tilespmem:$0xA700] =	vst v1;
	v1 =	vshll.u32 v3, $0x1;
	v3 =	vsub.s32 v4, v0  }
0xb2: {  	[tilespmem:$0xA610] =	vst v1;
	v1 =	vmin.u32 v3, $0x1400;
	v3 =	vld [tilespmem:$0xA540]  }
0xb3: {  	v63 =	vsub.s32 v6, v0;
	[tilespmem:$0xA710] =	vst v1;
	v1 =	vshll.u32 v5, $0x1  }
0xb4: {  	[tilespmem:$0xA620] =	vst v1;
	v1 =	vmin.u32 v63, $0x1400  }
0xb5: {  	[tilespmem:$0xA720] =	vst v1;
	v1 =	vshll.u32 v7, $0x1;
	v2 =	vsub.s32 v2, v0  }
0xb6: {  	[tilespmem:$0xA630] =	vst v1;
	v1 =	vmin.u32 v2, $0x1400  }
0xb7: {  	[tilespmem:$0xA730] =	vst v1;
	v1 =	vshll.u32 v62, $0x1;
	v2 =	vsub.s32 v3, v0  }
0xb8: {  	[tilespmem:$0xA640] =	vst v1;
	v1 =	vmin.u32 v2, $0x1400  }
0xb9: {  	[tilespmem:$0xA740] =	vst v1  }
0xba: {  	[tilespmem:s25], [sflag:$0x3] =	stream.indirect.gather [hbm4b:s1+s31], $0x80, s0, s31, $0xb8;
	[tilespmem:$0xF800] =	vst v63  }
.Ltmp5:
0xbb: {  	_ = 	snop;
	(pc) =	sbr.rel .LBB2_5-.Ltmp5, $4  }
0xbc: {  	s10 =	sadd.s32 $0x1E, s10  }
0xbd: {  	[tilespmem:s3], [sflag:$0x2] =	stream.linear.gather [hbm4b:s10+s4], $0x50, $0x38;
	[tilespmem:$0xF800] =	vst v63  }
0xbe: {  	s12 =	sadd.s32 $0x1E, s11  }
0xbf: {  	[tilespmem:s17], [sflag:$0x2] =	stream.linear.gather [hbm4b:s12+s4], $0x50, $0x38;
	[tilespmem:$0xF800] =	vst v63  }
.LBB2_6:
0xc0: {  	[bflag:$0x0] =	sbarrier.arrive $0xFFFF  }
0xc1: {  	[tilespmem:s25], [sflag:$0x5] =	stream.linear.gather [spmem:s16], $0x5000, $0x38;
	[tilespmem:$0xF800] =	vst v63  }
0xc2: {  	_ =	swait.ge [sflag:s26], $0x5000  }
0xc3: {  	[sflag:s26] =	ssyncset.done $0x0  }
0xc4: {  	s9 =	simm.s32 $0x0;
	s10 =	rddreg [dreg:$0xe];
	[sflag:s26] =	ssyncadd.s32 $0xFFFFB000  }
0xc5: {  	[hbm4b:s10+s9] =	stream.linear.scatter [tilespmem:s25], [sflag:$0x5], $0x5000, $0x38;
	[tilespmem:$0xF800] =	vst v63  }
0xc6: {  	_ =	swait.ge [sflag:s26], $0x5000  }
0xc7: {  	[sflag:s26] =	ssyncset.done $0x0  }
0xc8: {  	[sflag:s26] =	ssyncadd.s32 $0xFFFFB000  }
0xc9: {  	[tilespmem:s25], [sflag:$0x5] =	stream.linear.gather [spmem:s21], $0x5000, $0x38;
	[tilespmem:$0xF800] =	vst v63  }
0xca: {  	_ =	swait.ge [sflag:s26], $0x5000  }
0xcb: {  	[sflag:s26] =	ssyncset.done $0x0  }
0xcc: {  	s12 =	rddreg [dreg:$0x10];
	[sflag:s26] =	ssyncadd.s32 $0xFFFFB000  }
0xcd: {  	[hbm4b:s12+s9] =	stream.linear.scatter [tilespmem:s25], [sflag:$0x5], $0x5000, $0x38;
	[tilespmem:$0xF800] =	vst v63  }
0xce: {  	_ =	swait.ge [sflag:s26], $0x5000  }
0xcf: {  	[sflag:s26] =	ssyncset.done $0x0  }
0xd0: {  	[sflag:s26] =	ssyncadd.s32 $0xFFFFB000  }
0xd1: {  	[bflag:$0x0] =	sbarrier.arrive $0xFFFF  }
0xd2: {  	s11 =	rddreg [dreg:$0x5]  }
0xd3: {  	[tilespmem:s25], [sflag:$0x5] =	stream.linear.gather [hbm4b:s11+s9], $0x5000, $0x38;
	[tilespmem:$0xF800] =	vst v63  }
0xd4: {  	_ =	swait.ge [sflag:s26], $0x5000  }
0xd5: {  	[sflag:s26] =	ssyncset.done $0x0  }
0xd6: {  	s12 =	rddreg [dreg:$0x6];
	[sflag:s26] =	ssyncadd.s32 $0xFFFFB000  }
0xd7: {  	[spmem:s12] =	stream.linear.scatter [tilespmem:s25], [sflag:$0x5], $0x5000, $0x38;
	[tilespmem:$0xF800] =	vst v63  }
0xd8: {  	_ =	swait.ge [sflag:s26], $0x5000  }
0xd9: {  	[sflag:s26] =	ssyncset.done $0x0  }
0xda: {  	s11 =	rddreg [dreg:$0x7];
	[sflag:s26] =	ssyncadd.s32 $0xFFFFB000  }
0xdb: {  	[tilespmem:s25], [sflag:$0x5] =	stream.linear.gather [hbm4b:s11+s9], $0x5000, $0x38;
	[tilespmem:$0xF800] =	vst v63  }
0xdc: {  	_ =	swait.ge [sflag:s26], $0x5000  }
0xdd: {  	[sflag:s26] =	ssyncset.done $0x0  }
0xde: {  	s12 =	rddreg [dreg:$0x8];
	[sflag:s26] =	ssyncadd.s32 $0xFFFFB000  }
0xdf: {  	[spmem:s12] =	stream.linear.scatter [tilespmem:s25], [sflag:$0x5], $0x5000, $0x38;
	[tilespmem:$0xF800] =	vst v63  }
0xe0: {  	_ =	swait.ge [sflag:s26], $0x5000  }
0xe1: {  	[sflag:s26] =	ssyncset.done $0x0  }
0xe2: {  	s11 =	rddreg [dreg:$0x9];
	[sflag:s26] =	ssyncadd.s32 $0xFFFFB000  }
0xe3: {  	[tilespmem:s25], [sflag:$0x5] =	stream.linear.gather [hbm4b:s11+s9], $0x400, $0x38;
	[tilespmem:$0xF800] =	vst v63  }
0xe4: {  	_ =	swait.ge [sflag:s26], $0x400  }
0xe5: {  	[sflag:s26] =	ssyncset.done $0x0  }
0xe6: {  	s12 =	rddreg [dreg:$0xa];
	[sflag:s26] =	ssyncadd.s32 $0xFFFFFC00  }
0xe7: {  	[spmem:s12] =	stream.linear.scatter [tilespmem:s25], [sflag:$0x5], $0x400, $0x38;
	[tilespmem:$0xF800] =	vst v63  }
0xe8: {  	_ =	swait.ge [sflag:s26], $0x400  }
0xe9: {  	[sflag:s26] =	ssyncset.done $0x0  }
0xea: {  	[sflag:s26] =	ssyncadd.s32 $0xFFFFFC00  }
0xeb: {  	[bflag:$0x0] =	sbarrier.arrive $0xFFFF  }
0xec: {  	s11 =	rddreg [dreg:$0xb]  }
0xed: {  	[tilespmem:s28], [sflag:$0x1] =	stream.linear.gather [hbm4b:s11+s9], $0x50, $0x38;
	[tilespmem:$0xF800] =	vst v63  }
0xee: {  	s12 =	rddreg [dreg:$0xc]  }
0xef: {  	[tilespmem:s29], [sflag:$0x1] =	stream.linear.gather [hbm4b:s12+s9], $0x50, $0x38;
	[tilespmem:$0xF800] =	vst v63  }
0xf0: {  	_ =	swait.ge [sflag:s30], $0x50  }
0xf1: {  	[sflag:s30] =	ssyncset.done $0x0  }
0xf2: {  	[sflag:s30] =	ssyncadd.s32 $0xFFFFFFB0  }
0xf3: {  	_ =	swait.ge [sflag:s30], $0x50  }
0xf4: {  	[sflag:s30] =	ssyncset.done $0x0  }
0xf5: {  	[sflag:s30] =	ssyncadd.s32 $0xFFFFFFB0  }
0xf6: {  	v1 =	vld [tilespmem:$0xA400]  }
0xf7: {  	v2 =	vld [tilespmem:$0xA500]  }
0xf8: {  	v3 =	vld [tilespmem:$0xA410]  }
0xf9: {  	v4 =	vld [tilespmem:$0xA510]  }
0xfa: {  	v5 =	vld [tilespmem:$0xA420]  }
0xfb: {  	v6 =	vld [tilespmem:$0xA520];
	v1 =	vshll.u32 v1, $0x1  }
0xfc: {  	v7 =	vld [tilespmem:$0xA430];
	v2 =	vsub.s32 v2, v0;
	v1 =	vor.u32 $0x1, v1  }
0xfd: {  	[tilespmem:$0xA600] =	vst v1;
	v1 =	vmin.u32 v2, $0x1400;
	v2 =	vshll.u32 v3, $0x1;
	v3 =	vld [tilespmem:$0xA530]  }
0xfe: {  	v62 =	vld [tilespmem:$0xA440];
	[tilespmem:$0xA700] =	vst v1;
	v1 =	vor.u32 $0x1, v2;
	v2 =	vsub.s32 v4, v0  }
0xff: {  	v63 =	vld [tilespmem:$0xA540];
	[tilespmem:$0xA610] =	vst v1;
	v1 =	vmin.u32 v2, $0x1400;
	v2 =	vshll.u32 v5, $0x1  }
0x100: {  	[tilespmem:$0xA710] =	vst v1;
	v1 =	vor.u32 $0x1, v2;
	v2 =	vsub.s32 v6, v0  }
0x101: {  	[tilespmem:$0xA620] =	vst v1;
	v1 =	vmin.u32 v2, $0x1400;
	v2 =	vshll.u32 v7, $0x1  }
0x102: {  	[tilespmem:$0xA720] =	vst v1;
	v1 =	vor.u32 $0x1, v2;
	v2 =	vsub.s32 v3, v0  }
0x103: {  	[tilespmem:$0xA630] =	vst v1;
	v1 =	vmin.u32 v2, $0x1400;
	v2 =	vshll.u32 v62, $0x1  }
0x104: {  	[tilespmem:$0xA730] =	vst v1;
	v1 =	vor.u32 $0x1, v2;
	v2 =	vsub.s32 v63, v0  }
0x105: {  	[tilespmem:$0xA640] =	vst v1;
	v1 =	vmin.u32 v2, $0x1400  }
0x106: {  	[tilespmem:$0xA740] =	vst v1  }
0x107: {  	[tilespmem:s25], [sflag:$0x3] =	stream.indirect.gather [hbm4b:s1+s31], $0x80, s0, s31, $0xb8;
	[tilespmem:$0xF800] =	vst v63  }
.Ltmp6:
0x108: {  	_ = 	snop;
	(pc) =	sbr.rel .LBB2_7-.Ltmp6, $4  }
0x109: {  	_ = 	snop  }
0x10a: {  	[tilespmem:s3], [sflag:$0x2] =	stream.linear.gather [hbm4b:s13+s9], $0x50, $0x38;
	[tilespmem:$0xF800] =	vst v63  }
0x10b: {  	_ = 	snop  }
0x10c: {  	[tilespmem:s17], [sflag:$0x2] =	stream.linear.gather [hbm4b:s15+s9], $0x50, $0x38;
	[tilespmem:$0xF800] =	vst v63  }
.LBB2_9:
0x10d: {  	_ =	swait.ge [sflag:s14], $0x2800  }
0x10e: {  	[sflag:s14] =	ssyncset.done $0x0  }
0x10f: {  	[sflag:s14] =	ssyncadd.s32 $0xFFFFD800  }
0x110: {  	[spmem:s2] =	stream.indirect.scatter.add.f32 [tilespmem:s25], [sflag:$0x5], $0x80, s5, s31, $0xb8;
	[tilespmem:$0xF800] =	vst v63  }
0x111: {  	_ =	swait.ge [sflag:s26], $0x2800  }
0x112: {  	[sflag:s26] =	ssyncset.done $0x0  }
0x113: {  	[sflag:s26] =	ssyncadd.s32 $0xFFFFD800  }
.LBB2_10:
0x114: {  	_ =	swait.ge [sflag:s6], $0x2800;
	s9 =	sadd.s32 $0x14, s9  }
0x115: {  	[sflag:s6] =	ssyncset.done $0x0;
	p0 =	sne.s32 s9, $0x9C4  }
.Ltmp7:
0x116: {  	[sflag:s6] =	ssyncadd.s32 $0xFFFFD800;
	(pc) =	sbr.rel @!p0 .LBB2_11-.Ltmp7, $4  }
0x117: {  	[spmem:s2] =	stream.indirect.scatter.add.f32 [tilespmem:s18], [sflag:$0x5], $0x80, s7, s31, $0xb8;
	[tilespmem:$0xF800] =	vst v63  }
0x118: {  	_ =	swait.ge [sflag:s26], $0x2800  }
0x119: {  	[sflag:s26] =	ssyncset.done $0x0  }
0x11a: {  	[sflag:s26] =	ssyncadd.s32 $0xFFFFD800  }
.LBB2_7:
0x11b: {  	_ =	swait.ge [sflag:s22], $0x50  }
0x11c: {  	[sflag:s22] =	ssyncset.done $0x0  }
0x11d: {  	[sflag:s22] =	ssyncadd.s32 $0xFFFFFFB0  }
0x11e: {  	_ =	swait.ge [sflag:s22], $0x50  }
0x11f: {  	[sflag:s22] =	ssyncset.done $0x0  }
0x120: {  	[sflag:s22] =	ssyncadd.s32 $0xFFFFFFB0  }
0x121: {  	v1 =	vld [tilespmem:$0xA480]  }
0x122: {  	v2 =	vld [tilespmem:$0xA580]  }
0x123: {  	v3 =	vld [tilespmem:$0xA490]  }
0x124: {  	v4 =	vld [tilespmem:$0xA590]  }
0x125: {  	v5 =	vld [tilespmem:$0xA4A0]  }
0x126: {  	v6 =	vld [tilespmem:$0xA5A0];
	v1 =	vshll.u32 v1, $0x1  }
0x127: {  	v7 =	vld [tilespmem:$0xA4B0];
	v2 =	vsub.s32 v2, v0;
	v1 =	vor.u32 $0x1, v1  }
0x128: {  	[tilespmem:$0xA680] =	vst v1;
	v1 =	vmin.u32 v2, $0x1400;
	v2 =	vshll.u32 v3, $0x1;
	v3 =	vld [tilespmem:$0xA5B0]  }
0x129: {  	v62 =	vld [tilespmem:$0xA4C0];
	[tilespmem:$0xA780] =	vst v1;
	v1 =	vor.u32 $0x1, v2;
	v2 =	vsub.s32 v4, v0  }
0x12a: {  	v63 =	vld [tilespmem:$0xA5C0];
	[tilespmem:$0xA690] =	vst v1;
	v1 =	vmin.u32 v2, $0x1400;
	v2 =	vshll.u32 v5, $0x1  }
0x12b: {  	[tilespmem:$0xA790] =	vst v1;
	v1 =	vor.u32 $0x1, v2;
	v2 =	vsub.s32 v6, v0  }
0x12c: {  	[tilespmem:$0xA6A0] =	vst v1;
	v1 =	vmin.u32 v2, $0x1400;
	v2 =	vshll.u32 v7, $0x1  }
0x12d: {  	p0 =	seq.s32 s9, $0x9B0;
	[tilespmem:$0xA7A0] =	vst v1;
	v1 =	vor.u32 $0x1, v2;
	v2 =	vsub.s32 v3, v0  }
.Ltmp8:
0x12e: {  	[tilespmem:$0xA6B0] =	vst v1;
	v1 =	vmin.u32 v2, $0x1400;
	v2 =	vshll.u32 v62, $0x1;
	(pc) =	sbr.rel @p0 .LBB2_9-.Ltmp8, $4  }
0x12f: {  	[tilespmem:$0xA7B0] =	vst v1;
	v1 =	vor.u32 $0x1, v2;
	v2 =	vsub.s32 v63, v0  }
0x130: {  	[tilespmem:$0xA6C0] =	vst v1;
	v1 =	vmin.u32 v2, $0x1400  }
0x131: {  	[tilespmem:$0xA7C0] =	vst v1  }
0x132: {  	[tilespmem:s18], [sflag:$0x4] =	stream.indirect.gather [hbm4b:s1+s31], $0x80, s24, s31, $0xb8;
	[tilespmem:$0xF800] =	vst v63  }
0x133: {  	s10 =	sadd.s32 s9, s20  }
0x134: {  	s11 =	sadd.s32 $0x14, s10  }
0x135: {  	[tilespmem:s28], [sflag:$0x1] =	stream.linear.gather [hbm4b:s11+s4], $0x50, $0x38;
	[tilespmem:$0xF800] =	vst v63  }
0x136: {  	s11 =	sadd.s32 s9, s19  }
0x137: {  	s12 =	sadd.s32 $0x14, s11  }
0x138: {  	[tilespmem:s29], [sflag:$0x1] =	stream.linear.gather [hbm4b:s12+s4], $0x50, $0x38;
	[tilespmem:$0xF800] =	vst v63  }
0x139: {  	_ =	swait.ge [sflag:s14], $0x2800  }
0x13a: {  	[sflag:s14] =	ssyncset.done $0x0  }
0x13b: {  	[sflag:s14] =	ssyncadd.s32 $0xFFFFD800  }
0x13c: {  	[spmem:s2] =	stream.indirect.scatter.add.f32 [tilespmem:s25], [sflag:$0x5], $0x80, s5, s31, $0xb8;
	[tilespmem:$0xF800] =	vst v63  }
0x13d: {  	_ =	swait.ge [sflag:s26], $0x2800  }
0x13e: {  	[sflag:s26] =	ssyncset.done $0x0  }
0x13f: {  	[sflag:s26] =	ssyncadd.s32 $0xFFFFD800  }
0x140: {  	_ =	swait.ge [sflag:s30], $0x50  }
0x141: {  	[sflag:s30] =	ssyncset.done $0x0  }
0x142: {  	[sflag:s30] =	ssyncadd.s32 $0xFFFFFFB0  }
0x143: {  	_ =	swait.ge [sflag:s30], $0x50  }
0x144: {  	[sflag:s30] =	ssyncset.done $0x0  }
0x145: {  	[sflag:s30] =	ssyncadd.s32 $0xFFFFFFB0  }
0x146: {  	v1 =	vld [tilespmem:$0xA400]  }
0x147: {  	v2 =	vld [tilespmem:$0xA500]  }
0x148: {  	v3 =	vld [tilespmem:$0xA410]  }
0x149: {  	v4 =	vld [tilespmem:$0xA510]  }
0x14a: {  	v5 =	vld [tilespmem:$0xA420]  }
0x14b: {  	v6 =	vld [tilespmem:$0xA520];
	v1 =	vshll.u32 v1, $0x1  }
0x14c: {  	v7 =	vld [tilespmem:$0xA430];
	v2 =	vsub.s32 v2, v0;
	v1 =	vor.u32 $0x1, v1  }
0x14d: {  	[tilespmem:$0xA600] =	vst v1;
	v1 =	vmin.u32 v2, $0x1400;
	v2 =	vshll.u32 v3, $0x1;
	v3 =	vld [tilespmem:$0xA530]  }
0x14e: {  	v62 =	vld [tilespmem:$0xA440];
	[tilespmem:$0xA700] =	vst v1;
	v1 =	vor.u32 $0x1, v2;
	v2 =	vsub.s32 v4, v0  }
0x14f: {  	v63 =	vld [tilespmem:$0xA540];
	[tilespmem:$0xA610] =	vst v1;
	v1 =	vmin.u32 v2, $0x1400;
	v2 =	vshll.u32 v5, $0x1  }
0x150: {  	[tilespmem:$0xA710] =	vst v1;
	v1 =	vor.u32 $0x1, v2;
	v2 =	vsub.s32 v6, v0  }
0x151: {  	[tilespmem:$0xA620] =	vst v1;
	v1 =	vmin.u32 v2, $0x1400;
	v2 =	vshll.u32 v7, $0x1  }
0x152: {  	[tilespmem:$0xA720] =	vst v1;
	v1 =	vor.u32 $0x1, v2;
	v2 =	vsub.s32 v3, v0  }
0x153: {  	[tilespmem:$0xA630] =	vst v1;
	v1 =	vmin.u32 v2, $0x1400;
	v2 =	vshll.u32 v62, $0x1  }
0x154: {  	[tilespmem:$0xA730] =	vst v1;
	v1 =	vor.u32 $0x1, v2;
	v2 =	vsub.s32 v63, v0  }
0x155: {  	[tilespmem:$0xA640] =	vst v1;
	v1 =	vmin.u32 v2, $0x1400  }
0x156: {  	[tilespmem:$0xA740] =	vst v1  }
0x157: {  	[tilespmem:s25], [sflag:$0x3] =	stream.indirect.gather [hbm4b:s1+s31], $0x80, s0, s31, $0xb8;
	[tilespmem:$0xF800] =	vst v63  }
.Ltmp9:
0x158: {  	_ = 	snop;
	(pc) =	sbr.rel .LBB2_10-.Ltmp9, $4  }
0x159: {  	s10 =	sadd.s32 $0x1E, s10  }
0x15a: {  	[tilespmem:s3], [sflag:$0x2] =	stream.linear.gather [hbm4b:s10+s4], $0x50, $0x38;
	[tilespmem:$0xF800] =	vst v63  }
0x15b: {  	s12 =	sadd.s32 $0x1E, s11  }
0x15c: {  	[tilespmem:s17], [sflag:$0x2] =	stream.linear.gather [hbm4b:s12+s4], $0x50, $0x38;
	[tilespmem:$0xF800] =	vst v63  }
.LBB2_12:
0x15d: {  	_ =	sfence.sel $0x180000  }
0x15e: {  	[bflag:$0x0] =	sbarrier.arrive $0xFFFF  }
0x15f: {  	_ =	strace $0x9000004A  }
0x160: {  	s0 =	stileid.u32;
	[bflag:$0x2] =	sbarrier.arrive $0xFFFF  }
0x161: {  	p0 =	sne.s32 s0, $0x0;
	s0 =	rddreg [dreg:$0x4]  }
0x162: {  	s0 =	sadd.s32 @!p0 $0x100000, s0  }
0x163: {  	[sflag:s0] =	ssyncadd.tile.s32 @!p0 $0x1;
	_ =	shalt  }
.Lfunc_end2:
_tile_overlayer_lowered:
.L_overlay_start_2:
0x164: {  	(tag) =	ssettag $0x2  }
0x165: {  	s0 =	rddreg [dreg:$0x0];
	s2 =	stileid.u32  }
0x166: {  	s1 =	rddreg [dreg:$0x1];
	p0 =	sne.s32 s2, $0x0  }
0x167: {  	s3 =	rddreg [dreg:$0x2];
	[bflag:$0x3] =	sbarrier.arrive $0xFFFF;
	s2 =	simm.s32 @!p0 $0x1C05  }
0x168: {  	[timem:s3], [sflag:s2] =	dma.local @!p0 [hbm:s0], s1  }
0x169: {  	s0 =	simm.s32 @!p0 $0x5  }
0x16a: {  	_ =	swait.ge @!p0 [sflag:s0], s1  }
0x16b: {  	s1 =	ssub.s32 @!p0 $0x0, s1;
	[sflag:s0] =	ssyncset.done @!p0 $0x0  }
0x16c: {  	[sflag:s0] =	ssyncadd.s32 @!p0 s1  }
0x16d: {  	[bflag:$0x3] =	sbarrier.arrive $0xFFFF  }
0x16e: {  	_ =	shalt  }

// kernel: kernel.9.cloned.1.call-start
scs
__scs_entry_jumppad:
0x0: {  	(pc) =	sbr.rel $0x88, $3  }
0x1: {  	(tag) =	ssettag $0x0;
	lr =	simm.s32 $0x1  }
0x2: {  	[smem:$0x3F89] =	sst lr;
	_ =	strace $0xD0000000  }
0x3: {  	_ = 	snop  }
0x4: {  	_ = 	snop  }
0x5: {  	_ = 	snop  }
0x6: {  	_ = 	snop  }
0x7: {  	_ = 	snop  }
__scs_overlays_trampoline_lowered:
0x8: {  	[smem:$0x3F98] =	sst s0  }
0x9: {  	[smem:$0x3F99] =	sst s1  }
0xa: {  	[smem:$0x3F9A] =	sst s2  }
0xb: {  	[smem:$0x3F9B] =	sst s3  }
0xc: {  	[smem:$0x3F9C] =	sst s4  }
0xd: {  	[smem:$0x3F9D] =	sst s5  }
0xe: {  	[smem:$0x3F9E] =	sst s6  }
0xf: {  	[smem:$0x3F9F] =	sst s7  }
0x10: {  	[smem:$0x3FA0] =	sst s8  }
0x11: {  	[smem:$0x3FA1] =	sst s9;
	s0 =	simm.s32 @!p0 $0x0  }
0x12: {  	s1 =	sld [smem:$0x3F87];
	s0 =	simm.s32 @p0 $0x1  }
0x13: {  	[smem:$0x3FA2] =	sst s0;
	s0 =	simm.s32 @!p1 $0x0  }
0x14: {  	s2 =	sld [smem:$0x3F86];
	s0 =	simm.s32 @p1 $0x1  }
0x15: {  	[smem:$0x3FA3] =	sst s0;
	s0 =	simm.s32 @!p2 $0x0  }
0x16: {  	s3 =	sld [smem:$0x3FDB];
	s0 =	simm.s32 @p2 $0x1  }
0x17: {  	s4 =	simm.s32 $0x1BF5;
	[smem:$0x3FA5] =	sst s0  }
0x18: {  	s0 =	sld [smem:$0x3F88];
	_ =	swait.ge [sflag:s4], $0x0  }
0x19: {  	s7 =	sld [smem:$0x3F89]  }
0x1a: {  	s8 =	sadd.s32 $0xFFFFE003, lr  }
0x1b: {  	s9 =	sadd.s32 $0xFFFFFEF7, lr;
	s5 =	simm.s32 $0xFFFFFFFF;
	p2 =	slt.u32 s8, $0xFFFFF086  }
0x1c: {  	p1 =	slt.u32 s9, $0xF7A;
	s5 =	simm.s32 @!p2 $0x0  }
0x1d: {  	s5 =	simm.s32 @p1 $0x1;
	p0 =	seq.s32 s7, s2  }
0x1e: {  	s7 =	smul.u32 @!p0 $0xF7A, s2;
	p2 =	seq.s32 @!p0 s5, $0x0  }
0x1f: {  	s9 =	smul.u32 $0xF7A, s1;
	s8 =	simm.s32 @!p0 $0x1BF5;
	p2 =	por !p2, p0  }
0x20: {  	[sflag:s8] =	ssyncset.s32 @!p0 $0xFFFFF086;
	s6 =	sadd.s32 @!p0 s3, s7;
	s7 =	simm.s32 @!p0 $0x108  }
0x21: {  	s3 =	sadd.s32 s3, s9;
	s6 =	sadd.s32 @!p0 $0x88, s6;
	s7 =	simm.s32 @p2 $0x1082  }
0x22: {  	[simem:s7], [sflag:s8] =	dma.local @!p0 [hbm:s6], $0xF7A  }
0x23: {  	s9 =	sor.u32 $0xD0000000, s2;
	s6 =	simm.s32 $0x108;
	_ =	swait.ge @!p0 [sflag:s8], $0x0  }
0x24: {  	s3 =	sadd.s32 $0x88, s3;
	s6 =	simm.s32 @!p1 $0x1082;
	[sflag:s4] =	ssyncset.s32 $0xFFFFF086  }
0x25: {  	[simem:s6], [sflag:s4] =	dma.local [hbm:s3], $0xF7A  }
0x26: {  	[smem:$0x3F89] =	sst s1;
	(tag) =	ssettag s2;
	_ =	strace s9  }
0x27: {  	s1 =	sld [smem:$0x3F99]  }
0x28: {  	s2 =	sld [smem:$0x3F9A]  }
0x29: {  	s4 =	sld [smem:$0x3F9C]  }
0x2a: {  	p0 =	seq.s32 s5, $0x0;
	s5 =	sld [smem:$0x3F9D]  }
0x2b: {  	s6 =	sld [smem:$0x3F9E]  }
0x2c: {  	s7 =	sld [smem:$0x3F9F]  }
0x2d: {  	s3 =	simm.s32 $0x108;
	s8 =	sld [smem:$0x3FA0]  }
0x2e: {  	s3 =	simm.s32 @!p0 $0x1082;
	s9 =	sld [smem:$0x3FA1]  }
0x2f: {  	lr =	sadd.s32 s0, s3;
	s0 =	sld [smem:$0x3F98]  }
0x30: {  	s3 =	sld [smem:$0x3F9B]  }
0x31: {  	[smem:$0x3FA4] =	sst s10  }
0x32: {  	s10 =	sld [smem:$0x3FA2];
	_ =	sdelay $0x3  }
0x33: {  	p0 =	seq.s32 s10, $0x1;
	s10 =	sld [smem:$0x3FA4];
	_ =	sdelay $0x3  }
0x34: {  	[smem:$0x3FA4] =	sst s10  }
0x35: {  	s10 =	sld [smem:$0x3FA3];
	_ =	sdelay $0x3  }
0x36: {  	p1 =	seq.s32 s10, $0x1;
	s10 =	sld [smem:$0x3FA4];
	_ =	sdelay $0x3  }
0x37: {  	[smem:$0x3FA4] =	sst s10  }
0x38: {  	s10 =	sld [smem:$0x3FA5]  }
0x39: {  	_ = 	snop;
	(pc) =	sbr.ind lr, $3  }
0x3a: {  	_ = 	snop  }
0x3b: {  	_ = 	snop  }
0x3c: {  	p2 =	seq.s32 s10, $0x1;
	s10 =	sld [smem:$0x3FA4]  }
0x3d: {  	_ =	shalt  }
0x3e: {  	_ =	shalt  }
0x3f: {  	_ =	shalt  }
0x40: {  	_ =	shalt  }
0x41: {  	_ =	shalt  }
0x42: {  	_ =	shalt  }
0x43: {  	_ =	shalt  }
0x44: {  	_ =	shalt  }
0x45: {  	_ =	shalt  }
0x46: {  	_ =	shalt  }
0x47: {  	_ =	shalt  }
0x48: {  	_ =	shalt  }
0x49: {  	_ =	shalt  }
0x4a: {  	_ =	shalt  }
0x4b: {  	_ =	shalt  }
0x4c: {  	_ =	shalt  }
0x4d: {  	_ =	shalt  }
0x4e: {  	_ =	shalt  }
0x4f: {  	_ =	shalt  }
0x50: {  	_ =	shalt  }
0x51: {  	_ =	shalt  }
0x52: {  	_ =	shalt  }
0x53: {  	_ =	shalt  }
0x54: {  	_ =	shalt  }
0x55: {  	_ =	shalt  }
0x56: {  	_ =	shalt  }
0x57: {  	_ =	shalt  }
0x58: {  	_ =	shalt  }
0x59: {  	_ =	shalt  }
0x5a: {  	_ =	shalt  }
0x5b: {  	_ =	shalt  }
0x5c: {  	_ =	shalt  }
0x5d: {  	_ =	shalt  }
0x5e: {  	_ =	shalt  }
0x5f: {  	_ =	shalt  }
0x60: {  	_ =	shalt  }
0x61: {  	_ =	shalt  }
0x62: {  	_ =	shalt  }
0x63: {  	_ =	shalt  }
0x64: {  	_ =	shalt  }
0x65: {  	_ =	shalt  }
0x66: {  	_ =	shalt  }
0x67: {  	_ =	shalt  }
0x68: {  	_ =	shalt  }
0x69: {  	_ =	shalt  }
0x6a: {  	_ =	shalt  }
0x6b: {  	_ =	shalt  }
0x6c: {  	_ =	shalt  }
0x6d: {  	_ =	shalt  }
0x6e: {  	_ =	shalt  }
0x6f: {  	_ =	shalt  }
0x70: {  	_ =	shalt  }
0x71: {  	_ =	shalt  }
0x72: {  	_ =	shalt  }
0x73: {  	_ =	shalt  }
0x74: {  	_ =	shalt  }
0x75: {  	_ =	shalt  }
0x76: {  	_ =	shalt  }
0x77: {  	_ =	shalt  }
0x78: {  	_ =	shalt  }
0x79: {  	_ =	shalt  }
0x7a: {  	_ =	shalt  }
0x7b: {  	_ =	shalt  }
0x7c: {  	_ =	shalt  }
0x7d: {  	_ =	shalt  }
0x7e: {  	_ =	shalt  }
0x7f: {  	_ =	shalt  }
0x80: {  	_ =	shalt  }
0x81: {  	_ =	shalt  }
0x82: {  	_ =	shalt  }
0x83: {  	_ =	shalt  }
0x84: {  	_ =	shalt  }
0x85: {  	_ =	shalt  }
0x86: {  	_ =	shalt  }
0x87: {  	_ =	shalt  }
.Lfunc_end0:
.L_simem_size_0:
called_computation_lowered:
.L_overlay_start_0:
0x88: {  	s2 =	sld [smem:$0x3FD9]  }
0x89: {  	s3 =	sld [smem:$0x3FFE];
	_ =	sdelay $0x1  }
0x8a: {  	s1 =	srdreg.scid  }
0x8b: {  	s0 =	sand.u32 $0x1, s1  }
0x8c: {  	s14 =	sshll.u32 s0, $0xA;
	s2 =	sadd.s32 s3, s2  }
0x8d: {  	s2 =	sadd.s32 s2, s14  }
0x8e: {  	[smem:$0x3FB0] =	sst s2  }
0x8f: {  	_ = 	snop  }
0x90: {  	s2 =	sld [smem:$0x3FD0];
	_ =	sdelay $0x2  }
0x91: {  	s15 =	simm.s32 $0xA;
	s4 =	simm.s32 $0x10  }
0x92: {  	[smem:s4], [sflag:s15] =	dma.local [hbm:s2], $0x1  }
0x93: {  	_ =	swait.eq [sflag:s15], $0x1  }
0x94: {  	s16 =	sld [smem:$0x11];
	[sflag:s15] =	ssyncset.done $0x0  }
0x95: {  	s17 =	sld [smem:$0x12];
	[sflag:s15] =	ssyncadd.s32 $0xFFFFFFFF  }
0x96: {  	s18 =	sld [smem:$0x13];
	(tm) =	ssettm $0x1  }
0x97: {  	s5 =	sld [smem:$0x3FFB];
	_ =	sdelay $0x3  }
0x98: {  	_ =	strace s5  }
0x99: {  	s5 =	sld [smem:$0x3FFC];
	_ =	sdelay $0x3  }
0x9a: {  	_ =	strace s5  }
0x9b: {  	s5 =	sld [smem:$0x3FFD];
	_ =	sdelay $0x3  }
0x9c: {  	_ =	strace s5  }
0x9d: {  	_ =	strace $0x8FFFFFFF  }
0x9e: {  	s19 =	sld [smem:$0x3FDB];
	_ =	sdelay $0x1  }
0x9f: {  	s6 =	simm.s32 $_scs_section_size  }
0xa0: {  	s7 =	simm.s32 $_size__tile_overlayer_lowered;
	s8 =	simm.s32 $_tile_overlayer_lowered  }
0xa1: {  	s22 =	simm.s32 $0x1BFF;
	s21 =	sshll.u32 s8, $0x1;
	s5 =	sadd.s32 s6, s19  }
0xa2: {  	s9 =	simm.s32 $0x0;
	s20 =	sshll.u32 s7, $0x1;
	s7 =	sadd.s32 s21, s5  }
0xa3: {  	[timem:s9], [sflag:s22] =	dma.local [hbm:s7], s20  }
0xa4: {  	_ =	swait.ge [sflag:s22], s20  }
0xa5: {  	s6 =	ssub.s32 $0x0, s20;
	[sflag:s22] =	ssyncset.done $0x0  }
0xa6: {  	[sflag:s22] =	ssyncadd.s32 s6;
	_ =	sdelay $0x1  }
0xa7: {  	s23 =	simm.s32 $0x1B8B  }
0xa8: {  	_ =	swait.ge [sflag:s23], $0x1  }
0xa9: {  	[sflag:s23] =	ssyncset.done $0x0  }
0xaa: {  	s25 =	simm.s32 $0x1B8E;
	s24 =	sld [smem:$0x3FFE];
	[sflag:s23] =	ssyncadd.s32 $0xFFFFFFFF  }
0xab: {  	s26 =	simm.s32 $execute0_lowered;
	[smem:$0x3FD2] =	sst s25  }
0xac: {  	s7 =	sshll.u32 s26, $0x1;
	_ =	strace $0x80000046;
	[dreg:$0x1] =	wrdreg $0xFFFFFFFF  }
0xad: {  	s28 =	simm.s32 $_size_execute0_lowered;
	s5 =	sadd.s32 s5, s7;
	[dreg:$0x0] =	wrdreg $0x0  }
0xae: {  	s7 =	sshll.u32 s28, $0x1;
	[dreg:$0x2] =	wrdreg s5  }
0xaf: {  	[dreg:$0x3] =	wrdreg s7  }
0xb0: {  	[dreg:$0x4] =	wrdreg $0xC0  }
0xb1: {  	_ =	task [dreg:s9], $0x5FFFF  }
0xb2: {  	[dreg:$0x1] =	wrdreg $0xFFFFFFFF  }
0xb3: {  	[dreg:$0x0] =	wrdreg $0x60  }
0xb4: {  	[dreg:$0x2] =	wrdreg s18  }
0xb5: {  	[dreg:$0x3] =	wrdreg s24  }
0xb6: {  	[dreg:$0x4] =	wrdreg s17  }
0xb7: {  	[dreg:$0x5] =	wrdreg s16  }
0xb8: {  	[dreg:$0x6] =	wrdreg $0x0  }
0xb9: {  	[dreg:$0x7] =	wrdreg $0x9  }
0xba: {  	_ =	task.clear_ibuf [dreg:s9], $0x8FFFF;
	_ =	strace $0x90000046  }
0xbb: {  	s29 =	simm.s32 $0x9;
	_ =	strace $0x80000048  }
0xbc: {  	_ =	swait.ge [sflag:s29], $0x1  }
0xbd: {  	[sflag:s29] =	ssyncadd.s32 $0xFFFFFFFF  }
0xbe: {  	_ =	strace $0x90000048  }
0xbf: {  	_ =	sfence  }
0xc0: {  	s30 =	sld [smem:$0x0];
	_ =	sdelay $0x2  }
0xc1: {  	s31 =	sshll.u32 s1, $0xD;
	s1 =	sshrl.u32 s1, $0x2  }
0xc2: {  	s3 =	sand.u32 $0x4000, s31;
	s1 =	sadd.s32 s1, s30  }
0xc3: {  	s0 =	sor.u32 s3, s0;
	s1 =	sshll.u32 s1, $0x11  }
0xc4: {  	s0 =	sor.u32 s1, s0  }
0xc5: {  	s0 =	sadd.s32 $0x8F2B, s0  }
0xc6: {  	[sflag:s0] =	ssyncadd.remote.s32 $0x1  }
0xc7: {  	_ =	sfence.sel $0xFFFF  }
0xc8: {  	[dreg:$0x0] =	wrdreg $0xFFFFFFFF;
	(pc) =	sbr.abs _section_cstart, $3  }
0xc9: {  	[dreg:$0x1] =	wrdreg $0xFFFFFFFF  }
0xca: {  	_ =	task.clear_ibuf [dreg:s9], $0x2FFFF;
	_ =	strace $0x9FFFFFFF  }
0xcb: {  	(tm) =	ssettm $0x7FFFFFFF  }
tec
execute0_lowered:
.L_overlay_start_1:
0x0: {  	(tag) =	ssettag $0x1  }
0x1: {  	s1 =	rddreg [dreg:$0x0]  }
0x2: {  	s0 =	rddreg [dreg:$0x1]  }
0x3: {  	s2 =	rddreg [dreg:$0x2];
	s14 =	stileid.u32  }
0x4: {  	s3 =	rddreg [dreg:$0x4];
	s5 =	simm.s32 $0x0;
	s8 =	smul.u32 $0x148, s14  }
0x5: {  	s4 =	srdreg.scid;
	s28 =	simm.s32 $0xAB00;
	s10 =	smul.u32 $0x29000, s14  }
0x6: {  	s29 =	simm.s32 $0x5;
	s30 =	simm.s32 $0xA400;
	s13 =	smul.u32 $0x1480, s14  }
0x7: {  	s31 =	simm.s32 $0xA500;
	[smem:$0x7FF] =	sst s5;
	s23 =	smul.u32 $0x4E20, s14  }
0x8: {  	s4 =	sand.u32 $0x1, s4;
	s6 =	sadd.s32 $0x4600, s0;
	s16 =	smul.u32 $0x28000, s14  }
0x9: {  	s9 =	sadd.s32 $0xE400, s0;
	s11 =	sadd.s32 $0x36400, s0;
	s18 =	smul.u32 $0x9C4, s14  }
0xa: {  	s0 =	sadd.s32 $0x5E400, s0;
	s7 =	smul.u32 $0x1400, s4;
	_ =	strace $0x80000047  }
0xb: {  	s4 =	ssub.s32 $0x2, s4;
	[dreg:$0x13] =	wrdreg s0;
	s0 =	simm.s32 $0x1  }
0xc: {  	s12 =	sshrl.u32 s4, $0x1;
	s10 =	sshrl.u32 s10, $0x2;
	s13 =	sadd.s32 s9, s13  }
0xd: {  	s24 =	sadd.s32 $0xA0, s8;
	s8 =	sadd.s32 $0x140, s8;
	s20 =	sshrl.u32 s16, $0x2  }
0xe: {  	s19 =	sadd.s32 s18, s2;
	s16 =	simm.s32 $0xA880;
	s4 =	ssub.s32 s4, s12  }
0xf: {  	[dreg:$0x6] =	wrdreg s13;
	s10 =	sadd.s32 s10, s3;
	s25 =	sshll.u32 s24, $0x4  }
0x10: {  	s26 =	sshll.u32 s8, $0x4;
	[dreg:$0x7] =	wrdreg s10;
	s13 =	sadd.s32 s9, s25  }
0x11: {  	s8 =	sshll.u32 s8, $0x7;
	s9 =	sadd.s32 s9, s26;
	[dreg:$0x8] =	wrdreg s13  }
0x12: {  	s10 =	sshll.u32 s24, $0x7;
	s8 =	sadd.s32 s8, s3;
	[dreg:$0xa] =	wrdreg s9  }
0x13: {  	s24 =	smax.u32 s4, $0x1;
	s4 =	simm.s32 $0x50;
	[dreg:$0xb] =	wrdreg s8  }
0x14: {  	s10 =	sadd.s32 s10, s3;
	s13 =	smul.u32 $0x140, s14;
	[dreg:$0x14] =	wrdreg s24  }
0x15: {  	s14 =	simm.s32 $0xA600;
	[dreg:$0x9] =	wrdreg s10;
	s10 =	sshrl.u32 s23, $0x3  }
0x16: {  	s24 =	simm.s32 $0x3;
	s12 =	sadd.s32 s6, s10;
	s15 =	sadd.s32 s2, s10  }
0x17: {  	v0 =	vmov s7;
	s9 =	sadd.s32 $0xA, s10;
	s8 =	sadd.s32 s13, s7;
	s7 =	simm.s32 $0xA900  }
0x18: {  	[dreg:$0xc] =	wrdreg s12;
	s17 =	sadd.s32 s6, s9;
	s9 =	sadd.s32 s2, s9  }
0x19: {  	s8 =	sshll.u32 s8, $0x4;
	s26 =	sadd.s32 $0x14, s15;
	[dreg:$0xd] =	wrdreg s17  }
0x1a: {  	s2 =	simm.s32 $0xA700;
	s12 =	simm.s32 $0xA480;
	[dreg:$0xe] =	wrdreg s9  }
0x1b: {  	s17 =	sadd.s32 s20, s3;
	s21 =	sadd.s32 $0xA00, s8;
	[dreg:$0xf] =	wrdreg s8  }
0x1c: {  	s20 =	sadd.s32 s18, s6;
	s22 =	sadd.s32 s11, s8;
	[dreg:$0x16] =	wrdreg s26  }
0x1d: {  	s26 =	simm.s32 $0xA800;
	s18 =	simm.s32 $0x4;
	s6 =	simm.s32 $0xA0  }
0x1e: {  	s8 =	simm.s32 $0xAA00;
	s9 =	simm.s32 $0x0;
	[dreg:$0x11] =	wrdreg s22  }
0x1f: {  	[dreg:$0x10] =	wrdreg s21;
	s23 =	sadd.s32 s11, s21;
	s25 =	sadd.s32 $0x5000, s17  }
0x20: {  	s21 =	simm.s32 $0xA780;
	s22 =	simm.s32 $0xD300;
	[dreg:$0x12] =	wrdreg s23  }
0x21: {  	[dreg:$0x15] =	wrdreg s25;
	s25 =	smov.u32 s15;
	s15 =	simm.s32 $0x2  }
.LBB2_1:
0x22: {  	s10 =	rddreg [dreg:$0x6]  }
0x23: {  	[tilespmem:s28], [sflag:$0x5] =	stream.linear.gather [hbm4b:s10+s5], $0x5000, $0x38;
	[tilespmem:$0xFB00] =	vst v63  }
0x24: {  	_ =	swait.ge [sflag:s29], $0x5000  }
0x25: {  	[sflag:s29] =	ssyncset.done $0x0  }
0x26: {  	s13 =	rddreg [dreg:$0x7];
	[sflag:s29] =	ssyncadd.s32 $0xFFFFB000  }
0x27: {  	[spmem:s13] =	stream.linear.scatter [tilespmem:s28], [sflag:$0x5], $0x5000, $0x38;
	[tilespmem:$0xFB00] =	vst v63  }
0x28: {  	_ =	swait.ge [sflag:s29], $0x5000  }
0x29: {  	[sflag:s29] =	ssyncset.done $0x0  }
0x2a: {  	s23 =	rddreg [dreg:$0x8];
	[sflag:s29] =	ssyncadd.s32 $0xFFFFB000  }
0x2b: {  	[tilespmem:s28], [sflag:$0x5] =	stream.linear.gather [hbm4b:s23+s5], $0x5000, $0x38;
	[tilespmem:$0xFB00] =	vst v63  }
0x2c: {  	_ =	swait.ge [sflag:s29], $0x5000  }
0x2d: {  	[sflag:s29] =	ssyncset.done $0x0  }
0x2e: {  	s11 =	rddreg [dreg:$0x9];
	[sflag:s29] =	ssyncadd.s32 $0xFFFFB000  }
0x2f: {  	[spmem:s11] =	stream.linear.scatter [tilespmem:s28], [sflag:$0x5], $0x5000, $0x38;
	[tilespmem:$0xFB00] =	vst v63  }
0x30: {  	_ =	swait.ge [sflag:s29], $0x5000  }
0x31: {  	[sflag:s29] =	ssyncset.done $0x0  }
0x32: {  	s13 =	rddreg [dreg:$0xa];
	[sflag:s29] =	ssyncadd.s32 $0xFFFFB000  }
0x33: {  	[tilespmem:s28], [sflag:$0x5] =	stream.linear.gather [hbm4b:s13+s5], $0x400, $0x38;
	[tilespmem:$0xFB00] =	vst v63  }
0x34: {  	_ =	swait.ge [sflag:s29], $0x400  }
0x35: {  	[sflag:s29] =	ssyncset.done $0x0  }
0x36: {  	s23 =	rddreg [dreg:$0xb];
	[sflag:s29] =	ssyncadd.s32 $0xFFFFFC00  }
0x37: {  	[spmem:s23] =	stream.linear.scatter [tilespmem:s28], [sflag:$0x5], $0x400, $0x38;
	[tilespmem:$0xFB00] =	vst v63  }
0x38: {  	_ =	swait.ge [sflag:s29], $0x400  }
0x39: {  	[sflag:s29] =	ssyncset.done $0x0  }
0x3a: {  	[sflag:s29] =	ssyncadd.s32 $0xFFFFFC00  }
0x3b: {  	[bflag:$0x0] =	sbarrier.arrive $0xFFFF  }
0x3c: {  	s11 =	rddreg [dreg:$0xc]  }
0x3d: {  	[tilespmem:s30], [sflag:$0x1] =	stream.linear.gather [hbm4b:s11+s5], $0x50, $0x38;
	[tilespmem:$0xFB00] =	vst v63  }
0x3e: {  	_ = 	snop  }
0x3f: {  	[tilespmem:s31], [sflag:$0x1] =	stream.linear.gather [hbm4b:s25+s5], $0x50, $0x38;
	[tilespmem:$0xFB00] =	vst v63  }
0x40: {  	_ =	swait.ge [sflag:s0], $0x50  }
0x41: {  	[sflag:s0] =	ssyncset.done $0x0  }
0x42: {  	[sflag:s0] =	ssyncadd.s32 $0xFFFFFFB0  }
0x43: {  	_ =	swait.ge [sflag:s0], $0x50  }
0x44: {  	[sflag:s0] =	ssyncset.done $0x0  }
0x45: {  	[sflag:s0] =	ssyncadd.s32 $0xFFFFFFB0  }
0x46: {  	v1 =	vld [tilespmem:$0xA500]  }
0x47: {  	v2 =	vld [tilespmem:$0xA400]  }
0x48: {  	v3 =	vld [tilespmem:$0xA510]  }
0x49: {  	v4 =	vld [tilespmem:$0xA410]  }
0x4a: {  	v5 =	vld [tilespmem:$0xA520]  }
0x4b: {  	v6 =	vld [tilespmem:$0xA420];
	v1 =	vsub.s32 v1, v0  }
0x4c: {  	[tilespmem:$0xA700] =	vst v2;
	v2 =	vld [tilespmem:$0xA530];
	v1 =	vmin.u32 v1, $0x1400  }
0x4d: {  	v63 =	vld [tilespmem:$0xA440];
	[tilespmem:$0xA800] =	vst v1;
	v1 =	vsub.s32 v3, v0  }
0x4e: {  	v62 =	vld [tilespmem:$0xA540];
	[tilespmem:$0xA710] =	vst v4;
	v1 =	vmin.u32 v1, $0x1400  }
0x4f: {  	v3 =	vld [tilespmem:$0xA430];
	[tilespmem:$0xA810] =	vst v1;
	v1 =	vsub.s32 v5, v0  }
0x50: {  	[tilespmem:$0xA720] =	vst v6;
	v1 =	vmin.u32 v1, $0x1400  }
0x51: {  	[tilespmem:$0xA820] =	vst v1;
	v1 =	vsub.s32 v2, v0  }
0x52: {  	[tilespmem:$0xA740] =	vst v63;
	v1 =	vmin.u32 v1, $0x1400  }
0x53: {  	[tilespmem:$0xA830] =	vst v1;
	v1 =	vsub.s32 v62, v0  }
0x54: {  	[tilespmem:$0xA730] =	vst v3;
	v1 =	vmin.u32 v1, $0x1400  }
0x55: {  	[tilespmem:$0xA840] =	vst v1  }
0x56: {  	[tilespmem:s28], [sflag:$0x3] =	stream.indirect.gather [hbm4b:s1+s4], $0x80, s2, s4, $0xb8;
	[tilespmem:$0xFB00] =	vst v63  }
.Ltmp0:
0x57: {  	_ = 	snop;
	(pc) =	sbr.rel .LBB2_2-.Ltmp0, $4  }
0x58: {  	s13 =	rddreg [dreg:$0xd]  }
0x59: {  	[tilespmem:s12], [sflag:$0x2] =	stream.linear.gather [hbm4b:s13+s5], $0x50, $0x38;
	[tilespmem:$0xFB00] =	vst v63  }
0x5a: {  	s10 =	simm.s32 $0x0;
	s23 =	rddreg [dreg:$0xe]  }
0x5b: {  	[tilespmem:s14], [sflag:$0x2] =	stream.linear.gather [hbm4b:s23+s5], $0x50, $0x38;
	[tilespmem:$0xFB00] =	vst v63  }
.LBB2_4:
0x5c: {  	_ =	swait.ge [sflag:s24], $0x2800  }
0x5d: {  	[sflag:s24] =	ssyncset.done $0x0  }
0x5e: {  	[sflag:s24] =	ssyncadd.s32 $0xFFFFD800  }
0x5f: {  	[spmem:s3] =	stream.indirect.scatter.add.f32 [tilespmem:s28], [sflag:$0x5], $0x80, s26, s4, $0xb8;
	[tilespmem:$0xFB00] =	vst v63  }
0x60: {  	_ =	swait.ge [sflag:s29], $0x2800  }
0x61: {  	[sflag:s29] =	ssyncset.done $0x0  }
0x62: {  	[sflag:s29] =	ssyncadd.s32 $0xFFFFD800  }
.LBB2_5:
0x63: {  	_ =	swait.ge [sflag:s18], $0x2800;
	s10 =	sadd.s32 $0x14, s10  }
0x64: {  	[sflag:s18] =	ssyncset.done $0x0;
	p0 =	sne.s32 s10, $0x9C4  }
.Ltmp1:
0x65: {  	[sflag:s18] =	ssyncadd.s32 $0xFFFFD800;
	(pc) =	sbr.rel @!p0 .LBB2_6-.Ltmp1, $4  }
0x66: {  	[spmem:s3] =	stream.indirect.scatter.add.f32 [tilespmem:s22], [sflag:$0x5], $0x80, s16, s4, $0xb8;
	[tilespmem:$0xFB00] =	vst v63  }
0x67: {  	_ =	swait.ge [sflag:s29], $0x2800  }
0x68: {  	[sflag:s29] =	ssyncset.done $0x0  }
0x69: {  	[sflag:s29] =	ssyncadd.s32 $0xFFFFD800  }
.LBB2_2:
0x6a: {  	_ =	swait.ge [sflag:s15], $0x50  }
0x6b: {  	[sflag:s15] =	ssyncset.done $0x0  }
0x6c: {  	[sflag:s15] =	ssyncadd.s32 $0xFFFFFFB0  }
0x6d: {  	_ =	swait.ge [sflag:s15], $0x50  }
0x6e: {  	[sflag:s15] =	ssyncset.done $0x0  }
0x6f: {  	[sflag:s15] =	ssyncadd.s32 $0xFFFFFFB0  }
0x70: {  	v1 =	vld [tilespmem:$0xA600]  }
0x71: {  	v2 =	vld [tilespmem:$0xA480]  }
0x72: {  	v3 =	vld [tilespmem:$0xA610]  }
0x73: {  	v4 =	vld [tilespmem:$0xA490]  }
0x74: {  	v5 =	vld [tilespmem:$0xA620]  }
0x75: {  	v6 =	vld [tilespmem:$0xA4A0];
	v1 =	vsub.s32 v1, v0  }
0x76: {  	[tilespmem:$0xA780] =	vst v2;
	v2 =	vld [tilespmem:$0xA630];
	v1 =	vmin.u32 v1, $0x1400  }
0x77: {  	v63 =	vld [tilespmem:$0xA4C0];
	[tilespmem:$0xA880] =	vst v1;
	v1 =	vsub.s32 v3, v0  }
0x78: {  	v62 =	vld [tilespmem:$0xA640];
	[tilespmem:$0xA790] =	vst v4;
	v1 =	vmin.u32 v1, $0x1400  }
0x79: {  	v3 =	vld [tilespmem:$0xA4B0];
	[tilespmem:$0xA890] =	vst v1;
	v1 =	vsub.s32 v5, v0  }
0x7a: {  	[tilespmem:$0xA7A0] =	vst v6;
	v1 =	vmin.u32 v1, $0x1400  }
0x7b: {  	p0 =	seq.s32 s10, $0x9B0;
	[tilespmem:$0xA8A0] =	vst v1;
	v1 =	vsub.s32 v2, v0  }
.Ltmp2:
0x7c: {  	[tilespmem:$0xA7C0] =	vst v63;
	v1 =	vmin.u32 v1, $0x1400;
	(pc) =	sbr.rel @p0 .LBB2_4-.Ltmp2, $4  }
0x7d: {  	[tilespmem:$0xA8B0] =	vst v1;
	v1 =	vsub.s32 v62, v0  }
0x7e: {  	[tilespmem:$0xA7B0] =	vst v3;
	v1 =	vmin.u32 v1, $0x1400  }
0x7f: {  	[tilespmem:$0xA8C0] =	vst v1  }
0x80: {  	[tilespmem:s22], [sflag:$0x4] =	stream.indirect.gather [hbm4b:s1+s4], $0x80, s21, s4, $0xb8;
	[tilespmem:$0xFB00] =	vst v63  }
0x81: {  	s11 =	sadd.s32 s10, s20  }
0x82: {  	s13 =	sadd.s32 $0x14, s11  }
0x83: {  	[tilespmem:s30], [sflag:$0x1] =	stream.linear.gather [hbm4b:s13+s5], $0x50, $0x38;
	[tilespmem:$0xFB00] =	vst v63  }
0x84: {  	s13 =	sadd.s32 s10, s19  }
0x85: {  	s23 =	sadd.s32 $0x14, s13  }
0x86: {  	[tilespmem:s31], [sflag:$0x1] =	stream.linear.gather [hbm4b:s23+s5], $0x50, $0x38;
	[tilespmem:$0xFB00] =	vst v63  }
0x87: {  	_ =	swait.ge [sflag:s24], $0x2800  }
0x88: {  	[sflag:s24] =	ssyncset.done $0x0  }
0x89: {  	[sflag:s24] =	ssyncadd.s32 $0xFFFFD800  }
0x8a: {  	[spmem:s3] =	stream.indirect.scatter.add.f32 [tilespmem:s28], [sflag:$0x5], $0x80, s26, s4, $0xb8;
	[tilespmem:$0xFB00] =	vst v63  }
0x8b: {  	_ =	swait.ge [sflag:s29], $0x2800  }
0x8c: {  	[sflag:s29] =	ssyncset.done $0x0  }
0x8d: {  	[sflag:s29] =	ssyncadd.s32 $0xFFFFD800  }
0x8e: {  	_ =	swait.ge [sflag:s0], $0x50  }
0x8f: {  	[sflag:s0] =	ssyncset.done $0x0  }
0x90: {  	[sflag:s0] =	ssyncadd.s32 $0xFFFFFFB0  }
0x91: {  	_ =	swait.ge [sflag:s0], $0x50  }
0x92: {  	[sflag:s0] =	ssyncset.done $0x0  }
0x93: {  	[sflag:s0] =	ssyncadd.s32 $0xFFFFFFB0  }
0x94: {  	v1 =	vld [tilespmem:$0xA500]  }
0x95: {  	v2 =	vld [tilespmem:$0xA400]  }
0x96: {  	v3 =	vld [tilespmem:$0xA510]  }
0x97: {  	v4 =	vld [tilespmem:$0xA410]  }
0x98: {  	v5 =	vld [tilespmem:$0xA520]  }
0x99: {  	v6 =	vld [tilespmem:$0xA420];
	v1 =	vsub.s32 v1, v0  }
0x9a: {  	[tilespmem:$0xA700] =	vst v2;
	v2 =	vld [tilespmem:$0xA530];
	v1 =	vmin.u32 v1, $0x1400  }
0x9b: {  	v63 =	vld [tilespmem:$0xA440];
	[tilespmem:$0xA800] =	vst v1;
	v1 =	vsub.s32 v3, v0  }
0x9c: {  	v62 =	vld [tilespmem:$0xA540];
	[tilespmem:$0xA710] =	vst v4;
	v1 =	vmin.u32 v1, $0x1400  }
0x9d: {  	v3 =	vld [tilespmem:$0xA430];
	[tilespmem:$0xA810] =	vst v1;
	v1 =	vsub.s32 v5, v0  }
0x9e: {  	[tilespmem:$0xA720] =	vst v6;
	v1 =	vmin.u32 v1, $0x1400  }
0x9f: {  	[tilespmem:$0xA820] =	vst v1;
	v1 =	vsub.s32 v2, v0  }
0xa0: {  	[tilespmem:$0xA740] =	vst v63;
	v1 =	vmin.u32 v1, $0x1400  }
0xa1: {  	[tilespmem:$0xA830] =	vst v1;
	v1 =	vsub.s32 v62, v0  }
0xa2: {  	[tilespmem:$0xA730] =	vst v3;
	v1 =	vmin.u32 v1, $0x1400  }
0xa3: {  	[tilespmem:$0xA840] =	vst v1  }
0xa4: {  	[tilespmem:s28], [sflag:$0x3] =	stream.indirect.gather [hbm4b:s1+s4], $0x80, s2, s4, $0xb8;
	[tilespmem:$0xFB00] =	vst v63  }
.Ltmp3:
0xa5: {  	_ = 	snop;
	(pc) =	sbr.rel .LBB2_5-.Ltmp3, $4  }
0xa6: {  	s11 =	sadd.s32 $0x1E, s11  }
0xa7: {  	[tilespmem:s12], [sflag:$0x2] =	stream.linear.gather [hbm4b:s11+s5], $0x50, $0x38;
	[tilespmem:$0xFB00] =	vst v63  }
0xa8: {  	s23 =	sadd.s32 $0x1E, s13  }
0xa9: {  	[tilespmem:s14], [sflag:$0x2] =	stream.linear.gather [hbm4b:s23+s5], $0x50, $0x38;
	[tilespmem:$0xFB00] =	vst v63  }
.LBB2_6:
0xaa: {  	[bflag:$0x0] =	sbarrier.arrive $0xFFFF  }
0xab: {  	[tilespmem:s28], [sflag:$0x5] =	stream.linear.gather [spmem:s17], $0x5000, $0x38;
	[tilespmem:$0xFB00] =	vst v63  }
0xac: {  	_ =	swait.ge [sflag:s29], $0x5000  }
0xad: {  	[sflag:s29] =	ssyncset.done $0x0  }
0xae: {  	s10 =	rddreg [dreg:$0x11];
	[sflag:s29] =	ssyncadd.s32 $0xFFFFB000  }
0xaf: {  	[hbm4b:s10+s5] =	stream.linear.scatter [tilespmem:s28], [sflag:$0x5], $0x5000, $0x38;
	[tilespmem:$0xFB00] =	vst v63  }
0xb0: {  	_ =	swait.ge [sflag:s29], $0x5000  }
0xb1: {  	[sflag:s29] =	ssyncset.done $0x0  }
0xb2: {  	s13 =	rddreg [dreg:$0x15];
	[sflag:s29] =	ssyncadd.s32 $0xFFFFB000  }
0xb3: {  	[tilespmem:s28], [sflag:$0x5] =	stream.linear.gather [spmem:s13], $0x5000, $0x38;
	[tilespmem:$0xFB00] =	vst v63  }
0xb4: {  	_ =	swait.ge [sflag:s29], $0x5000  }
0xb5: {  	[sflag:s29] =	ssyncset.done $0x0  }
0xb6: {  	s23 =	rddreg [dreg:$0x12];
	[sflag:s29] =	ssyncadd.s32 $0xFFFFB000  }
0xb7: {  	[hbm4b:s23+s5] =	stream.linear.scatter [tilespmem:s28], [sflag:$0x5], $0x5000, $0x38;
	[tilespmem:$0xFB00] =	vst v63  }
0xb8: {  	_ =	swait.ge [sflag:s29], $0x5000  }
0xb9: {  	[sflag:s29] =	ssyncset.done $0x0  }
0xba: {  	[sflag:s29] =	ssyncadd.s32 $0xFFFFB000  }
0xbb: {  	[bflag:$0x0] =	sbarrier.arrive $0xFFFF  }
0xbc: {  	s11 =	rddreg [dreg:$0x6]  }
0xbd: {  	[tilespmem:s28], [sflag:$0x5] =	stream.linear.gather [hbm4b:s11+s5], $0x5000, $0x38;
	[tilespmem:$0xFB00] =	vst v63  }
0xbe: {  	_ =	swait.ge [sflag:s29], $0x5000  }
0xbf: {  	[sflag:s29] =	ssyncset.done $0x0  }
0xc0: {  	s13 =	rddreg [dreg:$0x7];
	[sflag:s29] =	ssyncadd.s32 $0xFFFFB000  }
0xc1: {  	[spmem:s13] =	stream.linear.scatter [tilespmem:s28], [sflag:$0x5], $0x5000, $0x38;
	[tilespmem:$0xFB00] =	vst v63  }
0xc2: {  	_ =	swait.ge [sflag:s29], $0x5000  }
0xc3: {  	[sflag:s29] =	ssyncset.done $0x0  }
0xc4: {  	s23 =	rddreg [dreg:$0x8];
	[sflag:s29] =	ssyncadd.s32 $0xFFFFB000  }
0xc5: {  	[tilespmem:s28], [sflag:$0x5] =	stream.linear.gather [hbm4b:s23+s5], $0x5000, $0x38;
	[tilespmem:$0xFB00] =	vst v63  }
0xc6: {  	_ =	swait.ge [sflag:s29], $0x5000  }
0xc7: {  	[sflag:s29] =	ssyncset.done $0x0  }
0xc8: {  	s11 =	rddreg [dreg:$0x9];
	[sflag:s29] =	ssyncadd.s32 $0xFFFFB000  }
0xc9: {  	[spmem:s11] =	stream.linear.scatter [tilespmem:s28], [sflag:$0x5], $0x5000, $0x38;
	[tilespmem:$0xFB00] =	vst v63  }
0xca: {  	_ =	swait.ge [sflag:s29], $0x5000  }
0xcb: {  	[sflag:s29] =	ssyncset.done $0x0  }
0xcc: {  	s13 =	rddreg [dreg:$0xa];
	[sflag:s29] =	ssyncadd.s32 $0xFFFFB000  }
0xcd: {  	[tilespmem:s28], [sflag:$0x5] =	stream.linear.gather [hbm4b:s13+s5], $0x400, $0x38;
	[tilespmem:$0xFB00] =	vst v63  }
0xce: {  	_ =	swait.ge [sflag:s29], $0x400  }
0xcf: {  	[sflag:s29] =	ssyncset.done $0x0  }
0xd0: {  	s23 =	rddreg [dreg:$0xb];
	[sflag:s29] =	ssyncadd.s32 $0xFFFFFC00  }
0xd1: {  	[spmem:s23] =	stream.linear.scatter [tilespmem:s28], [sflag:$0x5], $0x400, $0x38;
	[tilespmem:$0xFB00] =	vst v63  }
0xd2: {  	_ =	swait.ge [sflag:s29], $0x400  }
0xd3: {  	[sflag:s29] =	ssyncset.done $0x0  }
0xd4: {  	[sflag:s29] =	ssyncadd.s32 $0xFFFFFC00  }
0xd5: {  	s11 =	rddreg [dreg:$0x3]  }
0xd6: {  	[tilespmem:s28], [sflag:$0x5] =	stream.linear.gather [hbm4b:s11+s5], $0x5000, $0x38;
	[tilespmem:$0xFB00] =	vst v63  }
0xd7: {  	_ =	swait.ge [sflag:s29], $0x5000  }
0xd8: {  	[sflag:s29] =	ssyncset.done $0x0  }
0xd9: {  	[sflag:s29] =	ssyncadd.s32 $0xFFFFB000  }
0xda: {  	[bflag:$0x0] =	sbarrier.arrive $0xFFFF  }
0xdb: {  	[tilespmem:s31], [sflag:$0x1] =	stream.linear.gather [hbm4b:s25+s5], $0xA0, $0x38;
	[tilespmem:$0xFB00] =	vst v63  }
0xdc: {  	s13 =	rddreg [dreg:$0x16]  }
0xdd: {  	[tilespmem:s14], [sflag:$0x2] =	stream.linear.gather [hbm4b:s13+s5], $0xA0, $0x38;
	[tilespmem:$0xFB00] =	vst v63  }
0xde: {  	_ =	swait.ge [sflag:s0], $0xA0  }
0xdf: {  	[sflag:s0] =	ssyncset.done $0x0  }
0xe0: {  	[sflag:s0] =	ssyncadd.s32 $0xFFFFFF60  }
0xe1: {  	v1 =	vld [tilespmem:$0xA500]  }
0xe2: {  	v2 =	vld [tilespmem:$0xA510]  }
0xe3: {  	v3 =	vld [tilespmem:$0xA520]  }
0xe4: {  	v4 =	vld [tilespmem:$0xA530]  }
0xe5: {  	v5 =	vld [tilespmem:$0xA540]  }
0xe6: {  	v6 =	vld [tilespmem:$0xA550];
	v1 =	vsub.s32 v1, v0  }
0xe7: {  	v7 =	vld [tilespmem:$0xA560];
	v2 =	vsub.s32 v2, v0;
	v1 =	vmin.u32 v1, $0x1400  }
0xe8: {  	[tilespmem:$0xA900] =	vst v1;
	v1 =	vmin.u32 v2, $0x1400;
	v2 =	vsub.s32 v3, v0;
	v3 =	vld [tilespmem:$0xA570]  }
0xe9: {  	v55 =	vld [tilespmem:$0xA580];
	[tilespmem:$0xA910] =	vst v1;
	v1 =	vmin.u32 v2, $0x1400;
	v2 =	vsub.s32 v4, v0  }
0xea: {  	v56 =	vld [tilespmem:$0xA590];
	[tilespmem:$0xA920] =	vst v1;
	v1 =	vmin.u32 v2, $0x1400;
	v2 =	vsub.s32 v5, v0  }
0xeb: {  	[tilespmem:$0xA930] =	vst v1;
	v1 =	vmin.u32 v2, $0x1400;
	v2 =	vsub.s32 v6, v0  }
0xec: {  	[tilespmem:$0xA940] =	vst v1;
	v1 =	vmin.u32 v2, $0x1400;
	v2 =	vsub.s32 v7, v0  }
0xed: {  	[tilespmem:$0xA950] =	vst v1;
	v1 =	vmin.u32 v2, $0x1400;
	v2 =	vsub.s32 v3, v0  }
0xee: {  	[tilespmem:$0xA960] =	vst v1;
	v1 =	vmin.u32 v2, $0x1400;
	v2 =	vsub.s32 v55, v0  }
0xef: {  	[tilespmem:$0xA970] =	vst v1;
	v1 =	vmin.u32 v2, $0x1400;
	v2 =	vsub.s32 v56, v0  }
0xf0: {  	s23 =	sadd.s32 $0xFFFFF650, s19;
	[tilespmem:$0xA980] =	vst v1;
	v1 =	vmin.u32 v2, $0x1400  }
0xf1: {  	s10 =	sadd.s32 $0x9D8, s23;
	[tilespmem:$0xA990] =	vst v1  }
0xf2: {  	[tilespmem:s31], [sflag:$0x1] =	stream.linear.gather [hbm4b:s10+s5], $0xA0, $0x38;
	[tilespmem:$0xFB00] =	vst v63  }
0xf3: {  	_ = 	snop  }
0xf4: {  	[spmem:s3] =	stream.indirect.scatter.add.f32 [tilespmem:s28], [sflag:$0x5], $0x80, s7, s6, $0xb8;
	[tilespmem:$0xFB00] =	vst v63  }
0xf5: {  	_ =	swait.ge [sflag:s29], $0x5000  }
0xf6: {  	[sflag:s29] =	ssyncset.done $0x0  }
0xf7: {  	[sflag:s29] =	ssyncadd.s32 $0xFFFFB000  }
0xf8: {  	_ =	swait.ge [sflag:s15], $0xA0  }
0xf9: {  	[sflag:s15] =	ssyncset.done $0x0  }
0xfa: {  	[sflag:s15] =	ssyncadd.s32 $0xFFFFFF60  }
0xfb: {  	v1 =	vld [tilespmem:$0xA670]  }
0xfc: {  	v3 =	vld [tilespmem:$0xA660]  }
0xfd: {  	v2 =	vld [tilespmem:$0xA690]  }
0xfe: {  	v57 =	vld [tilespmem:$0xA630]  }
0xff: {  	v60 =	vld [tilespmem:$0xA650]  }
0x100: {  	v58 =	vld [tilespmem:$0xA680];
	v1 =	vsub.s32 v1, v0  }
0x101: {  	v59 =	vld [tilespmem:$0xA640];
	v3 =	vsub.s32 v3, v0;
	v1 =	vmin.u32 v1, $0x1400  }
0x102: {  	v8 =	vld [tilespmem:$0xA620];
	v2 =	vsub.s32 v2, v0;
	v3 =	vmin.u32 v3, $0x1400;
	[tilespmem:$0xAA70] =	vst v1  }
0x103: {  	v4 =	vsub.s32 v57, v0;
	v1 =	vmin.u32 v2, $0x1400;
	v2 =	vld [tilespmem:$0xA610];
	[tilespmem:$0xAA60] =	vst v3  }
0x104: {  	v62 =	vsub.s32 v60, v0;
	v4 =	vmin.u32 v4, $0x1400;
	[tilespmem:$0xAA90] =	vst v1;
	v1 =	vld [tilespmem:$0xA600]  }
0x105: {  	v63 =	vmin.u32 v62, $0x1400;
	v3 =	vsub.s32 v58, v0;
	[tilespmem:$0xAA30] =	vst v4  }
0x106: {  	v61 =	vsub.s32 v59, v0;
	[tilespmem:$0xAA50] =	vst v63;
	v3 =	vmin.u32 v3, $0x1400  }
0x107: {  	v4 =	vmin.u32 v61, $0x1400;
	[tilespmem:$0xAA80] =	vst v3;
	v3 =	vsub.s32 v8, v0  }
0x108: {  	[tilespmem:$0xAA40] =	vst v4;
	v3 =	vmin.u32 v3, $0x1400;
	v2 =	vsub.s32 v2, v0  }
0x109: {  	p0 =	por $0x0, $0x0;
	[tilespmem:$0xAA20] =	vst v3;
	v1 =	vsub.s32 v1, v0;
	v2 =	vmin.u32 v2, $0x1400  }
0x10a: {  	s10 =	sadd.s32 @!p0 $0xFFFFF650, s19;
	v1 =	vmin.u32 v1, $0x1400;
	[tilespmem:$0xAA10] =	vst v2  }
0x10b: {  	s11 =	simm.s32 @!p0 $0x0;
	s13 =	simm.s32 @!p0 $0xA600;
	s10 =	sadd.s32 @!p0 $0x9EC, s10;
	[tilespmem:$0xAA00] =	vst v1  }
0x10c: {  	[tilespmem:s13], [sflag:$0x2] =	stream.linear.gather @!p0 [hbm4b:s10+s11], $0xA0, $0x38;
	[tilespmem:$0xFB00] =	vst v63  }
0x10d: {  	_ = 	snop  }
0x10e: {  	[spmem:s3] =	stream.indirect.scatter.add.f32 [tilespmem:s28], [sflag:$0x5], $0x80, s8, s6, $0xb8;
	[tilespmem:$0xFB00] =	vst v63  }
0x10f: {  	_ =	swait.ge [sflag:s29], $0x5000  }
0x110: {  	s10 =	simm.s32 $0xFFFFF678;
	[sflag:s29] =	ssyncset.done $0x0  }
.LBB2_7:
0x111: {  	[sflag:s29] =	ssyncadd.s32 $0xFFFFB000;
	s11 =	smov.u32 s10;
	s10 =	sadd.s32 $0x28, s10  }
0x112: {  	p0 =	sne.s32 s10, $0x0;
	_ =	swait.ge [sflag:s0], $0xA0  }
0x113: {  	[sflag:s0] =	ssyncset.done $0x0  }
0x114: {  	[sflag:s0] =	ssyncadd.s32 $0xFFFFFF60  }
0x115: {  	v1 =	vld [tilespmem:$0xA560]  }
0x116: {  	v2 =	vld [tilespmem:$0xA540]  }
0x117: {  	v3 =	vld [tilespmem:$0xA550]  }
0x118: {  	v4 =	vld [tilespmem:$0xA500]  }
0x119: {  	v5 =	vld [tilespmem:$0xA510]  }
0x11a: {  	v6 =	vld [tilespmem:$0xA520];
	v1 =	vsub.s32 v1, v0  }
0x11b: {  	v2 =	vsub.s32 v2, v0;
	v1 =	vmin.u32 v1, $0x1400;
	v7 =	vld [tilespmem:$0xA570]  }
0x11c: {  	v3 =	vsub.s32 v3, v0;
	v8 =	vld [tilespmem:$0xA580]  }
0x11d: {  	v2 =	vmin.u32 v2, $0x1400;
	v4 =	vsub.s32 v4, v0;
	v9 =	vld [tilespmem:$0xA590]  }
0x11e: {  	v4 =	vmin.u32 v4, $0x1400;
	v5 =	vsub.s32 v5, v0;
	[tilespmem:$0xA940] =	vst v2;
	v2 =	vmin.u32 v3, $0x1400  }
0x11f: {  	v3 =	vsub.s32 v6, v0;
	v6 =	vld [tilespmem:$0xA530];
	[tilespmem:$0xA950] =	vst v2  }
0x120: {  	v2 =	vmin.u32 v3, $0x1400;
	[tilespmem:$0xA960] =	vst v1;
	v1 =	vsub.s32 v7, v0  }
0x121: {  	[tilespmem:$0xA900] =	vst v4;
	v1 =	vmin.u32 v1, $0x1400;
	v3 =	vsub.s32 v8, v0  }
0x122: {  	[tilespmem:$0xA920] =	vst v2;
	v2 =	vmin.u32 v3, $0x1400;
	v3 =	vsub.s32 v9, v0  }
0x123: {  	v4 =	vmin.u32 v5, $0x1400;
	[tilespmem:$0xA970] =	vst v1;
	v1 =	vmin.u32 v3, $0x1400  }
0x124: {  	s13 =	sadd.s32 s11, s19;
	[tilespmem:$0xA910] =	vst v4;
	v3 =	vsub.s32 v6, v0  }
0x125: {  	s13 =	sadd.s32 $0x9D8, s13;
	v3 =	vmin.u32 v3, $0x1400;
	[tilespmem:$0xA990] =	vst v1  }
0x126: {  	[tilespmem:$0xA930] =	vst v3  }
0x127: {  	[tilespmem:$0xA980] =	vst v2  }
0x128: {  	[tilespmem:s31], [sflag:$0x1] =	stream.linear.gather [hbm4b:s13+s5], $0xA0, $0x38;
	[tilespmem:$0xFB00] =	vst v63  }
0x129: {  	_ = 	snop  }
0x12a: {  	[spmem:s3] =	stream.indirect.scatter.add.f32 [tilespmem:s28], [sflag:$0x5], $0x80, s7, s6, $0xb8;
	[tilespmem:$0xFB00] =	vst v63  }
0x12b: {  	_ =	swait.ge [sflag:s29], $0x5000  }
0x12c: {  	[sflag:s29] =	ssyncset.done $0x0  }
0x12d: {  	[sflag:s29] =	ssyncadd.s32 $0xFFFFB000  }
0x12e: {  	_ =	swait.ge [sflag:s15], $0xA0  }
0x12f: {  	[sflag:s15] =	ssyncset.done $0x0  }
0x130: {  	[sflag:s15] =	ssyncadd.s32 $0xFFFFFF60  }
0x131: {  	v1 =	vld [tilespmem:$0xA670]  }
0x132: {  	v2 =	vld [tilespmem:$0xA690]  }
0x133: {  	v3 =	vld [tilespmem:$0xA660]  }
0x134: {  	v4 =	vld [tilespmem:$0xA630]  }
0x135: {  	v5 =	vld [tilespmem:$0xA680]  }
0x136: {  	v6 =	vld [tilespmem:$0xA640];
	v1 =	vsub.s32 v1, v0  }
0x137: {  	v7 =	vld [tilespmem:$0xA650];
	v1 =	vmin.u32 v1, $0x1400;
	v2 =	vsub.s32 v2, v0  }
0x138: {  	v8 =	vld [tilespmem:$0xA620];
	v3 =	vsub.s32 v3, v0;
	[tilespmem:$0xAA70] =	vst v1;
	v1 =	vmin.u32 v2, $0x1400  }
0x139: {  	v2 =	vld [tilespmem:$0xA610];
	v4 =	vsub.s32 v4, v0;
	v3 =	vmin.u32 v3, $0x1400;
	[tilespmem:$0xAA90] =	vst v1  }
0x13a: {  	v1 =	vld [tilespmem:$0xA600];
	v4 =	vmin.u32 v4, $0x1400;
	[tilespmem:$0xAA60] =	vst v3;
	v3 =	vsub.s32 v5, v0  }
0x13b: {  	[tilespmem:$0xAA30] =	vst v4;
	v4 =	vsub.s32 v6, v0;
	v3 =	vmin.u32 v3, $0x1400  }
0x13c: {  	v4 =	vmin.u32 v4, $0x1400;
	v5 =	vsub.s32 v7, v0;
	[tilespmem:$0xAA80] =	vst v3  }
0x13d: {  	v3 =	vsub.s32 v8, v0;
	[tilespmem:$0xAA40] =	vst v4;
	v4 =	vmin.u32 v5, $0x1400  }
0x13e: {  	v2 =	vsub.s32 v2, v0;
	v3 =	vmin.u32 v3, $0x1400;
	[tilespmem:$0xAA50] =	vst v4  }
0x13f: {  	p1 =	seq.s32 s11, $0xFFFFFFD8;
	v1 =	vsub.s32 v1, v0;
	v2 =	vmin.u32 v2, $0x1400;
	[tilespmem:$0xAA20] =	vst v3  }
0x140: {  	s11 =	sadd.s32 @!p1 s11, s19;
	v1 =	vmin.u32 v1, $0x1400;
	[tilespmem:$0xAA10] =	vst v2  }
0x141: {  	s23 =	simm.s32 @!p1 $0xA600;
	s11 =	sadd.s32 @!p1 $0x9EC, s11;
	s13 =	simm.s32 @!p1 $0x0;
	[tilespmem:$0xAA00] =	vst v1  }
0x142: {  	[tilespmem:s23], [sflag:$0x2] =	stream.linear.gather @!p1 [hbm4b:s11+s13], $0xA0, $0x38;
	[tilespmem:$0xFB00] =	vst v63  }
.Ltmp4:
0x143: {  	_ = 	snop;
	(pc) =	sbr.rel @p0 .LBB2_7-.Ltmp4, $4  }
0x144: {  	_ = 	snop  }
0x145: {  	[spmem:s3] =	stream.indirect.scatter.add.f32 [tilespmem:s28], [sflag:$0x5], $0x80, s8, s6, $0xb8;
	[tilespmem:$0xFB00] =	vst v63  }
0x146: {  	_ =	swait.ge [sflag:s29], $0x5000  }
0x147: {  	[sflag:s29] =	ssyncset.done $0x0  }
0x148: {  	[sflag:s29] =	ssyncadd.s32 $0xFFFFB000  }
0x149: {  	_ =	swait.ge [sflag:s0], $0xA0  }
0x14a: {  	[sflag:s0] =	ssyncset.done $0x0  }
0x14b: {  	[sflag:s0] =	ssyncadd.s32 $0xFFFFFF60  }
0x14c: {  	v1 =	vld [tilespmem:$0xA540]  }
0x14d: {  	v2 =	vld [tilespmem:$0xA550]  }
0x14e: {  	v3 =	vld [tilespmem:$0xA560]  }
0x14f: {  	v4 =	vld [tilespmem:$0xA500]  }
0x150: {  	v5 =	vld [tilespmem:$0xA520]  }
0x151: {  	v6 =	vld [tilespmem:$0xA570];
	v1 =	vsub.s32 v1, v0  }
0x152: {  	v7 =	vld [tilespmem:$0xA510];
	v2 =	vsub.s32 v2, v0;
	v1 =	vmin.u32 v1, $0x1400  }
0x153: {  	v8 =	vld [tilespmem:$0xA590];
	v3 =	vsub.s32 v3, v0;
	[tilespmem:$0xA940] =	vst v1;
	v1 =	vmin.u32 v2, $0x1400  }
0x154: {  	v62 =	vld [tilespmem:$0xA530];
	v2 =	vmin.u32 v3, $0x1400;
	v3 =	vsub.s32 v4, v0;
	[tilespmem:$0xA950] =	vst v1  }
0x155: {  	v5 =	vsub.s32 v5, v0;
	v1 =	vld [tilespmem:$0xA580];
	v3 =	vmin.u32 v3, $0x1400;
	[tilespmem:$0xA960] =	vst v2  }
0x156: {  	v63 =	vsub.s32 v6, v0;
	v2 =	vmin.u32 v5, $0x1400;
	[tilespmem:$0xA900] =	vst v3  }
0x157: {  	v5 =	vmin.u32 v63, $0x1400;
	v3 =	vsub.s32 v7, v0;
	[tilespmem:$0xA920] =	vst v2  }
0x158: {  	v2 =	vsub.s32 v8, v0;
	[tilespmem:$0xA970] =	vst v5;
	v3 =	vmin.u32 v3, $0x1400  }
0x159: {  	v2 =	vmin.u32 v2, $0x1400;
	[tilespmem:$0xA910] =	vst v3;
	v3 =	vsub.s32 v62, v0  }
0x15a: {  	[tilespmem:$0xA990] =	vst v2;
	v3 =	vmin.u32 v3, $0x1400;
	v1 =	vsub.s32 v1, v0  }
0x15b: {  	[tilespmem:$0xA930] =	vst v3;
	v1 =	vmin.u32 v1, $0x1400  }
0x15c: {  	[tilespmem:$0xA980] =	vst v1  }
0x15d: {  	[spmem:s3] =	stream.indirect.scatter.add.f32 [tilespmem:s28], [sflag:$0x5], $0x80, s7, s6, $0xb8;
	[tilespmem:$0xFB00] =	vst v63  }
0x15e: {  	_ =	swait.ge [sflag:s29], $0x5000  }
0x15f: {  	[sflag:s29] =	ssyncset.done $0x0  }
0x160: {  	[sflag:s29] =	ssyncadd.s32 $0xFFFFB000  }
0x161: {  	[bflag:$0x0] =	sbarrier.arrive $0xFFFF  }
0x162: {  	[tilespmem:s28], [sflag:$0x5] =	stream.linear.gather [spmem:s17], $0x5000, $0x38;
	[tilespmem:$0xFB00] =	vst v63  }
0x163: {  	_ =	swait.ge [sflag:s29], $0x5000  }
0x164: {  	s10 =	rddreg [dreg:$0xf]  }
0x165: {  	[sflag:s29] =	ssyncset.done $0x0;
	s11 =	rddreg [dreg:$0x13]  }
0x166: {  	[sflag:s29] =	ssyncadd.s32 $0xFFFFB000;
	s10 =	sadd.s32 s10, s11  }
0x167: {  	[hbm4b:s10+s5] =	stream.linear.scatter [tilespmem:s28], [sflag:$0x5], $0x5000, $0x38;
	[tilespmem:$0xFB00] =	vst v63  }
0x168: {  	_ =	swait.ge [sflag:s29], $0x5000  }
0x169: {  	[sflag:s29] =	ssyncset.done $0x0  }
0x16a: {  	s23 =	rddreg [dreg:$0x15];
	[sflag:s29] =	ssyncadd.s32 $0xFFFFB000  }
0x16b: {  	[tilespmem:s28], [sflag:$0x5] =	stream.linear.gather [spmem:s23], $0x5000, $0x38;
	[tilespmem:$0xFB00] =	vst v63  }
0x16c: {  	_ =	swait.ge [sflag:s29], $0x5000  }
0x16d: {  	[sflag:s29] =	ssyncset.done $0x0;
	s13 =	rddreg [dreg:$0x10]  }
0x16e: {  	[sflag:s29] =	ssyncadd.s32 $0xFFFFB000;
	s10 =	sadd.s32 s13, s11  }
0x16f: {  	[hbm4b:s10+s5] =	stream.linear.scatter [tilespmem:s28], [sflag:$0x5], $0x5000, $0x38;
	[tilespmem:$0xFB00] =	vst v63  }
0x170: {  	_ =	swait.ge [sflag:s29], $0x5000  }
0x171: {  	s9 =	sadd.s32 $0x1, s9;
	s23 =	rddreg [dreg:$0x14]  }
0x172: {  	p0 =	sne.s32 s9, s23  }
.Ltmp5:
0x173: {  	_ = 	snop;
	(pc) =	sbr.rel @p0 .LBB2_1-.Ltmp5, $3  }
0x174: {  	_ =	sdelay $0x1  }
0x175: {  	[sflag:s29] =	ssyncset.done $0x0  }
0x176: {  	[sflag:s29] =	ssyncadd.s32 $0xFFFFB000  }
0x177: {  	_ =	sfence.sel $0x180000  }
0x178: {  	[bflag:$0x0] =	sbarrier.arrive $0xFFFF  }
0x179: {  	_ =	strace $0x90000047  }
0x17a: {  	s0 =	stileid.u32;
	[bflag:$0x2] =	sbarrier.arrive $0xFFFF  }
0x17b: {  	p0 =	sne.s32 s0, $0x0;
	s0 =	rddreg [dreg:$0x5]  }
0x17c: {  	s0 =	sadd.s32 @!p0 $0x100000, s0  }
0x17d: {  	[sflag:s0] =	ssyncadd.tile.s32 @!p0 $0x1;
	_ =	shalt  }
.Lfunc_end2:
_tile_overlayer_lowered:
.L_overlay_start_2:
0x17e: {  	(tag) =	ssettag $0x2  }
0x17f: {  	s0 =	rddreg [dreg:$0x0];
	s2 =	stileid.u32  }
0x180: {  	s1 =	rddreg [dreg:$0x1];
	p0 =	sne.s32 s2, $0x0  }
0x181: {  	s3 =	rddreg [dreg:$0x2];
	[bflag:$0x3] =	sbarrier.arrive $0xFFFF;
	s2 =	simm.s32 @!p0 $0x1C05  }
0x182: {  	[timem:s3], [sflag:s2] =	dma.local @!p0 [hbm:s0], s1  }
0x183: {  	s0 =	simm.s32 @!p0 $0x5  }
0x184: {  	_ =	swait.ge @!p0 [sflag:s0], s1  }
0x185: {  	s1 =	ssub.s32 @!p0 $0x0, s1;
	[sflag:s0] =	ssyncset.done @!p0 $0x0  }
0x186: {  	[sflag:s0] =	ssyncadd.s32 @!p0 s1  }
0x187: {  	[bflag:$0x3] =	sbarrier.arrive $0xFFFF  }
0x188: {  	_ =	shalt  }

</sc_bundles>
